<compile_context>
chip_gen: v7x
topology: tpu7x:2x2x1
jax: 0.10.2.dev20260603
libtpu: 0.0.44.dev20260713+nightly
codegen_flags: <defaults>
</compile_context>

<pallas_src>
import functools

import jax
import jax.numpy as jnp
from jax import lax
from jax.experimental import pallas as pl
from jax.experimental.pallas import tpu as pltpu
from jax.experimental.pallas import tpu_sc as plsc

NUM_CORES = 2
NUM_SUBCORES = 16
NUM_WORKERS = NUM_CORES * NUM_SUBCORES
LANES = 16

EPS = 1e-05

SUB = 128
SUBS_PER_CHUNK = 2
CHUNK = SUB * SUBS_PER_CHUNK
NBUF = 4

_ROW_UNROLL = 8


def _lane_allsum(x):
    idx = lax.iota(jnp.int32, LANES)
    dnums = lax.GatherDimensionNumbers(
        offset_dims=(), collapsed_slice_dims=(0,), start_index_map=(0,)
    )
    for sh in (8, 4, 2, 1):
        perm = lax.gather(
            x, (idx ^ sh)[:, None], dnums, slice_sizes=(1,),
            mode=lax.GatherScatterMode.PROMISE_IN_BOUNDS,
        )
        x = x + perm
    return x


def _rsqrt(x):
    i = lax.bitcast_convert_type(x, jnp.int32)
    i = jnp.int32(0x5F3759DF) - (i >> 1)
    y = lax.bitcast_convert_type(i, jnp.float32)
    xh = x * 0.5
    for _ in range(3):
        y = y * (1.5 - xh * y * y)
    return y


def _make_kernel(n_rows, dim):
    assert dim % LANES == 0
    groups = dim // LANES
    per_worker = n_rows // NUM_WORKERS
    assert per_worker * NUM_WORKERS == n_rows
    chunks = per_worker // CHUNK
    assert chunks * CHUNK == per_worker
    assert chunks % NBUF == 0 and chunks >= 2 * NBUF
    idx_rows = per_worker // SUB

    mesh = plsc.VectorSubcoreMesh(core_axis_name="c", subcore_axis_name="s")

    @functools.partial(
        pl.kernel,
        out_type=jax.ShapeDtypeStruct((n_rows, dim), jnp.float32),
        mesh=mesh,
        scratch_types=[
            pltpu.VMEM((idx_rows, SUB), jnp.int32),
            pltpu.VMEM((NBUF, CHUNK, dim), jnp.float32),
            pltpu.VMEM((dim,), jnp.float32),
            pltpu.VMEM((dim,), jnp.float32),
            [pltpu.SemaphoreType.DMA] * NBUF,
            [pltpu.SemaphoreType.DMA] * NBUF,
        ],
        compiler_params=pltpu.CompilerParams(use_tc_tiling_on_sc=False),
    )
    def emb_ln(ids_hbm, table_hbm, gamma_hbm, beta_hbm, out_hbm,
               idx_v, rows_v, g_v, b_v, gsems, osems):
        cid = lax.axis_index("c")
        sid = lax.axis_index("s")
        wid = sid * NUM_CORES + cid

        pltpu.sync_copy(gamma_hbm, g_v)
        pltpu.sync_copy(beta_hbm, b_v)
        pltpu.sync_copy(ids_hbm.at[pl.ds(wid * idx_rows, idx_rows)], idx_v)

        g = [g_v[pl.ds(k * LANES, LANES)] for k in range(groups)]
        b = [b_v[pl.ds(k * LANES, LANES)] for k in range(groups)]
        inv_d = jnp.float32(1.0 / dim)
        out_base = wid * per_worker

        def fire_gathers(c, buf):
            for j in range(SUBS_PER_CHUNK):
                pltpu.async_copy(
                    table_hbm.at[idx_v.at[c * SUBS_PER_CHUNK + j]],
                    rows_v.at[buf].at[pl.ds(j * SUB, SUB)],
                    gsems[buf],
                )

        def wait_gathers(buf):
            pltpu.make_async_copy(
                out_hbm.at[pl.ds(0, CHUNK)],
                rows_v.at[buf],
                gsems[buf],
            ).wait()

        def wait_scatter(buf):
            pltpu.make_async_copy(
                rows_v.at[buf],
                out_hbm.at[pl.ds(0, CHUNK)],
                osems[buf],
            ).wait()

        for p in range(NBUF - 2):
            fire_gathers(p, p)

        def outer(it, _):
            for buf in range(NBUF):
                c = it * NBUF + buf
                wait_gathers(buf)

                @plsc.parallel_loop(0, CHUNK, unroll=_ROW_UNROLL)
                def row_body(r):
                    v = [rows_v[buf, r, pl.ds(k * LANES, LANES)]
                         for k in range(groups)]
                    s = v[0]
                    for k in range(1, groups):
                        s = s + v[k]
                    sq = v[0] * v[0]
                    for k in range(1, groups):
                        sq = sq + v[k] * v[k]
                    mb = _lane_allsum(s) * inv_d
                    mean2 = _lane_allsum(sq) * inv_d
                    var = mean2 - mb * mb
                    rstd = _rsqrt(var + EPS)
                    for k in range(groups):
                        rows_v[buf, r, pl.ds(k * LANES, LANES)] = (
                            (v[k] - mb) * rstd * g[k] + b[k]
                        )

                pltpu.async_copy(
                    rows_v.at[buf],
                    out_hbm.at[pl.ds(out_base + c * CHUNK, CHUNK)],
                    osems[buf],
                )

                nbuf_slot = (buf + NBUF - 2) % NBUF
                cn = c + NBUF - 2

                @pl.when(cn < chunks)
                def _():
                    @pl.when(c >= 2)
                    def _():
                        wait_scatter(nbuf_slot)
                    fire_gathers(cn, nbuf_slot)

            return 0

        lax.fori_loop(0, chunks // NBUF, outer, 0)

        for buf in range(NBUF):
            wait_scatter(buf)

    return emb_ln


def kernel(input_ids, word_table, gamma, beta):
    b, l = input_ids.shape
    vocab, dim = word_table.shape
    n = b * l
    ids = input_ids.reshape(n // SUB, SUB).astype(jnp.int32)
    fn = _make_kernel(n, dim)
    out = fn(ids, word_table, gamma, beta)
    return out.reshape(b, l, dim)

# --- scband reference (transcript-rebuilt; emitter-appended) ---
"""Pipeline reference for scband-bert-embedding1-d-22488448762282 (READ-ONLY COPY).

The authoritative reference and input builder live on the scoring server;
editing this copy changes nothing except your own understanding.
"""

import jax, jax.numpy as jnp
import numpy as np

VOCAB = 1000000
DIM = 64
B = 4096
L = 200
EPS = 1e-05
PADDING_IDX = 0


def setup_inputs(seed: int = 0) -> dict:
    key = jax.random.key(seed)
    k1, k2 = jax.random.split(key, 2)
    input_ids = jax.random.randint(k1, (B, L), 0, VOCAB, dtype=jnp.int64 if jax.config.jax_enable_x64 else jnp.int32)
    word_table = jax.random.normal(k2, (VOCAB, DIM), dtype=jnp.float32) * 0.02
    # padding_idx row is zeroed, matching torch nn.Embedding(padding_idx=0)
    word_table = word_table.at[PADDING_IDX].set(0.0)
    gamma = jnp.ones((DIM,), dtype=jnp.float32)
    beta = jnp.zeros((DIM,), dtype=jnp.float32)
    return {"input_ids": input_ids, "word_table": word_table, "gamma": gamma, "beta": beta}


def reference(input_ids, word_table, gamma, beta):
    # word embedding lookup (position_embeddings exist in the module but are
    # never used in forward; tokentype_embeddings is None since num_tokentypes=0)
    x = jnp.take(word_table, input_ids, axis=0)
    # LayerNorm over last dim
    mean = jnp.mean(x, axis=-1, keepdims=True)
    var = jnp.mean(jnp.square(x - mean), axis=-1, keepdims=True)
    x = (x - mean) / jnp.sqrt(var + EPS) * gamma + beta
    return x

if __name__ == "__main__":
    import jax
    _d = setup_inputs()
    print(jax.jit(kernel)(*tuple(_d.values())))

</pallas_src>

<mosaic_0001>
#map = affine_map<(d0, d1) -> (0, 0)>
#map1 = affine_map<(d0, d1) -> (0)>
module attributes {stable_mosaic.version = 14 : i64} {
  func.func @emb_ln(%arg0: i32, %arg1: i32, %arg2: memref<6400x128xi32, #tpu.memory_space<hbm>>, %arg3: memref<1000000x64xf32, #tpu.memory_space<hbm>>, %arg4: memref<64xf32, #tpu.memory_space<hbm>>, %arg5: memref<64xf32, #tpu.memory_space<hbm>>, %arg6: memref<819200x64xf32, #tpu.memory_space<hbm>>, %arg7: memref<200x128xi32, #tpu.memory_space<vmem>>, %arg8: memref<4x256x64xf32, #tpu.memory_space<vmem>>, %arg9: memref<64xf32, #tpu.memory_space<vmem>>, %arg10: memref<64xf32, #tpu.memory_space<vmem>>, %arg11: memref<!tpu.dma_semaphore, #tpu.memory_space<semaphore_mem>>, %arg12: memref<!tpu.dma_semaphore, #tpu.memory_space<semaphore_mem>>, %arg13: memref<!tpu.dma_semaphore, #tpu.memory_space<semaphore_mem>>, %arg14: memref<!tpu.dma_semaphore, #tpu.memory_space<semaphore_mem>>, %arg15: memref<!tpu.dma_semaphore, #tpu.memory_space<semaphore_mem>>, %arg16: memref<!tpu.dma_semaphore, #tpu.memory_space<semaphore_mem>>, %arg17: memref<!tpu.dma_semaphore, #tpu.memory_space<semaphore_mem>>, %arg18: memref<!tpu.dma_semaphore, #tpu.memory_space<semaphore_mem>>) attributes {dimension_semantics = [#tpu.dimension_semantics<core_parallel>, #tpu.dimension_semantics<subcore_parallel>], iteration_bounds = array<i64: 2, 16>, scalar_prefetch = 0 : i64, scratch_operands = 12 : i64, tpu.core_type = #tpu.core_type<sc_vector_subcore>, window_params = [{transform_indices = #map}, {transform_indices = #map}, {transform_indices = #map1}, {transform_indices = #map1}, {transform_indices = #map}]} {
    %mul3A = arith.constant 2 : i32
    %mul3A_0 = arith.muli %arg1, %mul3A : i32
    %add3A = arith.addi %mul3A_0, %arg0 : i32
    "tpu.region"() ({
      %run_scoped3A = tpu.sem_alloc : memref<!tpu.dma_semaphore, #tpu.memory_space<semaphore_mem>>
      tpu.enqueue_dma source(%arg4 : memref<64xf32, #tpu.memory_space<hbm>>) target(%arg9 : memref<64xf32, #tpu.memory_space<vmem>>) target_semaphore(%run_scoped3A : memref<!tpu.dma_semaphore, #tpu.memory_space<semaphore_mem>>)
      tpu.wait_dma2 semaphore(%run_scoped3A : memref<!tpu.dma_semaphore, #tpu.memory_space<semaphore_mem>>) src(%arg4 : memref<64xf32, #tpu.memory_space<hbm>>) dst(%arg9 : memref<64xf32, #tpu.memory_space<vmem>>)
      tpu.yield
    }) : () -> ()
    "tpu.region"() ({
      %run_scoped3A = tpu.sem_alloc : memref<!tpu.dma_semaphore, #tpu.memory_space<semaphore_mem>>
      tpu.enqueue_dma source(%arg5 : memref<64xf32, #tpu.memory_space<hbm>>) target(%arg10 : memref<64xf32, #tpu.memory_space<vmem>>) target_semaphore(%run_scoped3A : memref<!tpu.dma_semaphore, #tpu.memory_space<semaphore_mem>>)
      tpu.wait_dma2 semaphore(%run_scoped3A : memref<!tpu.dma_semaphore, #tpu.memory_space<semaphore_mem>>) src(%arg5 : memref<64xf32, #tpu.memory_space<hbm>>) dst(%arg10 : memref<64xf32, #tpu.memory_space<vmem>>)
      tpu.yield
    }) : () -> ()
    %mul3A_1 = arith.constant 200 : i32
    %mul3A_2 = arith.muli %add3A, %mul3A_1 : i32
    "tpu.region"() ({
      %run_scoped3A = tpu.sem_alloc : memref<!tpu.dma_semaphore, #tpu.memory_space<semaphore_mem>>
      %dma_start3A_153 = arith.constant 0 : i32
      %dma_start3A_154 = tpu.memref_slice %arg2[%mul3A_2, %dma_start3A_153] : memref<6400x128xi32, #tpu.memory_space<hbm>> -> memref<200x128xi32, #tpu.memory_space<hbm>>
      %dma_start3A_155 = arith.constant 0 : i32
      %dma_start3A_156 = tpu.memref_slice %arg2[%mul3A_2, %dma_start3A_155] : memref<6400x128xi32, #tpu.memory_space<hbm>> -> memref<200x128xi32, #tpu.memory_space<hbm>>
      tpu.enqueue_dma source(%dma_start3A_156 : memref<200x128xi32, #tpu.memory_space<hbm>>) target(%arg7 : memref<200x128xi32, #tpu.memory_space<vmem>>) target_semaphore(%run_scoped3A : memref<!tpu.dma_semaphore, #tpu.memory_space<semaphore_mem>>)
      %dma_wait3A_157 = arith.constant 0 : i32
      %dma_wait3A_158 = tpu.memref_slice %arg2[%mul3A_2, %dma_wait3A_157] : memref<6400x128xi32, #tpu.memory_space<hbm>> -> memref<200x128xi32, #tpu.memory_space<hbm>>
      %dma_wait3A_159 = arith.constant 0 : i32
      %dma_wait3A_160 = tpu.memref_slice %arg2[%mul3A_2, %dma_wait3A_159] : memref<6400x128xi32, #tpu.memory_space<hbm>> -> memref<200x128xi32, #tpu.memory_space<hbm>>
      tpu.wait_dma2 semaphore(%run_scoped3A : memref<!tpu.dma_semaphore, #tpu.memory_space<semaphore_mem>>) src(%dma_wait3A_160 : memref<200x128xi32, #tpu.memory_space<hbm>>) dst(%arg7 : memref<200x128xi32, #tpu.memory_space<vmem>>)
      tpu.yield
    }) : () -> ()
    %get3A = arith.constant 0 : index
    %get3A_3 = tpu.vector_load %arg9[%get3A] {strides = array<i32>} : memref<64xf32, #tpu.memory_space<vmem>>, vector<16xf32>,
    %get3A_4 = vector.shape_cast %get3A_3 : vector<16xf32> to vector<16xf32>
    %get3A_5 = arith.constant 16 : index
    %get3A_6 = tpu.vector_load %arg9[%get3A_5] {strides = array<i32>} : memref<64xf32, #tpu.memory_space<vmem>>, vector<16xf32>,
    %get3A_7 = vector.shape_cast %get3A_6 : vector<16xf32> to vector<16xf32>
    %get3A_8 = arith.constant 32 : index
    %get3A_9 = tpu.vector_load %arg9[%get3A_8] {strides = array<i32>} : memref<64xf32, #tpu.memory_space<vmem>>, vector<16xf32>,
    %get3A_10 = vector.shape_cast %get3A_9 : vector<16xf32> to vector<16xf32>
    %get3A_11 = arith.constant 48 : index
    %get3A_12 = tpu.vector_load %arg9[%get3A_11] {strides = array<i32>} : memref<64xf32, #tpu.memory_space<vmem>>, vector<16xf32>,
    %get3A_13 = vector.shape_cast %get3A_12 : vector<16xf32> to vector<16xf32>
    %get3A_14 = arith.constant 0 : index
    %get3A_15 = tpu.vector_load %arg10[%get3A_14] {strides = array<i32>} : memref<64xf32, #tpu.memory_space<vmem>>, vector<16xf32>,
    %get3A_16 = vector.shape_cast %get3A_15 : vector<16xf32> to vector<16xf32>
    %get3A_17 = arith.constant 16 : index
    %get3A_18 = tpu.vector_load %arg10[%get3A_17] {strides = array<i32>} : memref<64xf32, #tpu.memory_space<vmem>>, vector<16xf32>,
    %get3A_19 = vector.shape_cast %get3A_18 : vector<16xf32> to vector<16xf32>
    %get3A_20 = arith.constant 32 : index
    %get3A_21 = tpu.vector_load %arg10[%get3A_20] {strides = array<i32>} : memref<64xf32, #tpu.memory_space<vmem>>, vector<16xf32>,
    %get3A_22 = vector.shape_cast %get3A_21 : vector<16xf32> to vector<16xf32>
    %get3A_23 = arith.constant 48 : index
    %get3A_24 = tpu.vector_load %arg10[%get3A_23] {strides = array<i32>} : memref<64xf32, #tpu.memory_space<vmem>>, vector<16xf32>,
    %get3A_25 = vector.shape_cast %get3A_24 : vector<16xf32> to vector<16xf32>
    %mul3A_26 = arith.constant 25600 : i32
    %mul3A_27 = arith.muli %add3A, %mul3A_26 : i32
    %dma_start3A = arith.constant 0 : i32
    %dma_start3A_28 = arith.constant 0 : i32
    %dma_start3A_29 = arith.constant 0 : i32
    %dma_start3A_30 = arith.constant 0 : i32
    %dma_start3A_31 = tpu.memref_slice %arg8[%dma_start3A_28, %dma_start3A_29, %dma_start3A_30] : memref<4x256x64xf32, #tpu.memory_space<vmem>> -> memref<1x256x64xf32, #tpu.memory_space<vmem>>
    %dma_start3A_32 = tpu.memref_squeeze %dma_start3A_31 : memref<1x256x64xf32, #tpu.memory_space<vmem>> -> memref<256x64xf32, #tpu.memory_space<vmem>>
    %dma_start3A_33 = arith.constant 0 : i32
    %dma_start3A_34 = arith.constant 0 : i32
    %dma_start3A_35 = tpu.memref_slice %dma_start3A_32[%dma_start3A_33, %dma_start3A_34] : memref<256x64xf32, #tpu.memory_space<vmem>> -> memref<128x64xf32, #tpu.memory_space<vmem>>
    %dma_start3A_36 = arith.constant 0 : i32
    %dma_start3A_37 = tpu.memref_slice %arg7[%dma_start3A, %dma_start3A_36] : memref<200x128xi32, #tpu.memory_space<vmem>> -> memref<1x128xi32, #tpu.memory_space<vmem>>
    %dma_start3A_38 = tpu.memref_squeeze %dma_start3A_37 : memref<1x128xi32, #tpu.memory_space<vmem>> -> memref<128xi32, #tpu.memory_space<vmem>>
    %dma_start3A_39 = arith.constant 0 : i32
    %dma_start3A_40 = arith.constant 0 : i32
    %dma_start3A_41 = tpu.memref_slice %arg3[%dma_start3A_39, %dma_start3A_40] : memref<1000000x64xf32, #tpu.memory_space<hbm>> -> memref<1000000x64xf32, #tpu.memory_space<hbm>>
    tpu.enqueue_indirect_dma source(%dma_start3A_41 : memref<1000000x64xf32, #tpu.memory_space<hbm>>) target(%dma_start3A_35 : memref<128x64xf32, #tpu.memory_space<vmem>>) offsets(%dma_start3A_38 : memref<128xi32, #tpu.memory_space<vmem>>) semaphore(%arg11 : memref<!tpu.dma_semaphore, #tpu.memory_space<semaphore_mem>>)
    %dma_start3A_42 = arith.constant 1 : i32
    %dma_start3A_43 = arith.constant 0 : i32
    %dma_start3A_44 = arith.constant 0 : i32
    %dma_start3A_45 = arith.constant 0 : i32
    %dma_start3A_46 = tpu.memref_slice %arg8[%dma_start3A_43, %dma_start3A_44, %dma_start3A_45] : memref<4x256x64xf32, #tpu.memory_space<vmem>> -> memref<1x256x64xf32, #tpu.memory_space<vmem>>
    %dma_start3A_47 = tpu.memref_squeeze %dma_start3A_46 : memref<1x256x64xf32, #tpu.memory_space<vmem>> -> memref<256x64xf32, #tpu.memory_space<vmem>>
    %dma_start3A_48 = arith.constant 128 : i32
    %dma_start3A_49 = arith.constant 0 : i32
    %dma_start3A_50 = tpu.memref_slice %dma_start3A_47[%dma_start3A_48, %dma_start3A_49] : memref<256x64xf32, #tpu.memory_space<vmem>> -> memref<128x64xf32, #tpu.memory_space<vmem>>
    %dma_start3A_51 = arith.constant 0 : i32
    %dma_start3A_52 = tpu.memref_slice %arg7[%dma_start3A_42, %dma_start3A_51] : memref<200x128xi32, #tpu.memory_space<vmem>> -> memref<1x128xi32, #tpu.memory_space<vmem>>
    %dma_start3A_53 = tpu.memref_squeeze %dma_start3A_52 : memref<1x128xi32, #tpu.memory_space<vmem>> -> memref<128xi32, #tpu.memory_space<vmem>>
    %dma_start3A_54 = arith.constant 0 : i32
    %dma_start3A_55 = arith.constant 0 : i32
    %dma_start3A_56 = tpu.memref_slice %arg3[%dma_start3A_54, %dma_start3A_55] : memref<1000000x64xf32, #tpu.memory_space<hbm>> -> memref<1000000x64xf32, #tpu.memory_space<hbm>>
    tpu.enqueue_indirect_dma source(%dma_start3A_56 : memref<1000000x64xf32, #tpu.memory_space<hbm>>) target(%dma_start3A_50 : memref<128x64xf32, #tpu.memory_space<vmem>>) offsets(%dma_start3A_53 : memref<128xi32, #tpu.memory_space<vmem>>) semaphore(%arg11 : memref<!tpu.dma_semaphore, #tpu.memory_space<semaphore_mem>>)
    %dma_start3A_57 = arith.constant 2 : i32
    %dma_start3A_58 = arith.constant 1 : i32
    %dma_start3A_59 = arith.constant 0 : i32
    %dma_start3A_60 = arith.constant 0 : i32
    %dma_start3A_61 = tpu.memref_slice %arg8[%dma_start3A_58, %dma_start3A_59, %dma_start3A_60] : memref<4x256x64xf32, #tpu.memory_space<vmem>> -> memref<1x256x64xf32, #tpu.memory_space<vmem>>
    %dma_start3A_62 = tpu.memref_squeeze %dma_start3A_61 : memref<1x256x64xf32, #tpu.memory_space<vmem>> -> memref<256x64xf32, #tpu.memory_space<vmem>>
    %dma_start3A_63 = arith.constant 0 : i32
    %dma_start3A_64 = arith.constant 0 : i32
    %dma_start3A_65 = tpu.memref_slice %dma_start3A_62[%dma_start3A_63, %dma_start3A_64] : memref<256x64xf32, #tpu.memory_space<vmem>> -> memref<128x64xf32, #tpu.memory_space<vmem>>
    %dma_start3A_66 = arith.constant 0 : i32
    %dma_start3A_67 = tpu.memref_slice %arg7[%dma_start3A_57, %dma_start3A_66] : memref<200x128xi32, #tpu.memory_space<vmem>> -> memref<1x128xi32, #tpu.memory_space<vmem>>
    %dma_start3A_68 = tpu.memref_squeeze %dma_start3A_67 : memref<1x128xi32, #tpu.memory_space<vmem>> -> memref<128xi32, #tpu.memory_space<vmem>>
    %dma_start3A_69 = arith.constant 0 : i32
    %dma_start3A_70 = arith.constant 0 : i32
    %dma_start3A_71 = tpu.memref_slice %arg3[%dma_start3A_69, %dma_start3A_70] : memref<1000000x64xf32, #tpu.memory_space<hbm>> -> memref<1000000x64xf32, #tpu.memory_space<hbm>>
    tpu.enqueue_indirect_dma source(%dma_start3A_71 : memref<1000000x64xf32, #tpu.memory_space<hbm>>) target(%dma_start3A_65 : memref<128x64xf32, #tpu.memory_space<vmem>>) offsets(%dma_start3A_68 : memref<128xi32, #tpu.memory_space<vmem>>) semaphore(%arg12 : memref<!tpu.dma_semaphore, #tpu.memory_space<semaphore_mem>>)
    %dma_start3A_72 = arith.constant 3 : i32
    %dma_start3A_73 = arith.constant 1 : i32
    %dma_start3A_74 = arith.constant 0 : i32
    %dma_start3A_75 = arith.constant 0 : i32
    %dma_start3A_76 = tpu.memref_slice %arg8[%dma_start3A_73, %dma_start3A_74, %dma_start3A_75] : memref<4x256x64xf32, #tpu.memory_space<vmem>> -> memref<1x256x64xf32, #tpu.memory_space<vmem>>
    %dma_start3A_77 = tpu.memref_squeeze %dma_start3A_76 : memref<1x256x64xf32, #tpu.memory_space<vmem>> -> memref<256x64xf32, #tpu.memory_space<vmem>>
    %dma_start3A_78 = arith.constant 128 : i32
    %dma_start3A_79 = arith.constant 0 : i32
    %dma_start3A_80 = tpu.memref_slice %dma_start3A_77[%dma_start3A_78, %dma_start3A_79] : memref<256x64xf32, #tpu.memory_space<vmem>> -> memref<128x64xf32, #tpu.memory_space<vmem>>
    %dma_start3A_81 = arith.constant 0 : i32
    %dma_start3A_82 = tpu.memref_slice %arg7[%dma_start3A_72, %dma_start3A_81] : memref<200x128xi32, #tpu.memory_space<vmem>> -> memref<1x128xi32, #tpu.memory_space<vmem>>
    %dma_start3A_83 = tpu.memref_squeeze %dma_start3A_82 : memref<1x128xi32, #tpu.memory_space<vmem>> -> memref<128xi32, #tpu.memory_space<vmem>>
    %dma_start3A_84 = arith.constant 0 : i32
    %dma_start3A_85 = arith.constant 0 : i32
    %dma_start3A_86 = tpu.memref_slice %arg3[%dma_start3A_84, %dma_start3A_85] : memref<1000000x64xf32, #tpu.memory_space<hbm>> -> memref<1000000x64xf32, #tpu.memory_space<hbm>>
    tpu.enqueue_indirect_dma source(%dma_start3A_86 : memref<1000000x64xf32, #tpu.memory_space<hbm>>) target(%dma_start3A_80 : memref<128x64xf32, #tpu.memory_space<vmem>>) offsets(%dma_start3A_83 : memref<128xi32, #tpu.memory_space<vmem>>) semaphore(%arg12 : memref<!tpu.dma_semaphore, #tpu.memory_space<semaphore_mem>>)
    %scan3A = arith.constant 1.562500e-02 : f32
    %scan3A_87 = arith.constant 0 : i32
    %scan3A_88 = arith.constant 0 : i32
    %scan3A_89 = arith.constant 25 : i32
    %scan3A_90 = arith.addi %scan3A_88, %scan3A_89 : i32
    %scan3A_91 = arith.constant 1 : i32
    %scan3A_92 = scf.for %scan3A_153 = %scan3A_88 to %scan3A_90 step %scan3A_91 iter_args(%scan3A_154 = %scan3A_87) -> (i32)  : i32 {
      %mul3A_155 = arith.constant 4 : i32
      %mul3A_156 = arith.muli %scan3A_153, %mul3A_155 : i32
      %add3A_157 = arith.constant 0 : i32
      %add3A_158 = arith.addi %mul3A_156, %add3A_157 : i32
      %dma_wait3A_159 = arith.constant 0 : i32
      %dma_wait3A_160 = arith.constant 0 : i32
      %dma_wait3A_161 = arith.constant 0 : i32
      %dma_wait3A_162 = tpu.memref_slice %arg8[%dma_wait3A_159, %dma_wait3A_160, %dma_wait3A_161] : memref<4x256x64xf32, #tpu.memory_space<vmem>> -> memref<1x256x64xf32, #tpu.memory_space<vmem>>
      %dma_wait3A_163 = tpu.memref_squeeze %dma_wait3A_162 : memref<1x256x64xf32, #tpu.memory_space<vmem>> -> memref<256x64xf32, #tpu.memory_space<vmem>>
      %dma_wait3A_164 = arith.constant 0 : i32
      %dma_wait3A_165 = arith.constant 0 : i32
      %dma_wait3A_166 = tpu.memref_slice %arg6[%dma_wait3A_164, %dma_wait3A_165] : memref<819200x64xf32, #tpu.memory_space<hbm>> -> memref<256x64xf32, #tpu.memory_space<hbm>>
      %dma_wait3A_167 = arith.constant 0 : i32
      %dma_wait3A_168 = arith.constant 0 : i32
      %dma_wait3A_169 = tpu.memref_slice %arg8[%dma_wait3A_159, %dma_wait3A_167, %dma_wait3A_168] : memref<4x256x64xf32, #tpu.memory_space<vmem>> -> memref<1x256x64xf32, #tpu.memory_space<vmem>>
      %dma_wait3A_170 = tpu.memref_squeeze %dma_wait3A_169 : memref<1x256x64xf32, #tpu.memory_space<vmem>> -> memref<256x64xf32, #tpu.memory_space<vmem>>
      %dma_wait3A_171 = arith.constant 0 : i32
      %dma_wait3A_172 = arith.constant 0 : i32
      %dma_wait3A_173 = tpu.memref_slice %arg6[%dma_wait3A_171, %dma_wait3A_172] : memref<819200x64xf32, #tpu.memory_space<hbm>> -> memref<256x64xf32, #tpu.memory_space<hbm>>
      tpu.wait_dma2 semaphore(%arg11 : memref<!tpu.dma_semaphore, #tpu.memory_space<semaphore_mem>>) src(%dma_wait3A_173 : memref<256x64xf32, #tpu.memory_space<hbm>>) dst(%dma_wait3A_170 : memref<256x64xf32, #tpu.memory_space<vmem>>)
      %parallel_loop3A = arith.constant 0 : i32
      %parallel_loop3A_174 = arith.constant 256 : i32
      %parallel_loop3A_175 = arith.constant 1 : i32
      scf.for %parallel_loop3A_339 = %parallel_loop3A to %parallel_loop3A_174 step %parallel_loop3A_175  : i32 {
        %parallel_loop3A_340 = arith.constant 0 : i32
        %parallel_loop3A_341 = arith.index_cast %parallel_loop3A_340 : i32 to index
        %parallel_loop3A_342 = arith.index_cast %parallel_loop3A_339 : i32 to index
        %parallel_loop3A_343 = arith.constant 0 : index
        %parallel_loop3A_344 = tpu.vector_load %arg8[%parallel_loop3A_341, %parallel_loop3A_342, %parallel_loop3A_343] {strides = array<i32>} : memref<4x256x64xf32, #tpu.memory_space<vmem>>, vector<1x1x16xf32>,
        %parallel_loop3A_345 = vector.shape_cast %parallel_loop3A_344 : vector<1x1x16xf32> to vector<16xf32>
        %parallel_loop3A_346 = arith.constant 0 : i32
        %parallel_loop3A_347 = arith.index_cast %parallel_loop3A_346 : i32 to index
        %parallel_loop3A_348 = arith.index_cast %parallel_loop3A_339 : i32 to index
        %parallel_loop3A_349 = arith.constant 16 : index
        %parallel_loop3A_350 = tpu.vector_load %arg8[%parallel_loop3A_347, %parallel_loop3A_348, %parallel_loop3A_349] {strides = array<i32>} : memref<4x256x64xf32, #tpu.memory_space<vmem>>, vector<1x1x16xf32>,
        %parallel_loop3A_351 = vector.shape_cast %parallel_loop3A_350 : vector<1x1x16xf32> to vector<16xf32>
        %parallel_loop3A_352 = arith.constant 0 : i32
        %parallel_loop3A_353 = arith.index_cast %parallel_loop3A_352 : i32 to index
        %parallel_loop3A_354 = arith.index_cast %parallel_loop3A_339 : i32 to index
        %parallel_loop3A_355 = arith.constant 32 : index
        %parallel_loop3A_356 = tpu.vector_load %arg8[%parallel_loop3A_353, %parallel_loop3A_354, %parallel_loop3A_355] {strides = array<i32>} : memref<4x256x64xf32, #tpu.memory_space<vmem>>, vector<1x1x16xf32>,
        %parallel_loop3A_357 = vector.shape_cast %parallel_loop3A_356 : vector<1x1x16xf32> to vector<16xf32>
        %parallel_loop3A_358 = arith.constant 0 : i32
        %parallel_loop3A_359 = arith.index_cast %parallel_loop3A_358 : i32 to index
        %parallel_loop3A_360 = arith.index_cast %parallel_loop3A_339 : i32 to index
        %parallel_loop3A_361 = arith.constant 48 : index
        %parallel_loop3A_362 = tpu.vector_load %arg8[%parallel_loop3A_359, %parallel_loop3A_360, %parallel_loop3A_361] {strides = array<i32>} : memref<4x256x64xf32, #tpu.memory_space<vmem>>, vector<1x1x16xf32>,
        %parallel_loop3A_363 = vector.shape_cast %parallel_loop3A_362 : vector<1x1x16xf32> to vector<16xf32>
        %parallel_loop3A_364 = arith.addf %parallel_loop3A_345, %parallel_loop3A_351 : vector<16xf32>
        %parallel_loop3A_365 = arith.addf %parallel_loop3A_364, %parallel_loop3A_357 : vector<16xf32>
        %parallel_loop3A_366 = arith.addf %parallel_loop3A_365, %parallel_loop3A_363 : vector<16xf32>
        %parallel_loop3A_367 = arith.mulf %parallel_loop3A_345, %parallel_loop3A_345 : vector<16xf32>
        %parallel_loop3A_368 = arith.mulf %parallel_loop3A_351, %parallel_loop3A_351 : vector<16xf32>
        %parallel_loop3A_369 = arith.addf %parallel_loop3A_367, %parallel_loop3A_368 : vector<16xf32>
        %parallel_loop3A_370 = arith.mulf %parallel_loop3A_357, %parallel_loop3A_357 : vector<16xf32>
        %parallel_loop3A_371 = arith.addf %parallel_loop3A_369, %parallel_loop3A_370 : vector<16xf32>
        %parallel_loop3A_372 = arith.mulf %parallel_loop3A_363, %parallel_loop3A_363 : vector<16xf32>
        %parallel_loop3A_373 = arith.addf %parallel_loop3A_371, %parallel_loop3A_372 : vector<16xf32>
        %parallel_loop3A_374 = tpu.iota {dimensions = array<i32: 0>} : vector<16xi32>
        %parallel_loop3A_375 = arith.constant 8 : i32
        %parallel_loop3A_376 = vector.broadcast %parallel_loop3A_375 : i32 to vector<16xi32>
        %parallel_loop3A_377 = arith.xori %parallel_loop3A_374, %parallel_loop3A_376 : vector<16xi32>
        %parallel_loop3A_378 = vector.shape_cast %parallel_loop3A_377 : vector<16xi32> to vector<16x1xi32>
        %parallel_loop3A_379 = vector.shape_cast %parallel_loop3A_378 : vector<16x1xi32> to vector<16xi32>
        %parallel_loop3A_380 = tpu.dynamic_gather %parallel_loop3A_366[%parallel_loop3A_379] in [0] : vector<16xf32>, vector<16xi32> -> vector<16xf32>
        %parallel_loop3A_381 = arith.addf %parallel_loop3A_366, %parallel_loop3A_380 : vector<16xf32>
        %parallel_loop3A_382 = arith.constant 4 : i32
        %parallel_loop3A_383 = vector.broadcast %parallel_loop3A_382 : i32 to vector<16xi32>
        %parallel_loop3A_384 = arith.xori %parallel_loop3A_374, %parallel_loop3A_383 : vector<16xi32>
        %parallel_loop3A_385 = vector.shape_cast %parallel_loop3A_384 : vector<16xi32> to vector<16x1xi32>
        %parallel_loop3A_386 = vector.shape_cast %parallel_loop3A_385 : vector<16x1xi32> to vector<16xi32>
        %parallel_loop3A_387 = tpu.dynamic_gather %parallel_loop3A_381[%parallel_loop3A_386] in [0] : vector<16xf32>, vector<16xi32> -> vector<16xf32>
        %parallel_loop3A_388 = arith.addf %parallel_loop3A_381, %parallel_loop3A_387 : vector<16xf32>
        %parallel_loop3A_389 = arith.constant 2 : i32
        %parallel_loop3A_390 = vector.broadcast %parallel_loop3A_389 : i32 to vector<16xi32>
        %parallel_loop3A_391 = arith.xori %parallel_loop3A_374, %parallel_loop3A_390 : vector<16xi32>
        %parallel_loop3A_392 = vector.shape_cast %parallel_loop3A_391 : vector<16xi32> to vector<16x1xi32>
        %parallel_loop3A_393 = vector.shape_cast %parallel_loop3A_392 : vector<16x1xi32> to vector<16xi32>
        %parallel_loop3A_394 = tpu.dynamic_gather %parallel_loop3A_388[%parallel_loop3A_393] in [0] : vector<16xf32>, vector<16xi32> -> vector<16xf32>
        %parallel_loop3A_395 = arith.addf %parallel_loop3A_388, %parallel_loop3A_394 : vector<16xf32>
        %parallel_loop3A_396 = arith.constant 1 : i32
        %parallel_loop3A_397 = vector.broadcast %parallel_loop3A_396 : i32 to vector<16xi32>
        %parallel_loop3A_398 = arith.xori %parallel_loop3A_374, %parallel_loop3A_397 : vector<16xi32>
        %parallel_loop3A_399 = vector.shape_cast %parallel_loop3A_398 : vector<16xi32> to vector<16x1xi32>
        %parallel_loop3A_400 = vector.shape_cast %parallel_loop3A_399 : vector<16x1xi32> to vector<16xi32>
        %parallel_loop3A_401 = tpu.dynamic_gather %parallel_loop3A_395[%parallel_loop3A_400] in [0] : vector<16xf32>, vector<16xi32> -> vector<16xf32>
        %parallel_loop3A_402 = arith.addf %parallel_loop3A_395, %parallel_loop3A_401 : vector<16xf32>
        %parallel_loop3A_403 = vector.broadcast %scan3A : f32 to vector<16xf32>
        %parallel_loop3A_404 = arith.mulf %parallel_loop3A_402, %parallel_loop3A_403 : vector<16xf32>
        %parallel_loop3A_405 = tpu.iota {dimensions = array<i32: 0>} : vector<16xi32>
        %parallel_loop3A_406 = arith.constant 8 : i32
        %parallel_loop3A_407 = vector.broadcast %parallel_loop3A_406 : i32 to vector<16xi32>
        %parallel_loop3A_408 = arith.xori %parallel_loop3A_405, %parallel_loop3A_407 : vector<16xi32>
        %parallel_loop3A_409 = vector.shape_cast %parallel_loop3A_408 : vector<16xi32> to vector<16x1xi32>
        %parallel_loop3A_410 = vector.shape_cast %parallel_loop3A_409 : vector<16x1xi32> to vector<16xi32>
        %parallel_loop3A_411 = tpu.dynamic_gather %parallel_loop3A_373[%parallel_loop3A_410] in [0] : vector<16xf32>, vector<16xi32> -> vector<16xf32>
        %parallel_loop3A_412 = arith.addf %parallel_loop3A_373, %parallel_loop3A_411 : vector<16xf32>
        %parallel_loop3A_413 = arith.constant 4 : i32
        %parallel_loop3A_414 = vector.broadcast %parallel_loop3A_413 : i32 to vector<16xi32>
        %parallel_loop3A_415 = arith.xori %parallel_loop3A_405, %parallel_loop3A_414 : vector<16xi32>
        %parallel_loop3A_416 = vector.shape_cast %parallel_loop3A_415 : vector<16xi32> to vector<16x1xi32>
        %parallel_loop3A_417 = vector.shape_cast %parallel_loop3A_416 : vector<16x1xi32> to vector<16xi32>
        %parallel_loop3A_418 = tpu.dynamic_gather %parallel_loop3A_412[%parallel_loop3A_417] in [0] : vector<16xf32>, vector<16xi32> -> vector<16xf32>
        %parallel_loop3A_419 = arith.addf %parallel_loop3A_412, %parallel_loop3A_418 : vector<16xf32>
        %parallel_loop3A_420 = arith.constant 2 : i32
        %parallel_loop3A_421 = vector.broadcast %parallel_loop3A_420 : i32 to vector<16xi32>
        %parallel_loop3A_422 = arith.xori %parallel_loop3A_405, %parallel_loop3A_421 : vector<16xi32>
        %parallel_loop3A_423 = vector.shape_cast %parallel_loop3A_422 : vector<16xi32> to vector<16x1xi32>
        %parallel_loop3A_424 = vector.shape_cast %parallel_loop3A_423 : vector<16x1xi32> to vector<16xi32>
        %parallel_loop3A_425 = tpu.dynamic_gather %parallel_loop3A_419[%parallel_loop3A_424] in [0] : vector<16xf32>, vector<16xi32> -> vector<16xf32>
        %parallel_loop3A_426 = arith.addf %parallel_loop3A_419, %parallel_loop3A_425 : vector<16xf32>
        %parallel_loop3A_427 = arith.constant 1 : i32
        %parallel_loop3A_428 = vector.broadcast %parallel_loop3A_427 : i32 to vector<16xi32>
        %parallel_loop3A_429 = arith.xori %parallel_loop3A_405, %parallel_loop3A_428 : vector<16xi32>
        %parallel_loop3A_430 = vector.shape_cast %parallel_loop3A_429 : vector<16xi32> to vector<16x1xi32>
        %parallel_loop3A_431 = vector.shape_cast %parallel_loop3A_430 : vector<16x1xi32> to vector<16xi32>
        %parallel_loop3A_432 = tpu.dynamic_gather %parallel_loop3A_426[%parallel_loop3A_431] in [0] : vector<16xf32>, vector<16xi32> -> vector<16xf32>
        %parallel_loop3A_433 = arith.addf %parallel_loop3A_426, %parallel_loop3A_432 : vector<16xf32>
        %parallel_loop3A_434 = vector.broadcast %scan3A : f32 to vector<16xf32>
        %parallel_loop3A_435 = arith.mulf %parallel_loop3A_433, %parallel_loop3A_434 : vector<16xf32>
        %parallel_loop3A_436 = arith.mulf %parallel_loop3A_404, %parallel_loop3A_404 : vector<16xf32>
        %parallel_loop3A_437 = arith.subf %parallel_loop3A_435, %parallel_loop3A_436 : vector<16xf32>
        %parallel_loop3A_438 = arith.constant 9.99999974E-6 : f32
        %parallel_loop3A_439 = vector.broadcast %parallel_loop3A_438 : f32 to vector<16xf32>
        %parallel_loop3A_440 = arith.addf %parallel_loop3A_437, %parallel_loop3A_439 : vector<16xf32>
        %parallel_loop3A_441 = tpu.bitcast %parallel_loop3A_440 : vector<16xf32> -> vector<16xi32>
        %parallel_loop3A_442 = arith.constant 1 : i32
        %parallel_loop3A_443 = vector.broadcast %parallel_loop3A_442 : i32 to vector<16xi32>
        %parallel_loop3A_444 = arith.shrsi %parallel_loop3A_441, %parallel_loop3A_443 : vector<16xi32>
        %parallel_loop3A_445 = arith.constant 1597463007 : i32
        %parallel_loop3A_446 = vector.broadcast %parallel_loop3A_445 : i32 to vector<16xi32>
        %parallel_loop3A_447 = arith.subi %parallel_loop3A_446, %parallel_loop3A_444 : vector<16xi32>
        %parallel_loop3A_448 = tpu.bitcast %parallel_loop3A_447 : vector<16xi32> -> vector<16xf32>
        %parallel_loop3A_449 = arith.constant 5.000000e-01 : f32
        %parallel_loop3A_450 = vector.broadcast %parallel_loop3A_449 : f32 to vector<16xf32>
        %parallel_loop3A_451 = arith.mulf %parallel_loop3A_440, %parallel_loop3A_450 : vector<16xf32>
        %parallel_loop3A_452 = arith.mulf %parallel_loop3A_451, %parallel_loop3A_448 : vector<16xf32>
        %parallel_loop3A_453 = arith.mulf %parallel_loop3A_452, %parallel_loop3A_448 : vector<16xf32>
        %parallel_loop3A_454 = arith.constant 1.500000e+00 : f32
        %parallel_loop3A_455 = vector.broadcast %parallel_loop3A_454 : f32 to vector<16xf32>
        %parallel_loop3A_456 = arith.subf %parallel_loop3A_455, %parallel_loop3A_453 : vector<16xf32>
        %parallel_loop3A_457 = arith.mulf %parallel_loop3A_448, %parallel_loop3A_456 : vector<16xf32>
        %parallel_loop3A_458 = arith.mulf %parallel_loop3A_451, %parallel_loop3A_457 : vector<16xf32>
        %parallel_loop3A_459 = arith.mulf %parallel_loop3A_458, %parallel_loop3A_457 : vector<16xf32>
        %parallel_loop3A_460 = arith.constant 1.500000e+00 : f32
        %parallel_loop3A_461 = vector.broadcast %parallel_loop3A_460 : f32 to vector<16xf32>
        %parallel_loop3A_462 = arith.subf %parallel_loop3A_461, %parallel_loop3A_459 : vector<16xf32>
        %parallel_loop3A_463 = arith.mulf %parallel_loop3A_457, %parallel_loop3A_462 : vector<16xf32>
        %parallel_loop3A_464 = arith.mulf %parallel_loop3A_451, %parallel_loop3A_463 : vector<16xf32>
        %parallel_loop3A_465 = arith.mulf %parallel_loop3A_464, %parallel_loop3A_463 : vector<16xf32>
        %parallel_loop3A_466 = arith.constant 1.500000e+00 : f32
        %parallel_loop3A_467 = vector.broadcast %parallel_loop3A_466 : f32 to vector<16xf32>
        %parallel_loop3A_468 = arith.subf %parallel_loop3A_467, %parallel_loop3A_465 : vector<16xf32>
        %parallel_loop3A_469 = arith.mulf %parallel_loop3A_463, %parallel_loop3A_468 : vector<16xf32>
        %parallel_loop3A_470 = arith.subf %parallel_loop3A_345, %parallel_loop3A_404 : vector<16xf32>
        %parallel_loop3A_471 = arith.mulf %parallel_loop3A_470, %parallel_loop3A_469 : vector<16xf32>
        %parallel_loop3A_472 = arith.mulf %parallel_loop3A_471, %get3A_4 : vector<16xf32>
        %parallel_loop3A_473 = arith.addf %parallel_loop3A_472, %get3A_16 : vector<16xf32>
        %parallel_loop3A_474 = arith.constant 0 : i32
        %parallel_loop3A_475 = arith.index_cast %parallel_loop3A_474 : i32 to index
        %parallel_loop3A_476 = arith.index_cast %parallel_loop3A_339 : i32 to index
        %parallel_loop3A_477 = arith.constant 0 : index
        %parallel_loop3A_478 = tpu.vector_load %arg8[%parallel_loop3A_475, %parallel_loop3A_476, %parallel_loop3A_477] {strides = array<i32>} : memref<4x256x64xf32, #tpu.memory_space<vmem>>, vector<1x1x16xf32>,
        %parallel_loop3A_479 = vector.shape_cast %parallel_loop3A_478 : vector<1x1x16xf32> to vector<16xf32>
        %parallel_loop3A_480 = vector.shape_cast %parallel_loop3A_473 : vector<16xf32> to vector<1x1x16xf32>
        tpu.vector_store %arg8[%parallel_loop3A_475, %parallel_loop3A_476, %parallel_loop3A_477], %parallel_loop3A_480 {strides = array<i32>} : memref<4x256x64xf32, #tpu.memory_space<vmem>>, vector<1x1x16xf32>,
        %parallel_loop3A_481 = arith.subf %parallel_loop3A_351, %parallel_loop3A_404 : vector<16xf32>
        %parallel_loop3A_482 = arith.mulf %parallel_loop3A_481, %parallel_loop3A_469 : vector<16xf32>
        %parallel_loop3A_483 = arith.mulf %parallel_loop3A_482, %get3A_7 : vector<16xf32>
        %parallel_loop3A_484 = arith.addf %parallel_loop3A_483, %get3A_19 : vector<16xf32>
        %parallel_loop3A_485 = arith.constant 0 : i32
        %parallel_loop3A_486 = arith.index_cast %parallel_loop3A_485 : i32 to index
        %parallel_loop3A_487 = arith.index_cast %parallel_loop3A_339 : i32 to index
        %parallel_loop3A_488 = arith.constant 16 : index
        %parallel_loop3A_489 = tpu.vector_load %arg8[%parallel_loop3A_486, %parallel_loop3A_487, %parallel_loop3A_488] {strides = array<i32>} : memref<4x256x64xf32, #tpu.memory_space<vmem>>, vector<1x1x16xf32>,
        %parallel_loop3A_490 = vector.shape_cast %parallel_loop3A_489 : vector<1x1x16xf32> to vector<16xf32>
        %parallel_loop3A_491 = vector.shape_cast %parallel_loop3A_484 : vector<16xf32> to vector<1x1x16xf32>
        tpu.vector_store %arg8[%parallel_loop3A_486, %parallel_loop3A_487, %parallel_loop3A_488], %parallel_loop3A_491 {strides = array<i32>} : memref<4x256x64xf32, #tpu.memory_space<vmem>>, vector<1x1x16xf32>,
        %parallel_loop3A_492 = arith.subf %parallel_loop3A_357, %parallel_loop3A_404 : vector<16xf32>
        %parallel_loop3A_493 = arith.mulf %parallel_loop3A_492, %parallel_loop3A_469 : vector<16xf32>
        %parallel_loop3A_494 = arith.mulf %parallel_loop3A_493, %get3A_10 : vector<16xf32>
        %parallel_loop3A_495 = arith.addf %parallel_loop3A_494, %get3A_22 : vector<16xf32>
        %parallel_loop3A_496 = arith.constant 0 : i32
        %parallel_loop3A_497 = arith.index_cast %parallel_loop3A_496 : i32 to index
        %parallel_loop3A_498 = arith.index_cast %parallel_loop3A_339 : i32 to index
        %parallel_loop3A_499 = arith.constant 32 : index
        %parallel_loop3A_500 = tpu.vector_load %arg8[%parallel_loop3A_497, %parallel_loop3A_498, %parallel_loop3A_499] {strides = array<i32>} : memref<4x256x64xf32, #tpu.memory_space<vmem>>, vector<1x1x16xf32>,
        %parallel_loop3A_501 = vector.shape_cast %parallel_loop3A_500 : vector<1x1x16xf32> to vector<16xf32>
        %parallel_loop3A_502 = vector.shape_cast %parallel_loop3A_495 : vector<16xf32> to vector<1x1x16xf32>
        tpu.vector_store %arg8[%parallel_loop3A_497, %parallel_loop3A_498, %parallel_loop3A_499], %parallel_loop3A_502 {strides = array<i32>} : memref<4x256x64xf32, #tpu.memory_space<vmem>>, vector<1x1x16xf32>,
        %parallel_loop3A_503 = arith.subf %parallel_loop3A_363, %parallel_loop3A_404 : vector<16xf32>
        %parallel_loop3A_504 = arith.mulf %parallel_loop3A_503, %parallel_loop3A_469 : vector<16xf32>
        %parallel_loop3A_505 = arith.mulf %parallel_loop3A_504, %get3A_13 : vector<16xf32>
        %parallel_loop3A_506 = arith.addf %parallel_loop3A_505, %get3A_25 : vector<16xf32>
        %parallel_loop3A_507 = arith.constant 0 : i32
        %parallel_loop3A_508 = arith.index_cast %parallel_loop3A_507 : i32 to index
        %parallel_loop3A_509 = arith.index_cast %parallel_loop3A_339 : i32 to index
        %parallel_loop3A_510 = arith.constant 48 : index
        %parallel_loop3A_511 = tpu.vector_load %arg8[%parallel_loop3A_508, %parallel_loop3A_509, %parallel_loop3A_510] {strides = array<i32>} : memref<4x256x64xf32, #tpu.memory_space<vmem>>, vector<1x1x16xf32>,
        %parallel_loop3A_512 = vector.shape_cast %parallel_loop3A_511 : vector<1x1x16xf32> to vector<16xf32>
        %parallel_loop3A_513 = vector.shape_cast %parallel_loop3A_506 : vector<16xf32> to vector<1x1x16xf32>
        tpu.vector_store %arg8[%parallel_loop3A_508, %parallel_loop3A_509, %parallel_loop3A_510], %parallel_loop3A_513 {strides = array<i32>} : memref<4x256x64xf32, #tpu.memory_space<vmem>>, vector<1x1x16xf32>,
      } {sc.loop_unroll_factor = 8 : i64, sc.parallel_access}
      %mul3A_176 = arith.constant 256 : i32
      %mul3A_177 = arith.muli %add3A_158, %mul3A_176 : i32
      %add3A_178 = arith.addi %mul3A_27, %mul3A_177 : i32
      %dma_start3A_179 = arith.constant 0 : i32
      %dma_start3A_180 = arith.constant 0 : i32
      %dma_start3A_181 = arith.constant 0 : i32
      %dma_start3A_182 = tpu.memref_slice %arg8[%dma_start3A_179, %dma_start3A_180, %dma_start3A_181] : memref<4x256x64xf32, #tpu.memory_space<vmem>> -> memref<1x256x64xf32, #tpu.memory_space<vmem>>
      %dma_start3A_183 = tpu.memref_squeeze %dma_start3A_182 : memref<1x256x64xf32, #tpu.memory_space<vmem>> -> memref<256x64xf32, #tpu.memory_space<vmem>>
      %dma_start3A_184 = arith.constant 0 : i32
      %dma_start3A_185 = tpu.memref_slice %arg6[%add3A_178, %dma_start3A_184] : memref<819200x64xf32, #tpu.memory_space<hbm>> -> memref<256x64xf32, #tpu.memory_space<hbm>>
      %dma_start3A_186 = arith.constant 0 : i32
      %dma_start3A_187 = tpu.memref_slice %arg6[%add3A_178, %dma_start3A_186] : memref<819200x64xf32, #tpu.memory_space<hbm>> -> memref<256x64xf32, #tpu.memory_space<hbm>>
      %dma_start3A_188 = arith.constant 0 : i32
      %dma_start3A_189 = arith.constant 0 : i32
      %dma_start3A_190 = tpu.memref_slice %arg8[%dma_start3A_179, %dma_start3A_188, %dma_start3A_189] : memref<4x256x64xf32, #tpu.memory_space<vmem>> -> memref<1x256x64xf32, #tpu.memory_space<vmem>>
      %dma_start3A_191 = tpu.memref_squeeze %dma_start3A_190 : memref<1x256x64xf32, #tpu.memory_space<vmem>> -> memref<256x64xf32, #tpu.memory_space<vmem>>
      tpu.enqueue_dma source(%dma_start3A_191 : memref<256x64xf32, #tpu.memory_space<vmem>>) target(%dma_start3A_187 : memref<256x64xf32, #tpu.memory_space<hbm>>) target_semaphore(%arg15 : memref<!tpu.dma_semaphore, #tpu.memory_space<semaphore_mem>>)
      %add3A_192 = arith.constant 4 : i32
      %add3A_193 = arith.addi %add3A_158, %add3A_192 : i32
      %sub3A = arith.constant 2 : i32
      %sub3A_194 = arith.subi %add3A_193, %sub3A : i32
      %lt3A = arith.constant 100 : i32
      %lt3A_195 = arith.cmpi slt, %sub3A_194, %lt3A : i32
      %convert_element_type3A = arith.extui %lt3A_195 : i1 to i32
      %cond3A = arith.constant 0 : i32
      %cond3A_196 = arith.cmpi ne, %convert_element_type3A, %cond3A : i32
      scf.if %cond3A_196 {
        %ge3A = arith.constant 2 : i32
        %ge3A_339 = arith.cmpi sge, %add3A_158, %ge3A : i32
        %convert_element_type3A_340 = arith.extui %ge3A_339 : i1 to i32
        %cond3A_341 = arith.constant 0 : i32
        %cond3A_342 = arith.cmpi ne, %convert_element_type3A_340, %cond3A_341 : i32
        scf.if %cond3A_342 {
          %dma_wait3A_379 = arith.constant 2 : i32
          %dma_wait3A_380 = arith.constant 0 : i32
          %dma_wait3A_381 = arith.constant 0 : i32
          %dma_wait3A_382 = tpu.memref_slice %arg8[%dma_wait3A_379, %dma_wait3A_380, %dma_wait3A_381] : memref<4x256x64xf32, #tpu.memory_space<vmem>> -> memref<1x256x64xf32, #tpu.memory_space<vmem>>
          %dma_wait3A_383 = tpu.memref_squeeze %dma_wait3A_382 : memref<1x256x64xf32, #tpu.memory_space<vmem>> -> memref<256x64xf32, #tpu.memory_space<vmem>>
          %dma_wait3A_384 = arith.constant 0 : i32
          %dma_wait3A_385 = arith.constant 0 : i32
          %dma_wait3A_386 = tpu.memref_slice %arg6[%dma_wait3A_384, %dma_wait3A_385] : memref<819200x64xf32, #tpu.memory_space<hbm>> -> memref<256x64xf32, #tpu.memory_space<hbm>>
          %dma_wait3A_387 = arith.constant 0 : i32
          %dma_wait3A_388 = arith.constant 0 : i32
          %dma_wait3A_389 = tpu.memref_slice %arg6[%dma_wait3A_387, %dma_wait3A_388] : memref<819200x64xf32, #tpu.memory_space<hbm>> -> memref<256x64xf32, #tpu.memory_space<hbm>>
          %dma_wait3A_390 = arith.constant 0 : i32
          %dma_wait3A_391 = arith.constant 0 : i32
          %dma_wait3A_392 = tpu.memref_slice %arg8[%dma_wait3A_379, %dma_wait3A_390, %dma_wait3A_391] : memref<4x256x64xf32, #tpu.memory_space<vmem>> -> memref<1x256x64xf32, #tpu.memory_space<vmem>>
          %dma_wait3A_393 = tpu.memref_squeeze %dma_wait3A_392 : memref<1x256x64xf32, #tpu.memory_space<vmem>> -> memref<256x64xf32, #tpu.memory_space<vmem>>
          tpu.wait_dma2 semaphore(%arg17 : memref<!tpu.dma_semaphore, #tpu.memory_space<semaphore_mem>>) src(%dma_wait3A_393 : memref<256x64xf32, #tpu.memory_space<vmem>>) dst(%dma_wait3A_389 : memref<256x64xf32, #tpu.memory_space<hbm>>)
        } else {
        }
        %mul3A_343 = arith.constant 2 : i32
        %mul3A_344 = arith.muli %sub3A_194, %mul3A_343 : i32
        %add3A_345 = arith.constant 0 : i32
        %add3A_346 = arith.addi %mul3A_344, %add3A_345 : i32
        %dma_start3A_347 = arith.constant 2 : i32
        %dma_start3A_348 = arith.constant 0 : i32
        %dma_start3A_349 = arith.constant 0 : i32
        %dma_start3A_350 = tpu.memref_slice %arg8[%dma_start3A_347, %dma_start3A_348, %dma_start3A_349] : memref<4x256x64xf32, #tpu.memory_space<vmem>> -> memref<1x256x64xf32, #tpu.memory_space<vmem>>
        %dma_start3A_351 = tpu.memref_squeeze %dma_start3A_350 : memref<1x256x64xf32, #tpu.memory_space<vmem>> -> memref<256x64xf32, #tpu.memory_space<vmem>>
        %dma_start3A_352 = arith.constant 0 : i32
        %dma_start3A_353 = arith.constant 0 : i32
        %dma_start3A_354 = tpu.memref_slice %dma_start3A_351[%dma_start3A_352, %dma_start3A_353] : memref<256x64xf32, #tpu.memory_space<vmem>> -> memref<128x64xf32, #tpu.memory_space<vmem>>
        %dma_start3A_355 = arith.constant 0 : i32
        %dma_start3A_356 = tpu.memref_slice %arg7[%add3A_346, %dma_start3A_355] : memref<200x128xi32, #tpu.memory_space<vmem>> -> memref<1x128xi32, #tpu.memory_space<vmem>>
        %dma_start3A_357 = tpu.memref_squeeze %dma_start3A_356 : memref<1x128xi32, #tpu.memory_space<vmem>> -> memref<128xi32, #tpu.memory_space<vmem>>
        %dma_start3A_358 = arith.constant 0 : i32
        %dma_start3A_359 = arith.constant 0 : i32
        %dma_start3A_360 = tpu.memref_slice %arg3[%dma_start3A_358, %dma_start3A_359] : memref<1000000x64xf32, #tpu.memory_space<hbm>> -> memref<1000000x64xf32, #tpu.memory_space<hbm>>
        tpu.enqueue_indirect_dma source(%dma_start3A_360 : memref<1000000x64xf32, #tpu.memory_space<hbm>>) target(%dma_start3A_354 : memref<128x64xf32, #tpu.memory_space<vmem>>) offsets(%dma_start3A_357 : memref<128xi32, #tpu.memory_space<vmem>>) semaphore(%arg13 : memref<!tpu.dma_semaphore, #tpu.memory_space<semaphore_mem>>)
        %mul3A_361 = arith.constant 2 : i32
        %mul3A_362 = arith.muli %sub3A_194, %mul3A_361 : i32
        %add3A_363 = arith.constant 1 : i32
        %add3A_364 = arith.addi %mul3A_362, %add3A_363 : i32
        %dma_start3A_365 = arith.constant 2 : i32
        %dma_start3A_366 = arith.constant 0 : i32
        %dma_start3A_367 = arith.constant 0 : i32
        %dma_start3A_368 = tpu.memref_slice %arg8[%dma_start3A_365, %dma_start3A_366, %dma_start3A_367] : memref<4x256x64xf32, #tpu.memory_space<vmem>> -> memref<1x256x64xf32, #tpu.memory_space<vmem>>
        %dma_start3A_369 = tpu.memref_squeeze %dma_start3A_368 : memref<1x256x64xf32, #tpu.memory_space<vmem>> -> memref<256x64xf32, #tpu.memory_space<vmem>>
        %dma_start3A_370 = arith.constant 128 : i32
        %dma_start3A_371 = arith.constant 0 : i32
        %dma_start3A_372 = tpu.memref_slice %dma_start3A_369[%dma_start3A_370, %dma_start3A_371] : memref<256x64xf32, #tpu.memory_space<vmem>> -> memref<128x64xf32, #tpu.memory_space<vmem>>
        %dma_start3A_373 = arith.constant 0 : i32
        %dma_start3A_374 = tpu.memref_slice %arg7[%add3A_364, %dma_start3A_373] : memref<200x128xi32, #tpu.memory_space<vmem>> -> memref<1x128xi32, #tpu.memory_space<vmem>>
        %dma_start3A_375 = tpu.memref_squeeze %dma_start3A_374 : memref<1x128xi32, #tpu.memory_space<vmem>> -> memref<128xi32, #tpu.memory_space<vmem>>
        %dma_start3A_376 = arith.constant 0 : i32
        %dma_start3A_377 = arith.constant 0 : i32
        %dma_start3A_378 = tpu.memref_slice %arg3[%dma_start3A_376, %dma_start3A_377] : memref<1000000x64xf32, #tpu.memory_space<hbm>> -> memref<1000000x64xf32, #tpu.memory_space<hbm>>
        tpu.enqueue_indirect_dma source(%dma_start3A_378 : memref<1000000x64xf32, #tpu.memory_space<hbm>>) target(%dma_start3A_372 : memref<128x64xf32, #tpu.memory_space<vmem>>) offsets(%dma_start3A_375 : memref<128xi32, #tpu.memory_space<vmem>>) semaphore(%arg13 : memref<!tpu.dma_semaphore, #tpu.memory_space<semaphore_mem>>)
      } else {
      }
      %mul3A_197 = arith.constant 4 : i32
      %mul3A_198 = arith.muli %scan3A_153, %mul3A_197 : i32
      %add3A_199 = arith.constant 1 : i32
      %add3A_200 = arith.addi %mul3A_198, %add3A_199 : i32
      %dma_wait3A_201 = arith.constant 1 : i32
      %dma_wait3A_202 = arith.constant 0 : i32
      %dma_wait3A_203 = arith.constant 0 : i32
      %dma_wait3A_204 = tpu.memref_slice %arg8[%dma_wait3A_201, %dma_wait3A_202, %dma_wait3A_203] : memref<4x256x64xf32, #tpu.memory_space<vmem>> -> memref<1x256x64xf32, #tpu.memory_space<vmem>>
      %dma_wait3A_205 = tpu.memref_squeeze %dma_wait3A_204 : memref<1x256x64xf32, #tpu.memory_space<vmem>> -> memref<256x64xf32, #tpu.memory_space<vmem>>
      %dma_wait3A_206 = arith.constant 0 : i32
      %dma_wait3A_207 = arith.constant 0 : i32
      %dma_wait3A_208 = tpu.memref_slice %arg6[%dma_wait3A_206, %dma_wait3A_207] : memref<819200x64xf32, #tpu.memory_space<hbm>> -> memref<256x64xf32, #tpu.memory_space<hbm>>
      %dma_wait3A_209 = arith.constant 0 : i32
      %dma_wait3A_210 = arith.constant 0 : i32
      %dma_wait3A_211 = tpu.memref_slice %arg8[%dma_wait3A_201, %dma_wait3A_209, %dma_wait3A_210] : memref<4x256x64xf32, #tpu.memory_space<vmem>> -> memref<1x256x64xf32, #tpu.memory_space<vmem>>
      %dma_wait3A_212 = tpu.memref_squeeze %dma_wait3A_211 : memref<1x256x64xf32, #tpu.memory_space<vmem>> -> memref<256x64xf32, #tpu.memory_space<vmem>>
      %dma_wait3A_213 = arith.constant 0 : i32
      %dma_wait3A_214 = arith.constant 0 : i32
      %dma_wait3A_215 = tpu.memref_slice %arg6[%dma_wait3A_213, %dma_wait3A_214] : memref<819200x64xf32, #tpu.memory_space<hbm>> -> memref<256x64xf32, #tpu.memory_space<hbm>>
      tpu.wait_dma2 semaphore(%arg12 : memref<!tpu.dma_semaphore, #tpu.memory_space<semaphore_mem>>) src(%dma_wait3A_215 : memref<256x64xf32, #tpu.memory_space<hbm>>) dst(%dma_wait3A_212 : memref<256x64xf32, #tpu.memory_space<vmem>>)
      %parallel_loop3A_216 = arith.constant 0 : i32
      %parallel_loop3A_217 = arith.constant 256 : i32
      %parallel_loop3A_218 = arith.constant 1 : i32
      scf.for %parallel_loop3A_339 = %parallel_loop3A_216 to %parallel_loop3A_217 step %parallel_loop3A_218  : i32 {
        %parallel_loop3A_340 = arith.constant 1 : i32
        %parallel_loop3A_341 = arith.index_cast %parallel_loop3A_340 : i32 to index
        %parallel_loop3A_342 = arith.index_cast %parallel_loop3A_339 : i32 to index
        %parallel_loop3A_343 = arith.constant 0 : index
        %parallel_loop3A_344 = tpu.vector_load %arg8[%parallel_loop3A_341, %parallel_loop3A_342, %parallel_loop3A_343] {strides = array<i32>} : memref<4x256x64xf32, #tpu.memory_space<vmem>>, vector<1x1x16xf32>,
        %parallel_loop3A_345 = vector.shape_cast %parallel_loop3A_344 : vector<1x1x16xf32> to vector<16xf32>
        %parallel_loop3A_346 = arith.constant 1 : i32
        %parallel_loop3A_347 = arith.index_cast %parallel_loop3A_346 : i32 to index
        %parallel_loop3A_348 = arith.index_cast %parallel_loop3A_339 : i32 to index
        %parallel_loop3A_349 = arith.constant 16 : index
        %parallel_loop3A_350 = tpu.vector_load %arg8[%parallel_loop3A_347, %parallel_loop3A_348, %parallel_loop3A_349] {strides = array<i32>} : memref<4x256x64xf32, #tpu.memory_space<vmem>>, vector<1x1x16xf32>,
        %parallel_loop3A_351 = vector.shape_cast %parallel_loop3A_350 : vector<1x1x16xf32> to vector<16xf32>
        %parallel_loop3A_352 = arith.constant 1 : i32
        %parallel_loop3A_353 = arith.index_cast %parallel_loop3A_352 : i32 to index
        %parallel_loop3A_354 = arith.index_cast %parallel_loop3A_339 : i32 to index
        %parallel_loop3A_355 = arith.constant 32 : index
        %parallel_loop3A_356 = tpu.vector_load %arg8[%parallel_loop3A_353, %parallel_loop3A_354, %parallel_loop3A_355] {strides = array<i32>} : memref<4x256x64xf32, #tpu.memory_space<vmem>>, vector<1x1x16xf32>,
        %parallel_loop3A_357 = vector.shape_cast %parallel_loop3A_356 : vector<1x1x16xf32> to vector<16xf32>
        %parallel_loop3A_358 = arith.constant 1 : i32
        %parallel_loop3A_359 = arith.index_cast %parallel_loop3A_358 : i32 to index
        %parallel_loop3A_360 = arith.index_cast %parallel_loop3A_339 : i32 to index
        %parallel_loop3A_361 = arith.constant 48 : index
        %parallel_loop3A_362 = tpu.vector_load %arg8[%parallel_loop3A_359, %parallel_loop3A_360, %parallel_loop3A_361] {strides = array<i32>} : memref<4x256x64xf32, #tpu.memory_space<vmem>>, vector<1x1x16xf32>,
        %parallel_loop3A_363 = vector.shape_cast %parallel_loop3A_362 : vector<1x1x16xf32> to vector<16xf32>
        %parallel_loop3A_364 = arith.addf %parallel_loop3A_345, %parallel_loop3A_351 : vector<16xf32>
        %parallel_loop3A_365 = arith.addf %parallel_loop3A_364, %parallel_loop3A_357 : vector<16xf32>
        %parallel_loop3A_366 = arith.addf %parallel_loop3A_365, %parallel_loop3A_363 : vector<16xf32>
        %parallel_loop3A_367 = arith.mulf %parallel_loop3A_345, %parallel_loop3A_345 : vector<16xf32>
        %parallel_loop3A_368 = arith.mulf %parallel_loop3A_351, %parallel_loop3A_351 : vector<16xf32>
        %parallel_loop3A_369 = arith.addf %parallel_loop3A_367, %parallel_loop3A_368 : vector<16xf32>
        %parallel_loop3A_370 = arith.mulf %parallel_loop3A_357, %parallel_loop3A_357 : vector<16xf32>
        %parallel_loop3A_371 = arith.addf %parallel_loop3A_369, %parallel_loop3A_370 : vector<16xf32>
        %parallel_loop3A_372 = arith.mulf %parallel_loop3A_363, %parallel_loop3A_363 : vector<16xf32>
        %parallel_loop3A_373 = arith.addf %parallel_loop3A_371, %parallel_loop3A_372 : vector<16xf32>
        %parallel_loop3A_374 = tpu.iota {dimensions = array<i32: 0>} : vector<16xi32>
        %parallel_loop3A_375 = arith.constant 8 : i32
        %parallel_loop3A_376 = vector.broadcast %parallel_loop3A_375 : i32 to vector<16xi32>
        %parallel_loop3A_377 = arith.xori %parallel_loop3A_374, %parallel_loop3A_376 : vector<16xi32>
        %parallel_loop3A_378 = vector.shape_cast %parallel_loop3A_377 : vector<16xi32> to vector<16x1xi32>
        %parallel_loop3A_379 = vector.shape_cast %parallel_loop3A_378 : vector<16x1xi32> to vector<16xi32>
        %parallel_loop3A_380 = tpu.dynamic_gather %parallel_loop3A_366[%parallel_loop3A_379] in [0] : vector<16xf32>, vector<16xi32> -> vector<16xf32>
        %parallel_loop3A_381 = arith.addf %parallel_loop3A_366, %parallel_loop3A_380 : vector<16xf32>
        %parallel_loop3A_382 = arith.constant 4 : i32
        %parallel_loop3A_383 = vector.broadcast %parallel_loop3A_382 : i32 to vector<16xi32>
        %parallel_loop3A_384 = arith.xori %parallel_loop3A_374, %parallel_loop3A_383 : vector<16xi32>
        %parallel_loop3A_385 = vector.shape_cast %parallel_loop3A_384 : vector<16xi32> to vector<16x1xi32>
        %parallel_loop3A_386 = vector.shape_cast %parallel_loop3A_385 : vector<16x1xi32> to vector<16xi32>
        %parallel_loop3A_387 = tpu.dynamic_gather %parallel_loop3A_381[%parallel_loop3A_386] in [0] : vector<16xf32>, vector<16xi32> -> vector<16xf32>
        %parallel_loop3A_388 = arith.addf %parallel_loop3A_381, %parallel_loop3A_387 : vector<16xf32>
        %parallel_loop3A_389 = arith.constant 2 : i32
        %parallel_loop3A_390 = vector.broadcast %parallel_loop3A_389 : i32 to vector<16xi32>
        %parallel_loop3A_391 = arith.xori %parallel_loop3A_374, %parallel_loop3A_390 : vector<16xi32>
        %parallel_loop3A_392 = vector.shape_cast %parallel_loop3A_391 : vector<16xi32> to vector<16x1xi32>
        %parallel_loop3A_393 = vector.shape_cast %parallel_loop3A_392 : vector<16x1xi32> to vector<16xi32>
        %parallel_loop3A_394 = tpu.dynamic_gather %parallel_loop3A_388[%parallel_loop3A_393] in [0] : vector<16xf32>, vector<16xi32> -> vector<16xf32>
        %parallel_loop3A_395 = arith.addf %parallel_loop3A_388, %parallel_loop3A_394 : vector<16xf32>
        %parallel_loop3A_396 = arith.constant 1 : i32
        %parallel_loop3A_397 = vector.broadcast %parallel_loop3A_396 : i32 to vector<16xi32>
        %parallel_loop3A_398 = arith.xori %parallel_loop3A_374, %parallel_loop3A_397 : vector<16xi32>
        %parallel_loop3A_399 = vector.shape_cast %parallel_loop3A_398 : vector<16xi32> to vector<16x1xi32>
        %parallel_loop3A_400 = vector.shape_cast %parallel_loop3A_399 : vector<16x1xi32> to vector<16xi32>
        %parallel_loop3A_401 = tpu.dynamic_gather %parallel_loop3A_395[%parallel_loop3A_400] in [0] : vector<16xf32>, vector<16xi32> -> vector<16xf32>
        %parallel_loop3A_402 = arith.addf %parallel_loop3A_395, %parallel_loop3A_401 : vector<16xf32>
        %parallel_loop3A_403 = vector.broadcast %scan3A : f32 to vector<16xf32>
        %parallel_loop3A_404 = arith.mulf %parallel_loop3A_402, %parallel_loop3A_403 : vector<16xf32>
        %parallel_loop3A_405 = tpu.iota {dimensions = array<i32: 0>} : vector<16xi32>
        %parallel_loop3A_406 = arith.constant 8 : i32
        %parallel_loop3A_407 = vector.broadcast %parallel_loop3A_406 : i32 to vector<16xi32>
        %parallel_loop3A_408 = arith.xori %parallel_loop3A_405, %parallel_loop3A_407 : vector<16xi32>
        %parallel_loop3A_409 = vector.shape_cast %parallel_loop3A_408 : vector<16xi32> to vector<16x1xi32>
        %parallel_loop3A_410 = vector.shape_cast %parallel_loop3A_409 : vector<16x1xi32> to vector<16xi32>
        %parallel_loop3A_411 = tpu.dynamic_gather %parallel_loop3A_373[%parallel_loop3A_410] in [0] : vector<16xf32>, vector<16xi32> -> vector<16xf32>
        %parallel_loop3A_412 = arith.addf %parallel_loop3A_373, %parallel_loop3A_411 : vector<16xf32>
        %parallel_loop3A_413 = arith.constant 4 : i32
        %parallel_loop3A_414 = vector.broadcast %parallel_loop3A_413 : i32 to vector<16xi32>
        %parallel_loop3A_415 = arith.xori %parallel_loop3A_405, %parallel_loop3A_414 : vector<16xi32>
        %parallel_loop3A_416 = vector.shape_cast %parallel_loop3A_415 : vector<16xi32> to vector<16x1xi32>
        %parallel_loop3A_417 = vector.shape_cast %parallel_loop3A_416 : vector<16x1xi32> to vector<16xi32>
        %parallel_loop3A_418 = tpu.dynamic_gather %parallel_loop3A_412[%parallel_loop3A_417] in [0] : vector<16xf32>, vector<16xi32> -> vector<16xf32>
        %parallel_loop3A_419 = arith.addf %parallel_loop3A_412, %parallel_loop3A_418 : vector<16xf32>
        %parallel_loop3A_420 = arith.constant 2 : i32
        %parallel_loop3A_421 = vector.broadcast %parallel_loop3A_420 : i32 to vector<16xi32>
        %parallel_loop3A_422 = arith.xori %parallel_loop3A_405, %parallel_loop3A_421 : vector<16xi32>
        %parallel_loop3A_423 = vector.shape_cast %parallel_loop3A_422 : vector<16xi32> to vector<16x1xi32>
        %parallel_loop3A_424 = vector.shape_cast %parallel_loop3A_423 : vector<16x1xi32> to vector<16xi32>
        %parallel_loop3A_425 = tpu.dynamic_gather %parallel_loop3A_419[%parallel_loop3A_424] in [0] : vector<16xf32>, vector<16xi32> -> vector<16xf32>
        %parallel_loop3A_426 = arith.addf %parallel_loop3A_419, %parallel_loop3A_425 : vector<16xf32>
        %parallel_loop3A_427 = arith.constant 1 : i32
        %parallel_loop3A_428 = vector.broadcast %parallel_loop3A_427 : i32 to vector<16xi32>
        %parallel_loop3A_429 = arith.xori %parallel_loop3A_405, %parallel_loop3A_428 : vector<16xi32>
        %parallel_loop3A_430 = vector.shape_cast %parallel_loop3A_429 : vector<16xi32> to vector<16x1xi32>
        %parallel_loop3A_431 = vector.shape_cast %parallel_loop3A_430 : vector<16x1xi32> to vector<16xi32>
        %parallel_loop3A_432 = tpu.dynamic_gather %parallel_loop3A_426[%parallel_loop3A_431] in [0] : vector<16xf32>, vector<16xi32> -> vector<16xf32>
        %parallel_loop3A_433 = arith.addf %parallel_loop3A_426, %parallel_loop3A_432 : vector<16xf32>
        %parallel_loop3A_434 = vector.broadcast %scan3A : f32 to vector<16xf32>
        %parallel_loop3A_435 = arith.mulf %parallel_loop3A_433, %parallel_loop3A_434 : vector<16xf32>
        %parallel_loop3A_436 = arith.mulf %parallel_loop3A_404, %parallel_loop3A_404 : vector<16xf32>
        %parallel_loop3A_437 = arith.subf %parallel_loop3A_435, %parallel_loop3A_436 : vector<16xf32>
        %parallel_loop3A_438 = arith.constant 9.99999974E-6 : f32
        %parallel_loop3A_439 = vector.broadcast %parallel_loop3A_438 : f32 to vector<16xf32>
        %parallel_loop3A_440 = arith.addf %parallel_loop3A_437, %parallel_loop3A_439 : vector<16xf32>
        %parallel_loop3A_441 = tpu.bitcast %parallel_loop3A_440 : vector<16xf32> -> vector<16xi32>
        %parallel_loop3A_442 = arith.constant 1 : i32
        %parallel_loop3A_443 = vector.broadcast %parallel_loop3A_442 : i32 to vector<16xi32>
        %parallel_loop3A_444 = arith.shrsi %parallel_loop3A_441, %parallel_loop3A_443 : vector<16xi32>
        %parallel_loop3A_445 = arith.constant 1597463007 : i32
        %parallel_loop3A_446 = vector.broadcast %parallel_loop3A_445 : i32 to vector<16xi32>
        %parallel_loop3A_447 = arith.subi %parallel_loop3A_446, %parallel_loop3A_444 : vector<16xi32>
        %parallel_loop3A_448 = tpu.bitcast %parallel_loop3A_447 : vector<16xi32> -> vector<16xf32>
        %parallel_loop3A_449 = arith.constant 5.000000e-01 : f32
        %parallel_loop3A_450 = vector.broadcast %parallel_loop3A_449 : f32 to vector<16xf32>
        %parallel_loop3A_451 = arith.mulf %parallel_loop3A_440, %parallel_loop3A_450 : vector<16xf32>
        %parallel_loop3A_452 = arith.mulf %parallel_loop3A_451, %parallel_loop3A_448 : vector<16xf32>
        %parallel_loop3A_453 = arith.mulf %parallel_loop3A_452, %parallel_loop3A_448 : vector<16xf32>
        %parallel_loop3A_454 = arith.constant 1.500000e+00 : f32
        %parallel_loop3A_455 = vector.broadcast %parallel_loop3A_454 : f32 to vector<16xf32>
        %parallel_loop3A_456 = arith.subf %parallel_loop3A_455, %parallel_loop3A_453 : vector<16xf32>
        %parallel_loop3A_457 = arith.mulf %parallel_loop3A_448, %parallel_loop3A_456 : vector<16xf32>
        %parallel_loop3A_458 = arith.mulf %parallel_loop3A_451, %parallel_loop3A_457 : vector<16xf32>
        %parallel_loop3A_459 = arith.mulf %parallel_loop3A_458, %parallel_loop3A_457 : vector<16xf32>
        %parallel_loop3A_460 = arith.constant 1.500000e+00 : f32
        %parallel_loop3A_461 = vector.broadcast %parallel_loop3A_460 : f32 to vector<16xf32>
        %parallel_loop3A_462 = arith.subf %parallel_loop3A_461, %parallel_loop3A_459 : vector<16xf32>
        %parallel_loop3A_463 = arith.mulf %parallel_loop3A_457, %parallel_loop3A_462 : vector<16xf32>
        %parallel_loop3A_464 = arith.mulf %parallel_loop3A_451, %parallel_loop3A_463 : vector<16xf32>
        %parallel_loop3A_465 = arith.mulf %parallel_loop3A_464, %parallel_loop3A_463 : vector<16xf32>
        %parallel_loop3A_466 = arith.constant 1.500000e+00 : f32
        %parallel_loop3A_467 = vector.broadcast %parallel_loop3A_466 : f32 to vector<16xf32>
        %parallel_loop3A_468 = arith.subf %parallel_loop3A_467, %parallel_loop3A_465 : vector<16xf32>
        %parallel_loop3A_469 = arith.mulf %parallel_loop3A_463, %parallel_loop3A_468 : vector<16xf32>
        %parallel_loop3A_470 = arith.subf %parallel_loop3A_345, %parallel_loop3A_404 : vector<16xf32>
        %parallel_loop3A_471 = arith.mulf %parallel_loop3A_470, %parallel_loop3A_469 : vector<16xf32>
        %parallel_loop3A_472 = arith.mulf %parallel_loop3A_471, %get3A_4 : vector<16xf32>
        %parallel_loop3A_473 = arith.addf %parallel_loop3A_472, %get3A_16 : vector<16xf32>
        %parallel_loop3A_474 = arith.constant 1 : i32
        %parallel_loop3A_475 = arith.index_cast %parallel_loop3A_474 : i32 to index
        %parallel_loop3A_476 = arith.index_cast %parallel_loop3A_339 : i32 to index
        %parallel_loop3A_477 = arith.constant 0 : index
        %parallel_loop3A_478 = tpu.vector_load %arg8[%parallel_loop3A_475, %parallel_loop3A_476, %parallel_loop3A_477] {strides = array<i32>} : memref<4x256x64xf32, #tpu.memory_space<vmem>>, vector<1x1x16xf32>,
        %parallel_loop3A_479 = vector.shape_cast %parallel_loop3A_478 : vector<1x1x16xf32> to vector<16xf32>
        %parallel_loop3A_480 = vector.shape_cast %parallel_loop3A_473 : vector<16xf32> to vector<1x1x16xf32>
        tpu.vector_store %arg8[%parallel_loop3A_475, %parallel_loop3A_476, %parallel_loop3A_477], %parallel_loop3A_480 {strides = array<i32>} : memref<4x256x64xf32, #tpu.memory_space<vmem>>, vector<1x1x16xf32>,
        %parallel_loop3A_481 = arith.subf %parallel_loop3A_351, %parallel_loop3A_404 : vector<16xf32>
        %parallel_loop3A_482 = arith.mulf %parallel_loop3A_481, %parallel_loop3A_469 : vector<16xf32>
        %parallel_loop3A_483 = arith.mulf %parallel_loop3A_482, %get3A_7 : vector<16xf32>
        %parallel_loop3A_484 = arith.addf %parallel_loop3A_483, %get3A_19 : vector<16xf32>
        %parallel_loop3A_485 = arith.constant 1 : i32
        %parallel_loop3A_486 = arith.index_cast %parallel_loop3A_485 : i32 to index
        %parallel_loop3A_487 = arith.index_cast %parallel_loop3A_339 : i32 to index
        %parallel_loop3A_488 = arith.constant 16 : index
        %parallel_loop3A_489 = tpu.vector_load %arg8[%parallel_loop3A_486, %parallel_loop3A_487, %parallel_loop3A_488] {strides = array<i32>} : memref<4x256x64xf32, #tpu.memory_space<vmem>>, vector<1x1x16xf32>,
        %parallel_loop3A_490 = vector.shape_cast %parallel_loop3A_489 : vector<1x1x16xf32> to vector<16xf32>
        %parallel_loop3A_491 = vector.shape_cast %parallel_loop3A_484 : vector<16xf32> to vector<1x1x16xf32>
        tpu.vector_store %arg8[%parallel_loop3A_486, %parallel_loop3A_487, %parallel_loop3A_488], %parallel_loop3A_491 {strides = array<i32>} : memref<4x256x64xf32, #tpu.memory_space<vmem>>, vector<1x1x16xf32>,
        %parallel_loop3A_492 = arith.subf %parallel_loop3A_357, %parallel_loop3A_404 : vector<16xf32>
        %parallel_loop3A_493 = arith.mulf %parallel_loop3A_492, %parallel_loop3A_469 : vector<16xf32>
        %parallel_loop3A_494 = arith.mulf %parallel_loop3A_493, %get3A_10 : vector<16xf32>
        %parallel_loop3A_495 = arith.addf %parallel_loop3A_494, %get3A_22 : vector<16xf32>
        %parallel_loop3A_496 = arith.constant 1 : i32
        %parallel_loop3A_497 = arith.index_cast %parallel_loop3A_496 : i32 to index
        %parallel_loop3A_498 = arith.index_cast %parallel_loop3A_339 : i32 to index
        %parallel_loop3A_499 = arith.constant 32 : index
        %parallel_loop3A_500 = tpu.vector_load %arg8[%parallel_loop3A_497, %parallel_loop3A_498, %parallel_loop3A_499] {strides = array<i32>} : memref<4x256x64xf32, #tpu.memory_space<vmem>>, vector<1x1x16xf32>,
        %parallel_loop3A_501 = vector.shape_cast %parallel_loop3A_500 : vector<1x1x16xf32> to vector<16xf32>
        %parallel_loop3A_502 = vector.shape_cast %parallel_loop3A_495 : vector<16xf32> to vector<1x1x16xf32>
        tpu.vector_store %arg8[%parallel_loop3A_497, %parallel_loop3A_498, %parallel_loop3A_499], %parallel_loop3A_502 {strides = array<i32>} : memref<4x256x64xf32, #tpu.memory_space<vmem>>, vector<1x1x16xf32>,
        %parallel_loop3A_503 = arith.subf %parallel_loop3A_363, %parallel_loop3A_404 : vector<16xf32>
        %parallel_loop3A_504 = arith.mulf %parallel_loop3A_503, %parallel_loop3A_469 : vector<16xf32>
        %parallel_loop3A_505 = arith.mulf %parallel_loop3A_504, %get3A_13 : vector<16xf32>
        %parallel_loop3A_506 = arith.addf %parallel_loop3A_505, %get3A_25 : vector<16xf32>
        %parallel_loop3A_507 = arith.constant 1 : i32
        %parallel_loop3A_508 = arith.index_cast %parallel_loop3A_507 : i32 to index
        %parallel_loop3A_509 = arith.index_cast %parallel_loop3A_339 : i32 to index
        %parallel_loop3A_510 = arith.constant 48 : index
        %parallel_loop3A_511 = tpu.vector_load %arg8[%parallel_loop3A_508, %parallel_loop3A_509, %parallel_loop3A_510] {strides = array<i32>} : memref<4x256x64xf32, #tpu.memory_space<vmem>>, vector<1x1x16xf32>,
        %parallel_loop3A_512 = vector.shape_cast %parallel_loop3A_511 : vector<1x1x16xf32> to vector<16xf32>
        %parallel_loop3A_513 = vector.shape_cast %parallel_loop3A_506 : vector<16xf32> to vector<1x1x16xf32>
        tpu.vector_store %arg8[%parallel_loop3A_508, %parallel_loop3A_509, %parallel_loop3A_510], %parallel_loop3A_513 {strides = array<i32>} : memref<4x256x64xf32, #tpu.memory_space<vmem>>, vector<1x1x16xf32>,
      } {sc.loop_unroll_factor = 8 : i64, sc.parallel_access}
      %mul3A_219 = arith.constant 256 : i32
      %mul3A_220 = arith.muli %add3A_200, %mul3A_219 : i32
      %add3A_221 = arith.addi %mul3A_27, %mul3A_220 : i32
      %dma_start3A_222 = arith.constant 1 : i32
      %dma_start3A_223 = arith.constant 0 : i32
      %dma_start3A_224 = arith.constant 0 : i32
      %dma_start3A_225 = tpu.memref_slice %arg8[%dma_start3A_222, %dma_start3A_223, %dma_start3A_224] : memref<4x256x64xf32, #tpu.memory_space<vmem>> -> memref<1x256x64xf32, #tpu.memory_space<vmem>>
      %dma_start3A_226 = tpu.memref_squeeze %dma_start3A_225 : memref<1x256x64xf32, #tpu.memory_space<vmem>> -> memref<256x64xf32, #tpu.memory_space<vmem>>
      %dma_start3A_227 = arith.constant 0 : i32
      %dma_start3A_228 = tpu.memref_slice %arg6[%add3A_221, %dma_start3A_227] : memref<819200x64xf32, #tpu.memory_space<hbm>> -> memref<256x64xf32, #tpu.memory_space<hbm>>
      %dma_start3A_229 = arith.constant 0 : i32
      %dma_start3A_230 = tpu.memref_slice %arg6[%add3A_221, %dma_start3A_229] : memref<819200x64xf32, #tpu.memory_space<hbm>> -> memref<256x64xf32, #tpu.memory_space<hbm>>
      %dma_start3A_231 = arith.constant 0 : i32
      %dma_start3A_232 = arith.constant 0 : i32
      %dma_start3A_233 = tpu.memref_slice %arg8[%dma_start3A_222, %dma_start3A_231, %dma_start3A_232] : memref<4x256x64xf32, #tpu.memory_space<vmem>> -> memref<1x256x64xf32, #tpu.memory_space<vmem>>
      %dma_start3A_234 = tpu.memref_squeeze %dma_start3A_233 : memref<1x256x64xf32, #tpu.memory_space<vmem>> -> memref<256x64xf32, #tpu.memory_space<vmem>>
      tpu.enqueue_dma source(%dma_start3A_234 : memref<256x64xf32, #tpu.memory_space<vmem>>) target(%dma_start3A_230 : memref<256x64xf32, #tpu.memory_space<hbm>>) target_semaphore(%arg16 : memref<!tpu.dma_semaphore, #tpu.memory_space<semaphore_mem>>)
      %add3A_235 = arith.constant 4 : i32
      %add3A_236 = arith.addi %add3A_200, %add3A_235 : i32
      %sub3A_237 = arith.constant 2 : i32
      %sub3A_238 = arith.subi %add3A_236, %sub3A_237 : i32
      %lt3A_239 = arith.constant 100 : i32
      %lt3A_240 = arith.cmpi slt, %sub3A_238, %lt3A_239 : i32
      %convert_element_type3A_241 = arith.extui %lt3A_240 : i1 to i32
      %cond3A_242 = arith.constant 0 : i32
      %cond3A_243 = arith.cmpi ne, %convert_element_type3A_241, %cond3A_242 : i32
      scf.if %cond3A_243 {
        %ge3A = arith.constant 2 : i32
        %ge3A_339 = arith.cmpi sge, %add3A_200, %ge3A : i32
        %convert_element_type3A_340 = arith.extui %ge3A_339 : i1 to i32
        %cond3A_341 = arith.constant 0 : i32
        %cond3A_342 = arith.cmpi ne, %convert_element_type3A_340, %cond3A_341 : i32
        scf.if %cond3A_342 {
          %dma_wait3A_379 = arith.constant 3 : i32
          %dma_wait3A_380 = arith.constant 0 : i32
          %dma_wait3A_381 = arith.constant 0 : i32
          %dma_wait3A_382 = tpu.memref_slice %arg8[%dma_wait3A_379, %dma_wait3A_380, %dma_wait3A_381] : memref<4x256x64xf32, #tpu.memory_space<vmem>> -> memref<1x256x64xf32, #tpu.memory_space<vmem>>
          %dma_wait3A_383 = tpu.memref_squeeze %dma_wait3A_382 : memref<1x256x64xf32, #tpu.memory_space<vmem>> -> memref<256x64xf32, #tpu.memory_space<vmem>>
          %dma_wait3A_384 = arith.constant 0 : i32
          %dma_wait3A_385 = arith.constant 0 : i32
          %dma_wait3A_386 = tpu.memref_slice %arg6[%dma_wait3A_384, %dma_wait3A_385] : memref<819200x64xf32, #tpu.memory_space<hbm>> -> memref<256x64xf32, #tpu.memory_space<hbm>>
          %dma_wait3A_387 = arith.constant 0 : i32
          %dma_wait3A_388 = arith.constant 0 : i32
          %dma_wait3A_389 = tpu.memref_slice %arg6[%dma_wait3A_387, %dma_wait3A_388] : memref<819200x64xf32, #tpu.memory_space<hbm>> -> memref<256x64xf32, #tpu.memory_space<hbm>>
          %dma_wait3A_390 = arith.constant 0 : i32
          %dma_wait3A_391 = arith.constant 0 : i32
          %dma_wait3A_392 = tpu.memref_slice %arg8[%dma_wait3A_379, %dma_wait3A_390, %dma_wait3A_391] : memref<4x256x64xf32, #tpu.memory_space<vmem>> -> memref<1x256x64xf32, #tpu.memory_space<vmem>>
          %dma_wait3A_393 = tpu.memref_squeeze %dma_wait3A_392 : memref<1x256x64xf32, #tpu.memory_space<vmem>> -> memref<256x64xf32, #tpu.memory_space<vmem>>
          tpu.wait_dma2 semaphore(%arg18 : memref<!tpu.dma_semaphore, #tpu.memory_space<semaphore_mem>>) src(%dma_wait3A_393 : memref<256x64xf32, #tpu.memory_space<vmem>>) dst(%dma_wait3A_389 : memref<256x64xf32, #tpu.memory_space<hbm>>)
        } else {
        }
        %mul3A_343 = arith.constant 2 : i32
        %mul3A_344 = arith.muli %sub3A_238, %mul3A_343 : i32
        %add3A_345 = arith.constant 0 : i32
        %add3A_346 = arith.addi %mul3A_344, %add3A_345 : i32
        %dma_start3A_347 = arith.constant 3 : i32
        %dma_start3A_348 = arith.constant 0 : i32
        %dma_start3A_349 = arith.constant 0 : i32
        %dma_start3A_350 = tpu.memref_slice %arg8[%dma_start3A_347, %dma_start3A_348, %dma_start3A_349] : memref<4x256x64xf32, #tpu.memory_space<vmem>> -> memref<1x256x64xf32, #tpu.memory_space<vmem>>
        %dma_start3A_351 = tpu.memref_squeeze %dma_start3A_350 : memref<1x256x64xf32, #tpu.memory_space<vmem>> -> memref<256x64xf32, #tpu.memory_space<vmem>>
        %dma_start3A_352 = arith.constant 0 : i32
        %dma_start3A_353 = arith.constant 0 : i32
        %dma_start3A_354 = tpu.memref_slice %dma_start3A_351[%dma_start3A_352, %dma_start3A_353] : memref<256x64xf32, #tpu.memory_space<vmem>> -> memref<128x64xf32, #tpu.memory_space<vmem>>
        %dma_start3A_355 = arith.constant 0 : i32
        %dma_start3A_356 = tpu.memref_slice %arg7[%add3A_346, %dma_start3A_355] : memref<200x128xi32, #tpu.memory_space<vmem>> -> memref<1x128xi32, #tpu.memory_space<vmem>>
        %dma_start3A_357 = tpu.memref_squeeze %dma_start3A_356 : memref<1x128xi32, #tpu.memory_space<vmem>> -> memref<128xi32, #tpu.memory_space<vmem>>
        %dma_start3A_358 = arith.constant 0 : i32
        %dma_start3A_359 = arith.constant 0 : i32
        %dma_start3A_360 = tpu.memref_slice %arg3[%dma_start3A_358, %dma_start3A_359] : memref<1000000x64xf32, #tpu.memory_space<hbm>> -> memref<1000000x64xf32, #tpu.memory_space<hbm>>
        tpu.enqueue_indirect_dma source(%dma_start3A_360 : memref<1000000x64xf32, #tpu.memory_space<hbm>>) target(%dma_start3A_354 : memref<128x64xf32, #tpu.memory_space<vmem>>) offsets(%dma_start3A_357 : memref<128xi32, #tpu.memory_space<vmem>>) semaphore(%arg14 : memref<!tpu.dma_semaphore, #tpu.memory_space<semaphore_mem>>)
        %mul3A_361 = arith.constant 2 : i32
        %mul3A_362 = arith.muli %sub3A_238, %mul3A_361 : i32
        %add3A_363 = arith.constant 1 : i32
        %add3A_364 = arith.addi %mul3A_362, %add3A_363 : i32
        %dma_start3A_365 = arith.constant 3 : i32
        %dma_start3A_366 = arith.constant 0 : i32
        %dma_start3A_367 = arith.constant 0 : i32
        %dma_start3A_368 = tpu.memref_slice %arg8[%dma_start3A_365, %dma_start3A_366, %dma_start3A_367] : memref<4x256x64xf32, #tpu.memory_space<vmem>> -> memref<1x256x64xf32, #tpu.memory_space<vmem>>
        %dma_start3A_369 = tpu.memref_squeeze %dma_start3A_368 : memref<1x256x64xf32, #tpu.memory_space<vmem>> -> memref<256x64xf32, #tpu.memory_space<vmem>>
        %dma_start3A_370 = arith.constant 128 : i32
        %dma_start3A_371 = arith.constant 0 : i32
        %dma_start3A_372 = tpu.memref_slice %dma_start3A_369[%dma_start3A_370, %dma_start3A_371] : memref<256x64xf32, #tpu.memory_space<vmem>> -> memref<128x64xf32, #tpu.memory_space<vmem>>
        %dma_start3A_373 = arith.constant 0 : i32
        %dma_start3A_374 = tpu.memref_slice %arg7[%add3A_364, %dma_start3A_373] : memref<200x128xi32, #tpu.memory_space<vmem>> -> memref<1x128xi32, #tpu.memory_space<vmem>>
        %dma_start3A_375 = tpu.memref_squeeze %dma_start3A_374 : memref<1x128xi32, #tpu.memory_space<vmem>> -> memref<128xi32, #tpu.memory_space<vmem>>
        %dma_start3A_376 = arith.constant 0 : i32
        %dma_start3A_377 = arith.constant 0 : i32
        %dma_start3A_378 = tpu.memref_slice %arg3[%dma_start3A_376, %dma_start3A_377] : memref<1000000x64xf32, #tpu.memory_space<hbm>> -> memref<1000000x64xf32, #tpu.memory_space<hbm>>
        tpu.enqueue_indirect_dma source(%dma_start3A_378 : memref<1000000x64xf32, #tpu.memory_space<hbm>>) target(%dma_start3A_372 : memref<128x64xf32, #tpu.memory_space<vmem>>) offsets(%dma_start3A_375 : memref<128xi32, #tpu.memory_space<vmem>>) semaphore(%arg14 : memref<!tpu.dma_semaphore, #tpu.memory_space<semaphore_mem>>)
      } else {
      }
      %mul3A_244 = arith.constant 4 : i32
      %mul3A_245 = arith.muli %scan3A_153, %mul3A_244 : i32
      %add3A_246 = arith.constant 2 : i32
      %add3A_247 = arith.addi %mul3A_245, %add3A_246 : i32
      %dma_wait3A_248 = arith.constant 2 : i32
      %dma_wait3A_249 = arith.constant 0 : i32
      %dma_wait3A_250 = arith.constant 0 : i32
      %dma_wait3A_251 = tpu.memref_slice %arg8[%dma_wait3A_248, %dma_wait3A_249, %dma_wait3A_250] : memref<4x256x64xf32, #tpu.memory_space<vmem>> -> memref<1x256x64xf32, #tpu.memory_space<vmem>>
      %dma_wait3A_252 = tpu.memref_squeeze %dma_wait3A_251 : memref<1x256x64xf32, #tpu.memory_space<vmem>> -> memref<256x64xf32, #tpu.memory_space<vmem>>
      %dma_wait3A_253 = arith.constant 0 : i32
      %dma_wait3A_254 = arith.constant 0 : i32
      %dma_wait3A_255 = tpu.memref_slice %arg6[%dma_wait3A_253, %dma_wait3A_254] : memref<819200x64xf32, #tpu.memory_space<hbm>> -> memref<256x64xf32, #tpu.memory_space<hbm>>
      %dma_wait3A_256 = arith.constant 0 : i32
      %dma_wait3A_257 = arith.constant 0 : i32
      %dma_wait3A_258 = tpu.memref_slice %arg8[%dma_wait3A_248, %dma_wait3A_256, %dma_wait3A_257] : memref<4x256x64xf32, #tpu.memory_space<vmem>> -> memref<1x256x64xf32, #tpu.memory_space<vmem>>
      %dma_wait3A_259 = tpu.memref_squeeze %dma_wait3A_258 : memref<1x256x64xf32, #tpu.memory_space<vmem>> -> memref<256x64xf32, #tpu.memory_space<vmem>>
      %dma_wait3A_260 = arith.constant 0 : i32
      %dma_wait3A_261 = arith.constant 0 : i32
      %dma_wait3A_262 = tpu.memref_slice %arg6[%dma_wait3A_260, %dma_wait3A_261] : memref<819200x64xf32, #tpu.memory_space<hbm>> -> memref<256x64xf32, #tpu.memory_space<hbm>>
      tpu.wait_dma2 semaphore(%arg13 : memref<!tpu.dma_semaphore, #tpu.memory_space<semaphore_mem>>) src(%dma_wait3A_262 : memref<256x64xf32, #tpu.memory_space<hbm>>) dst(%dma_wait3A_259 : memref<256x64xf32, #tpu.memory_space<vmem>>)
      %parallel_loop3A_263 = arith.constant 0 : i32
      %parallel_loop3A_264 = arith.constant 256 : i32
      %parallel_loop3A_265 = arith.constant 1 : i32
      scf.for %parallel_loop3A_339 = %parallel_loop3A_263 to %parallel_loop3A_264 step %parallel_loop3A_265  : i32 {
        %parallel_loop3A_340 = arith.constant 2 : i32
        %parallel_loop3A_341 = arith.index_cast %parallel_loop3A_340 : i32 to index
        %parallel_loop3A_342 = arith.index_cast %parallel_loop3A_339 : i32 to index
        %parallel_loop3A_343 = arith.constant 0 : index
        %parallel_loop3A_344 = tpu.vector_load %arg8[%parallel_loop3A_341, %parallel_loop3A_342, %parallel_loop3A_343] {strides = array<i32>} : memref<4x256x64xf32, #tpu.memory_space<vmem>>, vector<1x1x16xf32>,
        %parallel_loop3A_345 = vector.shape_cast %parallel_loop3A_344 : vector<1x1x16xf32> to vector<16xf32>
        %parallel_loop3A_346 = arith.constant 2 : i32
        %parallel_loop3A_347 = arith.index_cast %parallel_loop3A_346 : i32 to index
        %parallel_loop3A_348 = arith.index_cast %parallel_loop3A_339 : i32 to index
        %parallel_loop3A_349 = arith.constant 16 : index
        %parallel_loop3A_350 = tpu.vector_load %arg8[%parallel_loop3A_347, %parallel_loop3A_348, %parallel_loop3A_349] {strides = array<i32>} : memref<4x256x64xf32, #tpu.memory_space<vmem>>, vector<1x1x16xf32>,
        %parallel_loop3A_351 = vector.shape_cast %parallel_loop3A_350 : vector<1x1x16xf32> to vector<16xf32>
        %parallel_loop3A_352 = arith.constant 2 : i32
        %parallel_loop3A_353 = arith.index_cast %parallel_loop3A_352 : i32 to index
        %parallel_loop3A_354 = arith.index_cast %parallel_loop3A_339 : i32 to index
        %parallel_loop3A_355 = arith.constant 32 : index
        %parallel_loop3A_356 = tpu.vector_load %arg8[%parallel_loop3A_353, %parallel_loop3A_354, %parallel_loop3A_355] {strides = array<i32>} : memref<4x256x64xf32, #tpu.memory_space<vmem>>, vector<1x1x16xf32>,
        %parallel_loop3A_357 = vector.shape_cast %parallel_loop3A_356 : vector<1x1x16xf32> to vector<16xf32>
        %parallel_loop3A_358 = arith.constant 2 : i32
        %parallel_loop3A_359 = arith.index_cast %parallel_loop3A_358 : i32 to index
        %parallel_loop3A_360 = arith.index_cast %parallel_loop3A_339 : i32 to index
        %parallel_loop3A_361 = arith.constant 48 : index
        %parallel_loop3A_362 = tpu.vector_load %arg8[%parallel_loop3A_359, %parallel_loop3A_360, %parallel_loop3A_361] {strides = array<i32>} : memref<4x256x64xf32, #tpu.memory_space<vmem>>, vector<1x1x16xf32>,
        %parallel_loop3A_363 = vector.shape_cast %parallel_loop3A_362 : vector<1x1x16xf32> to vector<16xf32>
        %parallel_loop3A_364 = arith.addf %parallel_loop3A_345, %parallel_loop3A_351 : vector<16xf32>
        %parallel_loop3A_365 = arith.addf %parallel_loop3A_364, %parallel_loop3A_357 : vector<16xf32>
        %parallel_loop3A_366 = arith.addf %parallel_loop3A_365, %parallel_loop3A_363 : vector<16xf32>
        %parallel_loop3A_367 = arith.mulf %parallel_loop3A_345, %parallel_loop3A_345 : vector<16xf32>
        %parallel_loop3A_368 = arith.mulf %parallel_loop3A_351, %parallel_loop3A_351 : vector<16xf32>
        %parallel_loop3A_369 = arith.addf %parallel_loop3A_367, %parallel_loop3A_368 : vector<16xf32>
        %parallel_loop3A_370 = arith.mulf %parallel_loop3A_357, %parallel_loop3A_357 : vector<16xf32>
        %parallel_loop3A_371 = arith.addf %parallel_loop3A_369, %parallel_loop3A_370 : vector<16xf32>
        %parallel_loop3A_372 = arith.mulf %parallel_loop3A_363, %parallel_loop3A_363 : vector<16xf32>
        %parallel_loop3A_373 = arith.addf %parallel_loop3A_371, %parallel_loop3A_372 : vector<16xf32>
        %parallel_loop3A_374 = tpu.iota {dimensions = array<i32: 0>} : vector<16xi32>
        %parallel_loop3A_375 = arith.constant 8 : i32
        %parallel_loop3A_376 = vector.broadcast %parallel_loop3A_375 : i32 to vector<16xi32>
        %parallel_loop3A_377 = arith.xori %parallel_loop3A_374, %parallel_loop3A_376 : vector<16xi32>
        %parallel_loop3A_378 = vector.shape_cast %parallel_loop3A_377 : vector<16xi32> to vector<16x1xi32>
        %parallel_loop3A_379 = vector.shape_cast %parallel_loop3A_378 : vector<16x1xi32> to vector<16xi32>
        %parallel_loop3A_380 = tpu.dynamic_gather %parallel_loop3A_366[%parallel_loop3A_379] in [0] : vector<16xf32>, vector<16xi32> -> vector<16xf32>
        %parallel_loop3A_381 = arith.addf %parallel_loop3A_366, %parallel_loop3A_380 : vector<16xf32>
        %parallel_loop3A_382 = arith.constant 4 : i32
        %parallel_loop3A_383 = vector.broadcast %parallel_loop3A_382 : i32 to vector<16xi32>
        %parallel_loop3A_384 = arith.xori %parallel_loop3A_374, %parallel_loop3A_383 : vector<16xi32>
        %parallel_loop3A_385 = vector.shape_cast %parallel_loop3A_384 : vector<16xi32> to vector<16x1xi32>
        %parallel_loop3A_386 = vector.shape_cast %parallel_loop3A_385 : vector<16x1xi32> to vector<16xi32>
        %parallel_loop3A_387 = tpu.dynamic_gather %parallel_loop3A_381[%parallel_loop3A_386] in [0] : vector<16xf32>, vector<16xi32> -> vector<16xf32>
        %parallel_loop3A_388 = arith.addf %parallel_loop3A_381, %parallel_loop3A_387 : vector<16xf32>
        %parallel_loop3A_389 = arith.constant 2 : i32
        %parallel_loop3A_390 = vector.broadcast %parallel_loop3A_389 : i32 to vector<16xi32>
        %parallel_loop3A_391 = arith.xori %parallel_loop3A_374, %parallel_loop3A_390 : vector<16xi32>
        %parallel_loop3A_392 = vector.shape_cast %parallel_loop3A_391 : vector<16xi32> to vector<16x1xi32>
        %parallel_loop3A_393 = vector.shape_cast %parallel_loop3A_392 : vector<16x1xi32> to vector<16xi32>
        %parallel_loop3A_394 = tpu.dynamic_gather %parallel_loop3A_388[%parallel_loop3A_393] in [0] : vector<16xf32>, vector<16xi32> -> vector<16xf32>
        %parallel_loop3A_395 = arith.addf %parallel_loop3A_388, %parallel_loop3A_394 : vector<16xf32>
        %parallel_loop3A_396 = arith.constant 1 : i32
        %parallel_loop3A_397 = vector.broadcast %parallel_loop3A_396 : i32 to vector<16xi32>
        %parallel_loop3A_398 = arith.xori %parallel_loop3A_374, %parallel_loop3A_397 : vector<16xi32>
        %parallel_loop3A_399 = vector.shape_cast %parallel_loop3A_398 : vector<16xi32> to vector<16x1xi32>
        %parallel_loop3A_400 = vector.shape_cast %parallel_loop3A_399 : vector<16x1xi32> to vector<16xi32>
        %parallel_loop3A_401 = tpu.dynamic_gather %parallel_loop3A_395[%parallel_loop3A_400] in [0] : vector<16xf32>, vector<16xi32> -> vector<16xf32>
        %parallel_loop3A_402 = arith.addf %parallel_loop3A_395, %parallel_loop3A_401 : vector<16xf32>
        %parallel_loop3A_403 = vector.broadcast %scan3A : f32 to vector<16xf32>
        %parallel_loop3A_404 = arith.mulf %parallel_loop3A_402, %parallel_loop3A_403 : vector<16xf32>
        %parallel_loop3A_405 = tpu.iota {dimensions = array<i32: 0>} : vector<16xi32>
        %parallel_loop3A_406 = arith.constant 8 : i32
        %parallel_loop3A_407 = vector.broadcast %parallel_loop3A_406 : i32 to vector<16xi32>
        %parallel_loop3A_408 = arith.xori %parallel_loop3A_405, %parallel_loop3A_407 : vector<16xi32>
        %parallel_loop3A_409 = vector.shape_cast %parallel_loop3A_408 : vector<16xi32> to vector<16x1xi32>
        %parallel_loop3A_410 = vector.shape_cast %parallel_loop3A_409 : vector<16x1xi32> to vector<16xi32>
        %parallel_loop3A_411 = tpu.dynamic_gather %parallel_loop3A_373[%parallel_loop3A_410] in [0] : vector<16xf32>, vector<16xi32> -> vector<16xf32>
        %parallel_loop3A_412 = arith.addf %parallel_loop3A_373, %parallel_loop3A_411 : vector<16xf32>
        %parallel_loop3A_413 = arith.constant 4 : i32
        %parallel_loop3A_414 = vector.broadcast %parallel_loop3A_413 : i32 to vector<16xi32>
        %parallel_loop3A_415 = arith.xori %parallel_loop3A_405, %parallel_loop3A_414 : vector<16xi32>
        %parallel_loop3A_416 = vector.shape_cast %parallel_loop3A_415 : vector<16xi32> to vector<16x1xi32>
        %parallel_loop3A_417 = vector.shape_cast %parallel_loop3A_416 : vector<16x1xi32> to vector<16xi32>
        %parallel_loop3A_418 = tpu.dynamic_gather %parallel_loop3A_412[%parallel_loop3A_417] in [0] : vector<16xf32>, vector<16xi32> -> vector<16xf32>
        %parallel_loop3A_419 = arith.addf %parallel_loop3A_412, %parallel_loop3A_418 : vector<16xf32>
        %parallel_loop3A_420 = arith.constant 2 : i32
        %parallel_loop3A_421 = vector.broadcast %parallel_loop3A_420 : i32 to vector<16xi32>
        %parallel_loop3A_422 = arith.xori %parallel_loop3A_405, %parallel_loop3A_421 : vector<16xi32>
        %parallel_loop3A_423 = vector.shape_cast %parallel_loop3A_422 : vector<16xi32> to vector<16x1xi32>
        %parallel_loop3A_424 = vector.shape_cast %parallel_loop3A_423 : vector<16x1xi32> to vector<16xi32>
        %parallel_loop3A_425 = tpu.dynamic_gather %parallel_loop3A_419[%parallel_loop3A_424] in [0] : vector<16xf32>, vector<16xi32> -> vector<16xf32>
        %parallel_loop3A_426 = arith.addf %parallel_loop3A_419, %parallel_loop3A_425 : vector<16xf32>
        %parallel_loop3A_427 = arith.constant 1 : i32
        %parallel_loop3A_428 = vector.broadcast %parallel_loop3A_427 : i32 to vector<16xi32>
        %parallel_loop3A_429 = arith.xori %parallel_loop3A_405, %parallel_loop3A_428 : vector<16xi32>
        %parallel_loop3A_430 = vector.shape_cast %parallel_loop3A_429 : vector<16xi32> to vector<16x1xi32>
        %parallel_loop3A_431 = vector.shape_cast %parallel_loop3A_430 : vector<16x1xi32> to vector<16xi32>
        %parallel_loop3A_432 = tpu.dynamic_gather %parallel_loop3A_426[%parallel_loop3A_431] in [0] : vector<16xf32>, vector<16xi32> -> vector<16xf32>
        %parallel_loop3A_433 = arith.addf %parallel_loop3A_426, %parallel_loop3A_432 : vector<16xf32>
        %parallel_loop3A_434 = vector.broadcast %scan3A : f32 to vector<16xf32>
        %parallel_loop3A_435 = arith.mulf %parallel_loop3A_433, %parallel_loop3A_434 : vector<16xf32>
        %parallel_loop3A_436 = arith.mulf %parallel_loop3A_404, %parallel_loop3A_404 : vector<16xf32>
        %parallel_loop3A_437 = arith.subf %parallel_loop3A_435, %parallel_loop3A_436 : vector<16xf32>
        %parallel_loop3A_438 = arith.constant 9.99999974E-6 : f32
        %parallel_loop3A_439 = vector.broadcast %parallel_loop3A_438 : f32 to vector<16xf32>
        %parallel_loop3A_440 = arith.addf %parallel_loop3A_437, %parallel_loop3A_439 : vector<16xf32>
        %parallel_loop3A_441 = tpu.bitcast %parallel_loop3A_440 : vector<16xf32> -> vector<16xi32>
        %parallel_loop3A_442 = arith.constant 1 : i32
        %parallel_loop3A_443 = vector.broadcast %parallel_loop3A_442 : i32 to vector<16xi32>
        %parallel_loop3A_444 = arith.shrsi %parallel_loop3A_441, %parallel_loop3A_443 : vector<16xi32>
        %parallel_loop3A_445 = arith.constant 1597463007 : i32
        %parallel_loop3A_446 = vector.broadcast %parallel_loop3A_445 : i32 to vector<16xi32>
        %parallel_loop3A_447 = arith.subi %parallel_loop3A_446, %parallel_loop3A_444 : vector<16xi32>
        %parallel_loop3A_448 = tpu.bitcast %parallel_loop3A_447 : vector<16xi32> -> vector<16xf32>
        %parallel_loop3A_449 = arith.constant 5.000000e-01 : f32
        %parallel_loop3A_450 = vector.broadcast %parallel_loop3A_449 : f32 to vector<16xf32>
        %parallel_loop3A_451 = arith.mulf %parallel_loop3A_440, %parallel_loop3A_450 : vector<16xf32>
        %parallel_loop3A_452 = arith.mulf %parallel_loop3A_451, %parallel_loop3A_448 : vector<16xf32>
        %parallel_loop3A_453 = arith.mulf %parallel_loop3A_452, %parallel_loop3A_448 : vector<16xf32>
        %parallel_loop3A_454 = arith.constant 1.500000e+00 : f32
        %parallel_loop3A_455 = vector.broadcast %parallel_loop3A_454 : f32 to vector<16xf32>
        %parallel_loop3A_456 = arith.subf %parallel_loop3A_455, %parallel_loop3A_453 : vector<16xf32>
        %parallel_loop3A_457 = arith.mulf %parallel_loop3A_448, %parallel_loop3A_456 : vector<16xf32>
        %parallel_loop3A_458 = arith.mulf %parallel_loop3A_451, %parallel_loop3A_457 : vector<16xf32>
        %parallel_loop3A_459 = arith.mulf %parallel_loop3A_458, %parallel_loop3A_457 : vector<16xf32>
        %parallel_loop3A_460 = arith.constant 1.500000e+00 : f32
        %parallel_loop3A_461 = vector.broadcast %parallel_loop3A_460 : f32 to vector<16xf32>
        %parallel_loop3A_462 = arith.subf %parallel_loop3A_461, %parallel_loop3A_459 : vector<16xf32>
        %parallel_loop3A_463 = arith.mulf %parallel_loop3A_457, %parallel_loop3A_462 : vector<16xf32>
        %parallel_loop3A_464 = arith.mulf %parallel_loop3A_451, %parallel_loop3A_463 : vector<16xf32>
        %parallel_loop3A_465 = arith.mulf %parallel_loop3A_464, %parallel_loop3A_463 : vector<16xf32>
        %parallel_loop3A_466 = arith.constant 1.500000e+00 : f32
        %parallel_loop3A_467 = vector.broadcast %parallel_loop3A_466 : f32 to vector<16xf32>
        %parallel_loop3A_468 = arith.subf %parallel_loop3A_467, %parallel_loop3A_465 : vector<16xf32>
        %parallel_loop3A_469 = arith.mulf %parallel_loop3A_463, %parallel_loop3A_468 : vector<16xf32>
        %parallel_loop3A_470 = arith.subf %parallel_loop3A_345, %parallel_loop3A_404 : vector<16xf32>
        %parallel_loop3A_471 = arith.mulf %parallel_loop3A_470, %parallel_loop3A_469 : vector<16xf32>
        %parallel_loop3A_472 = arith.mulf %parallel_loop3A_471, %get3A_4 : vector<16xf32>
        %parallel_loop3A_473 = arith.addf %parallel_loop3A_472, %get3A_16 : vector<16xf32>
        %parallel_loop3A_474 = arith.constant 2 : i32
        %parallel_loop3A_475 = arith.index_cast %parallel_loop3A_474 : i32 to index
        %parallel_loop3A_476 = arith.index_cast %parallel_loop3A_339 : i32 to index
        %parallel_loop3A_477 = arith.constant 0 : index
        %parallel_loop3A_478 = tpu.vector_load %arg8[%parallel_loop3A_475, %parallel_loop3A_476, %parallel_loop3A_477] {strides = array<i32>} : memref<4x256x64xf32, #tpu.memory_space<vmem>>, vector<1x1x16xf32>,
        %parallel_loop3A_479 = vector.shape_cast %parallel_loop3A_478 : vector<1x1x16xf32> to vector<16xf32>
        %parallel_loop3A_480 = vector.shape_cast %parallel_loop3A_473 : vector<16xf32> to vector<1x1x16xf32>
        tpu.vector_store %arg8[%parallel_loop3A_475, %parallel_loop3A_476, %parallel_loop3A_477], %parallel_loop3A_480 {strides = array<i32>} : memref<4x256x64xf32, #tpu.memory_space<vmem>>, vector<1x1x16xf32>,
        %parallel_loop3A_481 = arith.subf %parallel_loop3A_351, %parallel_loop3A_404 : vector<16xf32>
        %parallel_loop3A_482 = arith.mulf %parallel_loop3A_481, %parallel_loop3A_469 : vector<16xf32>
        %parallel_loop3A_483 = arith.mulf %parallel_loop3A_482, %get3A_7 : vector<16xf32>
        %parallel_loop3A_484 = arith.addf %parallel_loop3A_483, %get3A_19 : vector<16xf32>
        %parallel_loop3A_485 = arith.constant 2 : i32
        %parallel_loop3A_486 = arith.index_cast %parallel_loop3A_485 : i32 to index
        %parallel_loop3A_487 = arith.index_cast %parallel_loop3A_339 : i32 to index
        %parallel_loop3A_488 = arith.constant 16 : index
        %parallel_loop3A_489 = tpu.vector_load %arg8[%parallel_loop3A_486, %parallel_loop3A_487, %parallel_loop3A_488] {strides = array<i32>} : memref<4x256x64xf32, #tpu.memory_space<vmem>>, vector<1x1x16xf32>,
        %parallel_loop3A_490 = vector.shape_cast %parallel_loop3A_489 : vector<1x1x16xf32> to vector<16xf32>
        %parallel_loop3A_491 = vector.shape_cast %parallel_loop3A_484 : vector<16xf32> to vector<1x1x16xf32>
        tpu.vector_store %arg8[%parallel_loop3A_486, %parallel_loop3A_487, %parallel_loop3A_488], %parallel_loop3A_491 {strides = array<i32>} : memref<4x256x64xf32, #tpu.memory_space<vmem>>, vector<1x1x16xf32>,
        %parallel_loop3A_492 = arith.subf %parallel_loop3A_357, %parallel_loop3A_404 : vector<16xf32>
        %parallel_loop3A_493 = arith.mulf %parallel_loop3A_492, %parallel_loop3A_469 : vector<16xf32>
        %parallel_loop3A_494 = arith.mulf %parallel_loop3A_493, %get3A_10 : vector<16xf32>
        %parallel_loop3A_495 = arith.addf %parallel_loop3A_494, %get3A_22 : vector<16xf32>
        %parallel_loop3A_496 = arith.constant 2 : i32
        %parallel_loop3A_497 = arith.index_cast %parallel_loop3A_496 : i32 to index
        %parallel_loop3A_498 = arith.index_cast %parallel_loop3A_339 : i32 to index
        %parallel_loop3A_499 = arith.constant 32 : index
        %parallel_loop3A_500 = tpu.vector_load %arg8[%parallel_loop3A_497, %parallel_loop3A_498, %parallel_loop3A_499] {strides = array<i32>} : memref<4x256x64xf32, #tpu.memory_space<vmem>>, vector<1x1x16xf32>,
        %parallel_loop3A_501 = vector.shape_cast %parallel_loop3A_500 : vector<1x1x16xf32> to vector<16xf32>
        %parallel_loop3A_502 = vector.shape_cast %parallel_loop3A_495 : vector<16xf32> to vector<1x1x16xf32>
        tpu.vector_store %arg8[%parallel_loop3A_497, %parallel_loop3A_498, %parallel_loop3A_499], %parallel_loop3A_502 {strides = array<i32>} : memref<4x256x64xf32, #tpu.memory_space<vmem>>, vector<1x1x16xf32>,
        %parallel_loop3A_503 = arith.subf %parallel_loop3A_363, %parallel_loop3A_404 : vector<16xf32>
        %parallel_loop3A_504 = arith.mulf %parallel_loop3A_503, %parallel_loop3A_469 : vector<16xf32>
        %parallel_loop3A_505 = arith.mulf %parallel_loop3A_504, %get3A_13 : vector<16xf32>
        %parallel_loop3A_506 = arith.addf %parallel_loop3A_505, %get3A_25 : vector<16xf32>
        %parallel_loop3A_507 = arith.constant 2 : i32
        %parallel_loop3A_508 = arith.index_cast %parallel_loop3A_507 : i32 to index
        %parallel_loop3A_509 = arith.index_cast %parallel_loop3A_339 : i32 to index
        %parallel_loop3A_510 = arith.constant 48 : index
        %parallel_loop3A_511 = tpu.vector_load %arg8[%parallel_loop3A_508, %parallel_loop3A_509, %parallel_loop3A_510] {strides = array<i32>} : memref<4x256x64xf32, #tpu.memory_space<vmem>>, vector<1x1x16xf32>,
        %parallel_loop3A_512 = vector.shape_cast %parallel_loop3A_511 : vector<1x1x16xf32> to vector<16xf32>
        %parallel_loop3A_513 = vector.shape_cast %parallel_loop3A_506 : vector<16xf32> to vector<1x1x16xf32>
        tpu.vector_store %arg8[%parallel_loop3A_508, %parallel_loop3A_509, %parallel_loop3A_510], %parallel_loop3A_513 {strides = array<i32>} : memref<4x256x64xf32, #tpu.memory_space<vmem>>, vector<1x1x16xf32>,
      } {sc.loop_unroll_factor = 8 : i64, sc.parallel_access}
      %mul3A_266 = arith.constant 256 : i32
      %mul3A_267 = arith.muli %add3A_247, %mul3A_266 : i32
      %add3A_268 = arith.addi %mul3A_27, %mul3A_267 : i32
      %dma_start3A_269 = arith.constant 2 : i32
      %dma_start3A_270 = arith.constant 0 : i32
      %dma_start3A_271 = arith.constant 0 : i32
      %dma_start3A_272 = tpu.memref_slice %arg8[%dma_start3A_269, %dma_start3A_270, %dma_start3A_271] : memref<4x256x64xf32, #tpu.memory_space<vmem>> -> memref<1x256x64xf32, #tpu.memory_space<vmem>>
      %dma_start3A_273 = tpu.memref_squeeze %dma_start3A_272 : memref<1x256x64xf32, #tpu.memory_space<vmem>> -> memref<256x64xf32, #tpu.memory_space<vmem>>
      %dma_start3A_274 = arith.constant 0 : i32
      %dma_start3A_275 = tpu.memref_slice %arg6[%add3A_268, %dma_start3A_274] : memref<819200x64xf32, #tpu.memory_space<hbm>> -> memref<256x64xf32, #tpu.memory_space<hbm>>
      %dma_start3A_276 = arith.constant 0 : i32
      %dma_start3A_277 = tpu.memref_slice %arg6[%add3A_268, %dma_start3A_276] : memref<819200x64xf32, #tpu.memory_space<hbm>> -> memref<256x64xf32, #tpu.memory_space<hbm>>
      %dma_start3A_278 = arith.constant 0 : i32
      %dma_start3A_279 = arith.constant 0 : i32
      %dma_start3A_280 = tpu.memref_slice %arg8[%dma_start3A_269, %dma_start3A_278, %dma_start3A_279] : memref<4x256x64xf32, #tpu.memory_space<vmem>> -> memref<1x256x64xf32, #tpu.memory_space<vmem>>
      %dma_start3A_281 = tpu.memref_squeeze %dma_start3A_280 : memref<1x256x64xf32, #tpu.memory_space<vmem>> -> memref<256x64xf32, #tpu.memory_space<vmem>>
      tpu.enqueue_dma source(%dma_start3A_281 : memref<256x64xf32, #tpu.memory_space<vmem>>) target(%dma_start3A_277 : memref<256x64xf32, #tpu.memory_space<hbm>>) target_semaphore(%arg17 : memref<!tpu.dma_semaphore, #tpu.memory_space<semaphore_mem>>)
      %add3A_282 = arith.constant 4 : i32
      %add3A_283 = arith.addi %add3A_247, %add3A_282 : i32
      %sub3A_284 = arith.constant 2 : i32
      %sub3A_285 = arith.subi %add3A_283, %sub3A_284 : i32
      %lt3A_286 = arith.constant 100 : i32
      %lt3A_287 = arith.cmpi slt, %sub3A_285, %lt3A_286 : i32
      %convert_element_type3A_288 = arith.extui %lt3A_287 : i1 to i32
      %cond3A_289 = arith.constant 0 : i32
      %cond3A_290 = arith.cmpi ne, %convert_element_type3A_288, %cond3A_289 : i32
      scf.if %cond3A_290 {
        %ge3A = arith.constant 2 : i32
        %ge3A_339 = arith.cmpi sge, %add3A_247, %ge3A : i32
        %convert_element_type3A_340 = arith.extui %ge3A_339 : i1 to i32
        %cond3A_341 = arith.constant 0 : i32
        %cond3A_342 = arith.cmpi ne, %convert_element_type3A_340, %cond3A_341 : i32
        scf.if %cond3A_342 {
          %dma_wait3A_379 = arith.constant 0 : i32
          %dma_wait3A_380 = arith.constant 0 : i32
          %dma_wait3A_381 = arith.constant 0 : i32
          %dma_wait3A_382 = tpu.memref_slice %arg8[%dma_wait3A_379, %dma_wait3A_380, %dma_wait3A_381] : memref<4x256x64xf32, #tpu.memory_space<vmem>> -> memref<1x256x64xf32, #tpu.memory_space<vmem>>
          %dma_wait3A_383 = tpu.memref_squeeze %dma_wait3A_382 : memref<1x256x64xf32, #tpu.memory_space<vmem>> -> memref<256x64xf32, #tpu.memory_space<vmem>>
          %dma_wait3A_384 = arith.constant 0 : i32
          %dma_wait3A_385 = arith.constant 0 : i32
          %dma_wait3A_386 = tpu.memref_slice %arg6[%dma_wait3A_384, %dma_wait3A_385] : memref<819200x64xf32, #tpu.memory_space<hbm>> -> memref<256x64xf32, #tpu.memory_space<hbm>>
          %dma_wait3A_387 = arith.constant 0 : i32
          %dma_wait3A_388 = arith.constant 0 : i32
          %dma_wait3A_389 = tpu.memref_slice %arg6[%dma_wait3A_387, %dma_wait3A_388] : memref<819200x64xf32, #tpu.memory_space<hbm>> -> memref<256x64xf32, #tpu.memory_space<hbm>>
          %dma_wait3A_390 = arith.constant 0 : i32
          %dma_wait3A_391 = arith.constant 0 : i32
          %dma_wait3A_392 = tpu.memref_slice %arg8[%dma_wait3A_379, %dma_wait3A_390, %dma_wait3A_391] : memref<4x256x64xf32, #tpu.memory_space<vmem>> -> memref<1x256x64xf32, #tpu.memory_space<vmem>>
          %dma_wait3A_393 = tpu.memref_squeeze %dma_wait3A_392 : memref<1x256x64xf32, #tpu.memory_space<vmem>> -> memref<256x64xf32, #tpu.memory_space<vmem>>
          tpu.wait_dma2 semaphore(%arg15 : memref<!tpu.dma_semaphore, #tpu.memory_space<semaphore_mem>>) src(%dma_wait3A_393 : memref<256x64xf32, #tpu.memory_space<vmem>>) dst(%dma_wait3A_389 : memref<256x64xf32, #tpu.memory_space<hbm>>)
        } else {
        }
        %mul3A_343 = arith.constant 2 : i32
        %mul3A_344 = arith.muli %sub3A_285, %mul3A_343 : i32
        %add3A_345 = arith.constant 0 : i32
        %add3A_346 = arith.addi %mul3A_344, %add3A_345 : i32
        %dma_start3A_347 = arith.constant 0 : i32
        %dma_start3A_348 = arith.constant 0 : i32
        %dma_start3A_349 = arith.constant 0 : i32
        %dma_start3A_350 = tpu.memref_slice %arg8[%dma_start3A_347, %dma_start3A_348, %dma_start3A_349] : memref<4x256x64xf32, #tpu.memory_space<vmem>> -> memref<1x256x64xf32, #tpu.memory_space<vmem>>
        %dma_start3A_351 = tpu.memref_squeeze %dma_start3A_350 : memref<1x256x64xf32, #tpu.memory_space<vmem>> -> memref<256x64xf32, #tpu.memory_space<vmem>>
        %dma_start3A_352 = arith.constant 0 : i32
        %dma_start3A_353 = arith.constant 0 : i32
        %dma_start3A_354 = tpu.memref_slice %dma_start3A_351[%dma_start3A_352, %dma_start3A_353] : memref<256x64xf32, #tpu.memory_space<vmem>> -> memref<128x64xf32, #tpu.memory_space<vmem>>
        %dma_start3A_355 = arith.constant 0 : i32
        %dma_start3A_356 = tpu.memref_slice %arg7[%add3A_346, %dma_start3A_355] : memref<200x128xi32, #tpu.memory_space<vmem>> -> memref<1x128xi32, #tpu.memory_space<vmem>>
        %dma_start3A_357 = tpu.memref_squeeze %dma_start3A_356 : memref<1x128xi32, #tpu.memory_space<vmem>> -> memref<128xi32, #tpu.memory_space<vmem>>
        %dma_start3A_358 = arith.constant 0 : i32
        %dma_start3A_359 = arith.constant 0 : i32
        %dma_start3A_360 = tpu.memref_slice %arg3[%dma_start3A_358, %dma_start3A_359] : memref<1000000x64xf32, #tpu.memory_space<hbm>> -> memref<1000000x64xf32, #tpu.memory_space<hbm>>
        tpu.enqueue_indirect_dma source(%dma_start3A_360 : memref<1000000x64xf32, #tpu.memory_space<hbm>>) target(%dma_start3A_354 : memref<128x64xf32, #tpu.memory_space<vmem>>) offsets(%dma_start3A_357 : memref<128xi32, #tpu.memory_space<vmem>>) semaphore(%arg11 : memref<!tpu.dma_semaphore, #tpu.memory_space<semaphore_mem>>)
        %mul3A_361 = arith.constant 2 : i32
        %mul3A_362 = arith.muli %sub3A_285, %mul3A_361 : i32
        %add3A_363 = arith.constant 1 : i32
        %add3A_364 = arith.addi %mul3A_362, %add3A_363 : i32
        %dma_start3A_365 = arith.constant 0 : i32
        %dma_start3A_366 = arith.constant 0 : i32
        %dma_start3A_367 = arith.constant 0 : i32
        %dma_start3A_368 = tpu.memref_slice %arg8[%dma_start3A_365, %dma_start3A_366, %dma_start3A_367] : memref<4x256x64xf32, #tpu.memory_space<vmem>> -> memref<1x256x64xf32, #tpu.memory_space<vmem>>
        %dma_start3A_369 = tpu.memref_squeeze %dma_start3A_368 : memref<1x256x64xf32, #tpu.memory_space<vmem>> -> memref<256x64xf32, #tpu.memory_space<vmem>>
        %dma_start3A_370 = arith.constant 128 : i32
        %dma_start3A_371 = arith.constant 0 : i32
        %dma_start3A_372 = tpu.memref_slice %dma_start3A_369[%dma_start3A_370, %dma_start3A_371] : memref<256x64xf32, #tpu.memory_space<vmem>> -> memref<128x64xf32, #tpu.memory_space<vmem>>
        %dma_start3A_373 = arith.constant 0 : i32
        %dma_start3A_374 = tpu.memref_slice %arg7[%add3A_364, %dma_start3A_373] : memref<200x128xi32, #tpu.memory_space<vmem>> -> memref<1x128xi32, #tpu.memory_space<vmem>>
        %dma_start3A_375 = tpu.memref_squeeze %dma_start3A_374 : memref<1x128xi32, #tpu.memory_space<vmem>> -> memref<128xi32, #tpu.memory_space<vmem>>
        %dma_start3A_376 = arith.constant 0 : i32
        %dma_start3A_377 = arith.constant 0 : i32
        %dma_start3A_378 = tpu.memref_slice %arg3[%dma_start3A_376, %dma_start3A_377] : memref<1000000x64xf32, #tpu.memory_space<hbm>> -> memref<1000000x64xf32, #tpu.memory_space<hbm>>
        tpu.enqueue_indirect_dma source(%dma_start3A_378 : memref<1000000x64xf32, #tpu.memory_space<hbm>>) target(%dma_start3A_372 : memref<128x64xf32, #tpu.memory_space<vmem>>) offsets(%dma_start3A_375 : memref<128xi32, #tpu.memory_space<vmem>>) semaphore(%arg11 : memref<!tpu.dma_semaphore, #tpu.memory_space<semaphore_mem>>)
      } else {
      }
      %mul3A_291 = arith.constant 4 : i32
      %mul3A_292 = arith.muli %scan3A_153, %mul3A_291 : i32
      %add3A_293 = arith.constant 3 : i32
      %add3A_294 = arith.addi %mul3A_292, %add3A_293 : i32
      %dma_wait3A_295 = arith.constant 3 : i32
      %dma_wait3A_296 = arith.constant 0 : i32
      %dma_wait3A_297 = arith.constant 0 : i32
      %dma_wait3A_298 = tpu.memref_slice %arg8[%dma_wait3A_295, %dma_wait3A_296, %dma_wait3A_297] : memref<4x256x64xf32, #tpu.memory_space<vmem>> -> memref<1x256x64xf32, #tpu.memory_space<vmem>>
      %dma_wait3A_299 = tpu.memref_squeeze %dma_wait3A_298 : memref<1x256x64xf32, #tpu.memory_space<vmem>> -> memref<256x64xf32, #tpu.memory_space<vmem>>
      %dma_wait3A_300 = arith.constant 0 : i32
      %dma_wait3A_301 = arith.constant 0 : i32
      %dma_wait3A_302 = tpu.memref_slice %arg6[%dma_wait3A_300, %dma_wait3A_301] : memref<819200x64xf32, #tpu.memory_space<hbm>> -> memref<256x64xf32, #tpu.memory_space<hbm>>
      %dma_wait3A_303 = arith.constant 0 : i32
      %dma_wait3A_304 = arith.constant 0 : i32
      %dma_wait3A_305 = tpu.memref_slice %arg8[%dma_wait3A_295, %dma_wait3A_303, %dma_wait3A_304] : memref<4x256x64xf32, #tpu.memory_space<vmem>> -> memref<1x256x64xf32, #tpu.memory_space<vmem>>
      %dma_wait3A_306 = tpu.memref_squeeze %dma_wait3A_305 : memref<1x256x64xf32, #tpu.memory_space<vmem>> -> memref<256x64xf32, #tpu.memory_space<vmem>>
      %dma_wait3A_307 = arith.constant 0 : i32
      %dma_wait3A_308 = arith.constant 0 : i32
      %dma_wait3A_309 = tpu.memref_slice %arg6[%dma_wait3A_307, %dma_wait3A_308] : memref<819200x64xf32, #tpu.memory_space<hbm>> -> memref<256x64xf32, #tpu.memory_space<hbm>>
      tpu.wait_dma2 semaphore(%arg14 : memref<!tpu.dma_semaphore, #tpu.memory_space<semaphore_mem>>) src(%dma_wait3A_309 : memref<256x64xf32, #tpu.memory_space<hbm>>) dst(%dma_wait3A_306 : memref<256x64xf32, #tpu.memory_space<vmem>>)
      %parallel_loop3A_310 = arith.constant 0 : i32
      %parallel_loop3A_311 = arith.constant 256 : i32
      %parallel_loop3A_312 = arith.constant 1 : i32
      scf.for %parallel_loop3A_339 = %parallel_loop3A_310 to %parallel_loop3A_311 step %parallel_loop3A_312  : i32 {
        %parallel_loop3A_340 = arith.constant 3 : i32
        %parallel_loop3A_341 = arith.index_cast %parallel_loop3A_340 : i32 to index
        %parallel_loop3A_342 = arith.index_cast %parallel_loop3A_339 : i32 to index
        %parallel_loop3A_343 = arith.constant 0 : index
        %parallel_loop3A_344 = tpu.vector_load %arg8[%parallel_loop3A_341, %parallel_loop3A_342, %parallel_loop3A_343] {strides = array<i32>} : memref<4x256x64xf32, #tpu.memory_space<vmem>>, vector<1x1x16xf32>,
        %parallel_loop3A_345 = vector.shape_cast %parallel_loop3A_344 : vector<1x1x16xf32> to vector<16xf32>
        %parallel_loop3A_346 = arith.constant 3 : i32
        %parallel_loop3A_347 = arith.index_cast %parallel_loop3A_346 : i32 to index
        %parallel_loop3A_348 = arith.index_cast %parallel_loop3A_339 : i32 to index
        %parallel_loop3A_349 = arith.constant 16 : index
        %parallel_loop3A_350 = tpu.vector_load %arg8[%parallel_loop3A_347, %parallel_loop3A_348, %parallel_loop3A_349] {strides = array<i32>} : memref<4x256x64xf32, #tpu.memory_space<vmem>>, vector<1x1x16xf32>,
        %parallel_loop3A_351 = vector.shape_cast %parallel_loop3A_350 : vector<1x1x16xf32> to vector<16xf32>
        %parallel_loop3A_352 = arith.constant 3 : i32
        %parallel_loop3A_353 = arith.index_cast %parallel_loop3A_352 : i32 to index
        %parallel_loop3A_354 = arith.index_cast %parallel_loop3A_339 : i32 to index
        %parallel_loop3A_355 = arith.constant 32 : index
        %parallel_loop3A_356 = tpu.vector_load %arg8[%parallel_loop3A_353, %parallel_loop3A_354, %parallel_loop3A_355] {strides = array<i32>} : memref<4x256x64xf32, #tpu.memory_space<vmem>>, vector<1x1x16xf32>,
        %parallel_loop3A_357 = vector.shape_cast %parallel_loop3A_356 : vector<1x1x16xf32> to vector<16xf32>
        %parallel_loop3A_358 = arith.constant 3 : i32
        %parallel_loop3A_359 = arith.index_cast %parallel_loop3A_358 : i32 to index
        %parallel_loop3A_360 = arith.index_cast %parallel_loop3A_339 : i32 to index
        %parallel_loop3A_361 = arith.constant 48 : index
        %parallel_loop3A_362 = tpu.vector_load %arg8[%parallel_loop3A_359, %parallel_loop3A_360, %parallel_loop3A_361] {strides = array<i32>} : memref<4x256x64xf32, #tpu.memory_space<vmem>>, vector<1x1x16xf32>,
        %parallel_loop3A_363 = vector.shape_cast %parallel_loop3A_362 : vector<1x1x16xf32> to vector<16xf32>
        %parallel_loop3A_364 = arith.addf %parallel_loop3A_345, %parallel_loop3A_351 : vector<16xf32>
        %parallel_loop3A_365 = arith.addf %parallel_loop3A_364, %parallel_loop3A_357 : vector<16xf32>
        %parallel_loop3A_366 = arith.addf %parallel_loop3A_365, %parallel_loop3A_363 : vector<16xf32>
        %parallel_loop3A_367 = arith.mulf %parallel_loop3A_345, %parallel_loop3A_345 : vector<16xf32>
        %parallel_loop3A_368 = arith.mulf %parallel_loop3A_351, %parallel_loop3A_351 : vector<16xf32>
        %parallel_loop3A_369 = arith.addf %parallel_loop3A_367, %parallel_loop3A_368 : vector<16xf32>
        %parallel_loop3A_370 = arith.mulf %parallel_loop3A_357, %parallel_loop3A_357 : vector<16xf32>
        %parallel_loop3A_371 = arith.addf %parallel_loop3A_369, %parallel_loop3A_370 : vector<16xf32>
        %parallel_loop3A_372 = arith.mulf %parallel_loop3A_363, %parallel_loop3A_363 : vector<16xf32>
        %parallel_loop3A_373 = arith.addf %parallel_loop3A_371, %parallel_loop3A_372 : vector<16xf32>
        %parallel_loop3A_374 = tpu.iota {dimensions = array<i32: 0>} : vector<16xi32>
        %parallel_loop3A_375 = arith.constant 8 : i32
        %parallel_loop3A_376 = vector.broadcast %parallel_loop3A_375 : i32 to vector<16xi32>
        %parallel_loop3A_377 = arith.xori %parallel_loop3A_374, %parallel_loop3A_376 : vector<16xi32>
        %parallel_loop3A_378 = vector.shape_cast %parallel_loop3A_377 : vector<16xi32> to vector<16x1xi32>
        %parallel_loop3A_379 = vector.shape_cast %parallel_loop3A_378 : vector<16x1xi32> to vector<16xi32>
        %parallel_loop3A_380 = tpu.dynamic_gather %parallel_loop3A_366[%parallel_loop3A_379] in [0] : vector<16xf32>, vector<16xi32> -> vector<16xf32>
        %parallel_loop3A_381 = arith.addf %parallel_loop3A_366, %parallel_loop3A_380 : vector<16xf32>
        %parallel_loop3A_382 = arith.constant 4 : i32
        %parallel_loop3A_383 = vector.broadcast %parallel_loop3A_382 : i32 to vector<16xi32>
        %parallel_loop3A_384 = arith.xori %parallel_loop3A_374, %parallel_loop3A_383 : vector<16xi32>
        %parallel_loop3A_385 = vector.shape_cast %parallel_loop3A_384 : vector<16xi32> to vector<16x1xi32>
        %parallel_loop3A_386 = vector.shape_cast %parallel_loop3A_385 : vector<16x1xi32> to vector<16xi32>
        %parallel_loop3A_387 = tpu.dynamic_gather %parallel_loop3A_381[%parallel_loop3A_386] in [0] : vector<16xf32>, vector<16xi32> -> vector<16xf32>
        %parallel_loop3A_388 = arith.addf %parallel_loop3A_381, %parallel_loop3A_387 : vector<16xf32>
        %parallel_loop3A_389 = arith.constant 2 : i32
        %parallel_loop3A_390 = vector.broadcast %parallel_loop3A_389 : i32 to vector<16xi32>
        %parallel_loop3A_391 = arith.xori %parallel_loop3A_374, %parallel_loop3A_390 : vector<16xi32>
        %parallel_loop3A_392 = vector.shape_cast %parallel_loop3A_391 : vector<16xi32> to vector<16x1xi32>
        %parallel_loop3A_393 = vector.shape_cast %parallel_loop3A_392 : vector<16x1xi32> to vector<16xi32>
        %parallel_loop3A_394 = tpu.dynamic_gather %parallel_loop3A_388[%parallel_loop3A_393] in [0] : vector<16xf32>, vector<16xi32> -> vector<16xf32>
        %parallel_loop3A_395 = arith.addf %parallel_loop3A_388, %parallel_loop3A_394 : vector<16xf32>
        %parallel_loop3A_396 = arith.constant 1 : i32
        %parallel_loop3A_397 = vector.broadcast %parallel_loop3A_396 : i32 to vector<16xi32>
        %parallel_loop3A_398 = arith.xori %parallel_loop3A_374, %parallel_loop3A_397 : vector<16xi32>
        %parallel_loop3A_399 = vector.shape_cast %parallel_loop3A_398 : vector<16xi32> to vector<16x1xi32>
        %parallel_loop3A_400 = vector.shape_cast %parallel_loop3A_399 : vector<16x1xi32> to vector<16xi32>
        %parallel_loop3A_401 = tpu.dynamic_gather %parallel_loop3A_395[%parallel_loop3A_400] in [0] : vector<16xf32>, vector<16xi32> -> vector<16xf32>
        %parallel_loop3A_402 = arith.addf %parallel_loop3A_395, %parallel_loop3A_401 : vector<16xf32>
        %parallel_loop3A_403 = vector.broadcast %scan3A : f32 to vector<16xf32>
        %parallel_loop3A_404 = arith.mulf %parallel_loop3A_402, %parallel_loop3A_403 : vector<16xf32>
        %parallel_loop3A_405 = tpu.iota {dimensions = array<i32: 0>} : vector<16xi32>
        %parallel_loop3A_406 = arith.constant 8 : i32
        %parallel_loop3A_407 = vector.broadcast %parallel_loop3A_406 : i32 to vector<16xi32>
        %parallel_loop3A_408 = arith.xori %parallel_loop3A_405, %parallel_loop3A_407 : vector<16xi32>
        %parallel_loop3A_409 = vector.shape_cast %parallel_loop3A_408 : vector<16xi32> to vector<16x1xi32>
        %parallel_loop3A_410 = vector.shape_cast %parallel_loop3A_409 : vector<16x1xi32> to vector<16xi32>
        %parallel_loop3A_411 = tpu.dynamic_gather %parallel_loop3A_373[%parallel_loop3A_410] in [0] : vector<16xf32>, vector<16xi32> -> vector<16xf32>
        %parallel_loop3A_412 = arith.addf %parallel_loop3A_373, %parallel_loop3A_411 : vector<16xf32>
        %parallel_loop3A_413 = arith.constant 4 : i32
        %parallel_loop3A_414 = vector.broadcast %parallel_loop3A_413 : i32 to vector<16xi32>
        %parallel_loop3A_415 = arith.xori %parallel_loop3A_405, %parallel_loop3A_414 : vector<16xi32>
        %parallel_loop3A_416 = vector.shape_cast %parallel_loop3A_415 : vector<16xi32> to vector<16x1xi32>
        %parallel_loop3A_417 = vector.shape_cast %parallel_loop3A_416 : vector<16x1xi32> to vector<16xi32>
        %parallel_loop3A_418 = tpu.dynamic_gather %parallel_loop3A_412[%parallel_loop3A_417] in [0] : vector<16xf32>, vector<16xi32> -> vector<16xf32>
        %parallel_loop3A_419 = arith.addf %parallel_loop3A_412, %parallel_loop3A_418 : vector<16xf32>
        %parallel_loop3A_420 = arith.constant 2 : i32
        %parallel_loop3A_421 = vector.broadcast %parallel_loop3A_420 : i32 to vector<16xi32>
        %parallel_loop3A_422 = arith.xori %parallel_loop3A_405, %parallel_loop3A_421 : vector<16xi32>
        %parallel_loop3A_423 = vector.shape_cast %parallel_loop3A_422 : vector<16xi32> to vector<16x1xi32>
        %parallel_loop3A_424 = vector.shape_cast %parallel_loop3A_423 : vector<16x1xi32> to vector<16xi32>
        %parallel_loop3A_425 = tpu.dynamic_gather %parallel_loop3A_419[%parallel_loop3A_424] in [0] : vector<16xf32>, vector<16xi32> -> vector<16xf32>
        %parallel_loop3A_426 = arith.addf %parallel_loop3A_419, %parallel_loop3A_425 : vector<16xf32>
        %parallel_loop3A_427 = arith.constant 1 : i32
        %parallel_loop3A_428 = vector.broadcast %parallel_loop3A_427 : i32 to vector<16xi32>
        %parallel_loop3A_429 = arith.xori %parallel_loop3A_405, %parallel_loop3A_428 : vector<16xi32>
        %parallel_loop3A_430 = vector.shape_cast %parallel_loop3A_429 : vector<16xi32> to vector<16x1xi32>
        %parallel_loop3A_431 = vector.shape_cast %parallel_loop3A_430 : vector<16x1xi32> to vector<16xi32>
        %parallel_loop3A_432 = tpu.dynamic_gather %parallel_loop3A_426[%parallel_loop3A_431] in [0] : vector<16xf32>, vector<16xi32> -> vector<16xf32>
        %parallel_loop3A_433 = arith.addf %parallel_loop3A_426, %parallel_loop3A_432 : vector<16xf32>
        %parallel_loop3A_434 = vector.broadcast %scan3A : f32 to vector<16xf32>
        %parallel_loop3A_435 = arith.mulf %parallel_loop3A_433, %parallel_loop3A_434 : vector<16xf32>
        %parallel_loop3A_436 = arith.mulf %parallel_loop3A_404, %parallel_loop3A_404 : vector<16xf32>
        %parallel_loop3A_437 = arith.subf %parallel_loop3A_435, %parallel_loop3A_436 : vector<16xf32>
        %parallel_loop3A_438 = arith.constant 9.99999974E-6 : f32
        %parallel_loop3A_439 = vector.broadcast %parallel_loop3A_438 : f32 to vector<16xf32>
        %parallel_loop3A_440 = arith.addf %parallel_loop3A_437, %parallel_loop3A_439 : vector<16xf32>
        %parallel_loop3A_441 = tpu.bitcast %parallel_loop3A_440 : vector<16xf32> -> vector<16xi32>
        %parallel_loop3A_442 = arith.constant 1 : i32
        %parallel_loop3A_443 = vector.broadcast %parallel_loop3A_442 : i32 to vector<16xi32>
        %parallel_loop3A_444 = arith.shrsi %parallel_loop3A_441, %parallel_loop3A_443 : vector<16xi32>
        %parallel_loop3A_445 = arith.constant 1597463007 : i32
        %parallel_loop3A_446 = vector.broadcast %parallel_loop3A_445 : i32 to vector<16xi32>
        %parallel_loop3A_447 = arith.subi %parallel_loop3A_446, %parallel_loop3A_444 : vector<16xi32>
        %parallel_loop3A_448 = tpu.bitcast %parallel_loop3A_447 : vector<16xi32> -> vector<16xf32>
        %parallel_loop3A_449 = arith.constant 5.000000e-01 : f32
        %parallel_loop3A_450 = vector.broadcast %parallel_loop3A_449 : f32 to vector<16xf32>
        %parallel_loop3A_451 = arith.mulf %parallel_loop3A_440, %parallel_loop3A_450 : vector<16xf32>
        %parallel_loop3A_452 = arith.mulf %parallel_loop3A_451, %parallel_loop3A_448 : vector<16xf32>
        %parallel_loop3A_453 = arith.mulf %parallel_loop3A_452, %parallel_loop3A_448 : vector<16xf32>
        %parallel_loop3A_454 = arith.constant 1.500000e+00 : f32
        %parallel_loop3A_455 = vector.broadcast %parallel_loop3A_454 : f32 to vector<16xf32>
        %parallel_loop3A_456 = arith.subf %parallel_loop3A_455, %parallel_loop3A_453 : vector<16xf32>
        %parallel_loop3A_457 = arith.mulf %parallel_loop3A_448, %parallel_loop3A_456 : vector<16xf32>
        %parallel_loop3A_458 = arith.mulf %parallel_loop3A_451, %parallel_loop3A_457 : vector<16xf32>
        %parallel_loop3A_459 = arith.mulf %parallel_loop3A_458, %parallel_loop3A_457 : vector<16xf32>
        %parallel_loop3A_460 = arith.constant 1.500000e+00 : f32
        %parallel_loop3A_461 = vector.broadcast %parallel_loop3A_460 : f32 to vector<16xf32>
        %parallel_loop3A_462 = arith.subf %parallel_loop3A_461, %parallel_loop3A_459 : vector<16xf32>
        %parallel_loop3A_463 = arith.mulf %parallel_loop3A_457, %parallel_loop3A_462 : vector<16xf32>
        %parallel_loop3A_464 = arith.mulf %parallel_loop3A_451, %parallel_loop3A_463 : vector<16xf32>
        %parallel_loop3A_465 = arith.mulf %parallel_loop3A_464, %parallel_loop3A_463 : vector<16xf32>
        %parallel_loop3A_466 = arith.constant 1.500000e+00 : f32
        %parallel_loop3A_467 = vector.broadcast %parallel_loop3A_466 : f32 to vector<16xf32>
        %parallel_loop3A_468 = arith.subf %parallel_loop3A_467, %parallel_loop3A_465 : vector<16xf32>
        %parallel_loop3A_469 = arith.mulf %parallel_loop3A_463, %parallel_loop3A_468 : vector<16xf32>
        %parallel_loop3A_470 = arith.subf %parallel_loop3A_345, %parallel_loop3A_404 : vector<16xf32>
        %parallel_loop3A_471 = arith.mulf %parallel_loop3A_470, %parallel_loop3A_469 : vector<16xf32>
        %parallel_loop3A_472 = arith.mulf %parallel_loop3A_471, %get3A_4 : vector<16xf32>
        %parallel_loop3A_473 = arith.addf %parallel_loop3A_472, %get3A_16 : vector<16xf32>
        %parallel_loop3A_474 = arith.constant 3 : i32
        %parallel_loop3A_475 = arith.index_cast %parallel_loop3A_474 : i32 to index
        %parallel_loop3A_476 = arith.index_cast %parallel_loop3A_339 : i32 to index
        %parallel_loop3A_477 = arith.constant 0 : index
        %parallel_loop3A_478 = tpu.vector_load %arg8[%parallel_loop3A_475, %parallel_loop3A_476, %parallel_loop3A_477] {strides = array<i32>} : memref<4x256x64xf32, #tpu.memory_space<vmem>>, vector<1x1x16xf32>,
        %parallel_loop3A_479 = vector.shape_cast %parallel_loop3A_478 : vector<1x1x16xf32> to vector<16xf32>
        %parallel_loop3A_480 = vector.shape_cast %parallel_loop3A_473 : vector<16xf32> to vector<1x1x16xf32>
        tpu.vector_store %arg8[%parallel_loop3A_475, %parallel_loop3A_476, %parallel_loop3A_477], %parallel_loop3A_480 {strides = array<i32>} : memref<4x256x64xf32, #tpu.memory_space<vmem>>, vector<1x1x16xf32>,
        %parallel_loop3A_481 = arith.subf %parallel_loop3A_351, %parallel_loop3A_404 : vector<16xf32>
        %parallel_loop3A_482 = arith.mulf %parallel_loop3A_481, %parallel_loop3A_469 : vector<16xf32>
        %parallel_loop3A_483 = arith.mulf %parallel_loop3A_482, %get3A_7 : vector<16xf32>
        %parallel_loop3A_484 = arith.addf %parallel_loop3A_483, %get3A_19 : vector<16xf32>
        %parallel_loop3A_485 = arith.constant 3 : i32
        %parallel_loop3A_486 = arith.index_cast %parallel_loop3A_485 : i32 to index
        %parallel_loop3A_487 = arith.index_cast %parallel_loop3A_339 : i32 to index
        %parallel_loop3A_488 = arith.constant 16 : index
        %parallel_loop3A_489 = tpu.vector_load %arg8[%parallel_loop3A_486, %parallel_loop3A_487, %parallel_loop3A_488] {strides = array<i32>} : memref<4x256x64xf32, #tpu.memory_space<vmem>>, vector<1x1x16xf32>,
        %parallel_loop3A_490 = vector.shape_cast %parallel_loop3A_489 : vector<1x1x16xf32> to vector<16xf32>
        %parallel_loop3A_491 = vector.shape_cast %parallel_loop3A_484 : vector<16xf32> to vector<1x1x16xf32>
        tpu.vector_store %arg8[%parallel_loop3A_486, %parallel_loop3A_487, %parallel_loop3A_488], %parallel_loop3A_491 {strides = array<i32>} : memref<4x256x64xf32, #tpu.memory_space<vmem>>, vector<1x1x16xf32>,
        %parallel_loop3A_492 = arith.subf %parallel_loop3A_357, %parallel_loop3A_404 : vector<16xf32>
        %parallel_loop3A_493 = arith.mulf %parallel_loop3A_492, %parallel_loop3A_469 : vector<16xf32>
        %parallel_loop3A_494 = arith.mulf %parallel_loop3A_493, %get3A_10 : vector<16xf32>
        %parallel_loop3A_495 = arith.addf %parallel_loop3A_494, %get3A_22 : vector<16xf32>
        %parallel_loop3A_496 = arith.constant 3 : i32
        %parallel_loop3A_497 = arith.index_cast %parallel_loop3A_496 : i32 to index
        %parallel_loop3A_498 = arith.index_cast %parallel_loop3A_339 : i32 to index
        %parallel_loop3A_499 = arith.constant 32 : index
        %parallel_loop3A_500 = tpu.vector_load %arg8[%parallel_loop3A_497, %parallel_loop3A_498, %parallel_loop3A_499] {strides = array<i32>} : memref<4x256x64xf32, #tpu.memory_space<vmem>>, vector<1x1x16xf32>,
        %parallel_loop3A_501 = vector.shape_cast %parallel_loop3A_500 : vector<1x1x16xf32> to vector<16xf32>
        %parallel_loop3A_502 = vector.shape_cast %parallel_loop3A_495 : vector<16xf32> to vector<1x1x16xf32>
        tpu.vector_store %arg8[%parallel_loop3A_497, %parallel_loop3A_498, %parallel_loop3A_499], %parallel_loop3A_502 {strides = array<i32>} : memref<4x256x64xf32, #tpu.memory_space<vmem>>, vector<1x1x16xf32>,
        %parallel_loop3A_503 = arith.subf %parallel_loop3A_363, %parallel_loop3A_404 : vector<16xf32>
        %parallel_loop3A_504 = arith.mulf %parallel_loop3A_503, %parallel_loop3A_469 : vector<16xf32>
        %parallel_loop3A_505 = arith.mulf %parallel_loop3A_504, %get3A_13 : vector<16xf32>
        %parallel_loop3A_506 = arith.addf %parallel_loop3A_505, %get3A_25 : vector<16xf32>
        %parallel_loop3A_507 = arith.constant 3 : i32
        %parallel_loop3A_508 = arith.index_cast %parallel_loop3A_507 : i32 to index
        %parallel_loop3A_509 = arith.index_cast %parallel_loop3A_339 : i32 to index
        %parallel_loop3A_510 = arith.constant 48 : index
        %parallel_loop3A_511 = tpu.vector_load %arg8[%parallel_loop3A_508, %parallel_loop3A_509, %parallel_loop3A_510] {strides = array<i32>} : memref<4x256x64xf32, #tpu.memory_space<vmem>>, vector<1x1x16xf32>,
        %parallel_loop3A_512 = vector.shape_cast %parallel_loop3A_511 : vector<1x1x16xf32> to vector<16xf32>
        %parallel_loop3A_513 = vector.shape_cast %parallel_loop3A_506 : vector<16xf32> to vector<1x1x16xf32>
        tpu.vector_store %arg8[%parallel_loop3A_508, %parallel_loop3A_509, %parallel_loop3A_510], %parallel_loop3A_513 {strides = array<i32>} : memref<4x256x64xf32, #tpu.memory_space<vmem>>, vector<1x1x16xf32>,
      } {sc.loop_unroll_factor = 8 : i64, sc.parallel_access}
      %mul3A_313 = arith.constant 256 : i32
      %mul3A_314 = arith.muli %add3A_294, %mul3A_313 : i32
      %add3A_315 = arith.addi %mul3A_27, %mul3A_314 : i32
      %dma_start3A_316 = arith.constant 3 : i32
      %dma_start3A_317 = arith.constant 0 : i32
      %dma_start3A_318 = arith.constant 0 : i32
      %dma_start3A_319 = tpu.memref_slice %arg8[%dma_start3A_316, %dma_start3A_317, %dma_start3A_318] : memref<4x256x64xf32, #tpu.memory_space<vmem>> -> memref<1x256x64xf32, #tpu.memory_space<vmem>>
      %dma_start3A_320 = tpu.memref_squeeze %dma_start3A_319 : memref<1x256x64xf32, #tpu.memory_space<vmem>> -> memref<256x64xf32, #tpu.memory_space<vmem>>
      %dma_start3A_321 = arith.constant 0 : i32
      %dma_start3A_322 = tpu.memref_slice %arg6[%add3A_315, %dma_start3A_321] : memref<819200x64xf32, #tpu.memory_space<hbm>> -> memref<256x64xf32, #tpu.memory_space<hbm>>
      %dma_start3A_323 = arith.constant 0 : i32
      %dma_start3A_324 = tpu.memref_slice %arg6[%add3A_315, %dma_start3A_323] : memref<819200x64xf32, #tpu.memory_space<hbm>> -> memref<256x64xf32, #tpu.memory_space<hbm>>
      %dma_start3A_325 = arith.constant 0 : i32
      %dma_start3A_326 = arith.constant 0 : i32
      %dma_start3A_327 = tpu.memref_slice %arg8[%dma_start3A_316, %dma_start3A_325, %dma_start3A_326] : memref<4x256x64xf32, #tpu.memory_space<vmem>> -> memref<1x256x64xf32, #tpu.memory_space<vmem>>
      %dma_start3A_328 = tpu.memref_squeeze %dma_start3A_327 : memref<1x256x64xf32, #tpu.memory_space<vmem>> -> memref<256x64xf32, #tpu.memory_space<vmem>>
      tpu.enqueue_dma source(%dma_start3A_328 : memref<256x64xf32, #tpu.memory_space<vmem>>) target(%dma_start3A_324 : memref<256x64xf32, #tpu.memory_space<hbm>>) target_semaphore(%arg18 : memref<!tpu.dma_semaphore, #tpu.memory_space<semaphore_mem>>)
      %add3A_329 = arith.constant 4 : i32
      %add3A_330 = arith.addi %add3A_294, %add3A_329 : i32
      %sub3A_331 = arith.constant 2 : i32
      %sub3A_332 = arith.subi %add3A_330, %sub3A_331 : i32
      %lt3A_333 = arith.constant 100 : i32
      %lt3A_334 = arith.cmpi slt, %sub3A_332, %lt3A_333 : i32
      %convert_element_type3A_335 = arith.extui %lt3A_334 : i1 to i32
      %cond3A_336 = arith.constant 0 : i32
      %cond3A_337 = arith.cmpi ne, %convert_element_type3A_335, %cond3A_336 : i32
      scf.if %cond3A_337 {
        %ge3A = arith.constant 2 : i32
        %ge3A_339 = arith.cmpi sge, %add3A_294, %ge3A : i32
        %convert_element_type3A_340 = arith.extui %ge3A_339 : i1 to i32
        %cond3A_341 = arith.constant 0 : i32
        %cond3A_342 = arith.cmpi ne, %convert_element_type3A_340, %cond3A_341 : i32
        scf.if %cond3A_342 {
          %dma_wait3A_379 = arith.constant 1 : i32
          %dma_wait3A_380 = arith.constant 0 : i32
          %dma_wait3A_381 = arith.constant 0 : i32
          %dma_wait3A_382 = tpu.memref_slice %arg8[%dma_wait3A_379, %dma_wait3A_380, %dma_wait3A_381] : memref<4x256x64xf32, #tpu.memory_space<vmem>> -> memref<1x256x64xf32, #tpu.memory_space<vmem>>
          %dma_wait3A_383 = tpu.memref_squeeze %dma_wait3A_382 : memref<1x256x64xf32, #tpu.memory_space<vmem>> -> memref<256x64xf32, #tpu.memory_space<vmem>>
          %dma_wait3A_384 = arith.constant 0 : i32
          %dma_wait3A_385 = arith.constant 0 : i32
          %dma_wait3A_386 = tpu.memref_slice %arg6[%dma_wait3A_384, %dma_wait3A_385] : memref<819200x64xf32, #tpu.memory_space<hbm>> -> memref<256x64xf32, #tpu.memory_space<hbm>>
          %dma_wait3A_387 = arith.constant 0 : i32
          %dma_wait3A_388 = arith.constant 0 : i32
          %dma_wait3A_389 = tpu.memref_slice %arg6[%dma_wait3A_387, %dma_wait3A_388] : memref<819200x64xf32, #tpu.memory_space<hbm>> -> memref<256x64xf32, #tpu.memory_space<hbm>>
          %dma_wait3A_390 = arith.constant 0 : i32
          %dma_wait3A_391 = arith.constant 0 : i32
          %dma_wait3A_392 = tpu.memref_slice %arg8[%dma_wait3A_379, %dma_wait3A_390, %dma_wait3A_391] : memref<4x256x64xf32, #tpu.memory_space<vmem>> -> memref<1x256x64xf32, #tpu.memory_space<vmem>>
          %dma_wait3A_393 = tpu.memref_squeeze %dma_wait3A_392 : memref<1x256x64xf32, #tpu.memory_space<vmem>> -> memref<256x64xf32, #tpu.memory_space<vmem>>
          tpu.wait_dma2 semaphore(%arg16 : memref<!tpu.dma_semaphore, #tpu.memory_space<semaphore_mem>>) src(%dma_wait3A_393 : memref<256x64xf32, #tpu.memory_space<vmem>>) dst(%dma_wait3A_389 : memref<256x64xf32, #tpu.memory_space<hbm>>)
        } else {
        }
        %mul3A_343 = arith.constant 2 : i32
        %mul3A_344 = arith.muli %sub3A_332, %mul3A_343 : i32
        %add3A_345 = arith.constant 0 : i32
        %add3A_346 = arith.addi %mul3A_344, %add3A_345 : i32
        %dma_start3A_347 = arith.constant 1 : i32
        %dma_start3A_348 = arith.constant 0 : i32
        %dma_start3A_349 = arith.constant 0 : i32
        %dma_start3A_350 = tpu.memref_slice %arg8[%dma_start3A_347, %dma_start3A_348, %dma_start3A_349] : memref<4x256x64xf32, #tpu.memory_space<vmem>> -> memref<1x256x64xf32, #tpu.memory_space<vmem>>
        %dma_start3A_351 = tpu.memref_squeeze %dma_start3A_350 : memref<1x256x64xf32, #tpu.memory_space<vmem>> -> memref<256x64xf32, #tpu.memory_space<vmem>>
        %dma_start3A_352 = arith.constant 0 : i32
        %dma_start3A_353 = arith.constant 0 : i32
        %dma_start3A_354 = tpu.memref_slice %dma_start3A_351[%dma_start3A_352, %dma_start3A_353] : memref<256x64xf32, #tpu.memory_space<vmem>> -> memref<128x64xf32, #tpu.memory_space<vmem>>
        %dma_start3A_355 = arith.constant 0 : i32
        %dma_start3A_356 = tpu.memref_slice %arg7[%add3A_346, %dma_start3A_355] : memref<200x128xi32, #tpu.memory_space<vmem>> -> memref<1x128xi32, #tpu.memory_space<vmem>>
        %dma_start3A_357 = tpu.memref_squeeze %dma_start3A_356 : memref<1x128xi32, #tpu.memory_space<vmem>> -> memref<128xi32, #tpu.memory_space<vmem>>
        %dma_start3A_358 = arith.constant 0 : i32
        %dma_start3A_359 = arith.constant 0 : i32
        %dma_start3A_360 = tpu.memref_slice %arg3[%dma_start3A_358, %dma_start3A_359] : memref<1000000x64xf32, #tpu.memory_space<hbm>> -> memref<1000000x64xf32, #tpu.memory_space<hbm>>
        tpu.enqueue_indirect_dma source(%dma_start3A_360 : memref<1000000x64xf32, #tpu.memory_space<hbm>>) target(%dma_start3A_354 : memref<128x64xf32, #tpu.memory_space<vmem>>) offsets(%dma_start3A_357 : memref<128xi32, #tpu.memory_space<vmem>>) semaphore(%arg12 : memref<!tpu.dma_semaphore, #tpu.memory_space<semaphore_mem>>)
        %mul3A_361 = arith.constant 2 : i32
        %mul3A_362 = arith.muli %sub3A_332, %mul3A_361 : i32
        %add3A_363 = arith.constant 1 : i32
        %add3A_364 = arith.addi %mul3A_362, %add3A_363 : i32
        %dma_start3A_365 = arith.constant 1 : i32
        %dma_start3A_366 = arith.constant 0 : i32
        %dma_start3A_367 = arith.constant 0 : i32
        %dma_start3A_368 = tpu.memref_slice %arg8[%dma_start3A_365, %dma_start3A_366, %dma_start3A_367] : memref<4x256x64xf32, #tpu.memory_space<vmem>> -> memref<1x256x64xf32, #tpu.memory_space<vmem>>
        %dma_start3A_369 = tpu.memref_squeeze %dma_start3A_368 : memref<1x256x64xf32, #tpu.memory_space<vmem>> -> memref<256x64xf32, #tpu.memory_space<vmem>>
        %dma_start3A_370 = arith.constant 128 : i32
        %dma_start3A_371 = arith.constant 0 : i32
        %dma_start3A_372 = tpu.memref_slice %dma_start3A_369[%dma_start3A_370, %dma_start3A_371] : memref<256x64xf32, #tpu.memory_space<vmem>> -> memref<128x64xf32, #tpu.memory_space<vmem>>
        %dma_start3A_373 = arith.constant 0 : i32
        %dma_start3A_374 = tpu.memref_slice %arg7[%add3A_364, %dma_start3A_373] : memref<200x128xi32, #tpu.memory_space<vmem>> -> memref<1x128xi32, #tpu.memory_space<vmem>>
        %dma_start3A_375 = tpu.memref_squeeze %dma_start3A_374 : memref<1x128xi32, #tpu.memory_space<vmem>> -> memref<128xi32, #tpu.memory_space<vmem>>
        %dma_start3A_376 = arith.constant 0 : i32
        %dma_start3A_377 = arith.constant 0 : i32
        %dma_start3A_378 = tpu.memref_slice %arg3[%dma_start3A_376, %dma_start3A_377] : memref<1000000x64xf32, #tpu.memory_space<hbm>> -> memref<1000000x64xf32, #tpu.memory_space<hbm>>
        tpu.enqueue_indirect_dma source(%dma_start3A_378 : memref<1000000x64xf32, #tpu.memory_space<hbm>>) target(%dma_start3A_372 : memref<128x64xf32, #tpu.memory_space<vmem>>) offsets(%dma_start3A_375 : memref<128xi32, #tpu.memory_space<vmem>>) semaphore(%arg12 : memref<!tpu.dma_semaphore, #tpu.memory_space<semaphore_mem>>)
      } else {
      }
      %scan3A_338 = arith.constant 0 : i32
      scf.yield %scan3A_338 : i32
    }
    %scan3A_93 = arith.constant 25 : i32
    %dma_wait3A = arith.constant 0 : i32
    %dma_wait3A_94 = arith.constant 0 : i32
    %dma_wait3A_95 = arith.constant 0 : i32
    %dma_wait3A_96 = tpu.memref_slice %arg8[%dma_wait3A, %dma_wait3A_94, %dma_wait3A_95] : memref<4x256x64xf32, #tpu.memory_space<vmem>> -> memref<1x256x64xf32, #tpu.memory_space<vmem>>
    %dma_wait3A_97 = tpu.memref_squeeze %dma_wait3A_96 : memref<1x256x64xf32, #tpu.memory_space<vmem>> -> memref<256x64xf32, #tpu.memory_space<vmem>>
    %dma_wait3A_98 = arith.constant 0 : i32
    %dma_wait3A_99 = arith.constant 0 : i32
    %dma_wait3A_100 = tpu.memref_slice %arg6[%dma_wait3A_98, %dma_wait3A_99] : memref<819200x64xf32, #tpu.memory_space<hbm>> -> memref<256x64xf32, #tpu.memory_space<hbm>>
    %dma_wait3A_101 = arith.constant 0 : i32
    %dma_wait3A_102 = arith.constant 0 : i32
    %dma_wait3A_103 = tpu.memref_slice %arg6[%dma_wait3A_101, %dma_wait3A_102] : memref<819200x64xf32, #tpu.memory_space<hbm>> -> memref<256x64xf32, #tpu.memory_space<hbm>>
    %dma_wait3A_104 = arith.constant 0 : i32
    %dma_wait3A_105 = arith.constant 0 : i32
    %dma_wait3A_106 = tpu.memref_slice %arg8[%dma_wait3A, %dma_wait3A_104, %dma_wait3A_105] : memref<4x256x64xf32, #tpu.memory_space<vmem>> -> memref<1x256x64xf32, #tpu.memory_space<vmem>>
    %dma_wait3A_107 = tpu.memref_squeeze %dma_wait3A_106 : memref<1x256x64xf32, #tpu.memory_space<vmem>> -> memref<256x64xf32, #tpu.memory_space<vmem>>
    tpu.wait_dma2 semaphore(%arg15 : memref<!tpu.dma_semaphore, #tpu.memory_space<semaphore_mem>>) src(%dma_wait3A_107 : memref<256x64xf32, #tpu.memory_space<vmem>>) dst(%dma_wait3A_103 : memref<256x64xf32, #tpu.memory_space<hbm>>)
    %dma_wait3A_108 = arith.constant 1 : i32
    %dma_wait3A_109 = arith.constant 0 : i32
    %dma_wait3A_110 = arith.constant 0 : i32
    %dma_wait3A_111 = tpu.memref_slice %arg8[%dma_wait3A_108, %dma_wait3A_109, %dma_wait3A_110] : memref<4x256x64xf32, #tpu.memory_space<vmem>> -> memref<1x256x64xf32, #tpu.memory_space<vmem>>
    %dma_wait3A_112 = tpu.memref_squeeze %dma_wait3A_111 : memref<1x256x64xf32, #tpu.memory_space<vmem>> -> memref<256x64xf32, #tpu.memory_space<vmem>>
    %dma_wait3A_113 = arith.constant 0 : i32
    %dma_wait3A_114 = arith.constant 0 : i32
    %dma_wait3A_115 = tpu.memref_slice %arg6[%dma_wait3A_113, %dma_wait3A_114] : memref<819200x64xf32, #tpu.memory_space<hbm>> -> memref<256x64xf32, #tpu.memory_space<hbm>>
    %dma_wait3A_116 = arith.constant 0 : i32
    %dma_wait3A_117 = arith.constant 0 : i32
    %dma_wait3A_118 = tpu.memref_slice %arg6[%dma_wait3A_116, %dma_wait3A_117] : memref<819200x64xf32, #tpu.memory_space<hbm>> -> memref<256x64xf32, #tpu.memory_space<hbm>>
    %dma_wait3A_119 = arith.constant 0 : i32
    %dma_wait3A_120 = arith.constant 0 : i32
    %dma_wait3A_121 = tpu.memref_slice %arg8[%dma_wait3A_108, %dma_wait3A_119, %dma_wait3A_120] : memref<4x256x64xf32, #tpu.memory_space<vmem>> -> memref<1x256x64xf32, #tpu.memory_space<vmem>>
    %dma_wait3A_122 = tpu.memref_squeeze %dma_wait3A_121 : memref<1x256x64xf32, #tpu.memory_space<vmem>> -> memref<256x64xf32, #tpu.memory_space<vmem>>
    tpu.wait_dma2 semaphore(%arg16 : memref<!tpu.dma_semaphore, #tpu.memory_space<semaphore_mem>>) src(%dma_wait3A_122 : memref<256x64xf32, #tpu.memory_space<vmem>>) dst(%dma_wait3A_118 : memref<256x64xf32, #tpu.memory_space<hbm>>)
    %dma_wait3A_123 = arith.constant 2 : i32
    %dma_wait3A_124 = arith.constant 0 : i32
    %dma_wait3A_125 = arith.constant 0 : i32
    %dma_wait3A_126 = tpu.memref_slice %arg8[%dma_wait3A_123, %dma_wait3A_124, %dma_wait3A_125] : memref<4x256x64xf32, #tpu.memory_space<vmem>> -> memref<1x256x64xf32, #tpu.memory_space<vmem>>
    %dma_wait3A_127 = tpu.memref_squeeze %dma_wait3A_126 : memref<1x256x64xf32, #tpu.memory_space<vmem>> -> memref<256x64xf32, #tpu.memory_space<vmem>>
    %dma_wait3A_128 = arith.constant 0 : i32
    %dma_wait3A_129 = arith.constant 0 : i32
    %dma_wait3A_130 = tpu.memref_slice %arg6[%dma_wait3A_128, %dma_wait3A_129] : memref<819200x64xf32, #tpu.memory_space<hbm>> -> memref<256x64xf32, #tpu.memory_space<hbm>>
    %dma_wait3A_131 = arith.constant 0 : i32
    %dma_wait3A_132 = arith.constant 0 : i32
    %dma_wait3A_133 = tpu.memref_slice %arg6[%dma_wait3A_131, %dma_wait3A_132] : memref<819200x64xf32, #tpu.memory_space<hbm>> -> memref<256x64xf32, #tpu.memory_space<hbm>>
    %dma_wait3A_134 = arith.constant 0 : i32
    %dma_wait3A_135 = arith.constant 0 : i32
    %dma_wait3A_136 = tpu.memref_slice %arg8[%dma_wait3A_123, %dma_wait3A_134, %dma_wait3A_135] : memref<4x256x64xf32, #tpu.memory_space<vmem>> -> memref<1x256x64xf32, #tpu.memory_space<vmem>>
    %dma_wait3A_137 = tpu.memref_squeeze %dma_wait3A_136 : memref<1x256x64xf32, #tpu.memory_space<vmem>> -> memref<256x64xf32, #tpu.memory_space<vmem>>
    tpu.wait_dma2 semaphore(%arg17 : memref<!tpu.dma_semaphore, #tpu.memory_space<semaphore_mem>>) src(%dma_wait3A_137 : memref<256x64xf32, #tpu.memory_space<vmem>>) dst(%dma_wait3A_133 : memref<256x64xf32, #tpu.memory_space<hbm>>)
    %dma_wait3A_138 = arith.constant 3 : i32
    %dma_wait3A_139 = arith.constant 0 : i32
    %dma_wait3A_140 = arith.constant 0 : i32
    %dma_wait3A_141 = tpu.memref_slice %arg8[%dma_wait3A_138, %dma_wait3A_139, %dma_wait3A_140] : memref<4x256x64xf32, #tpu.memory_space<vmem>> -> memref<1x256x64xf32, #tpu.memory_space<vmem>>
    %dma_wait3A_142 = tpu.memref_squeeze %dma_wait3A_141 : memref<1x256x64xf32, #tpu.memory_space<vmem>> -> memref<256x64xf32, #tpu.memory_space<vmem>>
    %dma_wait3A_143 = arith.constant 0 : i32
    %dma_wait3A_144 = arith.constant 0 : i32
    %dma_wait3A_145 = tpu.memref_slice %arg6[%dma_wait3A_143, %dma_wait3A_144] : memref<819200x64xf32, #tpu.memory_space<hbm>> -> memref<256x64xf32, #tpu.memory_space<hbm>>
    %dma_wait3A_146 = arith.constant 0 : i32
    %dma_wait3A_147 = arith.constant 0 : i32
    %dma_wait3A_148 = tpu.memref_slice %arg6[%dma_wait3A_146, %dma_wait3A_147] : memref<819200x64xf32, #tpu.memory_space<hbm>> -> memref<256x64xf32, #tpu.memory_space<hbm>>
    %dma_wait3A_149 = arith.constant 0 : i32
    %dma_wait3A_150 = arith.constant 0 : i32
    %dma_wait3A_151 = tpu.memref_slice %arg8[%dma_wait3A_138, %dma_wait3A_149, %dma_wait3A_150] : memref<4x256x64xf32, #tpu.memory_space<vmem>> -> memref<1x256x64xf32, #tpu.memory_space<vmem>>
    %dma_wait3A_152 = tpu.memref_squeeze %dma_wait3A_151 : memref<1x256x64xf32, #tpu.memory_space<vmem>> -> memref<256x64xf32, #tpu.memory_space<vmem>>
    tpu.wait_dma2 semaphore(%arg18 : memref<!tpu.dma_semaphore, #tpu.memory_space<semaphore_mem>>) src(%dma_wait3A_152 : memref<256x64xf32, #tpu.memory_space<vmem>>) dst(%dma_wait3A_148 : memref<256x64xf32, #tpu.memory_space<hbm>>)
    return
  }
}

</mosaic_0001>

<sc_bundles>
// kernel: kernel.3.cloned.1.call-start
scs
__scs_entry_jumppad:
0x0: {  	(pc) =	sbr.rel $0x88, $3  }
0x1: {  	(tag) =	ssettag $0x0;
	lr =	simm.s32 $0x1  }
0x2: {  	[smem:$0x3F9D] =	sst lr;
	_ =	strace $0xD0000000  }
0x3: {  	_ = 	snop  }
0x4: {  	_ = 	snop  }
0x5: {  	_ = 	snop  }
0x6: {  	_ = 	snop  }
0x7: {  	_ = 	snop  }
__scs_overlays_trampoline_lowered:
0x8: {  	[smem:$0x3FAC] =	sst s0  }
0x9: {  	[smem:$0x3FAD] =	sst s1  }
0xa: {  	[smem:$0x3FAE] =	sst s2  }
0xb: {  	[smem:$0x3FAF] =	sst s3  }
0xc: {  	[smem:$0x3FB0] =	sst s4  }
0xd: {  	[smem:$0x3FB1] =	sst s5  }
0xe: {  	[smem:$0x3FB2] =	sst s6  }
0xf: {  	[smem:$0x3FB3] =	sst s7  }
0x10: {  	[smem:$0x3FB4] =	sst s8  }
0x11: {  	[smem:$0x3FB5] =	sst s9;
	s0 =	simm.s32 @!p0 $0x0  }
0x12: {  	s1 =	sld [smem:$0x3F9B];
	s0 =	simm.s32 @p0 $0x1  }
0x13: {  	[smem:$0x3FB6] =	sst s0;
	s0 =	simm.s32 @!p1 $0x0  }
0x14: {  	s2 =	sld [smem:$0x3F9A];
	s0 =	simm.s32 @p1 $0x1  }
0x15: {  	[smem:$0x3FB7] =	sst s0;
	s0 =	simm.s32 @!p2 $0x0  }
0x16: {  	s3 =	sld [smem:$0x3FDB];
	s0 =	simm.s32 @p2 $0x1  }
0x17: {  	s4 =	simm.s32 $0x1BF5;
	[smem:$0x3FB9] =	sst s0  }
0x18: {  	s0 =	sld [smem:$0x3F9C];
	_ =	swait.ge [sflag:s4], $0x0  }
0x19: {  	s7 =	sld [smem:$0x3F9D]  }
0x1a: {  	s8 =	sadd.s32 $0xFFFFE003, lr  }
0x1b: {  	s9 =	sadd.s32 $0xFFFFFEF7, lr;
	s5 =	simm.s32 $0xFFFFFFFF;
	p2 =	slt.u32 s8, $0xFFFFF086  }
0x1c: {  	p1 =	slt.u32 s9, $0xF7A;
	s5 =	simm.s32 @!p2 $0x0  }
0x1d: {  	s5 =	simm.s32 @p1 $0x1;
	p0 =	seq.s32 s7, s2  }
0x1e: {  	s7 =	smul.u32 @!p0 $0xF7A, s2;
	p2 =	seq.s32 @!p0 s5, $0x0  }
0x1f: {  	s9 =	smul.u32 $0xF7A, s1;
	s8 =	simm.s32 @!p0 $0x1BF5;
	p2 =	por !p2, p0  }
0x20: {  	[sflag:s8] =	ssyncset.s32 @!p0 $0xFFFFF086;
	s6 =	sadd.s32 @!p0 s3, s7;
	s7 =	simm.s32 @!p0 $0x108  }
0x21: {  	s3 =	sadd.s32 s3, s9;
	s6 =	sadd.s32 @!p0 $0x88, s6;
	s7 =	simm.s32 @p2 $0x1082  }
0x22: {  	[simem:s7], [sflag:s8] =	dma.local @!p0 [hbm:s6], $0xF7A  }
0x23: {  	s9 =	sor.u32 $0xD0000000, s2;
	s6 =	simm.s32 $0x108;
	_ =	swait.ge @!p0 [sflag:s8], $0x0  }
0x24: {  	s3 =	sadd.s32 $0x88, s3;
	s6 =	simm.s32 @!p1 $0x1082;
	[sflag:s4] =	ssyncset.s32 $0xFFFFF086  }
0x25: {  	[simem:s6], [sflag:s4] =	dma.local [hbm:s3], $0xF7A  }
0x26: {  	[smem:$0x3F9D] =	sst s1;
	(tag) =	ssettag s2;
	_ =	strace s9  }
0x27: {  	s1 =	sld [smem:$0x3FAD]  }
0x28: {  	s2 =	sld [smem:$0x3FAE]  }
0x29: {  	s4 =	sld [smem:$0x3FB0]  }
0x2a: {  	p0 =	seq.s32 s5, $0x0;
	s5 =	sld [smem:$0x3FB1]  }
0x2b: {  	s6 =	sld [smem:$0x3FB2]  }
0x2c: {  	s7 =	sld [smem:$0x3FB3]  }
0x2d: {  	s3 =	simm.s32 $0x108;
	s8 =	sld [smem:$0x3FB4]  }
0x2e: {  	s3 =	simm.s32 @!p0 $0x1082;
	s9 =	sld [smem:$0x3FB5]  }
0x2f: {  	lr =	sadd.s32 s0, s3;
	s0 =	sld [smem:$0x3FAC]  }
0x30: {  	s3 =	sld [smem:$0x3FAF]  }
0x31: {  	[smem:$0x3FB8] =	sst s10  }
0x32: {  	s10 =	sld [smem:$0x3FB6];
	_ =	sdelay $0x3  }
0x33: {  	p0 =	seq.s32 s10, $0x1;
	s10 =	sld [smem:$0x3FB8];
	_ =	sdelay $0x3  }
0x34: {  	[smem:$0x3FB8] =	sst s10  }
0x35: {  	s10 =	sld [smem:$0x3FB7];
	_ =	sdelay $0x3  }
0x36: {  	p1 =	seq.s32 s10, $0x1;
	s10 =	sld [smem:$0x3FB8];
	_ =	sdelay $0x3  }
0x37: {  	[smem:$0x3FB8] =	sst s10  }
0x38: {  	s10 =	sld [smem:$0x3FB9]  }
0x39: {  	_ = 	snop;
	(pc) =	sbr.ind lr, $3  }
0x3a: {  	_ = 	snop  }
0x3b: {  	_ = 	snop  }
0x3c: {  	p2 =	seq.s32 s10, $0x1;
	s10 =	sld [smem:$0x3FB8]  }
0x3d: {  	_ =	shalt  }
0x3e: {  	_ =	shalt  }
0x3f: {  	_ =	shalt  }
0x40: {  	_ =	shalt  }
0x41: {  	_ =	shalt  }
0x42: {  	_ =	shalt  }
0x43: {  	_ =	shalt  }
0x44: {  	_ =	shalt  }
0x45: {  	_ =	shalt  }
0x46: {  	_ =	shalt  }
0x47: {  	_ =	shalt  }
0x48: {  	_ =	shalt  }
0x49: {  	_ =	shalt  }
0x4a: {  	_ =	shalt  }
0x4b: {  	_ =	shalt  }
0x4c: {  	_ =	shalt  }
0x4d: {  	_ =	shalt  }
0x4e: {  	_ =	shalt  }
0x4f: {  	_ =	shalt  }
0x50: {  	_ =	shalt  }
0x51: {  	_ =	shalt  }
0x52: {  	_ =	shalt  }
0x53: {  	_ =	shalt  }
0x54: {  	_ =	shalt  }
0x55: {  	_ =	shalt  }
0x56: {  	_ =	shalt  }
0x57: {  	_ =	shalt  }
0x58: {  	_ =	shalt  }
0x59: {  	_ =	shalt  }
0x5a: {  	_ =	shalt  }
0x5b: {  	_ =	shalt  }
0x5c: {  	_ =	shalt  }
0x5d: {  	_ =	shalt  }
0x5e: {  	_ =	shalt  }
0x5f: {  	_ =	shalt  }
0x60: {  	_ =	shalt  }
0x61: {  	_ =	shalt  }
0x62: {  	_ =	shalt  }
0x63: {  	_ =	shalt  }
0x64: {  	_ =	shalt  }
0x65: {  	_ =	shalt  }
0x66: {  	_ =	shalt  }
0x67: {  	_ =	shalt  }
0x68: {  	_ =	shalt  }
0x69: {  	_ =	shalt  }
0x6a: {  	_ =	shalt  }
0x6b: {  	_ =	shalt  }
0x6c: {  	_ =	shalt  }
0x6d: {  	_ =	shalt  }
0x6e: {  	_ =	shalt  }
0x6f: {  	_ =	shalt  }
0x70: {  	_ =	shalt  }
0x71: {  	_ =	shalt  }
0x72: {  	_ =	shalt  }
0x73: {  	_ =	shalt  }
0x74: {  	_ =	shalt  }
0x75: {  	_ =	shalt  }
0x76: {  	_ =	shalt  }
0x77: {  	_ =	shalt  }
0x78: {  	_ =	shalt  }
0x79: {  	_ =	shalt  }
0x7a: {  	_ =	shalt  }
0x7b: {  	_ =	shalt  }
0x7c: {  	_ =	shalt  }
0x7d: {  	_ =	shalt  }
0x7e: {  	_ =	shalt  }
0x7f: {  	_ =	shalt  }
0x80: {  	_ =	shalt  }
0x81: {  	_ =	shalt  }
0x82: {  	_ =	shalt  }
0x83: {  	_ =	shalt  }
0x84: {  	_ =	shalt  }
0x85: {  	_ =	shalt  }
0x86: {  	_ =	shalt  }
0x87: {  	_ =	shalt  }
.Lfunc_end0:
.L_simem_size_0:
called_computation.1_lowered:
.L_overlay_start_0:
0x88: {  	s2 =	sld [smem:$0x3FD9]  }
0x89: {  	s3 =	sld [smem:$0x3FFE];
	_ =	sdelay $0x1  }
0x8a: {  	s1 =	srdreg.scid  }
0x8b: {  	s0 =	sand.u32 $0x1, s1  }
0x8c: {  	s17 =	sshll.u32 s0, $0xA;
	s2 =	sadd.s32 s3, s2  }
0x8d: {  	s2 =	sadd.s32 s2, s17  }
0x8e: {  	[smem:$0x3FC4] =	sst s2  }
0x8f: {  	_ = 	snop  }
0x90: {  	s2 =	sld [smem:$0x3FC7]  }
0x91: {  	s18 =	sld [smem:$0x3FC6]  }
0x92: {  	s4 =	sld [smem:$0x3FD0];
	(tm) =	ssettm $0x1  }
0x93: {  	s5 =	sld [smem:$0x3FFB];
	_ =	sdelay $0x3  }
0x94: {  	_ =	strace s5  }
0x95: {  	s5 =	sld [smem:$0x3FFC];
	_ =	sdelay $0x3  }
0x96: {  	_ =	strace s5  }
0x97: {  	s5 =	sld [smem:$0x3FFD];
	_ =	sdelay $0x3  }
0x98: {  	_ =	strace s5  }
0x99: {  	_ =	strace $0x8FFFFFFF  }
0x9a: {  	s19 =	sld [smem:$0x3FDB];
	_ =	sdelay $0x1  }
0x9b: {  	s6 =	simm.s32 $_scs_section_size  }
0x9c: {  	s7 =	simm.s32 $_size__tile_overlayer_lowered;
	s8 =	simm.s32 $_tile_overlayer_lowered  }
0x9d: {  	s22 =	simm.s32 $0x1BFF;
	s21 =	sshll.u32 s8, $0x1;
	s5 =	sadd.s32 s6, s19  }
0x9e: {  	s9 =	simm.s32 $0x0;
	s20 =	sshll.u32 s7, $0x1;
	s7 =	sadd.s32 s21, s5  }
0x9f: {  	[timem:s9], [sflag:s22] =	dma.local [hbm:s7], s20  }
0xa0: {  	_ =	swait.ge [sflag:s22], s20  }
0xa1: {  	s6 =	ssub.s32 $0x0, s20;
	[sflag:s22] =	ssyncset.done $0x0  }
0xa2: {  	[sflag:s22] =	ssyncadd.s32 s6;
	_ =	sdelay $0x1  }
0xa3: {  	s23 =	simm.s32 $0x1B8B  }
0xa4: {  	_ =	swait.ge [sflag:s23], $0x1  }
0xa5: {  	[sflag:s23] =	ssyncset.done $0x0  }
0xa6: {  	s25 =	simm.s32 $0x1B8E;
	s24 =	sld [smem:$0x3FFE];
	[sflag:s23] =	ssyncadd.s32 $0xFFFFFFFF  }
0xa7: {  	s26 =	simm.s32 $execute0_lowered;
	[smem:$0x3FD2] =	sst s25  }
0xa8: {  	s7 =	sshll.u32 s26, $0x1;
	_ =	strace $0x80000046;
	[dreg:$0x1] =	wrdreg $0xFFFFFFFF  }
0xa9: {  	s28 =	simm.s32 $_size_execute0_lowered;
	s5 =	sadd.s32 s5, s7;
	[dreg:$0x0] =	wrdreg $0x0  }
0xaa: {  	s7 =	sshll.u32 s28, $0x1;
	[dreg:$0x2] =	wrdreg s5  }
0xab: {  	[dreg:$0x3] =	wrdreg s7  }
0xac: {  	[dreg:$0x4] =	wrdreg $0xC0  }
0xad: {  	_ =	task [dreg:s9], $0x5FFFF  }
0xae: {  	[dreg:$0x1] =	wrdreg $0xFFFFFFFF  }
0xaf: {  	[dreg:$0x0] =	wrdreg $0x60  }
0xb0: {  	[dreg:$0x2] =	wrdreg s24  }
0xb1: {  	[dreg:$0x3] =	wrdreg s2  }
0xb2: {  	[dreg:$0x4] =	wrdreg s18  }
0xb3: {  	[dreg:$0x5] =	wrdreg s4  }
0xb4: {  	[dreg:$0x6] =	wrdreg $0x9  }
0xb5: {  	_ =	task.clear_ibuf [dreg:s9], $0x7FFFF;
	_ =	strace $0x90000046  }
0xb6: {  	s29 =	simm.s32 $0x9;
	_ =	strace $0x80000048  }
0xb7: {  	_ =	swait.ge [sflag:s29], $0x1  }
0xb8: {  	[sflag:s29] =	ssyncadd.s32 $0xFFFFFFFF  }
0xb9: {  	_ =	strace $0x90000048  }
0xba: {  	_ =	sfence  }
0xbb: {  	s30 =	sld [smem:$0x0];
	_ =	sdelay $0x2  }
0xbc: {  	s31 =	sshll.u32 s1, $0xD;
	s1 =	sshrl.u32 s1, $0x2  }
0xbd: {  	s3 =	sand.u32 $0x4000, s31;
	s1 =	sadd.s32 s1, s30  }
0xbe: {  	s0 =	sor.u32 s3, s0;
	s1 =	sshll.u32 s1, $0x11  }
0xbf: {  	s0 =	sor.u32 s1, s0  }
0xc0: {  	s0 =	sadd.s32 $0x8F2B, s0  }
0xc1: {  	[sflag:s0] =	ssyncadd.remote.s32 $0x1  }
0xc2: {  	_ =	sfence.sel $0xFFFF  }
0xc3: {  	[dreg:$0x0] =	wrdreg $0xFFFFFFFF;
	(pc) =	sbr.abs _section_cstart, $3  }
0xc4: {  	[dreg:$0x1] =	wrdreg $0xFFFFFFFF  }
0xc5: {  	_ =	task.clear_ibuf [dreg:s9], $0x2FFFF;
	_ =	strace $0x9FFFFFFF  }
0xc6: {  	(tm) =	ssettm $0x7FFFFFFF  }
0xc7: {  	_ =	shalt  }
tec
execute0_lowered:
.L_overlay_start_1:
0x0: {  	(tag) =	ssettag $0x1  }
0x1: {  	s0 =	rddreg [dreg:$0x0];
	s1 =	srdreg.scid;
	v0 =	vimm.s32 $0xFEDCBA98;
	v1 =	vimm.s32 $0x76543210;
	v2 =	vimm.s32 $0xBA98FEDC  }
0x2: {  	s2 =	stileid.u32;
	s4 =	rddreg [dreg:$0x3];
	v3 =	vimm.s32 $0x32107654;
	v4 =	vimm.s32 $0xDCFE98BA;
	v5 =	vimm.s32 $0x54761032  }
0x3: {  	s5 =	simm.s32 $0x0;
	s11 =	simm.s32 $0x9;
	v6 =	vimm.s32 $0xEFCDAB89;
	v7 =	vimm.s32 $0x67452301;
	s14 =	simm.s32 $0x80;
	v0 =	vunpack.c.l.s4.s8 v0  }
0x4: {  	s15 =	simm.s32 $0x6400;
	s18 =	simm.s32 $0xA400;
	s20 =	simm.s32 $0xC400;
	v1 =	vunpack.c.l.s4.s8 v1;
	v2 =	vunpack.c.l.s4.s8 v2;
	v3 =	vunpack.c.l.s4.s8 v3  }
0x5: {  	s21 =	simm.s32 $0x1;
	s22 =	simm.s32 $0xE400;
	s23 =	simm.s32 $0x10400;
	v4 =	vunpack.c.l.s4.s8 v4;
	v5 =	vunpack.c.l.s4.s8 v5;
	v6 =	vunpack.c.l.s4.s8 v6  }
0x6: {  	s24 =	simm.s32 $0x2;
	s1 =	sand.u32 $0x1, s1;
	s2 =	sshll.u32 s2, $0x1;
	v7 =	vunpack.c.l.s4.s8 v7;
	v0 =	vunpack.c.0.s8.s32 v0;
	v2 =	vunpack.c.0.s8.s32 v2  }
0x7: {  	s25 =	simm.s32 $0x12400;
	s28 =	simm.s32 $0x3;
	s2 =	sor.u32 s1, s2;
	v3 =	vunpack.c.0.s8.s32 v3;
	v4 =	vunpack.c.0.s8.s32 v4;
	v1 =	vunpack.c.0.s8.s32 v1  }
0x8: {  	s29 =	simm.s32 $0x4;
	s30 =	simm.s32 $0x5;
	s3 =	smul.u32 $0xC80, s2;
	v5 =	vunpack.c.0.s8.s32 v5;
	v6 =	vunpack.c.0.s8.s32 v6;
	v0 =	vand.u32 $0xF, v0  }
0x9: {  	s31 =	simm.s32 $0x6;
	[smem:$0x7FF] =	sst s5;
	s8 =	smul.u32 $0x190000, s2;
	v7 =	vunpack.c.0.s8.s32 v7;
	v2 =	vcombine.low v3, v2;
	v0 =	vcombine.low v0, v1  }
.Ltmp0:
0xa: {  	s6 =	sadd.s32 $0xF42E00, s0;
	s26 =	ssub.s32 $0x2, s1;
	v3 =	vcombine.low v5, v4;
	(pc) =	sbr.rel .LBB2_1-.Ltmp0, $4  }
0xb: {  	_ =	strace $0x80000047;
	s1 =	sshrl.u32 s26, $0x1;
	s2 =	simm.s32 $0x7;
	v63 =	vcombine.low v7, v6;
	v1 =	vand.u32 $0xF, v2;
	[tilespmem:$0x1FFC0] =	vst v0  }
0xc: {  	s3 =	sadd.s32 s3, s0;
	s0 =	ssub.s32 s26, s1;
	s9 =	sor.u32 $0x4000, s8;
	v2 =	vand.u32 $0xF, v3;
	[tilespmem:$0x1FFD0] =	vst v1  }
0xd: {  	s26 =	simm.s32 $0x14400;
	s1 =	simm.s32 $0x0;
	s3 =	sadd.s32 $0xA00, s3;
	v8 =	vand.u32 $0xF, v63;
	[tilespmem:$0x1FFE0] =	vst v2  }
0xe: {  	s12 =	smax.u32 s0, $0x1;
	s0 =	simm.s32 $0x8;
	[dreg:$0x5] =	wrdreg s3;
	[tilespmem:$0x1FFF0] =	vst v8  }
.LBB2_12:
0xf: {  	_ =	swait.ge [sflag:s30], $0x4000  }
0x10: {  	[sflag:s30] =	ssyncset.done $0x0  }
0x11: {  	[sflag:s30] =	ssyncadd.s32 $0xFFFFC000  }
0x12: {  	_ =	swait.ge [sflag:s31], $0x4000  }
0x13: {  	[sflag:s31] =	ssyncset.done $0x0  }
0x14: {  	s1 =	sadd.s32 $0x1, s1;
	[sflag:s31] =	ssyncadd.s32 $0xFFFFC000  }
0x15: {  	p0 =	sne.s32 s1, s12;
	_ =	swait.ge [sflag:s2], $0x4000  }
.Ltmp1:
0x16: {  	[sflag:s2] =	ssyncset.done $0x0;
	(pc) =	sbr.rel @!p0 .LBB2_13-.Ltmp1, $4  }
0x17: {  	[sflag:s2] =	ssyncadd.s32 $0xFFFFC000  }
0x18: {  	_ =	swait.ge [sflag:s0], $0x4000  }
0x19: {  	[sflag:s0] =	ssyncset.done $0x0  }
0x1a: {  	v0 =	vmov v5;
	v1 =	vmov v6;
	v2 =	vmov v7;
	[sflag:s0] =	ssyncadd.s32 $0xFFFFC000  }
.LBB2_1:
0x1b: {  	s3 =	rddreg [dreg:$0x1];
	s7 =	simm.s32 $0x16400  }
0x1c: {  	[tilespmem:s7], [sflag:$0x9] =	stream.linear.gather [hbm4b:s3+s5], $0x40, $0x38;
	[tilespmem:$0x16480] =	vst v63  }
0x1d: {  	_ =	swait.ge [sflag:s11], $0x40  }
0x1e: {  	[sflag:s11] =	ssyncset.done $0x0  }
0x1f: {  	[sflag:s11] =	ssyncadd.s32 $0xFFFFFFC0  }
0x20: {  	s10 =	simm.s32 $0x16440;
	s7 =	rddreg [dreg:$0x2]  }
0x21: {  	[tilespmem:s10], [sflag:$0x9] =	stream.linear.gather [hbm4b:s7+s5], $0x40, $0x38;
	[tilespmem:$0x16480] =	vst v63  }
0x22: {  	_ =	swait.ge [sflag:s11], $0x40  }
0x23: {  	[sflag:s11] =	ssyncset.done $0x0  }
0x24: {  	s13 =	rddreg [dreg:$0x5];
	[sflag:s11] =	ssyncadd.s32 $0xFFFFFFC0  }
0x25: {  	[tilespmem:s5], [sflag:$0x9] =	stream.linear.gather [hbm4b:s13+s5], $0x6400, $0x38;
	[tilespmem:$0x16480] =	vst v63  }
0x26: {  	_ =	swait.ge [sflag:s11], $0x6400  }
0x27: {  	[sflag:s11] =	ssyncset.done $0x0  }
0x28: {  	[sflag:s11] =	ssyncadd.s32 $0xFFFF9C00  }
0x29: {  	v4 =	vld [tilespmem:$0x16400];
	_ =	sdelay $0x4  }
0x2a: {  	[tilespmem:$0x1FF40] =	vst v4;
	v4 =	vld [tilespmem:$0x16410];
	_ =	sdelay $0x2  }
0x2b: {  	v5 =	vld [tilespmem:$0x16470]  }
0x2c: {  	v9 =	vld [tilespmem:$0x16430]  }
0x2d: {  	[tilespmem:$0x1FF50] =	vst v4;
	v4 =	vld [tilespmem:$0x16420]  }
0x2e: {  	v11 =	vld [tilespmem:$0x16440];
	_ =	sdelay $0x1  }
0x2f: {  	v10 =	vld [tilespmem:$0x16460];
	[tilespmem:$0x1FF70] =	vst v5  }
0x30: {  	[tilespmem:$0x1FF80] =	vst v9  }
0x31: {  	[tilespmem:$0x1FF60] =	vst v4;
	v4 =	vld [tilespmem:$0x16450];
	[tilespmem:s15], [sflag:$0x1] =	stream.indirect.gather [hbm4b:s6+s14], $0x40, s5, s14, $0xb8  }
0x32: {  	s16 =	simm.s32 $0x8400;
	[tilespmem:$0x1FF90] =	vst v11  }
0x33: {  	[tilespmem:s16], [sflag:$0x1] =	stream.indirect.gather [hbm4b:s6+s14], $0x40, s14, s14, $0xb8;
	[tilespmem:$0x16480] =	vst v63  }
0x34: {  	s17 =	simm.s32 $0x100;
	[tilespmem:$0x1FFB0] =	vst v10  }
0x35: {  	[tilespmem:s18], [sflag:$0x2] =	stream.indirect.gather [hbm4b:s6+s14], $0x40, s17, s14, $0xb8;
	[tilespmem:$0x16480] =	vst v63  }
0x36: {  	s19 =	simm.s32 $0x180;
	s3 =	simm.s32 $0x0;
	[tilespmem:$0x1FFA0] =	vst v4  }
0x37: {  	[tilespmem:s20], [sflag:$0x2] =	stream.indirect.gather [hbm4b:s6+s14], $0x40, s19, s14, $0xb8;
	[tilespmem:$0x16480] =	vst v63  }
.LBB2_2:
0x38: {  	_ =	swait.ge [sflag:s21], $0x4000  }
0x39: {  	[sflag:s21] =	ssyncset.done $0x0  }
0x3a: {  	s13 =	simm.s32 $0x6500;
	[sflag:s21] =	ssyncadd.s32 $0xFFFFC000  }
0x3b: {  	v6 =	vld [tilespmem:s13+$0xC0]  }
0x3c: {  	v5 =	vld [tilespmem:s13+$0xD0]  }
0x3d: {  	v28 =	vld [tilespmem:s13+$0xFFFFFF10]  }
0x3e: {  	v27 =	vld [tilespmem:s13+$0xFFFFFF40]  }
0x3f: {  	v13 =	vld [tilespmem:s13+$0xFFFFFFC0]  }
0x40: {  	v7 =	vld [tilespmem:s13+$0xF0]  }
0x41: {  	v3 =	vld [tilespmem:s13+$0xE0]  }
0x42: {  	v26 =	vld [tilespmem:s13+$0xFFFFFF50]  }
0x43: {  	v25 =	vld [tilespmem:s13+$0xFFFFFF80]  }
0x44: {  	v24 =	vld [tilespmem:s13+$0xFFFFFF90];
	v16 =	vadd.f32 v5, v6;
	v17 =	vmul.f32 v6, v6;
	v18 =	vmul.f32 v5, v5;
	[tilespmem:$0x1FEF0] =	vst v13  }
0x45: {  	v19 =	vmul.f32 v27, v27;
	v23 =	vmul.f32 v7, v7;
	v14 =	vld [tilespmem:s13+$0x0]  }
0x46: {  	v21 =	vld [tilespmem:s13+$0xFFFFFFD0];
	v16 =	vadd.f32 v3, v16;
	v17 =	vadd.f32 v18, v17;
	v18 =	vmul.f32 v3, v3  }
0x47: {  	v29 =	vmul.f32 v26, v26;
	v30 =	vmul.f32 v28, v28;
	v35 =	vadd.f32 v26, v27;
	v22 =	vld [tilespmem:s13+$0x10]  }
0x48: {  	v31 =	vmul.f32 v25, v25;
	v15 =	vld [tilespmem:s13+$0x40];
	v16 =	vadd.f32 v7, v16;
	v17 =	vadd.f32 v18, v17  }
0x49: {  	v37 =	vadd.f32 v24, v25;
	v12 =	vld [tilespmem:s13+$0x80];
	v45 =	vadd.f32 v29, v19;
	v29 =	vmul.f32 v24, v24  }
0x4a: {  	v33 =	vmul.f32 v13, v13;
	v32 =	vadd.f32 v23, v17;
	v17 =	vperm.xlane v16, v0;
	v23 =	vld [tilespmem:s13+$0x50];
	[tilespmem:$0x1FF00] =	vst v14  }
0x4b: {  	v46 =	vadd.f32 v29, v31;
	v38 =	vmul.f32 v21, v21;
	v41 =	vadd.f32 v21, v13;
	v13 =	vld [tilespmem:s13+$0x90]  }
0x4c: {  	v29 =	vmul.f32 v14, v14;
	v39 =	vld [tilespmem:s13+$0xFFFFFF00];
	v34 =	vadd.f32 v17, v16;
	v36 =	vperm.xlane v32, v0  }
0x4d: {  	v60 =	vmul.f32 v22, v22;
	v42 =	vmul.f32 v15, v15;
	v47 =	vadd.f32 v38, v33  }
0x4e: {  	v40 =	vld [tilespmem:s13+$0xFFFFFF20];
	[tilespmem:$0x1FF10] =	vst v15;
	v38 =	vadd.f32 v22, v14;
	v31 =	vperm.xlane v34, v1;
	v32 =	vadd.f32 v36, v32  }
0x4f: {  	v48 =	vadd.f32 v60, v29;
	v29 =	vmul.f32 v12, v12;
	v36 =	vld [tilespmem:s13+$0xFFFFFF60];
	v44 =	vmul.f32 v23, v23  }
0x50: {  	v49 =	vadd.f32 v23, v15;
	v31 =	vadd.f32 v31, v34;
	v43 =	vperm.xlane v32, v1;
	v34 =	vld [tilespmem:s13+$0xFFFFFFA0];
	[tilespmem:$0x1FF20] =	vst v12  }
0x51: {  	v52 =	vadd.f32 v13, v12;
	v61 =	vmul.f32 v13, v13;
	v62 =	vadd.f32 v28, v39;
	v33 =	vld [tilespmem:s13+$0xFFFFFFE0];
	[tilespmem:$0x1FF30] =	vst v13  }
0x52: {  	v54 =	vmul.f32 v39, v39;
	v51 =	vadd.f32 v44, v42;
	v43 =	vadd.f32 v43, v32;
	v32 =	vld [tilespmem:s13+$0x20]  }
0x53: {  	v50 =	vperm.xlane v31, v2;
	v56 =	vadd.f32 v61, v29;
	v57 =	vadd.f32 v40, v62;
	v29 =	vld [tilespmem:s13+$0xA0]  }
0x54: {  	v55 =	vmul.f32 v40, v40;
	v44 =	vld [tilespmem:s13+$0xFFFFFF30];
	v54 =	vadd.f32 v30, v54;
	v35 =	vadd.f32 v36, v35  }
0x55: {  	v42 =	vld [tilespmem:s13+$0xFFFFFFB0];
	v58 =	vmul.f32 v36, v36;
	v50 =	vadd.f32 v50, v31;
	v53 =	vperm.xlane v43, v2  }
0x56: {  	v54 =	vadd.f32 v55, v54;
	v59 =	vadd.f32 v34, v37;
	v60 =	vmul.f32 v34, v34  }
0x57: {  	v31 =	vld [tilespmem:s13+$0x60];
	v45 =	vadd.f32 v58, v45;
	v63 =	vperm.xlane v50, v8;
	v53 =	vadd.f32 v53, v43  }
0x58: {  	v20 =	vld [tilespmem:s13+$0xB0];
	v61 =	vadd.f32 v32, v38;
	v62 =	vmul.f32 v32, v32;
	v52 =	vadd.f32 v29, v52  }
0x59: {  	v57 =	vadd.f32 v44, v57;
	v15 =	vmul.f32 v29, v29;
	v14 =	vmul.f32 v44, v44  }
0x5a: {  	v59 =	vadd.f32 v42, v59;
	v46 =	vadd.f32 v60, v46;
	v60 =	vmul.f32 v42, v42  }
0x5b: {  	v43 =	vld [tilespmem:s13+$0xFFFFFF70];
	v30 =	vadd.f32 v63, v50;
	v37 =	vperm.xlane v53, v8;
	v50 =	vadd.f32 v33, v41  }
0x5c: {  	v49 =	vadd.f32 v31, v49;
	v55 =	vmul.f32 v31, v31;
	v48 =	vadd.f32 v62, v48  }
0x5d: {  	v52 =	vadd.f32 v20, v52;
	v15 =	vadd.f32 v15, v56;
	v56 =	vmul.f32 v20, v20  }
0x5e: {  	v38 =	vld [tilespmem:s13+$0x30];
	v14 =	vadd.f32 v14, v54;
	v46 =	vadd.f32 v60, v46;
	v60 =	vperm.xlane v59, v0  }
0x5f: {  	v41 =	vld [tilespmem:s13+$0xFFFFFFF0];
	v30 =	vmul.f32 $1.562500000e-02, v30;
	v37 =	vadd.f32 v37, v53;
	v53 =	vmul.f32 v33, v33  }
0x60: {  	v35 =	vadd.f32 v43, v35;
	v58 =	vmul.f32 v43, v43;
	v15 =	vadd.f32 v56, v15  }
0x61: {  	v56 =	vperm.xlane v14, v0;
	v59 =	vadd.f32 v60, v59;
	v60 =	vperm.xlane v46, v0  }
0x62: {  	v51 =	vadd.f32 v55, v51;
	v63 =	vmul.f32 $1.562500000e-02, v37;
	v12 =	vmul.f32 v30, v30  }
0x63: {  	v37 =	vld [tilespmem:s13+$0x70];
	v47 =	vadd.f32 v53, v47;
	v61 =	vadd.f32 v38, v61;
	v62 =	vmul.f32 v38, v38  }
0x64: {  	v50 =	vadd.f32 v41, v50;
	v53 =	vmul.f32 v41, v41;
	v45 =	vadd.f32 v58, v45  }
0x65: {  	v58 =	vperm.xlane v35, v0;
	v14 =	vadd.f32 v56, v14;
	v63 =	vsub.f32 v63, v12  }
0x66: {  	v46 =	vadd.f32 v60, v46;
	v48 =	vadd.f32 v62, v48;
	v62 =	vperm.xlane v61, v0  }
0x67: {  	v47 =	vadd.f32 v53, v47;
	v53 =	vperm.xlane v50, v0;
	v63 =	vadd.f32 $9.999999740e-06, v63  }
0x68: {  	v35 =	vadd.f32 v58, v35;
	v49 =	vadd.f32 v37, v49;
	v13 =	vmul.f32 v37, v37  }
0x69: {  	v58 =	vperm.xlane v45, v0;
	v12 =	vshra.s32 v63, $0x1;
	v63 =	vmul.f32 $5.000000000e-01, v63  }
0x6a: {  	v12 =	vsub.s32 $0x5F3759DF, v12;
	v13 =	vadd.f32 v13, v51;
	v51 =	vperm.xlane v49, v0  }
0x6b: {  	v61 =	vadd.f32 v62, v61;
	v62 =	vperm.xlane v48, v0;
	v55 =	vmul.f32 v12, v63  }
0x6c: {  	v50 =	vadd.f32 v53, v50;
	v56 =	vperm.xlane v35, v1;
	v49 =	vadd.f32 v51, v49  }
0x6d: {  	v45 =	vadd.f32 v58, v45;
	v48 =	vadd.f32 v62, v48;
	v54 =	vmul.f32 v12, v55  }
0x6e: {  	v35 =	vadd.f32 v56, v35;
	v55 =	vperm.xlane v57, v0;
	v62 =	vperm.xlane v49, v1  }
0x6f: {  	v60 =	vperm.xlane v61, v1;
	v58 =	vperm.xlane v50, v1;
	v54 =	vsub.f32 $1.500000000e+00, v54  }
0x70: {  	v55 =	vadd.f32 v55, v57;
	v49 =	vadd.f32 v62, v49;
	v62 =	vperm.xlane v35, v2  }
0x71: {  	v12 =	vmul.f32 v12, v54;
	v54 =	vperm.xlane v52, v0  }
0x72: {  	v51 =	vperm.xlane v13, v0;
	v50 =	vadd.f32 v58, v50;
	v16 =	vperm.xlane v55, v1  }
0x73: {  	v35 =	vadd.f32 v62, v35;
	v57 =	vmul.f32 v12, v63;
	v52 =	vadd.f32 v54, v52  }
0x74: {  	v54 =	vperm.xlane v15, v0;
	v16 =	vadd.f32 v16, v55;
	v55 =	vperm.xlane v14, v1  }
0x75: {  	v13 =	vadd.f32 v51, v13;
	v62 =	vperm.xlane v35, v8;
	v53 =	vmul.f32 v57, v12  }
0x76: {  	v57 =	vperm.xlane v47, v0;
	v51 =	vperm.xlane v52, v1;
	v15 =	vadd.f32 v54, v15  }
0x77: {  	v54 =	vperm.xlane v45, v1;
	v14 =	vadd.f32 v55, v14;
	v53 =	vsub.f32 $1.500000000e+00, v53  }
0x78: {  	v47 =	vadd.f32 v57, v47;
	v51 =	vadd.f32 v51, v52;
	v52 =	vperm.xlane v16, v2  }
0x79: {  	v35 =	vadd.f32 v62, v35;
	v55 =	vperm.xlane v15, v1;
	v17 =	vmul.f32 v53, v12  }
0x7a: {  	v45 =	vadd.f32 v54, v45;
	v53 =	vperm.xlane v59, v1;
	v58 =	vperm.xlane v47, v1  }
0x7b: {  	v16 =	vadd.f32 v52, v16;
	v52 =	vperm.xlane v51, v2;
	v15 =	vadd.f32 v55, v15  }
0x7c: {  	v55 =	vperm.xlane v14, v2;
	v0 =	vmul.f32 v17, v63;
	v53 =	vadd.f32 v53, v59  }
0x7d: {  	v59 =	vadd.f32 v60, v61;
	v60 =	vperm.xlane v48, v1;
	v61 =	vperm.xlane v13, v1  }
0x7e: {  	v47 =	vadd.f32 v58, v47;
	v51 =	vadd.f32 v52, v51;
	v52 =	vperm.xlane v16, v8  }
0x7f: {  	v14 =	vadd.f32 v55, v14;
	v57 =	vmul.f32 v0, v17;
	v0 =	vperm.xlane v46, v1  }
0x80: {  	v54 =	vperm.xlane v53, v2;
	v1 =	vperm.xlane v59, v2;
	v48 =	vadd.f32 v60, v48  }
0x81: {  	v60 =	vperm.xlane v49, v2;
	v13 =	vadd.f32 v61, v13;
	v61 =	vperm.xlane v45, v2  }
0x82: {  	v16 =	vadd.f32 v52, v16;
	v52 =	vperm.xlane v14, v8;
	v56 =	vsub.f32 $1.500000000e+00, v57  }
0x83: {  	v46 =	vadd.f32 v0, v46;
	v0 =	vperm.xlane v50, v2;
	v53 =	vadd.f32 v54, v53  }
0x84: {  	v58 =	vadd.f32 v1, v59;
	v1 =	vperm.xlane v48, v2;
	v49 =	vadd.f32 v60, v49  }
0x85: {  	v60 =	vperm.xlane v13, v2;
	v45 =	vadd.f32 v61, v45;
	v16 =	vmul.f32 $1.562500000e-02, v16  }
0x86: {  	v54 =	vperm.xlane v46, v2;
	v50 =	vadd.f32 v0, v50;
	v0 =	vperm.xlane v47, v2  }
0x87: {  	v52 =	vadd.f32 v52, v14;
	v2 =	vperm.xlane v15, v2;
	v61 =	vperm.xlane v53, v8  }
0x88: {  	v59 =	vadd.f32 v1, v48;
	v1 =	vperm.xlane v49, v8;
	v13 =	vadd.f32 v60, v13  }
0x89: {  	v60 =	vperm.xlane v51, v8;
	v39 =	vsub.f32 v39, v16;
	v28 =	vsub.f32 v28, v16  }
0x8a: {  	v52 =	vmul.f32 $1.562500000e-02, v52;
	v40 =	vsub.f32 v40, v16;
	v46 =	vadd.f32 v54, v46  }
0x8b: {  	v54 =	vperm.xlane v50, v8;
	v47 =	vadd.f32 v0, v47;
	v0 =	vperm.xlane v58, v8  }
0x8c: {  	v15 =	vadd.f32 v2, v15;
	v2 =	vperm.xlane v45, v8;
	v53 =	vadd.f32 v61, v53  }
0x8d: {  	v1 =	vadd.f32 v1, v49;
	v12 =	vperm.xlane v13, v8;
	v60 =	vadd.f32 v60, v51  }
0x8e: {  	v51 =	vmul.f32 $1.562500000e-02, v35;
	v61 =	vperm.xlane v46, v8;
	v54 =	vadd.f32 v54, v50  }
0x8f: {  	v62 =	vperm.xlane v47, v8;
	v57 =	vadd.f32 v0, v58;
	v0 =	vperm.xlane v59, v8  }
0x90: {  	v48 =	vperm.xlane v15, v8;
	v2 =	vadd.f32 v2, v45;
	v50 =	vmul.f32 $1.562500000e-02, v53  }
0x91: {  	v12 =	vadd.f32 v12, v13;
	v49 =	vmul.f32 $1.562500000e-02, v54;
	v19 =	vmul.f32 $1.562500000e-02, v57  }
0x92: {  	v61 =	vadd.f32 v61, v46;
	v46 =	vmul.f32 $1.562500000e-02, v1;
	v1 =	vmul.f32 v16, v16  }
0x93: {  	v47 =	vadd.f32 v62, v47;
	v13 =	vmul.f32 $1.562500000e-02, v2;
	v2 =	vmul.f32 v51, v51  }
0x94: {  	v0 =	vadd.f32 v0, v59;
	v57 =	vmul.f32 v50, v50;
	v12 =	vmul.f32 $1.562500000e-02, v12  }
0x95: {  	v15 =	vadd.f32 v48, v15;
	v45 =	vmul.f32 $1.562500000e-02, v61;
	v58 =	vmul.f32 $1.562500000e-02, v47  }
0x96: {  	v52 =	vsub.f32 v52, v1;
	v59 =	vmul.f32 v49, v49;
	v61 =	vmul.f32 $1.562500000e-02, v0  }
0x97: {  	v13 =	vsub.f32 v13, v2;
	v62 =	vmul.f32 v19, v19;
	v47 =	vmul.f32 $1.562500000e-02, v60  }
0x98: {  	v63 =	vmul.f32 v46, v46;
	v15 =	vmul.f32 $1.562500000e-02, v15;
	v48 =	vsub.f32 v45, v57  }
0x99: {  	v54 =	vsub.f32 v58, v59;
	v35 =	vsub.f32 v61, v62;
	v0 =	vmul.f32 v47, v47  }
0x9a: {  	v52 =	vadd.f32 $9.999999740e-06, v52;
	v12 =	vsub.f32 v12, v63  }
0x9b: {  	v45 =	vmul.f32 v56, v17;
	v13 =	vadd.f32 $9.999999740e-06, v13;
	v15 =	vsub.f32 v15, v0  }
0x9c: {  	v17 =	vshra.s32 v52, $0x1;
	v48 =	vadd.f32 $9.999999740e-06, v48;
	v1 =	vadd.f32 $9.999999740e-06, v54  }
0x9d: {  	v52 =	vmul.f32 $5.000000000e-01, v52;
	v35 =	vadd.f32 $9.999999740e-06, v35;
	v12 =	vadd.f32 $9.999999740e-06, v12  }
0x9e: {  	v54 =	vshra.s32 v13, $0x1;
	v18 =	vmul.f32 $5.000000000e-01, v13;
	v17 =	vsub.s32 $0x5F3759DF, v17  }
0x9f: {  	v54 =	vsub.s32 $0x5F3759DF, v54;
	v15 =	vadd.f32 $9.999999740e-06, v15;
	v55 =	vshra.s32 v48, $0x1  }
0xa0: {  	v48 =	vmul.f32 $5.000000000e-01, v48;
	v2 =	vshra.s32 v1, $0x1;
	v53 =	vmul.f32 $5.000000000e-01, v1  }
0xa1: {  	v57 =	vshra.s32 v35, $0x1;
	v35 =	vmul.f32 $5.000000000e-01, v35;
	v0 =	vshra.s32 v12, $0x1  }
0xa2: {  	v14 =	vmul.f32 $5.000000000e-01, v12;
	v1 =	vmul.f32 v17, v52;
	v55 =	vsub.s32 $0x5F3759DF, v55  }
0xa3: {  	v56 =	vsub.s32 $0x5F3759DF, v2;
	v2 =	vmul.f32 v54, v18;
	v57 =	vsub.s32 $0x5F3759DF, v57  }
0xa4: {  	v59 =	vshra.s32 v15, $0x1;
	v15 =	vmul.f32 $5.000000000e-01, v15;
	v60 =	vmul.f32 v17, v1  }
0xa5: {  	v58 =	vsub.s32 $0x5F3759DF, v0;
	v0 =	vmul.f32 v55, v48;
	v1 =	vmul.f32 v56, v53  }
0xa6: {  	v27 =	vsub.f32 v27, v51;
	v12 =	vmul.f32 v57, v35;
	v13 =	vmul.f32 v58, v14  }
0xa7: {  	v61 =	vmul.f32 v54, v2;
	v59 =	vsub.s32 $0x5F3759DF, v59;
	v62 =	vmul.f32 v55, v0  }
0xa8: {  	v60 =	vsub.f32 $1.500000000e+00, v60;
	v2 =	vmul.f32 v59, v15;
	v63 =	vmul.f32 v56, v1  }
0xa9: {  	v26 =	vsub.f32 v26, v51;
	v12 =	vmul.f32 v57, v12;
	v13 =	vmul.f32 v58, v13  }
0xaa: {  	v61 =	vsub.f32 $1.500000000e+00, v61;
	v17 =	vmul.f32 v17, v60;
	v0 =	vsub.f32 $1.500000000e+00, v62  }
0xab: {  	v60 =	vmul.f32 v59, v2;
	v1 =	vsub.f32 $1.500000000e+00, v63;
	v12 =	vsub.f32 $1.500000000e+00, v12  }
0xac: {  	v13 =	vsub.f32 $1.500000000e+00, v13;
	v54 =	vmul.f32 v54, v61;
	v55 =	vmul.f32 v55, v0  }
0xad: {  	v36 =	vsub.f32 v36, v51;
	v2 =	vmul.f32 v17, v52;
	v56 =	vmul.f32 v56, v1  }
0xae: {  	v60 =	vsub.f32 $1.500000000e+00, v60;
	v12 =	vmul.f32 v57, v12;
	v13 =	vmul.f32 v58, v13  }
0xaf: {  	v43 =	vsub.f32 v43, v51;
	v0 =	vmul.f32 v54, v18;
	v61 =	vmul.f32 v2, v17  }
0xb0: {  	v16 =	vsub.f32 v44, v16;
	v58 =	vmul.f32 v59, v60;
	v60 =	vmul.f32 v55, v48  }
0xb1: {  	v24 =	vsub.f32 v24, v50;
	v1 =	vmul.f32 v0, v54;
	v0 =	vmul.f32 v12, v35  }
0xb2: {  	v2 =	vsub.f32 $1.500000000e+00, v61;
	v61 =	vmul.f32 v56, v53;
	v60 =	vmul.f32 v60, v55  }
0xb3: {  	v57 =	vsub.f32 $1.500000000e+00, v1;
	v1 =	vmul.f32 v13, v14;
	v62 =	vmul.f32 v0, v12  }
0xb4: {  	v21 =	vsub.f32 v21, v49;
	v17 =	vmul.f32 v2, v17;
	v2 =	vmul.f32 v58, v15  }
0xb5: {  	v61 =	vmul.f32 v61, v56;
	v60 =	vsub.f32 $1.500000000e+00, v60;
	v54 =	vmul.f32 v57, v54  }
0xb6: {  	v59 =	vmul.f32 v1, v13;
	v62 =	vsub.f32 $1.500000000e+00, v62;
	v52 =	vmul.f32 v17, v52  }
0xb7: {  	v57 =	vmul.f32 v2, v58;
	v61 =	vsub.f32 $1.500000000e+00, v61;
	v55 =	vmul.f32 v60, v55  }
0xb8: {  	v59 =	vsub.f32 $1.500000000e+00, v59;
	v12 =	vmul.f32 v62, v12;
	v18 =	vmul.f32 v54, v18  }
0xb9: {  	v52 =	vmul.f32 v52, v17;
	v56 =	vmul.f32 v61, v56;
	v57 =	vsub.f32 $1.500000000e+00, v57  }
0xba: {  	v33 =	vsub.f32 v33, v49;
	v13 =	vmul.f32 v59, v13;
	v35 =	vmul.f32 v12, v35  }
0xbb: {  	v18 =	vmul.f32 v18, v54;
	v52 =	vsub.f32 $1.500000000e+00, v52;
	v57 =	vmul.f32 v57, v58  }
0xbc: {  	v22 =	vsub.f32 v22, v19;
	v53 =	vmul.f32 v56, v53;
	v14 =	vmul.f32 v13, v14  }
0xbd: {  	v32 =	vsub.f32 v32, v19;
	v35 =	vmul.f32 v35, v12;
	v17 =	vmul.f32 v52, v17  }
0xbe: {  	v18 =	vsub.f32 $1.500000000e+00, v18;
	v52 =	vmul.f32 v55, v48;
	v15 =	vmul.f32 v57, v15  }
0xbf: {  	v63 =	vsub.f32 v41, v49;
	v48 =	vmul.f32 v53, v56;
	v14 =	vmul.f32 v14, v13  }
0xc0: {  	v58 =	vsub.f32 v42, v50;
	v18 =	vmul.f32 v18, v54;
	v44 =	vmul.f32 v52, v55  }
0xc1: {  	v62 =	vld [tilespmem:$0x1FEF0];
	v35 =	vsub.f32 $1.500000000e+00, v35;
	v15 =	vmul.f32 v15, v57;
	v28 =	vmul.f32 v17, v28  }
0xc2: {  	v61 =	vld [tilespmem:$0x1FF40];
	v48 =	vsub.f32 $1.500000000e+00, v48;
	v59 =	vmul.f32 v17, v40;
	v16 =	vmul.f32 v17, v16  }
0xc3: {  	v52 =	vsub.f32 v23, v46;
	v12 =	vmul.f32 v35, v12;
	v35 =	vmul.f32 v17, v39  }
0xc4: {  	v14 =	vsub.f32 $1.500000000e+00, v14;
	v27 =	vmul.f32 v18, v27;
	v26 =	vmul.f32 v18, v26  }
0xc5: {  	v36 =	vmul.f32 v18, v36;
	v41 =	vmul.f32 v18, v43;
	v44 =	vsub.f32 $1.500000000e+00, v44  }
0xc6: {  	v48 =	vmul.f32 v48, v56;
	v15 =	vsub.f32 $1.500000000e+00, v15;
	v16 =	vmul.f32 v16, v9  }
0xc7: {  	v17 =	vsub.f32 v62, v49;
	v13 =	vmul.f32 v14, v13;
	v27 =	vmul.f32 v27, v61  }
0xc8: {  	v14 =	vsub.f32 v25, v50;
	v44 =	vmul.f32 v44, v55;
	v15 =	vmul.f32 v15, v57  }
0xc9: {  	v25 =	vsub.f32 v34, v50;
	v50 =	vld [tilespmem:$0x1FF00];
	v53 =	vmul.f32 v48, v17;
	v21 =	vmul.f32 v48, v21  }
0xca: {  	v51 =	vld [tilespmem:$0x1FF10];
	v17 =	vsub.f32 v31, v46;
	v54 =	vmul.f32 v48, v33;
	v40 =	vmul.f32 v48, v63  }
0xcb: {  	v31 =	vsub.f32 v37, v46;
	v42 =	vmul.f32 v44, v14;
	v43 =	vmul.f32 v44, v24  }
0xcc: {  	v56 =	vld [tilespmem:$0x1FF20];
	v14 =	vsub.f32 v38, v19;
	v38 =	vmul.f32 v44, v25;
	v44 =	vmul.f32 v44, v58  }
0xcd: {  	v57 =	vld [tilespmem:$0x1FF30];
	v24 =	vmul.f32 v12, v22;
	v25 =	vmul.f32 v12, v32;
	v58 =	vsub.f32 v20, v47  }
0xce: {  	v20 =	vmul.f32 v13, v17;
	v17 =	vmul.f32 v13, v31;
	v18 =	vsub.f32 v50, v19  }
0xcf: {  	v31 =	vsub.f32 v6, v30;
	v19 =	vsub.f32 v51, v46;
	v22 =	vmul.f32 v12, v14  }
0xd0: {  	v62 =	vld [tilespmem:$0x1FF50];
	v32 =	vmul.f32 v15, v58;
	v55 =	vmul.f32 v12, v18;
	v18 =	vsub.f32 v7, v30  }
0xd1: {  	v48 =	vld [tilespmem:$0x1FF70];
	v33 =	vmul.f32 v45, v31;
	v12 =	vsub.f32 v56, v47;
	v23 =	vmul.f32 v13, v19  }
0xd2: {  	v63 =	vld [tilespmem:$0x1FF60];
	v14 =	vsub.f32 v57, v47;
	v19 =	vmul.f32 v13, v52;
	v13 =	vmul.f32 v45, v18  }
0xd3: {  	v37 =	vmul.f32 v42, v61;
	v34 =	vmul.f32 v15, v12;
	v12 =	vsub.f32 v5, v30  }
0xd4: {  	v29 =	vsub.f32 v29, v47;
	v18 =	vmul.f32 v15, v14;
	v13 =	vmul.f32 v13, v9  }
0xd5: {  	v31 =	vmul.f32 v45, v12;
	v12 =	vmul.f32 v35, v61  }
0xd6: {  	v14 =	vmul.f32 v15, v29;
	v15 =	vmul.f32 v28, v62;
	v13 =	vadd.f32 v13, v48  }
0xd7: {  	v60 =	vmul.f32 v36, v63;
	v28 =	vmul.f32 v59, v63;
	v12 =	vadd.f32 v12, v11  }
0xd8: {  	v36 =	vmul.f32 v38, v63;
	v29 =	vsub.f32 v3, v30;
	[tilespmem:s13+$0xF0] =	vst v13;
	v13 =	vadd.f32 v15, v4  }
0xd9: {  	v59 =	vmul.f32 v26, v62;
	v26 =	vmul.f32 v41, v9;
	[tilespmem:s13+$0xFFFFFF00] =	vst v12;
	v12 =	vadd.f32 v28, v10  }
0xda: {  	v5 =	vmul.f32 v55, v61;
	v30 =	vmul.f32 v45, v29;
	[tilespmem:s13+$0xFFFFFF10] =	vst v13;
	v13 =	vadd.f32 v16, v48  }
0xdb: {  	v29 =	vmul.f32 v43, v62;
	v35 =	vmul.f32 v44, v9;
	[tilespmem:s13+$0xFFFFFF20] =	vst v12;
	v12 =	vadd.f32 v27, v11  }
0xdc: {  	v38 =	vadd.f32 v60, v10;
	v15 =	vmul.f32 v53, v61;
	v16 =	vmul.f32 v21, v62;
	[tilespmem:s13+$0xFFFFFF30] =	vst v13  }
0xdd: {  	s10 =	simm.s32 $0x0;
	s16 =	simm.s32 $0x6700;
	v28 =	vadd.f32 v59, v4;
	v21 =	vmul.f32 v54, v63;
	[tilespmem:s13+$0xFFFFFF40] =	vst v12;
	v12 =	vmul.f32 v40, v9  }
.LBB2_3:
0xde: {  	_ = 	snop  }
0xdf: {  	v49 =	vmul.f32 v22, v9;
	[tilespmem:s13+$0xFFFFFF50] =	vst v28  }
0xe0: {  	v27 =	vld [tilespmem:s16+$0xC0];
	v50 =	vmul.f32 v23, v61;
	[tilespmem:s13+$0xFFFFFF60] =	vst v38  }
0xe1: {  	v39 =	vadd.f32 v26, v48;
	v44 =	vld [tilespmem:s16+$0xFFFFFF10];
	[tilespmem:$0x1FE30] =	vst v49  }
0xe2: {  	v52 =	vmul.f32 v19, v62;
	v60 =	vld [tilespmem:s16+$0xF0];
	[tilespmem:$0x1FE40] =	vst v50  }
0xe3: {  	v53 =	vmul.f32 v20, v63;
	v55 =	vmul.f32 v34, v61;
	v34 =	vld [tilespmem:s16+$0x0];
	[tilespmem:s13+$0xFFFFFF70] =	vst v39  }
0xe4: {  	v54 =	vmul.f32 v17, v9;
	v57 =	vmul.f32 v18, v62;
	v18 =	vld [tilespmem:$0x1FFC0];
	[tilespmem:$0x1FE50] =	vst v52  }
0xe5: {  	v42 =	vmul.f32 v32, v9;
	v32 =	vld [tilespmem:s16+$0x40];
	[tilespmem:$0x1FE60] =	vst v53  }
0xe6: {  	v45 =	vmul.f32 v33, v61;
	v33 =	vld [tilespmem:s16+$0x50];
	[tilespmem:$0x1FE70] =	vst v54  }
0xe7: {  	v19 =	vld [tilespmem:$0x1FFD0];
	[tilespmem:$0x1FE80] =	vst v55  }
0xe8: {  	v28 =	vld [tilespmem:s16+$0xD0];
	v37 =	vadd.f32 v37, v11;
	[tilespmem:$0x1FEB0] =	vst v42  }
0xe9: {  	v3 =	vld [tilespmem:$0x1FFE0];
	v51 =	vadd.f32 v29, v4;
	[tilespmem:$0x1FEC0] =	vst v45  }
0xea: {  	v26 =	vmul.f32 v24, v62;
	v29 =	vld [tilespmem:s16+$0xE0];
	v56 =	vadd.f32 v35, v48;
	[tilespmem:s13+$0xFFFFFF80] =	vst v37  }
0xeb: {  	v0 =	vmul.f32 v25, v63;
	v58 =	vmul.f32 v14, v63;
	v22 =	vld [tilespmem:s16+$0x30];
	v59 =	vadd.f32 v15, v11;
	[tilespmem:s13+$0xFFFFFF90] =	vst v51  }
0xec: {  	v50 =	vadd.f32 v16, v4;
	v43 =	vld [tilespmem:s16+$0xFFFFFF40];
	[tilespmem:s13+$0xFFFFFFB0] =	vst v56;
	v51 =	vmul.f32 v31, v62;
	v36 =	vadd.f32 v36, v10  }
0xed: {  	v45 =	vld [tilespmem:s16+$0xFFFFFF50];
	[tilespmem:s13+$0xFFFFFFC0] =	vst v59;
	v47 =	vmul.f32 v27, v27;
	v46 =	vadd.f32 v28, v27;
	v49 =	vmul.f32 v28, v28  }
0xee: {  	v56 =	vmul.f32 v30, v63;
	v37 =	vld [tilespmem:s16+$0xFFFFFFC0];
	[tilespmem:s13+$0xFFFFFFD0] =	vst v50;
	v55 =	vadd.f32 v21, v10;
	v42 =	vmul.f32 v44, v44  }
0xef: {  	v38 =	vld [tilespmem:s16+$0xFFFFFFD0];
	[tilespmem:s13+$0xFFFFFFA0] =	vst v36;
	v53 =	vmul.f32 v29, v29;
	v31 =	vadd.f32 v29, v46;
	v52 =	vadd.f32 v49, v47  }
0xf0: {  	[tilespmem:$0x1FE90] =	vst v57;
	v57 =	vmul.f32 v60, v60;
	v63 =	vmul.f32 v34, v34;
	v40 =	vld [tilespmem:s16+$0xFFFFFF80]  }
0xf1: {  	[tilespmem:s13+$0xFFFFFFE0] =	vst v55;
	v55 =	vmul.f32 v32, v32;
	v41 =	vld [tilespmem:s16+$0xFFFFFF90];
	v30 =	vadd.f32 v60, v31;
	v31 =	vadd.f32 v53, v52  }
0xf2: {  	v12 =	vadd.f32 v12, v48;
	v35 =	vld [tilespmem:s16+$0x10];
	[tilespmem:$0x1FEA0] =	vst v58;
	v36 =	vmul.f32 v33, v33;
	v54 =	vmul.f32 v43, v43  }
0xf3: {  	v4 =	vld [tilespmem:$0x1FFF0];
	[tilespmem:$0x1FEE0] =	vst v56;
	v58 =	vmul.f32 v45, v45;
	v46 =	vadd.f32 v57, v31;
	v31 =	vperm.xlane v30, v18  }
0xf4: {  	[tilespmem:s13+$0xFFFFFFF0] =	vst v12;
	v56 =	vld [tilespmem:s16+$0xFFFFFF20];
	v47 =	vadd.f32 v45, v43;
	v15 =	vadd.f32 v36, v55;
	v12 =	vmul.f32 v37, v37  }
0xf5: {  	v53 =	vadd.f32 v58, v54;
	v49 =	vadd.f32 v31, v30;
	v50 =	vperm.xlane v46, v18;
	v30 =	vld [tilespmem:s16+$0x80]  }
0xf6: {  	v52 =	vadd.f32 v38, v37;
	v59 =	vmul.f32 v40, v40;
	v61 =	vmul.f32 v41, v41;
	v31 =	vld [tilespmem:s16+$0x90]  }
0xf7: {  	[tilespmem:$0x1FED0] =	vst v51;
	v62 =	vmul.f32 v38, v38;
	v54 =	vld [tilespmem:s16+$0xFFFFFF60];
	v51 =	vperm.xlane v49, v19;
	v46 =	vadd.f32 v50, v46  }
0xf8: {  	[tilespmem:$0x1FE20] =	vst v0;
	v0 =	vmul.f32 v35, v35;
	v48 =	vadd.f32 v41, v40;
	v61 =	vadd.f32 v61, v59;
	v59 =	vld [tilespmem:s16+$0xFFFFFF00]  }
0xf9: {  	v55 =	vld [tilespmem:s16+$0xFFFFFFB0];
	v16 =	vadd.f32 v62, v12;
	v57 =	vadd.f32 v51, v49;
	v49 =	vperm.xlane v46, v19  }
0xfa: {  	v62 =	vadd.f32 v0, v63;
	v63 =	vadd.f32 v33, v32;
	v12 =	vmul.f32 v56, v56;
	v51 =	vld [tilespmem:s16+$0xFFFFFFA0]  }
0xfb: {  	v58 =	vmul.f32 v30, v30;
	v36 =	vmul.f32 v31, v31;
	v13 =	vadd.f32 v49, v46;
	v49 =	vld [tilespmem:s16+$0xFFFFFFE0]  }
0xfc: {  	v11 =	vadd.f32 v54, v47;
	v50 =	vadd.f32 v35, v34;
	v39 =	vperm.xlane v57, v3;
	v46 =	vld [tilespmem:s16+$0x20]  }
0xfd: {  	v1 =	vadd.f32 v44, v59;
	v7 =	vmul.f32 v59, v59;
	v14 =	vadd.f32 v36, v58;
	v36 =	vld [tilespmem:s16+$0xA0]  }
0xfe: {  	v2 =	vadd.f32 v31, v30;
	v58 =	vld [tilespmem:s16+$0xFFFFFF30];
	v6 =	vadd.f32 v39, v57;
	v0 =	vperm.xlane v13, v3  }
0xff: {  	v47 =	vmul.f32 v54, v54;
	v10 =	vadd.f32 v56, v1;
	v7 =	vadd.f32 v42, v7;
	v39 =	vld [tilespmem:s16+$0x60]  }
0x100: {  	v57 =	vld [tilespmem:s16+$0xFFFFFF70];
	v48 =	vadd.f32 v51, v48;
	v1 =	vperm.xlane v6, v4;
	v13 =	vadd.f32 v0, v13  }
0x101: {  	v25 =	vmovc v5;
	v8 =	vadd.f32 v49, v52;
	v50 =	vadd.f32 v46, v50;
	v5 =	vmul.f32 v46, v46  }
0x102: {  	v24 =	vld [tilespmem:s16+$0xB0];
	v48 =	vadd.f32 v55, v48;
	v6 =	vadd.f32 v1, v6;
	v0 =	vperm.xlane v13, v4  }
0x103: {  	v1 =	vmul.f32 v51, v51;
	v17 =	vadd.f32 v36, v2;
	v9 =	vadd.f32 v58, v10  }
0x104: {  	v23 =	vld [tilespmem:s16+$0x70];
	v10 =	vadd.f32 v12, v7;
	v12 =	vmul.f32 v36, v36;
	v63 =	vadd.f32 v39, v63  }
0x105: {  	v20 =	vmul.f32 v58, v58;
	v11 =	vadd.f32 v57, v11;
	v50 =	vadd.f32 v22, v50  }
0x106: {  	v52 =	vld [tilespmem:s16+$0xFFFFFFF0];
	v2 =	vmul.f32 v39, v39;
	v5 =	vadd.f32 v5, v62;
	v13 =	vadd.f32 v0, v13  }
0x107: {  	v42 =	vmul.f32 $1.562500000e-02, v6;
	v7 =	vadd.f32 v1, v61;
	v21 =	vadd.f32 v24, v17  }
0x108: {  	v6 =	vmul.f32 v49, v49;
	v12 =	vadd.f32 v12, v14;
	v17 =	vadd.f32 v20, v10  }
0x109: {  	v10 =	vmul.f32 v24, v24;
	v62 =	vadd.f32 v23, v63;
	v63 =	vmul.f32 v22, v22  }
0x10a: {  	v2 =	vadd.f32 v2, v15;
	v13 =	vmul.f32 $1.562500000e-02, v13;
	v0 =	vmul.f32 v42, v42  }
0x10b: {  	v8 =	vadd.f32 v52, v8;
	v6 =	vadd.f32 v6, v16;
	v16 =	vmul.f32 v52, v52  }
0x10c: {  	v20 =	vadd.f32 v10, v12;
	v10 =	vperm.xlane v21, v18;
	v0 =	vsub.f32 v13, v0  }
0x10d: {  	v60 =	vsub.f32 v60, v42;
	v5 =	vadd.f32 v63, v5;
	v63 =	vperm.xlane v50, v18  }
0x10e: {  	v13 =	vadd.f32 v47, v53;
	v47 =	vmul.f32 v57, v57;
	v0 =	vadd.f32 $9.999999740e-06, v0  }
0x10f: {  	v53 =	vmul.f32 v55, v55;
	v6 =	vadd.f32 v16, v6;
	v16 =	vperm.xlane v8, v18  }
0x110: {  	v10 =	vadd.f32 v10, v21;
	v61 =	vshra.s32 v0, $0x1;
	v1 =	vmul.f32 $5.000000000e-01, v0  }
0x111: {  	v21 =	vperm.xlane v20, v18;
	v50 =	vadd.f32 v63, v50;
	v61 =	vsub.s32 $0x5F3759DF, v61  }
0x112: {  	v63 =	vperm.xlane v5, v18;
	v13 =	vadd.f32 v47, v13;
	v15 =	vmul.f32 v61, v1  }
0x113: {  	v47 =	vperm.xlane v11, v18;
	v7 =	vadd.f32 v53, v7;
	v53 =	vperm.xlane v48, v18  }
0x114: {  	v8 =	vadd.f32 v16, v8;
	v5 =	vadd.f32 v63, v5;
	v14 =	vmul.f32 v61, v15  }
0x115: {  	v0 =	vmul.f32 v23, v23;
	v11 =	vadd.f32 v47, v11;
	v47 =	vperm.xlane v13, v18  }
0x116: {  	v48 =	vadd.f32 v53, v48;
	v15 =	vperm.xlane v9, v18;
	v14 =	vsub.f32 $1.500000000e+00, v14  }
0x117: {  	v53 =	vperm.xlane v7, v18;
	v0 =	vadd.f32 v0, v2;
	v13 =	vadd.f32 v47, v13  }
0x118: {  	v9 =	vadd.f32 v15, v9;
	v15 =	vperm.xlane v17, v18;
	v2 =	vmul.f32 v61, v14  }
0x119: {  	v7 =	vadd.f32 v53, v7;
	v53 =	vperm.xlane v8, v19;
	v14 =	vperm.xlane v62, v18  }
0x11a: {  	v17 =	vadd.f32 v15, v17;
	v15 =	vperm.xlane v11, v19;
	v61 =	vmul.f32 v2, v1  }
0x11b: {  	v12 =	vperm.xlane v9, v19;
	v14 =	vadd.f32 v14, v62;
	v62 =	vperm.xlane v0, v18  }
0x11c: {  	v11 =	vadd.f32 v15, v11;
	v15 =	vperm.xlane v13, v19;
	v16 =	vmul.f32 v61, v2  }
0x11d: {  	v8 =	vadd.f32 v53, v8;
	v61 =	vperm.xlane v6, v18;
	v63 =	vperm.xlane v14, v19  }
0x11e: {  	v0 =	vadd.f32 v62, v0;
	v18 =	vperm.xlane v10, v19;
	v62 =	vadd.f32 v12, v9  }
0x11f: {  	v9 =	vperm.xlane v17, v19;
	v12 =	vadd.f32 v21, v20;
	v16 =	vsub.f32 $1.500000000e+00, v16  }
0x120: {  	v20 =	vperm.xlane v7, v19;
	v13 =	vadd.f32 v15, v13;
	v6 =	vadd.f32 v61, v6  }
0x121: {  	v61 =	vperm.xlane v50, v19;
	v14 =	vadd.f32 v63, v14;
	v2 =	vmul.f32 v16, v2  }
0x122: {  	v10 =	vadd.f32 v18, v10;
	v21 =	vadd.f32 v9, v17;
	v9 =	vperm.xlane v12, v19  }
0x123: {  	v7 =	vadd.f32 v20, v7;
	v17 =	vperm.xlane v8, v3;
	v1 =	vmul.f32 v2, v1  }
0x124: {  	v16 =	vperm.xlane v48, v19;
	v47 =	vperm.xlane v6, v19;
	v9 =	vadd.f32 v9, v12  }
0x125: {  	v12 =	vperm.xlane v13, v3;
	v8 =	vadd.f32 v17, v8;
	v1 =	vmul.f32 v1, v2  }
0x126: {  	v16 =	vadd.f32 v16, v48;
	v48 =	vperm.xlane v5, v19;
	v6 =	vadd.f32 v47, v6  }
0x127: {  	v63 =	vperm.xlane v10, v3;
	v12 =	vadd.f32 v12, v13;
	v1 =	vsub.f32 $1.500000000e+00, v1  }
0x128: {  	v15 =	vld [tilespmem:$0x1FF80];
	v5 =	vadd.f32 v48, v5;
	v48 =	vperm.xlane v14, v3;
	v17 =	vperm.xlane v6, v3  }
0x129: {  	v10 =	vadd.f32 v63, v10;
	v63 =	vperm.xlane v12, v4;
	v53 =	vmul.f32 v1, v2  }
0x12a: {  	v18 =	vld [tilespmem:$0x1FF70];
	v14 =	vadd.f32 v48, v14;
	v2 =	vadd.f32 v61, v50;
	v50 =	vperm.xlane v0, v19  }
0x12b: {  	v6 =	vadd.f32 v17, v6;
	v61 =	vperm.xlane v11, v3;
	v1 =	vmul.f32 v53, v60  }
0x12c: {  	v60 =	vperm.xlane v62, v3;
	v47 =	vperm.xlane v2, v3;
	v0 =	vadd.f32 v50, v0  }
0x12d: {  	v11 =	vadd.f32 v61, v11;
	v61 =	vperm.xlane v14, v4;
	v1 =	vmul.f32 v1, v15  }
0x12e: {  	v15 =	vperm.xlane v16, v3;
	v2 =	vadd.f32 v47, v2;
	v47 =	vperm.xlane v5, v3  }
0x12f: {  	v48 =	vperm.xlane v0, v3;
	v1 =	vadd.f32 v1, v18;
	v18 =	vadd.f32 v60, v62  }
0x130: {  	v60 =	vperm.xlane v21, v3;
	v15 =	vadd.f32 v15, v16;
	v16 =	vperm.xlane v7, v3  }
0x131: {  	v14 =	vadd.f32 v61, v14;
	v3 =	vperm.xlane v9, v3;
	v17 =	vperm.xlane v2, v4  }
0x132: {  	v5 =	vadd.f32 v47, v5;
	v0 =	vadd.f32 v48, v0;
	v62 =	vperm.xlane v10, v4  }
0x133: {  	v61 =	vmul.f32 $1.562500000e-02, v14;
	[tilespmem:s16+$0xF0] =	vst v1;
	v50 =	vperm.xlane v18, v4;
	v1 =	vadd.f32 v60, v21  }
0x134: {  	v60 =	vperm.xlane v11, v4;
	v13 =	vperm.xlane v15, v4;
	v7 =	vadd.f32 v16, v7  }
0x135: {  	v16 =	vperm.xlane v8, v4;
	v19 =	vadd.f32 v3, v9;
	v2 =	vadd.f32 v17, v2  }
0x136: {  	v17 =	vperm.xlane v5, v4;
	v47 =	vperm.xlane v0, v4;
	v10 =	vadd.f32 v62, v10  }
0x137: {  	v3 =	vadd.f32 v50, v18;
	v9 =	vperm.xlane v1, v4;
	v13 =	vadd.f32 v13, v15  }
0x138: {  	v15 =	vperm.xlane v7, v4;
	v8 =	vadd.f32 v16, v8;
	v16 =	vperm.xlane v6, v4  }
0x139: {  	v11 =	vadd.f32 v60, v11;
	v48 =	vperm.xlane v19, v4;
	v62 =	vmul.f32 $1.562500000e-02, v2  }
0x13a: {  	v50 =	vadd.f32 v17, v5;
	v0 =	vadd.f32 v47, v0;
	v60 =	vmul.f32 $1.562500000e-02, v10  }
0x13b: {  	v3 =	vmul.f32 $1.562500000e-02, v3;
	v1 =	vadd.f32 v9, v1;
	v9 =	vmul.f32 $1.562500000e-02, v11  }
0x13c: {  	v11 =	vadd.f32 v63, v12;
	v12 =	vmul.f32 $1.562500000e-02, v13;
	v7 =	vadd.f32 v15, v7  }
0x13d: {  	v63 =	vmul.f32 $1.562500000e-02, v8;
	v6 =	vadd.f32 v16, v6;
	v2 =	vmul.f32 $1.562500000e-02, v50  }
0x13e: {  	v4 =	vadd.f32 v48, v19;
	v0 =	vmul.f32 $1.562500000e-02, v0;
	v1 =	vmul.f32 $1.562500000e-02, v1  }
0x13f: {  	v5 =	vmul.f32 v3, v3;
	v59 =	vsub.f32 v59, v3;
	v8 =	vmul.f32 $1.562500000e-02, v11  }
0x140: {  	v10 =	vmul.f32 v9, v9;
	v6 =	vmul.f32 $1.562500000e-02, v6;
	v44 =	vsub.f32 v44, v3  }
0x141: {  	v1 =	vsub.f32 v1, v5;
	v5 =	vmul.f32 $1.562500000e-02, v7;
	v7 =	vmul.f32 v12, v12  }
0x142: {  	v56 =	vsub.f32 v56, v3;
	v8 =	vsub.f32 v8, v10;
	v10 =	vmul.f32 v63, v63  }
0x143: {  	v58 =	vsub.f32 v58, v3;
	v5 =	vsub.f32 v5, v7;
	v7 =	vmul.f32 v62, v62  }
0x144: {  	v6 =	vsub.f32 v6, v10;
	v10 =	vmul.f32 v61, v61;
	v1 =	vadd.f32 $9.999999740e-06, v1  }
0x145: {  	v4 =	vmul.f32 $1.562500000e-02, v4;
	v8 =	vadd.f32 $9.999999740e-06, v8;
	v2 =	vsub.f32 v2, v7  }
0x146: {  	v7 =	vmul.f32 v60, v60;
	v0 =	vsub.f32 v0, v10;
	v5 =	vadd.f32 $9.999999740e-06, v5  }
0x147: {  	v6 =	vadd.f32 $9.999999740e-06, v6;
	v19 =	vmul.f32 $5.000000000e-01, v1;
	v10 =	vshra.s32 v8, $0x1  }
0x148: {  	v18 =	vmul.f32 $5.000000000e-01, v8;
	v10 =	vsub.s32 $0x5F3759DF, v10;
	v4 =	vsub.f32 v4, v7  }
0x149: {  	v7 =	vshra.s32 v1, $0x1;
	v2 =	vadd.f32 $9.999999740e-06, v2;
	v0 =	vadd.f32 $9.999999740e-06, v0  }
0x14a: {  	v11 =	vshra.s32 v5, $0x1;
	v5 =	vmul.f32 $5.000000000e-01, v5;
	v13 =	vshra.s32 v6, $0x1  }
0x14b: {  	v6 =	vmul.f32 $5.000000000e-01, v6;
	v47 =	vmul.f32 v10, v18;
	v7 =	vsub.s32 $0x5F3759DF, v7  }
0x14c: {  	v11 =	vsub.s32 $0x5F3759DF, v11;
	v13 =	vsub.s32 $0x5F3759DF, v13;
	v4 =	vadd.f32 $9.999999740e-06, v4  }
0x14d: {  	v14 =	vshra.s32 v2, $0x1;
	v2 =	vmul.f32 $5.000000000e-01, v2;
	v8 =	vmul.f32 $5.000000000e-01, v0  }
0x14e: {  	v15 =	vshra.s32 v0, $0x1;
	v17 =	vmul.f32 v7, v19;
	v48 =	vmul.f32 v11, v5  }
0x14f: {  	v50 =	vmul.f32 v13, v6;
	v47 =	vmul.f32 v10, v47;
	v14 =	vsub.s32 $0x5F3759DF, v14  }
0x150: {  	v15 =	vsub.s32 $0x5F3759DF, v15;
	v16 =	vshra.s32 v4, $0x1;
	v4 =	vmul.f32 $5.000000000e-01, v4  }
0x151: {  	v43 =	vsub.f32 v43, v9;
	v0 =	vmul.f32 v14, v2;
	v3 =	vmul.f32 v15, v8  }
0x152: {  	v17 =	vmul.f32 v7, v17;
	v48 =	vmul.f32 v11, v48;
	v16 =	vsub.s32 $0x5F3759DF, v16  }
0x153: {  	v45 =	vsub.f32 v45, v9;
	v50 =	vmul.f32 v13, v50;
	v1 =	vmul.f32 v16, v4  }
0x154: {  	v47 =	vsub.f32 $1.500000000e+00, v47;
	v17 =	vsub.f32 $1.500000000e+00, v17;
	v0 =	vmul.f32 v14, v0  }
0x155: {  	v3 =	vmul.f32 v15, v3;
	v48 =	vsub.f32 $1.500000000e+00, v48;
	v1 =	vmul.f32 v16, v1  }
0x156: {  	v7 =	vmul.f32 v7, v17;
	v17 =	vsub.f32 $1.500000000e+00, v50;
	v0 =	vsub.f32 $1.500000000e+00, v0  }
0x157: {  	v10 =	vmul.f32 v10, v47;
	v3 =	vsub.f32 $1.500000000e+00, v3;
	v11 =	vmul.f32 v11, v48  }
0x158: {  	v1 =	vsub.f32 $1.500000000e+00, v1;
	v13 =	vmul.f32 v13, v17;
	v0 =	vmul.f32 v14, v0  }
0x159: {  	v47 =	vsub.f32 v54, v9;
	v3 =	vmul.f32 v15, v3;
	v14 =	vmul.f32 v7, v19  }
0x15a: {  	v15 =	vsub.f32 v40, v12;
	v1 =	vmul.f32 v16, v1;
	v16 =	vmul.f32 v10, v18  }
0x15b: {  	v40 =	vsub.f32 v41, v12;
	v48 =	vmul.f32 v13, v6;
	v14 =	vmul.f32 v14, v7  }
0x15c: {  	v41 =	vsub.f32 v51, v12;
	v51 =	vmul.f32 v3, v8;
	v16 =	vmul.f32 v16, v10  }
0x15d: {  	v9 =	vsub.f32 v57, v9;
	v48 =	vmul.f32 v48, v13;
	v14 =	vsub.f32 $1.500000000e+00, v14  }
0x15e: {  	v17 =	vmul.f32 v11, v5;
	v51 =	vmul.f32 v51, v3;
	v16 =	vsub.f32 $1.500000000e+00, v16  }
0x15f: {  	v50 =	vmul.f32 v0, v2;
	v7 =	vmul.f32 v14, v7;
	v14 =	vsub.f32 $1.500000000e+00, v48  }
0x160: {  	v57 =	vmul.f32 v1, v4;
	v10 =	vmul.f32 v16, v10;
	v16 =	vsub.f32 $1.500000000e+00, v51  }
0x161: {  	v50 =	vmul.f32 v50, v0;
	v13 =	vmul.f32 v14, v13  }
0x162: {  	v3 =	vmul.f32 v16, v3;
	v16 =	vmul.f32 v7, v19  }
0x163: {  	v18 =	vmul.f32 v10, v18;
	v6 =	vmul.f32 v13, v6  }
0x164: {  	v12 =	vsub.f32 v55, v12;
	v54 =	vmul.f32 v57, v1;
	v16 =	vmul.f32 v16, v7  }
0x165: {  	v55 =	vsub.f32 $1.500000000e+00, v50;
	v18 =	vmul.f32 v18, v10;
	v6 =	vmul.f32 v6, v13  }
0x166: {  	v17 =	vmul.f32 v17, v11;
	v57 =	vsub.f32 $1.500000000e+00, v54;
	v16 =	vsub.f32 $1.500000000e+00, v16  }
0x167: {  	v0 =	vmul.f32 v55, v0;
	v18 =	vsub.f32 $1.500000000e+00, v18;
	v6 =	vsub.f32 $1.500000000e+00, v6  }
0x168: {  	v1 =	vmul.f32 v57, v1;
	v7 =	vmul.f32 v16, v7  }
0x169: {  	v10 =	vmul.f32 v18, v10;
	v6 =	vmul.f32 v6, v13  }
0x16a: {  	v13 =	vmul.f32 v7, v59;
	v55 =	vmul.f32 v7, v44  }
0x16b: {  	v56 =	vmul.f32 v7, v56;
	v7 =	vmul.f32 v7, v58  }
0x16c: {  	v17 =	vsub.f32 $1.500000000e+00, v17;
	v57 =	vmul.f32 v10, v43;
	v58 =	vmul.f32 v10, v45  }
0x16d: {  	v59 =	vmul.f32 v10, v47;
	v9 =	vmul.f32 v10, v9;
	v10 =	vld [tilespmem:$0x1FFA0]  }
0x16e: {  	v11 =	vmul.f32 v17, v11;
	_ =	sdelay $0x1  }
0x16f: {  	v5 =	vmul.f32 v11, v5  }
0x170: {  	v18 =	vld [tilespmem:$0x1FF90]  }
0x171: {  	v20 =	vsub.f32 v22, v62;
	v5 =	vmul.f32 v5, v11;
	v10 =	vadd.f32 v26, v10  }
0x172: {  	v21 =	vsub.f32 v24, v60;
	v48 =	vld [tilespmem:$0x1FF70];
	v8 =	vmul.f32 v3, v8;
	v4 =	vmul.f32 v1, v4  }
0x173: {  	v37 =	vsub.f32 v37, v63;
	v5 =	vsub.f32 $1.500000000e+00, v5;
	[tilespmem:s13+$0x10] =	vst v10;
	v10 =	vld [tilespmem:$0x1FE30]  }
0x174: {  	v38 =	vsub.f32 v38, v63;
	v8 =	vmul.f32 v8, v3;
	v4 =	vmul.f32 v4, v1  }
0x175: {  	v14 =	vsub.f32 v49, v63;
	v5 =	vmul.f32 v5, v11;
	v18 =	vadd.f32 v25, v18  }
0x176: {  	v22 =	vld [tilespmem:$0x1FE20];
	v8 =	vsub.f32 $1.500000000e+00, v8;
	v4 =	vsub.f32 $1.500000000e+00, v4  }
0x177: {  	v2 =	vmul.f32 v0, v2;
	v16 =	vsub.f32 v36, v60;
	v15 =	vmul.f32 v5, v15;
	[tilespmem:s13+$0x0] =	vst v18;
	v18 =	vld [tilespmem:$0x1FFB0]  }
0x178: {  	v50 =	vld [tilespmem:$0x1FEB0];
	v54 =	vmul.f32 v8, v3;
	v1 =	vmul.f32 v4, v1;
	v10 =	vadd.f32 v10, v48  }
0x179: {  	v4 =	vsub.f32 v30, v60;
	v8 =	vsub.f32 v31, v60;
	v60 =	vmul.f32 v6, v14;
	v14 =	vld [tilespmem:$0x1FE50]  }
0x17a: {  	v17 =	vsub.f32 v52, v63;
	v40 =	vmul.f32 v5, v40;
	v41 =	vmul.f32 v5, v41;
	[tilespmem:s13+$0x30] =	vst v10;
	v10 =	vld [tilespmem:$0x1FFA0]  }
0x17b: {  	v63 =	vld [tilespmem:$0x1FF60];
	v5 =	vmul.f32 v5, v12;
	v12 =	vmul.f32 v6, v37  }
0x17c: {  	v38 =	vmul.f32 v6, v38;
	v6 =	vmul.f32 v6, v17;
	v17 =	vld [tilespmem:$0x1FE60];
	v18 =	vadd.f32 v22, v18  }
0x17d: {  	v2 =	vmul.f32 v2, v0;
	v22 =	vld [tilespmem:$0x1FE40]  }
0x17e: {  	[tilespmem:s13+$0x20] =	vst v18;
	v18 =	vld [tilespmem:$0x1FF90]  }
0x17f: {  	v2 =	vsub.f32 $1.500000000e+00, v2;
	v10 =	vadd.f32 v14, v10;
	v14 =	vld [tilespmem:$0x1FFB0]  }
0x180: {  	v51 =	vsub.f32 v35, v62;
	v35 =	vld [tilespmem:$0x1FE70]  }
0x181: {  	v52 =	vsub.f32 v46, v62;
	v49 =	vld [tilespmem:$0x1FFB0];
	v0 =	vmul.f32 v2, v0  }
0x182: {  	v19 =	vsub.f32 v34, v62;
	v62 =	vld [tilespmem:$0x1FF50];
	v11 =	vsub.f32 v39, v61  }
0x183: {  	v24 =	vmul.f32 v0, v51;
	v51 =	vld [tilespmem:$0x1FEC0];
	v18 =	vadd.f32 v22, v18  }
0x184: {  	v22 =	vmul.f32 v0, v20;
	v20 =	vmul.f32 v54, v11;
	v11 =	vld [tilespmem:$0x1FF90];
	v14 =	vadd.f32 v17, v14  }
0x185: {  	v32 =	vsub.f32 v32, v61;
	[tilespmem:s13+$0x50] =	vst v10;
	v10 =	vld [tilespmem:$0x1FF90]  }
0x186: {  	v33 =	vsub.f32 v33, v61;
	v3 =	vsub.f32 v23, v61;
	v46 =	vmul.f32 v0, v19;
	[tilespmem:s13+$0x60] =	vst v14;
	v14 =	vld [tilespmem:$0x1FE80]  }
0x187: {  	v23 =	vmul.f32 v54, v32;
	[tilespmem:s13+$0x40] =	vst v18;
	v18 =	vmul.f32 v1, v8;
	v8 =	vld [tilespmem:$0x1FEE0]  }
0x188: {  	v19 =	vmul.f32 v54, v33;
	v17 =	vmul.f32 v54, v3;
	v54 =	vld [tilespmem:$0x1FFB0]  }
0x189: {  	v28 =	vsub.f32 v28, v42;
	v37 =	vld [tilespmem:$0x1FFA0]  }
0x18a: {  	v29 =	vsub.f32 v29, v42;
	v34 =	vmul.f32 v1, v4;
	v32 =	vmul.f32 v1, v21;
	v3 =	vld [tilespmem:$0x1FEA0]  }
0x18b: {  	v47 =	vld [tilespmem:$0x1FE90];
	v10 =	vadd.f32 v14, v10;
	v14 =	vmul.f32 v1, v16;
	v1 =	vadd.f32 v51, v11  }
0x18c: {  	v27 =	vsub.f32 v27, v42;
	v61 =	vld [tilespmem:$0x1FF40]  }
0x18d: {  	v31 =	vmul.f32 v53, v28;
	v30 =	vmul.f32 v53, v29;
	[tilespmem:s13+$0xC0] =	vst v1;
	v1 =	vadd.f32 v8, v54;
	v8 =	vld [tilespmem:$0x1FF80]  }
0x18e: {  	v33 =	vmul.f32 v53, v27;
	v53 =	vld [tilespmem:$0x1FFA0];
	v25 =	vmul.f32 v0, v52;
	v0 =	vadd.f32 v35, v48  }
0x18f: {  	v2 =	vadd.f32 v3, v49;
	v3 =	vld [tilespmem:$0x1FED0]  }
0x190: {  	[tilespmem:s13+$0x70] =	vst v0;
	v0 =	vadd.f32 v47, v37;
	_ =	sdelay $0x1  }
0x191: {  	[tilespmem:s13+$0x90] =	vst v0;
	v0 =	vadd.f32 v50, v48;
	v7 =	vmul.f32 v7, v8;
	v8 =	vmul.f32 v57, v61;
	v57 =	vld [tilespmem:$0x1FF80]  }
0x192: {  	v4 =	vmul.f32 v56, v63;
	v56 =	vld [tilespmem:$0x1FFB0];
	v52 =	vmul.f32 v13, v61  }
0x193: {  	[tilespmem:s13+$0xB0] =	vst v0;
	v0 =	vadd.f32 v3, v53;
	v3 =	vmul.f32 v55, v62;
	v55 =	vld [tilespmem:$0x1FFA0]  }
0x194: {  	[tilespmem:s13+$0xA0] =	vst v2;
	v2 =	vadd.f32 v52, v11  }
0x195: {  	v21 =	vmul.f32 v60, v63;
	v60 =	vld [tilespmem:$0x1FFB0];
	[tilespmem:s13+$0x80] =	vst v10  }
0x196: {  	s10 =	sadd.s32 $0x8, s10;
	[tilespmem:s16+$0xFFFFFF00] =	vst v2;
	v26 =	vmul.f32 v9, v57;
	v9 =	vld [tilespmem:$0x1FF80]  }
0x197: {  	p0 =	slt.u32 s10, $0xF8;
	[tilespmem:s13+$0xE0] =	vst v1;
	v1 =	vadd.f32 v4, v56;
	v4 =	vld [tilespmem:$0x1FFA0]  }
.Ltmp2:
0x198: {  	v29 =	vmul.f32 v40, v62;
	v36 =	vmul.f32 v41, v63;
	[tilespmem:s13+$0xD0] =	vst v0;
	v0 =	vadd.f32 v3, v55;
	(pc) =	sbr.rel @p0 .LBB2_3-.Ltmp2, $4  }
0x199: {  	v10 =	vmul.f32 v59, v63;
	[tilespmem:s16+$0xFFFFFF20] =	vst v1;
	v3 =	vmul.f32 v58, v62;
	v58 =	vadd.f32 v7, v48  }
0x19a: {  	v37 =	vmul.f32 v15, v61;
	v15 =	vmul.f32 v12, v61;
	v59 =	vadd.f32 v8, v11;
	[tilespmem:s16+$0xFFFFFF10] =	vst v0  }
0x19b: {  	v16 =	vmul.f32 v38, v62;
	v38 =	vadd.f32 v10, v60;
	s13 =	smov.u32 s16;
	[tilespmem:s16+$0xFFFFFF30] =	vst v58;
	v35 =	vmul.f32 v5, v9  }
0x19c: {  	v10 =	vld [tilespmem:$0x1FFB0];
	v28 =	vadd.f32 v3, v4;
	[tilespmem:s13+$0xFFFFFF40] =	vst v59;
	s16 =	sadd.s32 $0x200, s16;
	v12 =	vmul.f32 v6, v9;
	v5 =	vmul.f32 v46, v61  }
0x19d: {  	v0 =	vadd.f32 v26, v48;
	[tilespmem:s13+$0xFFFFFF60] =	vst v38  }
0x19e: {  	v1 =	vadd.f32 v37, v11;
	[tilespmem:s13+$0xFFFFFF50] =	vst v28  }
0x19f: {  	v50 =	vadd.f32 v29, v4;
	[tilespmem:s13+$0xFFFFFF70] =	vst v0  }
0x1a0: {  	v52 =	vadd.f32 v35, v48;
	[tilespmem:s13+$0xFFFFFF80] =	vst v1  }
0x1a1: {  	v53 =	vadd.f32 v15, v11;
	[tilespmem:s13+$0xFFFFFF90] =	vst v50  }
0x1a2: {  	v54 =	vadd.f32 v16, v4;
	[tilespmem:s13+$0xFFFFFFB0] =	vst v52  }
0x1a3: {  	v56 =	vadd.f32 v12, v48;
	[tilespmem:s13+$0xFFFFFFC0] =	vst v53  }
0x1a4: {  	[tilespmem:s13+$0xFFFFFFD0] =	vst v54;
	v51 =	vadd.f32 v36, v10  }
0x1a5: {  	[tilespmem:s13+$0xFFFFFFF0] =	vst v56;
	v55 =	vadd.f32 v21, v10  }
0x1a6: {  	[tilespmem:s13+$0xFFFFFFA0] =	vst v51  }
0x1a7: {  	[tilespmem:s13+$0xFFFFFFE0] =	vst v55  }
0x1a8: {  	v0 =	vld [tilespmem:$0x1FFA0]  }
0x1a9: {  	v3 =	vmul.f32 v25, v63  }
0x1aa: {  	v4 =	vmul.f32 v22, v9;
	v57 =	vadd.f32 v5, v11  }
0x1ab: {  	v2 =	vmul.f32 v24, v62;
	v59 =	vadd.f32 v3, v10  }
0x1ac: {  	v60 =	vadd.f32 v4, v48;
	[tilespmem:s13+$0x0] =	vst v57  }
0x1ad: {  	[tilespmem:s13+$0x20] =	vst v59;
	v0 =	vadd.f32 v2, v0  }
0x1ae: {  	[tilespmem:s13+$0x30] =	vst v60  }
0x1af: {  	[tilespmem:s13+$0x10] =	vst v0  }
0x1b0: {  	v58 =	vmul.f32 v23, v61;
	v0 =	vld [tilespmem:$0x1FFA0]  }
0x1b1: {  	v4 =	vmul.f32 v20, v63  }
0x1b2: {  	v35 =	vadd.f32 v58, v11;
	v36 =	vmul.f32 v17, v9  }
0x1b3: {  	v3 =	vmul.f32 v19, v62;
	v37 =	vadd.f32 v4, v10  }
0x1b4: {  	v38 =	vadd.f32 v36, v48;
	[tilespmem:s13+$0x40] =	vst v35  }
0x1b5: {  	[tilespmem:s13+$0x60] =	vst v37;
	v0 =	vadd.f32 v3, v0  }
0x1b6: {  	[tilespmem:s13+$0x70] =	vst v38  }
0x1b7: {  	[tilespmem:s13+$0x50] =	vst v0  }
0x1b8: {  	v39 =	vmul.f32 v14, v63;
	v3 =	vmul.f32 v34, v61;
	v0 =	vld [tilespmem:$0x1FFA0];
	_ =	sdelay $0x1  }
0x1b9: {  	v41 =	vadd.f32 v39, v10;
	v40 =	vadd.f32 v3, v11;
	v3 =	vmul.f32 v32, v9  }
0x1ba: {  	v4 =	vmul.f32 v18, v62  }
0x1bb: {  	[tilespmem:s13+$0xA0] =	vst v41;
	v43 =	vadd.f32 v3, v48  }
0x1bc: {  	[tilespmem:s13+$0x80] =	vst v40;
	v0 =	vadd.f32 v4, v0  }
0x1bd: {  	[tilespmem:s13+$0xB0] =	vst v43  }
0x1be: {  	[tilespmem:s13+$0x90] =	vst v0  }
0x1bf: {  	v0 =	vld [tilespmem:$0x1FFA0]  }
0x1c0: {  	v3 =	vmul.f32 v30, v63  }
0x1c1: {  	v4 =	vmul.f32 v33, v61  }
0x1c2: {  	v42 =	vmul.f32 v31, v62;
	v45 =	vadd.f32 v3, v10  }
0x1c3: {  	s10 =	sshll.u32 s3, $0x10;
	v44 =	vadd.f32 v4, v11  }
0x1c4: {  	s7 =	sadd.s32 s8, s10;
	[tilespmem:s13+$0xE0] =	vst v45;
	v0 =	vadd.f32 v42, v0  }
0x1c5: {  	s7 =	sshrl.u32 s7, $0x3;
	[tilespmem:s13+$0xC0] =	vst v44  }
0x1c6: {  	p0 =	seq.s32 s3, $0x0;
	s7 =	sadd.s32 s4, s7;
	[tilespmem:s13+$0xD0] =	vst v0  }
0x1c7: {  	[hbm4b:s7+s5] =	stream.linear.scatter [tilespmem:s15], [sflag:$0x5], $0x4000, $0x38;
	[tilespmem:$0x16480] =	vst v63  }
0x1c8: {  	s16 =	sshll.u32 s3, $0x2;
	s7 =	simm.s32 @!p0 $0x7  }
0x1c9: {  	s13 =	sor.u32 $0x2, s16;
	_ =	swait.ge @!p0 [sflag:s7], $0x4000  }
0x1ca: {  	s17 =	sshll.u32 s13, $0x8;
	[sflag:s7] =	ssyncset.done @!p0 $0x0  }
0x1cb: {  	s19 =	sand.u32 $0x3FFFFF00, s17;
	[sflag:s7] =	ssyncadd.s32 @!p0 $0xFFFFC000  }
0x1cc: {  	[tilespmem:s22], [sflag:$0x3] =	stream.indirect.gather [hbm4b:s6+s14], $0x40, s19, s14, $0xb8;
	[tilespmem:$0x16480] =	vst v63  }
0x1cd: {  	s7 =	sor.u32 $0x80, s19  }
0x1ce: {  	[tilespmem:s23], [sflag:$0x3] =	stream.indirect.gather [hbm4b:s6+s14], $0x40, s7, s14, $0xb8;
	[tilespmem:$0x16480] =	vst v63  }
0x1cf: {  	_ =	swait.ge [sflag:s24], $0x4000  }
0x1d0: {  	[sflag:s24] =	ssyncset.done $0x0  }
0x1d1: {  	s17 =	simm.s32 $0xA400;
	[sflag:s24] =	ssyncadd.s32 $0xFFFFC000  }
0x1d2: {  	v46 =	vld [tilespmem:s17+$0x1D0];
	_ =	sdelay $0x4  }
0x1d3: {  	v14 =	vld [tilespmem:s17+$0x1C0];
	[tilespmem:$0x1FE00] =	vst v46  }
0x1d4: {  	v3 =	vld [tilespmem:s17+$0x1E0];
	_ =	sdelay $0x4  }
0x1d5: {  	v28 =	vld [tilespmem:s17+$0x10];
	[tilespmem:$0x1FE10] =	vst v3  }
0x1d6: {  	v27 =	vld [tilespmem:s17+$0x40]  }
0x1d7: {  	v15 =	vld [tilespmem:s17+$0x1F0]  }
0x1d8: {  	v26 =	vld [tilespmem:s17+$0x50]  }
0x1d9: {  	v25 =	vld [tilespmem:s17+$0x80]  }
0x1da: {  	v24 =	vld [tilespmem:s17+$0x90]  }
0x1db: {  	v20 =	vld [tilespmem:s17+$0xC0]  }
0x1dc: {  	v21 =	vld [tilespmem:s17+$0xD0]  }
0x1dd: {  	v18 =	vld [tilespmem:s17+$0x100]  }
0x1de: {  	v19 =	vld [tilespmem:s17+$0x140]  }
0x1df: {  	v48 =	vmul.f32 v14, v14;
	v2 =	vmul.f32 v46, v46;
	v23 =	vld [tilespmem:s17+$0x150]  }
0x1e0: {  	v47 =	vadd.f32 v46, v14;
	v16 =	vld [tilespmem:s17+$0x180]  }
0x1e1: {  	v1 =	vadd.f32 v2, v48;
	v49 =	vmul.f32 v3, v3;
	v5 =	vmul.f32 v28, v28;
	v17 =	vld [tilespmem:s17+$0x190]  }
0x1e2: {  	v58 =	vld [tilespmem:$0x1FFC0];
	v0 =	vadd.f32 v3, v47;
	v3 =	vmul.f32 v27, v27;
	v50 =	vmul.f32 v15, v15  }
0x1e3: {  	v39 =	vld [tilespmem:s17+$0x0];
	v1 =	vadd.f32 v49, v1;
	v4 =	vmul.f32 v26, v26;
	v7 =	vmul.f32 v25, v25  }
0x1e4: {  	v22 =	vld [tilespmem:s17+$0x110];
	v0 =	vadd.f32 v15, v0;
	v8 =	vmul.f32 v24, v24;
	v9 =	vmul.f32 v20, v20  }
0x1e5: {  	v40 =	vld [tilespmem:s17+$0x20];
	v6 =	vadd.f32 v26, v27;
	v10 =	vmul.f32 v21, v21;
	v11 =	vmul.f32 v18, v18  }
0x1e6: {  	v59 =	vld [tilespmem:$0x1FFD0];
	v30 =	vmul.f32 v19, v19;
	v31 =	vmul.f32 v23, v23;
	v38 =	vadd.f32 v17, v16  }
0x1e7: {  	v36 =	vld [tilespmem:s17+$0x60];
	v53 =	vmul.f32 v16, v16;
	v1 =	vadd.f32 v50, v1;
	v3 =	vadd.f32 v4, v3  }
0x1e8: {  	v60 =	vld [tilespmem:$0x1FFE0];
	v41 =	vmul.f32 v39, v39;
	v4 =	vadd.f32 v24, v25;
	v7 =	vadd.f32 v8, v7  }
0x1e9: {  	v34 =	vld [tilespmem:s17+$0xA0];
	v51 =	vperm.xlane v0, v58;
	v8 =	vadd.f32 v21, v20;
	v2 =	vadd.f32 v10, v9  }
0x1ea: {  	v33 =	vld [tilespmem:s17+$0xE0];
	v46 =	vmul.f32 v40, v40;
	v9 =	vadd.f32 v22, v18;
	v45 =	vadd.f32 v31, v30  }
0x1eb: {  	v32 =	vld [tilespmem:s17+$0x120];
	v10 =	vmul.f32 v22, v22;
	v30 =	vadd.f32 v28, v39;
	v0 =	vadd.f32 v51, v0  }
0x1ec: {  	v43 =	vld [tilespmem:s17+$0x70];
	v5 =	vadd.f32 v5, v41;
	v6 =	vadd.f32 v36, v6;
	v52 =	vperm.xlane v1, v58  }
0x1ed: {  	v56 =	vadd.f32 v10, v11;
	v11 =	vadd.f32 v23, v19;
	v29 =	vperm.xlane v0, v59  }
0x1ee: {  	v44 =	vld [tilespmem:s17+$0x30];
	v48 =	vmul.f32 v36, v36;
	v35 =	vadd.f32 v40, v30;
	v1 =	vadd.f32 v52, v1  }
0x1ef: {  	v49 =	vmul.f32 v34, v34;
	v4 =	vadd.f32 v34, v4;
	v0 =	vadd.f32 v29, v0  }
0x1f0: {  	v31 =	vld [tilespmem:s17+$0x160];
	v8 =	vadd.f32 v33, v8;
	v9 =	vadd.f32 v32, v9;
	v29 =	vperm.xlane v1, v59  }
0x1f1: {  	v41 =	vld [tilespmem:s17+$0xF0];
	v5 =	vadd.f32 v46, v5;
	v12 =	vadd.f32 v43, v6;
	v54 =	vperm.xlane v0, v60  }
0x1f2: {  	v3 =	vadd.f32 v48, v3;
	v42 =	vadd.f32 v29, v1;
	v29 =	vmul.f32 v17, v17;
	v1 =	vld [tilespmem:$0x1FFF0]  }
0x1f3: {  	v48 =	vmul.f32 v43, v43;
	v52 =	vadd.f32 v44, v35;
	v0 =	vadd.f32 v54, v0  }
0x1f4: {  	v55 =	vperm.xlane v42, v60;
	v47 =	vadd.f32 v29, v53;
	v29 =	vld [tilespmem:s17+$0x1A0];
	v54 =	vmul.f32 v44, v44  }
0x1f5: {  	v7 =	vadd.f32 v49, v7;
	v3 =	vadd.f32 v48, v3;
	v46 =	vmul.f32 v31, v31  }
0x1f6: {  	v50 =	vadd.f32 v55, v42;
	v42 =	vld [tilespmem:s17+$0xB0];
	v5 =	vadd.f32 v54, v5;
	v54 =	vperm.xlane v52, v58  }
0x1f7: {  	v35 =	vld [tilespmem:s17+$0x1B0];
	v11 =	vadd.f32 v31, v11;
	v8 =	vadd.f32 v41, v8;
	v30 =	vperm.xlane v0, v1  }
0x1f8: {  	v45 =	vadd.f32 v46, v45;
	v37 =	vperm.xlane v50, v1;
	v52 =	vadd.f32 v54, v52  }
0x1f9: {  	v54 =	vperm.xlane v5, v58;
	v0 =	vadd.f32 v30, v0;
	v51 =	vadd.f32 v29, v38  }
0x1fa: {  	v53 =	vmul.f32 v29, v29;
	v57 =	vadd.f32 v37, v50;
	v50 =	vmul.f32 v32, v32  }
0x1fb: {  	v38 =	vld [tilespmem:s17+$0x130];
	v5 =	vadd.f32 v54, v5;
	v30 =	vmul.f32 $1.562500000e-02, v0;
	v4 =	vadd.f32 v42, v4  }
0x1fc: {  	v37 =	vld [tilespmem:s17+$0x170];
	v49 =	vmul.f32 v42, v42;
	v47 =	vadd.f32 v53, v47;
	v53 =	vmul.f32 v35, v35  }
0x1fd: {  	v46 =	vadd.f32 v35, v51;
	v0 =	vmul.f32 $1.562500000e-02, v57;
	v57 =	vmul.f32 v30, v30  }
0x1fe: {  	v55 =	vmul.f32 v33, v33;
	v6 =	vadd.f32 v50, v56;
	v7 =	vadd.f32 v49, v7  }
0x1ff: {  	v48 =	vperm.xlane v12, v58;
	v47 =	vadd.f32 v53, v47;
	v0 =	vsub.f32 v0, v57  }
0x200: {  	v49 =	vperm.xlane v4, v58;
	v9 =	vadd.f32 v38, v9;
	v57 =	vadd.f32 v55, v2  }
0x201: {  	v53 =	vperm.xlane v46, v58;
	v11 =	vadd.f32 v37, v11;
	v0 =	vadd.f32 $9.999999740e-06, v0  }
0x202: {  	v56 =	vmul.f32 v37, v37;
	v4 =	vadd.f32 v49, v4;
	v49 =	vperm.xlane v7, v58  }
0x203: {  	v46 =	vadd.f32 v53, v46;
	v53 =	vperm.xlane v47, v58;
	v55 =	vshra.s32 v0, $0x1  }
0x204: {  	v10 =	vmul.f32 $5.000000000e-01, v0;
	v50 =	vsub.s32 $0x5F3759DF, v55;
	v55 =	vmul.f32 v38, v38  }
0x205: {  	v2 =	vmul.f32 v41, v41;
	v45 =	vadd.f32 v56, v45;
	v7 =	vadd.f32 v49, v7  }
0x206: {  	v47 =	vadd.f32 v53, v47;
	v0 =	vmul.f32 v50, v10;
	v13 =	vadd.f32 v55, v6  }
0x207: {  	v55 =	vperm.xlane v9, v58;
	v6 =	vadd.f32 v48, v12;
	v48 =	vperm.xlane v3, v58  }
0x208: {  	v51 =	vmul.f32 v50, v0;
	v0 =	vadd.f32 v2, v57;
	v2 =	vperm.xlane v8, v58  }
0x209: {  	v57 =	vperm.xlane v52, v59;
	v9 =	vadd.f32 v55, v9;
	v55 =	vperm.xlane v13, v58  }
0x20a: {  	v3 =	vadd.f32 v48, v3;
	v48 =	vperm.xlane v4, v59;
	v51 =	vsub.f32 $1.500000000e+00, v51  }
0x20b: {  	v54 =	vperm.xlane v6, v59;
	v2 =	vadd.f32 v2, v8;
	v52 =	vadd.f32 v57, v52  }
0x20c: {  	v53 =	vperm.xlane v3, v59;
	v4 =	vadd.f32 v48, v4;
	v48 =	vperm.xlane v7, v59  }
0x20d: {  	v6 =	vadd.f32 v54, v6;
	v50 =	vmul.f32 v50, v51;
	v51 =	vperm.xlane v11, v58  }
0x20e: {  	v3 =	vadd.f32 v53, v3;
	v53 =	vperm.xlane v4, v60;
	v7 =	vadd.f32 v48, v7  }
0x20f: {  	v49 =	vperm.xlane v2, v59;
	v56 =	vmul.f32 v50, v10;
	v11 =	vadd.f32 v51, v11  }
0x210: {  	v51 =	vperm.xlane v45, v58;
	v4 =	vadd.f32 v53, v4;
	v53 =	vperm.xlane v7, v60  }
0x211: {  	v2 =	vadd.f32 v49, v2;
	v8 =	vmul.f32 v56, v50;
	v56 =	vperm.xlane v0, v58  }
0x212: {  	v45 =	vadd.f32 v51, v45;
	v51 =	vperm.xlane v46, v59;
	v7 =	vadd.f32 v53, v7  }
0x213: {  	v48 =	vperm.xlane v2, v60;
	v8 =	vsub.f32 $1.500000000e+00, v8;
	v12 =	vadd.f32 v56, v0  }
0x214: {  	v56 =	vperm.xlane v5, v59;
	v54 =	vperm.xlane v45, v59;
	v46 =	vadd.f32 v51, v46  }
0x215: {  	v51 =	vperm.xlane v52, v60;
	v2 =	vadd.f32 v48, v2;
	v8 =	vmul.f32 v8, v50  }
0x216: {  	v50 =	vperm.xlane v9, v59;
	v49 =	vperm.xlane v12, v59;
	v5 =	vadd.f32 v56, v5  }
0x217: {  	v56 =	vperm.xlane v6, v60;
	v51 =	vadd.f32 v51, v52;
	v58 =	vmul.f32 v8, v10  }
0x218: {  	v10 =	vadd.f32 v55, v13;
	v55 =	vperm.xlane v11, v59;
	v9 =	vadd.f32 v50, v9  }
0x219: {  	v12 =	vadd.f32 v49, v12;
	v52 =	vperm.xlane v51, v1;
	v0 =	vmul.f32 v58, v8  }
0x21a: {  	v50 =	vperm.xlane v10, v59;
	v11 =	vadd.f32 v55, v11;
	v55 =	vperm.xlane v47, v59  }
0x21b: {  	v6 =	vadd.f32 v56, v6;
	v49 =	vperm.xlane v9, v60;
	v58 =	vperm.xlane v46, v60  }
0x21c: {  	v45 =	vadd.f32 v54, v45;
	v59 =	vperm.xlane v5, v60;
	v48 =	vperm.xlane v12, v60  }
0x21d: {  	v56 =	vperm.xlane v6, v1;
	v51 =	vadd.f32 v52, v51;
	v0 =	vsub.f32 $1.500000000e+00, v0  }
0x21e: {  	v10 =	vadd.f32 v50, v10;
	v57 =	vperm.xlane v11, v60;
	v47 =	vadd.f32 v55, v47  }
0x21f: {  	v55 =	vperm.xlane v3, v60;
	v9 =	vadd.f32 v49, v9;
	v50 =	vperm.xlane v45, v60  }
0x220: {  	v46 =	vadd.f32 v58, v46;
	v5 =	vadd.f32 v59, v5;
	v58 =	vperm.xlane v2, v1  }
0x221: {  	v12 =	vadd.f32 v48, v12;
	v6 =	vadd.f32 v56, v6;
	v49 =	vperm.xlane v10, v60  }
0x222: {  	v11 =	vadd.f32 v57, v11;
	v54 =	vperm.xlane v47, v60;
	v57 =	vperm.xlane v4, v1  }
0x223: {  	v3 =	vadd.f32 v55, v3;
	v59 =	vperm.xlane v9, v1;
	v60 =	vperm.xlane v46, v1  }
0x224: {  	v45 =	vadd.f32 v50, v45;
	v52 =	vperm.xlane v5, v1;
	v55 =	vperm.xlane v7, v1  }
0x225: {  	v2 =	vadd.f32 v58, v2;
	v53 =	vperm.xlane v12, v1;
	v58 =	vmul.f32 $1.562500000e-02, v51  }
0x226: {  	v51 =	vmul.f32 $1.562500000e-02, v6;
	v10 =	vadd.f32 v49, v10;
	v49 =	vperm.xlane v11, v1  }
0x227: {  	v47 =	vadd.f32 v54, v47;
	v54 =	vperm.xlane v3, v1;
	v4 =	vadd.f32 v57, v4  }
0x228: {  	v9 =	vadd.f32 v59, v9;
	v57 =	vperm.xlane v45, v1;
	v59 =	vadd.f32 v60, v46  }
0x229: {  	v5 =	vadd.f32 v52, v5;
	v6 =	vmul.f32 v58, v58;
	v56 =	vperm.xlane v10, v1  }
0x22a: {  	v11 =	vadd.f32 v49, v11;
	v60 =	vperm.xlane v47, v1;
	v3 =	vadd.f32 v54, v3  }
0x22b: {  	v50 =	vmul.f32 $1.562500000e-02, v4;
	v4 =	vadd.f32 v55, v7;
	v49 =	vmul.f32 $1.562500000e-02, v2  }
0x22c: {  	v54 =	vadd.f32 v53, v12;
	v48 =	vmul.f32 $1.562500000e-02, v9;
	v5 =	vmul.f32 $1.562500000e-02, v5  }
0x22d: {  	v7 =	vadd.f32 v57, v45;
	v9 =	vmul.f32 v51, v51;
	v45 =	vmul.f32 v0, v8  }
0x22e: {  	v46 =	vmul.f32 $1.562500000e-02, v11;
	v55 =	vadd.f32 v56, v10;
	v3 =	vmul.f32 $1.562500000e-02, v3  }
0x22f: {  	v10 =	vadd.f32 v60, v47;
	v4 =	vmul.f32 $1.562500000e-02, v4;
	v11 =	vmul.f32 v50, v50  }
0x230: {  	v5 =	vsub.f32 v5, v6;
	v1 =	vmul.f32 $1.562500000e-02, v54;
	v6 =	vmul.f32 v49, v49  }
0x231: {  	v47 =	vmul.f32 $1.562500000e-02, v59;
	v3 =	vsub.f32 v3, v9;
	v2 =	vmul.f32 $1.562500000e-02, v55  }
0x232: {  	v9 =	vmul.f32 v48, v48;
	v4 =	vsub.f32 v4, v11;
	v1 =	vsub.f32 v1, v6  }
0x233: {  	v6 =	vmul.f32 $1.562500000e-02, v7;
	v7 =	vmul.f32 v46, v46;
	v5 =	vadd.f32 $9.999999740e-06, v5  }
0x234: {  	v2 =	vsub.f32 v2, v9;
	v9 =	vmul.f32 $1.562500000e-02, v10;
	v10 =	vmul.f32 v47, v47  }
0x235: {  	v56 =	vsub.f32 v6, v7;
	v3 =	vadd.f32 $9.999999740e-06, v3;
	v7 =	vshra.s32 v5, $0x1  }
0x236: {  	v4 =	vadd.f32 $9.999999740e-06, v4;
	v1 =	vadd.f32 $9.999999740e-06, v1;
	v5 =	vmul.f32 $5.000000000e-01, v5  }
0x237: {  	v7 =	vsub.s32 $0x5F3759DF, v7;
	v6 =	vsub.f32 v9, v10;
	v2 =	vadd.f32 $9.999999740e-06, v2  }
0x238: {  	v0 =	vadd.f32 $9.999999740e-06, v56;
	v8 =	vshra.s32 v3, $0x1;
	v3 =	vmul.f32 $5.000000000e-01, v3  }
0x239: {  	v9 =	vshra.s32 v4, $0x1;
	v4 =	vmul.f32 $5.000000000e-01, v4;
	v10 =	vshra.s32 v1, $0x1  }
0x23a: {  	v1 =	vmul.f32 $5.000000000e-01, v1;
	v59 =	vmul.f32 v7, v5;
	v8 =	vsub.s32 $0x5F3759DF, v8  }
0x23b: {  	v9 =	vsub.s32 $0x5F3759DF, v9;
	v10 =	vsub.s32 $0x5F3759DF, v10;
	v11 =	vshra.s32 v2, $0x1  }
0x23c: {  	v2 =	vmul.f32 $5.000000000e-01, v2;
	v57 =	vshra.s32 v0, $0x1;
	v0 =	vmul.f32 $5.000000000e-01, v0  }
0x23d: {  	v6 =	vadd.f32 $9.999999740e-06, v6;
	v60 =	vmul.f32 v8, v3;
	v54 =	vmul.f32 v7, v59  }
0x23e: {  	v56 =	vmul.f32 v9, v4;
	v11 =	vsub.s32 $0x5F3759DF, v11;
	v52 =	vsub.s32 $0x5F3759DF, v57  }
0x23f: {  	v57 =	vmul.f32 v10, v1;
	v53 =	vshra.s32 v6, $0x1;
	v55 =	vmul.f32 v8, v60  }
0x240: {  	v6 =	vmul.f32 $5.000000000e-01, v6;
	v54 =	vsub.f32 $1.500000000e+00, v54;
	v59 =	vmul.f32 v11, v2  }
0x241: {  	v60 =	vmul.f32 v52, v0;
	v56 =	vmul.f32 v9, v56;
	v55 =	vsub.f32 $1.500000000e+00, v55  }
0x242: {  	v53 =	vsub.s32 $0x5F3759DF, v53;
	v57 =	vmul.f32 v10, v57;
	v7 =	vmul.f32 v7, v54  }
0x243: {  	v54 =	vmul.f32 v53, v6;
	v56 =	vsub.f32 $1.500000000e+00, v56;
	v8 =	vmul.f32 v8, v55  }
0x244: {  	v57 =	vsub.f32 $1.500000000e+00, v57;
	v55 =	vmul.f32 v11, v59;
	v59 =	vmul.f32 v52, v60  }
0x245: {  	v54 =	vmul.f32 v53, v54;
	v9 =	vmul.f32 v9, v56  }
0x246: {  	v15 =	vsub.f32 v15, v30;
	v56 =	vmul.f32 v7, v5;
	v10 =	vmul.f32 v10, v57  }
0x247: {  	v55 =	vsub.f32 $1.500000000e+00, v55;
	v60 =	vmul.f32 v8, v3;
	v59 =	vsub.f32 $1.500000000e+00, v59  }
0x248: {  	v54 =	vsub.f32 $1.500000000e+00, v54;
	v56 =	vmul.f32 v56, v7;
	v57 =	vmul.f32 v10, v1  }
0x249: {  	v39 =	vsub.f32 v39, v58;
	v11 =	vmul.f32 v11, v55;
	v55 =	vmul.f32 v60, v8  }
0x24a: {  	v52 =	vmul.f32 v52, v59;
	v53 =	vmul.f32 v53, v54;
	v60 =	vsub.f32 $1.500000000e+00, v56  }
0x24b: {  	v20 =	vsub.f32 v20, v49;
	v56 =	vmul.f32 v9, v4;
	v57 =	vmul.f32 v57, v10  }
0x24c: {  	v55 =	vsub.f32 $1.500000000e+00, v55;
	v59 =	vmul.f32 v11, v2;
	v7 =	vmul.f32 v60, v7  }
0x24d: {  	v21 =	vsub.f32 v21, v49;
	v54 =	vmul.f32 v52, v0;
	v56 =	vmul.f32 v56, v9  }
0x24e: {  	v60 =	vmul.f32 v53, v6;
	v57 =	vsub.f32 $1.500000000e+00, v57;
	v8 =	vmul.f32 v55, v8  }
0x24f: {  	v59 =	vmul.f32 v59, v11;
	v54 =	vmul.f32 v54, v52;
	v56 =	vsub.f32 $1.500000000e+00, v56  }
0x250: {  	v18 =	vsub.f32 v18, v48;
	v5 =	vmul.f32 v7, v5;
	v55 =	vmul.f32 v60, v53  }
0x251: {  	v10 =	vmul.f32 v57, v10;
	v59 =	vsub.f32 $1.500000000e+00, v59;
	v9 =	vmul.f32 v56, v9  }
0x252: {  	v54 =	vsub.f32 $1.500000000e+00, v54;
	v5 =	vmul.f32 v5, v7;
	v3 =	vmul.f32 v8, v3  }
0x253: {  	v55 =	vsub.f32 $1.500000000e+00, v55;
	v56 =	vmul.f32 v45, v15;
	v1 =	vmul.f32 v10, v1  }
0x254: {  	v32 =	vsub.f32 v32, v48;
	v11 =	vmul.f32 v59, v11;
	v52 =	vmul.f32 v54, v52  }
0x255: {  	v5 =	vsub.f32 $1.500000000e+00, v5;
	v53 =	vmul.f32 v55, v53;
	v4 =	vmul.f32 v9, v4  }
0x256: {  	v29 =	vsub.f32 v29, v47;
	v3 =	vmul.f32 v3, v8;
	v1 =	vmul.f32 v1, v10  }
0x257: {  	v55 =	vsub.f32 v16, v47;
	v5 =	vmul.f32 v5, v7;
	v2 =	vmul.f32 v11, v2  }
0x258: {  	v16 =	vsub.f32 v17, v47;
	v0 =	vmul.f32 v52, v0;
	v4 =	vmul.f32 v4, v9  }
0x259: {  	v6 =	vmul.f32 v53, v6;
	v3 =	vsub.f32 $1.500000000e+00, v3;
	v1 =	vsub.f32 $1.500000000e+00, v1  }
0x25a: {  	v2 =	vmul.f32 v2, v11;
	v0 =	vmul.f32 v0, v52;
	v4 =	vsub.f32 $1.500000000e+00, v4  }
0x25b: {  	v6 =	vmul.f32 v6, v53;
	v3 =	vmul.f32 v3, v8;
	v8 =	vsub.f32 v25, v50  }
0x25c: {  	v1 =	vmul.f32 v1, v10;
	v10 =	vsub.f32 v34, v50;
	v2 =	vsub.f32 $1.500000000e+00, v2  }
0x25d: {  	v0 =	vsub.f32 $1.500000000e+00, v0;
	v4 =	vmul.f32 v4, v9;
	v6 =	vsub.f32 $1.500000000e+00, v6  }
0x25e: {  	v9 =	vsub.f32 v24, v50;
	v21 =	vmul.f32 v1, v21;
	v2 =	vmul.f32 v2, v11  }
0x25f: {  	v24 =	vsub.f32 v33, v49;
	v0 =	vmul.f32 v0, v52;
	v6 =	vmul.f32 v6, v53  }
0x260: {  	v11 =	vsub.f32 v42, v50;
	v8 =	vmul.f32 v4, v8;
	v9 =	vmul.f32 v4, v9  }
0x261: {  	v25 =	vsub.f32 v41, v49;
	v10 =	vmul.f32 v4, v10;
	v52 =	vmul.f32 v1, v20  }
0x262: {  	v12 =	vld [tilespmem:$0x1FE10];
	v53 =	vmul.f32 v1, v24;
	v4 =	vmul.f32 v4, v11;
	v11 =	vsub.f32 v19, v46  }
0x263: {  	v1 =	vmul.f32 v1, v25;
	v19 =	vsub.f32 v23, v46;
	v54 =	vmul.f32 v2, v18  }
0x264: {  	v57 =	vld [tilespmem:$0x1FE00];
	v25 =	vmul.f32 v2, v32;
	v23 =	vmul.f32 v0, v11;
	v11 =	vsub.f32 v35, v47  }
0x265: {  	v22 =	vsub.f32 v22, v48;
	v34 =	vmul.f32 v6, v55;
	v18 =	vmul.f32 v6, v16  }
0x266: {  	v15 =	vsub.f32 v14, v30;
	v14 =	vmul.f32 v6, v29;
	v32 =	vmul.f32 v6, v11;
	v6 =	vld [tilespmem:$0x1FF80]  }
0x267: {  	v12 =	vsub.f32 v12, v30;
	v60 =	vsub.f32 v38, v48;
	v39 =	vmul.f32 v5, v39  }
0x268: {  	v48 =	vld [tilespmem:$0x1FF70];
	v20 =	vsub.f32 v31, v46;
	v31 =	vsub.f32 v37, v46;
	v24 =	vmul.f32 v2, v22  }
0x269: {  	v22 =	vmul.f32 v2, v60;
	v2 =	vsub.f32 v57, v30;
	v30 =	vmul.f32 v45, v12;
	v12 =	vld [tilespmem:$0x1FF90]  }
0x26a: {  	v20 =	vmul.f32 v0, v20;
	v17 =	vmul.f32 v0, v31  }
0x26b: {  	v28 =	vsub.f32 v28, v58;
	v19 =	vmul.f32 v0, v19;
	v0 =	vmul.f32 v56, v6  }
0x26c: {  	v40 =	vsub.f32 v40, v58;
	v44 =	vsub.f32 v44, v58;
	v58 =	vmul.f32 v39, v61  }
0x26d: {  	v0 =	vadd.f32 v0, v48  }
0x26e: {  	v31 =	vmul.f32 v45, v2;
	v2 =	vadd.f32 v58, v12  }
0x26f: {  	v12 =	vld [tilespmem:$0x1FF80];
	[tilespmem:s17+$0x1F0] =	vst v0  }
0x270: {  	v0 =	vld [tilespmem:$0x1FFA0];
	[tilespmem:s17+$0x0] =	vst v2  }
0x271: {  	v2 =	vld [tilespmem:$0x1FFB0]  }
0x272: {  	v40 =	vmul.f32 v5, v40;
	_ =	sdelay $0x1  }
0x273: {  	v11 =	vmul.f32 v40, v63  }
0x274: {  	v26 =	vsub.f32 v26, v51;
	v28 =	vmul.f32 v5, v28  }
0x275: {  	v7 =	vsub.f32 v27, v51;
	v2 =	vadd.f32 v11, v2;
	v11 =	vld [tilespmem:$0x1FF80]  }
0x276: {  	v59 =	vsub.f32 v43, v51;
	v27 =	vsub.f32 v36, v51;
	v6 =	vmul.f32 v28, v62  }
0x277: {  	v7 =	vmul.f32 v3, v7;
	v26 =	vmul.f32 v3, v26  }
0x278: {  	v27 =	vmul.f32 v3, v27;
	v3 =	vmul.f32 v3, v59;
	v0 =	vadd.f32 v6, v0;
	_ =	sdelay $0x1  }
0x279: {  	v6 =	vmul.f32 v26, v62;
	v26 =	vmul.f32 v3, v11;
	v11 =	vld [tilespmem:$0x1FF90];
	[tilespmem:s17+$0x10] =	vst v0  }
0x27a: {  	v37 =	vmul.f32 v8, v61;
	v8 =	vld [tilespmem:$0x1FF80];
	_ =	sdelay $0x2  }
0x27b: {  	v5 =	vmul.f32 v5, v44  }
0x27c: {  	v29 =	vmul.f32 v9, v62;
	v9 =	vld [tilespmem:$0x1FFB0];
	[tilespmem:s17+$0x20] =	vst v2  }
0x27d: {  	v5 =	vmul.f32 v5, v12;
	v35 =	vmul.f32 v4, v8;
	v4 =	vld [tilespmem:$0x1FFA0]  }
0x27e: {  	v33 =	vmul.f32 v45, v15;
	v7 =	vmul.f32 v7, v61  }
0x27f: {  	v36 =	vmul.f32 v10, v63;
	v15 =	vmul.f32 v52, v61;
	v59 =	vadd.f32 v5, v48  }
0x280: {  	v16 =	vmul.f32 v21, v62;
	v12 =	vmul.f32 v27, v63;
	v60 =	vadd.f32 v7, v11  }
0x281: {  	v21 =	vmul.f32 v53, v63;
	v5 =	vmul.f32 v54, v61;
	[tilespmem:s17+$0x30] =	vst v59  }
0x282: {  	s19 =	simm.s32 $0x0;
	s7 =	simm.s32 $0xA600;
	v38 =	vadd.f32 v12, v9;
	v12 =	vmul.f32 v1, v8;
	[tilespmem:s17+$0x40] =	vst v60;
	v28 =	vadd.f32 v6, v4  }
.LBB2_5:
0x283: {  	v27 =	vld [tilespmem:s7+$0x1C0]  }
0x284: {  	v44 =	vld [tilespmem:s7+$0x10]  }
0x285: {  	v57 =	vld [tilespmem:$0x1FFA0]  }
0x286: {  	v1 =	vmul.f32 v24, v62;
	v49 =	vmul.f32 v34, v61;
	v34 =	vld [tilespmem:s7+$0x100];
	[tilespmem:s17+$0x50] =	vst v28  }
0x287: {  	v60 =	vmul.f32 v25, v63;
	v45 =	vmul.f32 v20, v63;
	v20 =	vld [tilespmem:$0x1FFC0];
	[tilespmem:s17+$0x60] =	vst v38  }
0x288: {  	v2 =	vmul.f32 v22, v8;
	v54 =	vmul.f32 v32, v8;
	v32 =	vld [tilespmem:s7+$0x140];
	[tilespmem:$0x1FD20] =	vst v1  }
0x289: {  	v0 =	vadd.f32 v26, v48;
	v24 =	vld [tilespmem:s7+$0x1B0];
	[tilespmem:$0x1FD30] =	vst v60  }
0x28a: {  	v43 =	vmul.f32 v19, v62;
	v28 =	vld [tilespmem:s7+$0x1D0];
	[tilespmem:$0x1FD40] =	vst v2  }
0x28b: {  	v39 =	vadd.f32 v29, v4;
	v29 =	vld [tilespmem:s7+$0x1E0];
	[tilespmem:s17+$0x70] =	vst v0  }
0x28c: {  	v55 =	vmul.f32 v33, v61;
	v33 =	vld [tilespmem:s7+$0x150];
	[tilespmem:$0x1FD60] =	vst v43  }
0x28d: {  	v37 =	vadd.f32 v37, v11;
	v6 =	vmul.f32 v31, v62;
	v31 =	vld [tilespmem:s7+$0x190];
	[tilespmem:$0x1FD70] =	vst v45  }
0x28e: {  	v47 =	vmul.f32 v17, v8;
	v60 =	vld [tilespmem:s7+$0x1F0];
	[tilespmem:$0x1FDC0] =	vst v54  }
0x28f: {  	v51 =	vmul.f32 v18, v62;
	v52 =	vmul.f32 v14, v63;
	[tilespmem:s17+$0x80] =	vst v37;
	v43 =	vld [tilespmem:s7+$0x40]  }
0x290: {  	v38 =	vmul.f32 v23, v61;
	v50 =	vadd.f32 v35, v48;
	v53 =	vadd.f32 v15, v11;
	[tilespmem:s17+$0x90] =	vst v39;
	v45 =	vld [tilespmem:s7+$0x50]  }
0x291: {  	v26 =	vmov v5;
	v59 =	vadd.f32 v12, v48;
	[tilespmem:$0x1FDE0] =	vst v6;
	v6 =	vmul.f32 v30, v63;
	v30 =	vld [tilespmem:s7+$0x180]  }
0x292: {  	[tilespmem:s17+$0xC0] =	vst v53;
	v54 =	vld [tilespmem:s7+$0x60];
	v46 =	vadd.f32 v36, v9;
	v58 =	vadd.f32 v21, v9;
	v3 =	vmul.f32 v27, v27  }
0x293: {  	[tilespmem:s17+$0xB0] =	vst v50;
	v37 =	vld [tilespmem:s7+$0xC0];
	v0 =	vmul.f32 v44, v44;
	v11 =	vmul.f32 v34, v34;
	v56 =	vadd.f32 v28, v27  }
0x294: {  	v36 =	vld [tilespmem:s7+$0x1A0];
	v1 =	vadd.f32 v16, v57;
	v62 =	vmul.f32 v32, v32;
	[tilespmem:s17+$0xA0] =	vst v46;
	v4 =	vmul.f32 v28, v28  }
0x295: {  	[tilespmem:$0x1FD50] =	vst v38;
	v39 =	vmul.f32 v33, v33;
	v57 =	vmul.f32 v31, v31;
	v40 =	vld [tilespmem:s7+$0x80];
	v2 =	vadd.f32 v29, v56  }
0x296: {  	v41 =	vld [tilespmem:s7+$0x90];
	[tilespmem:s17+$0xD0] =	vst v1;
	v3 =	vadd.f32 v4, v3;
	v4 =	vmul.f32 v29, v29;
	v5 =	vmul.f32 v43, v43  }
0x297: {  	[tilespmem:$0x1FDF0] =	vst v6;
	v38 =	vld [tilespmem:s7+$0xD0];
	v6 =	vadd.f32 v45, v43;
	v7 =	vmul.f32 v45, v45;
	v42 =	vmul.f32 v30, v30  }
0x298: {  	[tilespmem:s17+$0xF0] =	vst v59;
	v59 =	vld [tilespmem:s7+$0x0];
	v48 =	vadd.f32 v31, v30;
	v61 =	vmul.f32 v37, v37;
	v2 =	vadd.f32 v60, v2  }
0x299: {  	v21 =	vld [tilespmem:$0x1FFD0];
	v3 =	vadd.f32 v4, v3;
	v4 =	vmul.f32 v60, v60;
	v18 =	vadd.f32 v7, v5  }
0x29a: {  	[tilespmem:$0x1FDA0] =	vst v51;
	v51 =	vld [tilespmem:s7+$0xA0];
	v6 =	vadd.f32 v54, v6;
	v19 =	vadd.f32 v36, v48;
	v8 =	vmul.f32 v40, v40  }
0x29b: {  	[tilespmem:$0x1FD90] =	vst v49;
	v3 =	vadd.f32 v4, v3;
	v4 =	vperm.xlane v2, v20;
	v7 =	vadd.f32 v41, v40  }
0x29c: {  	v35 =	vld [tilespmem:s7+$0x110];
	[tilespmem:s17+$0xE0] =	vst v58;
	v9 =	vmul.f32 v41, v41;
	v19 =	vadd.f32 v24, v19;
	v10 =	vmul.f32 v38, v38  }
0x29d: {  	[tilespmem:$0x1FDB0] =	vst v52;
	v49 =	vld [tilespmem:s7+$0xE0];
	v50 =	vadd.f32 v44, v59;
	v52 =	vmul.f32 v59, v59;
	v2 =	vadd.f32 v4, v2  }
0x29e: {  	v56 =	vld [tilespmem:s7+$0x20];
	v4 =	vperm.xlane v3, v20;
	v17 =	vadd.f32 v9, v8;
	v9 =	vadd.f32 v38, v37  }
0x29f: {  	v7 =	vadd.f32 v51, v7;
	v16 =	vadd.f32 v10, v61;
	v12 =	vperm.xlane v2, v21  }
0x2a0: {  	v46 =	vld [tilespmem:s7+$0x120];
	v13 =	vmul.f32 v51, v51;
	v61 =	vadd.f32 v57, v42;
	v3 =	vadd.f32 v4, v3  }
0x2a1: {  	v10 =	vmul.f32 v35, v35;
	v15 =	vadd.f32 v0, v52;
	v63 =	vadd.f32 v12, v2;
	v2 =	vld [tilespmem:$0x1FFE0]  }
0x2a2: {  	v5 =	vld [tilespmem:$0x1FFF0];
	v4 =	vadd.f32 v35, v34;
	v9 =	vadd.f32 v49, v9;
	v12 =	vperm.xlane v3, v21  }
0x2a3: {  	v53 =	vmul.f32 v56, v56;
	v57 =	vld [tilespmem:s7+$0x70];
	v13 =	vadd.f32 v13, v17;
	v14 =	vadd.f32 v10, v11  }
0x2a4: {  	v3 =	vadd.f32 v12, v3;
	v12 =	vadd.f32 v39, v62;
	v39 =	vld [tilespmem:s7+$0x160]  }
0x2a5: {  	v52 =	vld [tilespmem:s7+$0xF0];
	v11 =	vadd.f32 v33, v32;
	v53 =	vadd.f32 v53, v15;
	v15 =	vmul.f32 v36, v36  }
0x2a6: {  	[tilespmem:$0x1FD80] =	vst v47;
	v48 =	vld [tilespmem:s7+$0x170];
	v10 =	vadd.f32 v46, v4;
	v47 =	vperm.xlane v63, v2;
	v58 =	vperm.xlane v3, v2  }
0x2a7: {  	v15 =	vadd.f32 v15, v61;
	v62 =	vadd.f32 v56, v50  }
0x2a8: {  	v1 =	vadd.f32 v47, v63;
	v3 =	vadd.f32 v58, v3;
	v58 =	vld [tilespmem:s7+$0x30]  }
0x2a9: {  	v6 =	vadd.f32 v57, v6;
	v11 =	vadd.f32 v39, v11;
	v4 =	vmul.f32 v39, v39  }
0x2aa: {  	[tilespmem:$0x1FDD0] =	vst v55;
	v9 =	vadd.f32 v52, v9;
	v55 =	vperm.xlane v1, v5;
	v47 =	vperm.xlane v3, v5  }
0x2ab: {  	v63 =	vmul.f32 v54, v54;
	v11 =	vadd.f32 v48, v11;
	v4 =	vadd.f32 v4, v12  }
0x2ac: {  	v50 =	vadd.f32 v55, v1;
	v55 =	vld [tilespmem:s7+$0xB0];
	v0 =	vadd.f32 v47, v3;
	v3 =	vmul.f32 v49, v49  }
0x2ad: {  	v47 =	vmul.f32 v46, v46;
	v62 =	vadd.f32 v58, v62;
	v8 =	vmul.f32 v58, v58  }
0x2ae: {  	v42 =	vmul.f32 $1.562500000e-02, v50;
	v1 =	vmul.f32 $1.562500000e-02, v0;
	v3 =	vadd.f32 v3, v16  }
0x2af: {  	v16 =	vmul.f32 v52, v52;
	v8 =	vadd.f32 v8, v53;
	v53 =	vmul.f32 v24, v24  }
0x2b0: {  	v50 =	vld [tilespmem:s7+$0x130];
	v14 =	vadd.f32 v47, v14;
	v61 =	vperm.xlane v62, v20;
	v0 =	vmul.f32 v42, v42  }
0x2b1: {  	v3 =	vadd.f32 v16, v3;
	v16 =	vperm.xlane v9, v20;
	v7 =	vadd.f32 v55, v7  }
0x2b2: {  	v17 =	vmul.f32 v55, v55;
	v23 =	vadd.f32 v53, v15;
	v0 =	vsub.f32 v1, v0  }
0x2b3: {  	v53 =	vadd.f32 v61, v62;
	v61 =	vperm.xlane v8, v20;
	v1 =	vadd.f32 v63, v18  }
0x2b4: {  	v18 =	vmul.f32 v57, v57;
	v9 =	vadd.f32 v16, v9;
	v0 =	vadd.f32 $9.999999740e-06, v0  }
0x2b5: {  	v62 =	vperm.xlane v3, v20;
	v10 =	vadd.f32 v50, v10;
	v13 =	vadd.f32 v17, v13  }
0x2b6: {  	v17 =	vperm.xlane v7, v20;
	v63 =	vshra.s32 v0, $0x1;
	v25 =	vmul.f32 $5.000000000e-01, v0  }
0x2b7: {  	v15 =	vperm.xlane v53, v21;
	v1 =	vadd.f32 v18, v1;
	v47 =	vsub.s32 $0x5F3759DF, v63  }
0x2b8: {  	v7 =	vadd.f32 v17, v7;
	v17 =	vperm.xlane v13, v20;
	v12 =	vmul.f32 v47, v25  }
0x2b9: {  	v18 =	vperm.xlane v6, v20;
	v3 =	vadd.f32 v62, v3;
	v63 =	vmul.f32 v50, v50  }
0x2ba: {  	v13 =	vadd.f32 v17, v13;
	v17 =	vperm.xlane v9, v21;
	v12 =	vmul.f32 v47, v12  }
0x2bb: {  	v6 =	vadd.f32 v18, v6;
	v14 =	vadd.f32 v63, v14;
	v63 =	vperm.xlane v10, v20  }
0x2bc: {  	v0 =	vmul.f32 v48, v48;
	v9 =	vadd.f32 v17, v9;
	v12 =	vsub.f32 $1.500000000e+00, v12  }
0x2bd: {  	v17 =	vperm.xlane v3, v21;
	v10 =	vadd.f32 v63, v10;
	v63 =	vperm.xlane v14, v20  }
0x2be: {  	v22 =	vadd.f32 v0, v4;
	v4 =	vmul.f32 v47, v12;
	v12 =	vperm.xlane v11, v20  }
0x2bf: {  	v18 =	vperm.xlane v1, v20;
	v3 =	vadd.f32 v17, v3;
	v47 =	vperm.xlane v19, v20  }
0x2c0: {  	v14 =	vadd.f32 v63, v14;
	v0 =	vmul.f32 v4, v25;
	v11 =	vadd.f32 v12, v11  }
0x2c1: {  	v12 =	vperm.xlane v22, v20;
	v19 =	vadd.f32 v47, v19;
	v47 =	vperm.xlane v23, v20  }
0x2c2: {  	v20 =	vadd.f32 v18, v1;
	v18 =	vperm.xlane v10, v21;
	v16 =	vmul.f32 v0, v4  }
0x2c3: {  	v0 =	vadd.f32 v61, v8;
	v61 =	vperm.xlane v6, v21;
	v62 =	vperm.xlane v11, v21  }
0x2c4: {  	v22 =	vadd.f32 v12, v22;
	v12 =	vperm.xlane v19, v21;
	v16 =	vsub.f32 $1.500000000e+00, v16  }
0x2c5: {  	v8 =	vadd.f32 v15, v53;
	v15 =	vadd.f32 v47, v23;
	v47 =	vperm.xlane v20, v21  }
0x2c6: {  	v63 =	vperm.xlane v0, v21;
	v6 =	vadd.f32 v61, v6;
	v4 =	vmul.f32 v16, v4  }
0x2c7: {  	v61 =	vsub.f32 v60, v42;
	v11 =	vadd.f32 v62, v11;
	v16 =	vperm.xlane v7, v21  }
0x2c8: {  	v12 =	vadd.f32 v12, v19;
	v19 =	vperm.xlane v8, v2;
	v1 =	vmul.f32 v4, v25  }
0x2c9: {  	v60 =	vperm.xlane v15, v21;
	v7 =	vadd.f32 v16, v7;
	v16 =	vperm.xlane v13, v21  }
0x2ca: {  	v23 =	vadd.f32 v63, v0;
	v8 =	vadd.f32 v19, v8;
	v1 =	vmul.f32 v1, v4  }
0x2cb: {  	v63 =	vperm.xlane v7, v2;
	v13 =	vadd.f32 v16, v13;
	v16 =	vperm.xlane v9, v2  }
0x2cc: {  	v15 =	vadd.f32 v60, v15;
	v62 =	vperm.xlane v23, v2;
	v1 =	vsub.f32 $1.500000000e+00, v1  }
0x2cd: {  	v7 =	vadd.f32 v63, v7;
	v9 =	vadd.f32 v16, v9;
	v16 =	vperm.xlane v3, v2  }
0x2ce: {  	v53 =	vmul.f32 v1, v4;
	v4 =	vadd.f32 v18, v10;
	v10 =	vperm.xlane v14, v21  }
0x2cf: {  	v18 =	vperm.xlane v22, v21;
	v21 =	vadd.f32 v47, v20;
	v47 =	vperm.xlane v13, v2  }
0x2d0: {  	v63 =	vperm.xlane v9, v5;
	v3 =	vadd.f32 v16, v3;
	v1 =	vmul.f32 v53, v61  }
0x2d1: {  	v61 =	vperm.xlane v6, v2;
	v17 =	vperm.xlane v4, v2;
	v10 =	vadd.f32 v10, v14  }
0x2d2: {  	v20 =	vld [tilespmem:$0x1FF80];
	v14 =	vperm.xlane v11, v2;
	v0 =	vadd.f32 v18, v22;
	v18 =	vperm.xlane v12, v2  }
0x2d3: {  	v19 =	vperm.xlane v21, v2;
	v13 =	vadd.f32 v47, v13;
	v9 =	vadd.f32 v63, v9  }
0x2d4: {  	v47 =	vperm.xlane v3, v5;
	v6 =	vadd.f32 v61, v6;
	v4 =	vadd.f32 v17, v4  }
0x2d5: {  	v17 =	vperm.xlane v10, v2;
	v11 =	vadd.f32 v14, v11;
	v14 =	vperm.xlane v0, v2  }
0x2d6: {  	v12 =	vadd.f32 v18, v12;
	v18 =	vperm.xlane v8, v5;
	v63 =	vmul.f32 $1.562500000e-02, v9  }
0x2d7: {  	v3 =	vadd.f32 v47, v3;
	v1 =	vmul.f32 v1, v20;
	v20 =	vld [tilespmem:$0x1FF70];
	v60 =	vperm.xlane v6, v5  }
0x2d8: {  	v16 =	vperm.xlane v4, v5;
	v10 =	vadd.f32 v17, v10;
	v17 =	vperm.xlane v11, v5  }
0x2d9: {  	v0 =	vadd.f32 v14, v0;
	v14 =	vperm.xlane v12, v5;
	v8 =	vadd.f32 v18, v8  }
0x2da: {  	v3 =	vmul.f32 $1.562500000e-02, v3;
	v6 =	vadd.f32 v60, v6;
	v4 =	vadd.f32 v16, v4  }
0x2db: {  	v16 =	vperm.xlane v10, v5;
	v11 =	vadd.f32 v17, v11;
	v17 =	vperm.xlane v0, v5  }
0x2dc: {  	v8 =	vmul.f32 $1.562500000e-02, v8;
	v14 =	vadd.f32 v14, v12;
	v1 =	vadd.f32 v1, v20  }
0x2dd: {  	v20 =	vperm.xlane v15, v2;
	v2 =	vadd.f32 v19, v21;
	v19 =	vperm.xlane v7, v5  }
0x2de: {  	v6 =	vmul.f32 $1.562500000e-02, v6;
	v9 =	vadd.f32 v17, v0;
	v59 =	vsub.f32 v59, v8  }
0x2df: {  	v61 =	vmul.f32 $1.562500000e-02, v11;
	v44 =	vsub.f32 v44, v8;
	v56 =	vsub.f32 v56, v8  }
0x2e0: {  	v21 =	vmul.f32 $1.562500000e-02, v14;
	[tilespmem:s7+$0x1F0] =	vst v1;
	v1 =	vadd.f32 v62, v23;
	v20 =	vadd.f32 v20, v15  }
0x2e1: {  	v18 =	vperm.xlane v2, v5;
	v7 =	vadd.f32 v19, v7;
	v19 =	vperm.xlane v13, v5  }
0x2e2: {  	v62 =	vmul.f32 $1.562500000e-02, v4;
	v4 =	vadd.f32 v16, v10;
	v15 =	vperm.xlane v1, v5  }
0x2e3: {  	v10 =	vmul.f32 v8, v8;
	v11 =	vmul.f32 v6, v6;
	v2 =	vadd.f32 v18, v2  }
0x2e4: {  	v9 =	vmul.f32 $1.562500000e-02, v9;
	v60 =	vperm.xlane v20, v5;
	v1 =	vadd.f32 v15, v1  }
0x2e5: {  	v58 =	vsub.f32 v58, v8;
	v12 =	vmul.f32 $1.562500000e-02, v7;
	v2 =	vmul.f32 $1.562500000e-02, v2  }
0x2e6: {  	v7 =	vadd.f32 v19, v13;
	v4 =	vmul.f32 $1.562500000e-02, v4;
	v1 =	vmul.f32 $1.562500000e-02, v1  }
0x2e7: {  	v5 =	vadd.f32 v60, v20;
	v2 =	vsub.f32 v2, v11;
	v11 =	vmul.f32 v63, v63  }
0x2e8: {  	v7 =	vmul.f32 $1.562500000e-02, v7;
	v1 =	vsub.f32 v1, v10;
	v10 =	vmul.f32 v12, v12  }
0x2e9: {  	v3 =	vsub.f32 v3, v11;
	v11 =	vmul.f32 v61, v61;
	v2 =	vadd.f32 $9.999999740e-06, v2  }
0x2ea: {  	v5 =	vmul.f32 $1.562500000e-02, v5;
	v7 =	vsub.f32 v7, v10;
	v10 =	vmul.f32 v62, v62  }
0x2eb: {  	v1 =	vadd.f32 $9.999999740e-06, v1;
	v9 =	vsub.f32 v9, v11;
	v11 =	vshra.s32 v2, $0x1  }
0x2ec: {  	v3 =	vadd.f32 $9.999999740e-06, v3;
	v2 =	vmul.f32 $5.000000000e-01, v2;
	v11 =	vsub.s32 $0x5F3759DF, v11  }
0x2ed: {  	v4 =	vsub.f32 v4, v10;
	v10 =	vmul.f32 v21, v21;
	v7 =	vadd.f32 $9.999999740e-06, v7  }
0x2ee: {  	v20 =	vmul.f32 $5.000000000e-01, v1;
	v9 =	vadd.f32 $9.999999740e-06, v9;
	v14 =	vshra.s32 v3, $0x1  }
0x2ef: {  	v3 =	vmul.f32 $5.000000000e-01, v3;
	v19 =	vmul.f32 v11, v2;
	v14 =	vsub.s32 $0x5F3759DF, v14  }
0x2f0: {  	v5 =	vsub.f32 v5, v10;
	v10 =	vshra.s32 v1, $0x1;
	v13 =	vshra.s32 v7, $0x1  }
0x2f1: {  	v7 =	vmul.f32 $5.000000000e-01, v7;
	v16 =	vshra.s32 v9, $0x1;
	v9 =	vmul.f32 $5.000000000e-01, v9  }
0x2f2: {  	v4 =	vadd.f32 $9.999999740e-06, v4;
	v60 =	vmul.f32 v14, v3;
	v19 =	vmul.f32 v11, v19  }
0x2f3: {  	v10 =	vsub.s32 $0x5F3759DF, v10;
	v13 =	vsub.s32 $0x5F3759DF, v13;
	v16 =	vsub.s32 $0x5F3759DF, v16  }
0x2f4: {  	v15 =	vshra.s32 v4, $0x1;
	v4 =	vmul.f32 $5.000000000e-01, v4;
	v18 =	vmul.f32 v10, v20  }
0x2f5: {  	v5 =	vadd.f32 $9.999999740e-06, v5;
	v47 =	vmul.f32 v13, v7;
	v8 =	vmul.f32 v16, v9  }
0x2f6: {  	v60 =	vmul.f32 v14, v60;
	v19 =	vsub.f32 $1.500000000e+00, v19;
	v15 =	vsub.s32 $0x5F3759DF, v15  }
0x2f7: {  	v17 =	vshra.s32 v5, $0x1;
	v5 =	vmul.f32 $5.000000000e-01, v5;
	v0 =	vmul.f32 v15, v4  }
0x2f8: {  	v43 =	vsub.f32 v43, v6;
	v18 =	vmul.f32 v10, v18;
	v47 =	vmul.f32 v13, v47  }
0x2f9: {  	v45 =	vsub.f32 v45, v6;
	v8 =	vmul.f32 v16, v8;
	v11 =	vmul.f32 v11, v19  }
0x2fa: {  	v19 =	vsub.f32 v54, v6;
	v17 =	vsub.s32 $0x5F3759DF, v17;
	v18 =	vsub.f32 $1.500000000e+00, v18  }
0x2fb: {  	v1 =	vmul.f32 v17, v5;
	v0 =	vmul.f32 v15, v0;
	v47 =	vsub.f32 $1.500000000e+00, v47  }
0x2fc: {  	v8 =	vsub.f32 $1.500000000e+00, v8;
	v10 =	vmul.f32 v10, v18;
	v18 =	vsub.f32 $1.500000000e+00, v60  }
0x2fd: {  	v1 =	vmul.f32 v17, v1;
	v0 =	vsub.f32 $1.500000000e+00, v0;
	v13 =	vmul.f32 v13, v47  }
0x2fe: {  	v6 =	vsub.f32 v57, v6;
	v8 =	vmul.f32 v16, v8;
	v14 =	vmul.f32 v14, v18  }
0x2ff: {  	v1 =	vsub.f32 $1.500000000e+00, v1;
	v0 =	vmul.f32 v15, v0;
	v15 =	vmul.f32 v10, v20  }
0x300: {  	v16 =	vsub.f32 v40, v12;
	v18 =	vmul.f32 v13, v7;
	v57 =	vmul.f32 v8, v9  }
0x301: {  	v40 =	vsub.f32 v41, v12;
	v1 =	vmul.f32 v17, v1;
	v17 =	vmul.f32 v11, v2  }
0x302: {  	v41 =	vsub.f32 v51, v12;
	v47 =	vmul.f32 v14, v3;
	v51 =	vmul.f32 v0, v4  }
0x303: {  	v15 =	vmul.f32 v15, v10;
	v17 =	vmul.f32 v17, v11  }
0x304: {  	v12 =	vsub.f32 v55, v12;
	v18 =	vmul.f32 v18, v13;
	v54 =	vmul.f32 v57, v8  }
0x305: {  	v60 =	vmul.f32 v1, v5;
	v15 =	vsub.f32 $1.500000000e+00, v15;
	v17 =	vsub.f32 $1.500000000e+00, v17  }
0x306: {  	v47 =	vmul.f32 v47, v14;
	v51 =	vmul.f32 v51, v0;
	v18 =	vsub.f32 $1.500000000e+00, v18  }
0x307: {  	v10 =	vmul.f32 v15, v10;
	v11 =	vmul.f32 v17, v11;
	v17 =	vsub.f32 $1.500000000e+00, v54  }
0x308: {  	v55 =	vmul.f32 v60, v1;
	v15 =	vsub.f32 $1.500000000e+00, v47;
	v13 =	vmul.f32 v18, v13  }
0x309: {  	v47 =	vsub.f32 $1.500000000e+00, v51;
	v8 =	vmul.f32 v17, v8;
	v17 =	vmul.f32 v10, v20  }
0x30a: {  	v7 =	vmul.f32 v13, v7;
	v2 =	vmul.f32 v11, v2  }
0x30b: {  	v57 =	vsub.f32 $1.500000000e+00, v55;
	v0 =	vmul.f32 v47, v0;
	v17 =	vmul.f32 v17, v10  }
0x30c: {  	v7 =	vmul.f32 v7, v13;
	v2 =	vmul.f32 v2, v11  }
0x30d: {  	v1 =	vmul.f32 v57, v1;
	v17 =	vsub.f32 $1.500000000e+00, v17  }
0x30e: {  	v4 =	vmul.f32 v0, v4;
	v7 =	vsub.f32 $1.500000000e+00, v7;
	v2 =	vsub.f32 $1.500000000e+00, v2  }
0x30f: {  	v9 =	vmul.f32 v8, v9;
	v10 =	vmul.f32 v17, v10  }
0x310: {  	v7 =	vmul.f32 v7, v13;
	v2 =	vmul.f32 v2, v11  }
0x311: {  	v13 =	vmul.f32 v10, v59;
	v55 =	vmul.f32 v10, v44  }
0x312: {  	v56 =	vmul.f32 v10, v56;
	v10 =	vmul.f32 v10, v58  }
0x313: {  	v17 =	vld [tilespmem:$0x1FF90];
	v57 =	vmul.f32 v2, v43;
	v58 =	vmul.f32 v2, v45  }
0x314: {  	v59 =	vmul.f32 v2, v19;
	v2 =	vmul.f32 v2, v6;
	v6 =	vld [tilespmem:$0x1FFA0]  }
0x315: {  	v4 =	vmul.f32 v4, v0;
	v9 =	vmul.f32 v9, v8;
	v19 =	vld [tilespmem:$0x1FD20]  }
0x316: {  	v14 =	vmul.f32 v15, v14  }
0x317: {  	v4 =	vsub.f32 $1.500000000e+00, v4;
	v9 =	vsub.f32 $1.500000000e+00, v9  }
0x318: {  	v3 =	vmul.f32 v14, v3;
	v17 =	vadd.f32 v26, v17  }
0x319: {  	v0 =	vmul.f32 v4, v0;
	v4 =	vmul.f32 v9, v8;
	v8 =	vsub.f32 v48, v61;
	v48 =	vld [tilespmem:$0x1FF70]  }
0x31a: {  	v3 =	vmul.f32 v3, v14;
	v6 =	vadd.f32 v19, v6;
	[tilespmem:s17+$0x100] =	vst v17;
	v17 =	vld [tilespmem:$0x1FFB0]  }
0x31b: {  	v19 =	vld [tilespmem:$0x1FD30]  }
0x31c: {  	v3 =	vsub.f32 $1.500000000e+00, v3;
	[tilespmem:s17+$0x110] =	vst v6;
	v6 =	vld [tilespmem:$0x1FD40];
	_ =	sdelay $0x1  }
0x31d: {  	v15 =	vsub.f32 v49, v63;
	v3 =	vmul.f32 v3, v14;
	_ =	sdelay $0x1  }
0x31e: {  	v60 =	vmul.f32 v3, v15;
	v15 =	vld [tilespmem:$0x1FD60];
	v17 =	vadd.f32 v19, v17  }
0x31f: {  	v19 =	vld [tilespmem:$0x1FD50];
	v6 =	vadd.f32 v6, v48  }
0x320: {  	[tilespmem:s17+$0x120] =	vst v17;
	v17 =	vld [tilespmem:$0x1FF90]  }
0x321: {  	[tilespmem:s17+$0x130] =	vst v6;
	v6 =	vld [tilespmem:$0x1FFA0];
	_ =	sdelay $0x3  }
0x322: {  	v17 =	vadd.f32 v19, v17  }
0x323: {  	v6 =	vadd.f32 v15, v6;
	v15 =	vld [tilespmem:$0x1FFB0]  }
0x324: {  	v32 =	vsub.f32 v32, v61;
	v33 =	vsub.f32 v33, v61;
	v5 =	vmul.f32 v1, v5;
	[tilespmem:s17+$0x140] =	vst v17;
	v17 =	vld [tilespmem:$0x1FD70]  }
0x325: {  	v18 =	vsub.f32 v52, v63;
	v20 =	vsub.f32 v34, v62  }
0x326: {  	v52 =	vsub.f32 v46, v62;
	v5 =	vmul.f32 v5, v1;
	v11 =	vsub.f32 v39, v61  }
0x327: {  	v54 =	vsub.f32 v50, v62;
	v49 =	vld [tilespmem:$0x1FD80];
	v34 =	vsub.f32 v35, v62;
	v47 =	vmul.f32 v0, v20  }
0x328: {  	v50 =	vld [tilespmem:$0x1FFA0];
	v5 =	vsub.f32 $1.500000000e+00, v5;
	v23 =	vmul.f32 v4, v32;
	v20 =	vmul.f32 v4, v11  }
0x329: {  	v19 =	vmul.f32 v4, v33;
	v15 =	vadd.f32 v17, v15;
	v17 =	vmul.f32 v4, v8;
	v4 =	vld [tilespmem:$0x1FDA0]  }
0x32a: {  	v14 =	vsub.f32 v36, v21;
	v1 =	vmul.f32 v5, v1;
	v5 =	vsub.f32 v30, v21  }
0x32b: {  	v9 =	vsub.f32 v31, v21;
	v21 =	vsub.f32 v24, v21;
	v24 =	vmul.f32 v0, v34  }
0x32c: {  	v51 =	vld [tilespmem:$0x1FDC0];
	v25 =	vmul.f32 v0, v52;
	v22 =	vmul.f32 v0, v54;
	v0 =	vadd.f32 v49, v48  }
0x32d: {  	v34 =	vmul.f32 v1, v5;
	v5 =	vld [tilespmem:$0x1FDB0]  }
0x32e: {  	[tilespmem:s17+$0x170] =	vst v0;
	v0 =	vadd.f32 v4, v50;
	v4 =	vld [tilespmem:$0x1FFB0]  }
0x32f: {  	v62 =	vld [tilespmem:$0x1FF50]  }
0x330: {  	v61 =	vld [tilespmem:$0x1FF40]  }
0x331: {  	v52 =	vld [tilespmem:$0x1FDD0]  }
0x332: {  	v54 =	vld [tilespmem:$0x1FFA0]  }
0x333: {  	v4 =	vadd.f32 v5, v4;
	v5 =	vld [tilespmem:$0x1FDE0]  }
0x334: {  	v11 =	vld [tilespmem:$0x1FF90]  }
0x335: {  	v37 =	vsub.f32 v37, v63;
	[tilespmem:s17+$0x150] =	vst v6;
	v6 =	vld [tilespmem:$0x1FF90]  }
0x336: {  	v16 =	vmul.f32 v7, v16;
	v40 =	vmul.f32 v7, v40;
	v8 =	vld [tilespmem:$0x1FDF0];
	[tilespmem:s17+$0x190] =	vst v0;
	v0 =	vadd.f32 v51, v48  }
0x337: {  	v38 =	vsub.f32 v38, v63;
	v41 =	vmul.f32 v7, v41;
	v7 =	vmul.f32 v7, v12;
	[tilespmem:s17+$0x160] =	vst v15;
	v15 =	vld [tilespmem:$0x1FD90]  }
0x338: {  	v12 =	vmul.f32 v3, v37;
	[tilespmem:s17+$0x1B0] =	vst v0;
	v0 =	vadd.f32 v5, v54;
	v5 =	vmul.f32 v55, v62;
	v55 =	vld [tilespmem:$0x1FFB0]  }
0x339: {  	v38 =	vmul.f32 v3, v38;
	v3 =	vmul.f32 v3, v18  }
0x33a: {  	v63 =	vld [tilespmem:$0x1FF60];
	v18 =	vmul.f32 v1, v9;
	[tilespmem:s17+$0x1A0] =	vst v4;
	v4 =	vmul.f32 v13, v61  }
0x33b: {  	v14 =	vmul.f32 v1, v14;
	v32 =	vmul.f32 v1, v21;
	v1 =	vadd.f32 v52, v11  }
0x33c: {  	v4 =	vadd.f32 v4, v11  }
0x33d: {  	[tilespmem:s17+$0x1C0] =	vst v1;
	v6 =	vadd.f32 v15, v6;
	v1 =	vadd.f32 v8, v55;
	v8 =	vld [tilespmem:$0x1FF80]  }
0x33e: {  	[tilespmem:s7+$0x0] =	vst v4;
	v4 =	vld [tilespmem:$0x1FF80]  }
0x33f: {  	v28 =	vsub.f32 v28, v42;
	[tilespmem:s17+$0x180] =	vst v6;
	v6 =	vmul.f32 v56, v63;
	v56 =	vld [tilespmem:$0x1FFA0]  }
0x340: {  	v9 =	vmul.f32 v57, v61;
	v57 =	vld [tilespmem:$0x1FFB0]  }
0x341: {  	v29 =	vsub.f32 v29, v42;
	v31 =	vmul.f32 v53, v28  }
0x342: {  	v21 =	vmul.f32 v60, v63;
	v60 =	vld [tilespmem:$0x1FFB0];
	v8 =	vmul.f32 v10, v8  }
0x343: {  	s19 =	sadd.s32 $0x8, s19;
	v27 =	vsub.f32 v27, v42;
	v30 =	vmul.f32 v53, v29;
	v26 =	vmul.f32 v2, v4;
	v4 =	vld [tilespmem:$0x1FFA0]  }
0x344: {  	p1 =	slt.u32 s19, $0xF8;
	[tilespmem:s17+$0x1D0] =	vst v0;
	v0 =	vadd.f32 v5, v56;
	v5 =	vmul.f32 v58, v62;
	v58 =	vadd.f32 v8, v48;
	v8 =	vld [tilespmem:$0x1FF80]  }
.Ltmp3:
0x345: {  	v29 =	vmul.f32 v40, v62;
	v36 =	vmul.f32 v41, v63;
	[tilespmem:s17+$0x1E0] =	vst v1;
	v1 =	vadd.f32 v6, v57;
	(pc) =	sbr.rel @p1 .LBB2_5-.Ltmp3, $4  }
0x346: {  	v37 =	vmul.f32 v16, v61;
	[tilespmem:s7+$0x10] =	vst v0;
	v10 =	vmul.f32 v59, v63;
	v59 =	vadd.f32 v9, v11  }
0x347: {  	v16 =	vmul.f32 v38, v62;
	v33 =	vmul.f32 v53, v27;
	s17 =	smov.u32 s7;
	[tilespmem:s7+$0x20] =	vst v1  }
0x348: {  	v15 =	vmul.f32 v12, v61;
	v28 =	vadd.f32 v5, v4;
	v5 =	vmul.f32 v47, v61;
	[tilespmem:s17+$0x40] =	vst v59  }
0x349: {  	v9 =	vld [tilespmem:$0x1FFB0];
	v38 =	vadd.f32 v10, v60;
	[tilespmem:s7+$0x30] =	vst v58;
	s7 =	sadd.s32 $0x200, s7;
	v35 =	vmul.f32 v7, v8;
	v12 =	vmul.f32 v3, v8  }
0x34a: {  	[tilespmem:s17+$0x50] =	vst v28;
	v0 =	vadd.f32 v26, v48  }
0x34b: {  	v1 =	vadd.f32 v37, v11;
	[tilespmem:s17+$0x60] =	vst v38  }
0x34c: {  	v50 =	vadd.f32 v29, v4;
	[tilespmem:s17+$0x70] =	vst v0  }
0x34d: {  	v53 =	vadd.f32 v15, v11;
	[tilespmem:s17+$0x80] =	vst v1  }
0x34e: {  	v54 =	vadd.f32 v16, v4;
	[tilespmem:s17+$0x90] =	vst v50  }
0x34f: {  	v52 =	vadd.f32 v35, v48;
	[tilespmem:s17+$0xC0] =	vst v53  }
0x350: {  	v56 =	vadd.f32 v12, v48;
	[tilespmem:s17+$0xD0] =	vst v54  }
0x351: {  	[tilespmem:s17+$0xB0] =	vst v52;
	v51 =	vadd.f32 v36, v9  }
0x352: {  	[tilespmem:s17+$0xF0] =	vst v56;
	v55 =	vadd.f32 v21, v9  }
0x353: {  	[tilespmem:s17+$0xA0] =	vst v51  }
0x354: {  	[tilespmem:s17+$0xE0] =	vst v55  }
0x355: {  	v0 =	vld [tilespmem:$0x1FFA0]  }
0x356: {  	v3 =	vmul.f32 v25, v63  }
0x357: {  	v57 =	vadd.f32 v5, v11;
	v4 =	vmul.f32 v22, v8  }
0x358: {  	v2 =	vmul.f32 v24, v62;
	v59 =	vadd.f32 v3, v9  }
0x359: {  	v60 =	vadd.f32 v4, v48;
	[tilespmem:s17+$0x100] =	vst v57  }
0x35a: {  	[tilespmem:s17+$0x120] =	vst v59;
	v0 =	vadd.f32 v2, v0  }
0x35b: {  	[tilespmem:s17+$0x130] =	vst v60  }
0x35c: {  	[tilespmem:s17+$0x110] =	vst v0  }
0x35d: {  	v58 =	vmul.f32 v23, v61;
	v0 =	vld [tilespmem:$0x1FFA0]  }
0x35e: {  	v4 =	vmul.f32 v20, v63  }
0x35f: {  	v35 =	vadd.f32 v58, v11;
	v36 =	vmul.f32 v17, v8  }
0x360: {  	v3 =	vmul.f32 v19, v62;
	v37 =	vadd.f32 v4, v9  }
0x361: {  	v38 =	vadd.f32 v36, v48;
	[tilespmem:s17+$0x140] =	vst v35  }
0x362: {  	[tilespmem:s17+$0x160] =	vst v37;
	v0 =	vadd.f32 v3, v0  }
0x363: {  	[tilespmem:s17+$0x170] =	vst v38  }
0x364: {  	[tilespmem:s17+$0x150] =	vst v0  }
0x365: {  	v39 =	vmul.f32 v14, v63;
	v3 =	vmul.f32 v34, v61;
	v0 =	vld [tilespmem:$0x1FFA0];
	_ =	sdelay $0x1  }
0x366: {  	v41 =	vadd.f32 v39, v9;
	v40 =	vadd.f32 v3, v11;
	v3 =	vmul.f32 v32, v8  }
0x367: {  	v4 =	vmul.f32 v18, v62  }
0x368: {  	[tilespmem:s17+$0x1A0] =	vst v41;
	v43 =	vadd.f32 v3, v48  }
0x369: {  	[tilespmem:s17+$0x180] =	vst v40;
	v0 =	vadd.f32 v4, v0  }
0x36a: {  	[tilespmem:s17+$0x1B0] =	vst v43  }
0x36b: {  	[tilespmem:s17+$0x190] =	vst v0  }
0x36c: {  	v0 =	vld [tilespmem:$0x1FFA0]  }
0x36d: {  	v3 =	vmul.f32 v30, v63  }
0x36e: {  	v4 =	vmul.f32 v33, v61  }
0x36f: {  	v42 =	vmul.f32 v31, v62;
	v45 =	vadd.f32 v3, v9  }
0x370: {  	v44 =	vadd.f32 v4, v11  }
0x371: {  	s7 =	sadd.s32 s10, s9;
	[tilespmem:s17+$0x1E0] =	vst v45;
	v0 =	vadd.f32 v42, v0  }
0x372: {  	s7 =	sshrl.u32 s7, $0x3;
	[tilespmem:s17+$0x1C0] =	vst v44  }
0x373: {  	s7 =	sadd.s32 s4, s7;
	[tilespmem:s17+$0x1D0] =	vst v0  }
0x374: {  	[hbm4b:s7+s5] =	stream.linear.scatter [tilespmem:s18], [sflag:$0x6], $0x4000, $0x38;
	[tilespmem:$0x16480] =	vst v63  }
0x375: {  	s7 =	simm.s32 @!p0 $0x8  }
0x376: {  	s10 =	sor.u32 $0x3, s16;
	_ =	swait.ge @!p0 [sflag:s7], $0x4000  }
0x377: {  	s16 =	sshll.u32 s10, $0x8;
	[sflag:s7] =	ssyncset.done @!p0 $0x0  }
0x378: {  	s19 =	sand.u32 $0x3FFFFF00, s16;
	[sflag:s7] =	ssyncadd.s32 @!p0 $0xFFFFC000  }
0x379: {  	[tilespmem:s25], [sflag:$0x4] =	stream.indirect.gather [hbm4b:s6+s14], $0x40, s19, s14, $0xb8;
	[tilespmem:$0x16480] =	vst v63  }
0x37a: {  	s7 =	sor.u32 $0x80, s19  }
0x37b: {  	[tilespmem:s26], [sflag:$0x4] =	stream.indirect.gather [hbm4b:s6+s14], $0x40, s7, s14, $0xb8;
	[tilespmem:$0x16480] =	vst v63  }
0x37c: {  	_ =	swait.ge [sflag:s28], $0x4000  }
0x37d: {  	[sflag:s28] =	ssyncset.done $0x0  }
0x37e: {  	s16 =	simm.s32 $0xE400;
	[sflag:s28] =	ssyncadd.s32 $0xFFFFC000  }
0x37f: {  	v46 =	vld [tilespmem:s16+$0x1D0];
	_ =	sdelay $0x4  }
0x380: {  	v14 =	vld [tilespmem:s16+$0x1C0];
	[tilespmem:$0x1FD00] =	vst v46  }
0x381: {  	v3 =	vld [tilespmem:s16+$0x1E0];
	_ =	sdelay $0x4  }
0x382: {  	v28 =	vld [tilespmem:s16+$0x10];
	[tilespmem:$0x1FD10] =	vst v3  }
0x383: {  	v27 =	vld [tilespmem:s16+$0x40]  }
0x384: {  	v15 =	vld [tilespmem:s16+$0x1F0]  }
0x385: {  	v26 =	vld [tilespmem:s16+$0x50]  }
0x386: {  	v25 =	vld [tilespmem:s16+$0x80]  }
0x387: {  	v24 =	vld [tilespmem:s16+$0x90]  }
0x388: {  	v20 =	vld [tilespmem:s16+$0xC0]  }
0x389: {  	v21 =	vld [tilespmem:s16+$0xD0]  }
0x38a: {  	v18 =	vld [tilespmem:s16+$0x100]  }
0x38b: {  	v19 =	vld [tilespmem:s16+$0x140]  }
0x38c: {  	v48 =	vmul.f32 v14, v14;
	v2 =	vmul.f32 v46, v46;
	v23 =	vld [tilespmem:s16+$0x150]  }
0x38d: {  	v47 =	vadd.f32 v46, v14;
	v16 =	vld [tilespmem:s16+$0x180]  }
0x38e: {  	v1 =	vadd.f32 v2, v48;
	v49 =	vmul.f32 v3, v3;
	v5 =	vmul.f32 v28, v28;
	v17 =	vld [tilespmem:s16+$0x190]  }
0x38f: {  	v58 =	vld [tilespmem:$0x1FFC0];
	v0 =	vadd.f32 v3, v47;
	v3 =	vmul.f32 v27, v27;
	v50 =	vmul.f32 v15, v15  }
0x390: {  	v39 =	vld [tilespmem:s16+$0x0];
	v1 =	vadd.f32 v49, v1;
	v4 =	vmul.f32 v26, v26;
	v7 =	vmul.f32 v25, v25  }
0x391: {  	v22 =	vld [tilespmem:s16+$0x110];
	v0 =	vadd.f32 v15, v0;
	v8 =	vmul.f32 v24, v24;
	v9 =	vmul.f32 v20, v20  }
0x392: {  	v40 =	vld [tilespmem:s16+$0x20];
	v6 =	vadd.f32 v26, v27;
	v10 =	vmul.f32 v21, v21;
	v11 =	vmul.f32 v18, v18  }
0x393: {  	v59 =	vld [tilespmem:$0x1FFD0];
	v30 =	vmul.f32 v19, v19;
	v31 =	vmul.f32 v23, v23;
	v38 =	vadd.f32 v17, v16  }
0x394: {  	v36 =	vld [tilespmem:s16+$0x60];
	v53 =	vmul.f32 v16, v16;
	v1 =	vadd.f32 v50, v1;
	v3 =	vadd.f32 v4, v3  }
0x395: {  	v60 =	vld [tilespmem:$0x1FFE0];
	v41 =	vmul.f32 v39, v39;
	v4 =	vadd.f32 v24, v25;
	v7 =	vadd.f32 v8, v7  }
0x396: {  	v34 =	vld [tilespmem:s16+$0xA0];
	v51 =	vperm.xlane v0, v58;
	v8 =	vadd.f32 v21, v20;
	v2 =	vadd.f32 v10, v9  }
0x397: {  	v33 =	vld [tilespmem:s16+$0xE0];
	v46 =	vmul.f32 v40, v40;
	v9 =	vadd.f32 v22, v18;
	v45 =	vadd.f32 v31, v30  }
0x398: {  	v32 =	vld [tilespmem:s16+$0x120];
	v10 =	vmul.f32 v22, v22;
	v30 =	vadd.f32 v28, v39;
	v0 =	vadd.f32 v51, v0  }
0x399: {  	v43 =	vld [tilespmem:s16+$0x70];
	v5 =	vadd.f32 v5, v41;
	v6 =	vadd.f32 v36, v6;
	v52 =	vperm.xlane v1, v58  }
0x39a: {  	v56 =	vadd.f32 v10, v11;
	v11 =	vadd.f32 v23, v19;
	v29 =	vperm.xlane v0, v59  }
0x39b: {  	v44 =	vld [tilespmem:s16+$0x30];
	v48 =	vmul.f32 v36, v36;
	v35 =	vadd.f32 v40, v30;
	v1 =	vadd.f32 v52, v1  }
0x39c: {  	v49 =	vmul.f32 v34, v34;
	v4 =	vadd.f32 v34, v4;
	v0 =	vadd.f32 v29, v0  }
0x39d: {  	v31 =	vld [tilespmem:s16+$0x160];
	v8 =	vadd.f32 v33, v8;
	v9 =	vadd.f32 v32, v9;
	v29 =	vperm.xlane v1, v59  }
0x39e: {  	v41 =	vld [tilespmem:s16+$0xF0];
	v5 =	vadd.f32 v46, v5;
	v12 =	vadd.f32 v43, v6;
	v54 =	vperm.xlane v0, v60  }
0x39f: {  	v3 =	vadd.f32 v48, v3;
	v42 =	vadd.f32 v29, v1;
	v29 =	vmul.f32 v17, v17;
	v1 =	vld [tilespmem:$0x1FFF0]  }
0x3a0: {  	v48 =	vmul.f32 v43, v43;
	v52 =	vadd.f32 v44, v35;
	v0 =	vadd.f32 v54, v0  }
0x3a1: {  	v55 =	vperm.xlane v42, v60;
	v47 =	vadd.f32 v29, v53;
	v29 =	vld [tilespmem:s16+$0x1A0];
	v54 =	vmul.f32 v44, v44  }
0x3a2: {  	v7 =	vadd.f32 v49, v7;
	v3 =	vadd.f32 v48, v3;
	v46 =	vmul.f32 v31, v31  }
0x3a3: {  	v50 =	vadd.f32 v55, v42;
	v42 =	vld [tilespmem:s16+$0xB0];
	v5 =	vadd.f32 v54, v5;
	v54 =	vperm.xlane v52, v58  }
0x3a4: {  	v35 =	vld [tilespmem:s16+$0x1B0];
	v11 =	vadd.f32 v31, v11;
	v8 =	vadd.f32 v41, v8;
	v30 =	vperm.xlane v0, v1  }
0x3a5: {  	v45 =	vadd.f32 v46, v45;
	v37 =	vperm.xlane v50, v1;
	v52 =	vadd.f32 v54, v52  }
0x3a6: {  	v54 =	vperm.xlane v5, v58;
	v0 =	vadd.f32 v30, v0;
	v51 =	vadd.f32 v29, v38  }
0x3a7: {  	v53 =	vmul.f32 v29, v29;
	v57 =	vadd.f32 v37, v50;
	v50 =	vmul.f32 v32, v32  }
0x3a8: {  	v38 =	vld [tilespmem:s16+$0x130];
	v5 =	vadd.f32 v54, v5;
	v30 =	vmul.f32 $1.562500000e-02, v0;
	v4 =	vadd.f32 v42, v4  }
0x3a9: {  	v37 =	vld [tilespmem:s16+$0x170];
	v49 =	vmul.f32 v42, v42;
	v47 =	vadd.f32 v53, v47;
	v53 =	vmul.f32 v35, v35  }
0x3aa: {  	v46 =	vadd.f32 v35, v51;
	v0 =	vmul.f32 $1.562500000e-02, v57;
	v57 =	vmul.f32 v30, v30  }
0x3ab: {  	v55 =	vmul.f32 v33, v33;
	v6 =	vadd.f32 v50, v56;
	v7 =	vadd.f32 v49, v7  }
0x3ac: {  	v48 =	vperm.xlane v12, v58;
	v47 =	vadd.f32 v53, v47;
	v0 =	vsub.f32 v0, v57  }
0x3ad: {  	v49 =	vperm.xlane v4, v58;
	v9 =	vadd.f32 v38, v9;
	v57 =	vadd.f32 v55, v2  }
0x3ae: {  	v53 =	vperm.xlane v46, v58;
	v11 =	vadd.f32 v37, v11;
	v0 =	vadd.f32 $9.999999740e-06, v0  }
0x3af: {  	v56 =	vmul.f32 v37, v37;
	v4 =	vadd.f32 v49, v4;
	v49 =	vperm.xlane v7, v58  }
0x3b0: {  	v46 =	vadd.f32 v53, v46;
	v53 =	vperm.xlane v47, v58;
	v55 =	vshra.s32 v0, $0x1  }
0x3b1: {  	v10 =	vmul.f32 $5.000000000e-01, v0;
	v50 =	vsub.s32 $0x5F3759DF, v55;
	v55 =	vmul.f32 v38, v38  }
0x3b2: {  	v2 =	vmul.f32 v41, v41;
	v45 =	vadd.f32 v56, v45;
	v7 =	vadd.f32 v49, v7  }
0x3b3: {  	v47 =	vadd.f32 v53, v47;
	v0 =	vmul.f32 v50, v10;
	v13 =	vadd.f32 v55, v6  }
0x3b4: {  	v55 =	vperm.xlane v9, v58;
	v6 =	vadd.f32 v48, v12;
	v48 =	vperm.xlane v3, v58  }
0x3b5: {  	v51 =	vmul.f32 v50, v0;
	v0 =	vadd.f32 v2, v57;
	v2 =	vperm.xlane v8, v58  }
0x3b6: {  	v57 =	vperm.xlane v52, v59;
	v9 =	vadd.f32 v55, v9;
	v55 =	vperm.xlane v13, v58  }
0x3b7: {  	v3 =	vadd.f32 v48, v3;
	v48 =	vperm.xlane v4, v59;
	v51 =	vsub.f32 $1.500000000e+00, v51  }
0x3b8: {  	v54 =	vperm.xlane v6, v59;
	v2 =	vadd.f32 v2, v8;
	v52 =	vadd.f32 v57, v52  }
0x3b9: {  	v53 =	vperm.xlane v3, v59;
	v4 =	vadd.f32 v48, v4;
	v48 =	vperm.xlane v7, v59  }
0x3ba: {  	v6 =	vadd.f32 v54, v6;
	v50 =	vmul.f32 v50, v51;
	v51 =	vperm.xlane v11, v58  }
0x3bb: {  	v3 =	vadd.f32 v53, v3;
	v53 =	vperm.xlane v4, v60;
	v7 =	vadd.f32 v48, v7  }
0x3bc: {  	v49 =	vperm.xlane v2, v59;
	v56 =	vmul.f32 v50, v10;
	v11 =	vadd.f32 v51, v11  }
0x3bd: {  	v51 =	vperm.xlane v45, v58;
	v4 =	vadd.f32 v53, v4;
	v53 =	vperm.xlane v7, v60  }
0x3be: {  	v2 =	vadd.f32 v49, v2;
	v8 =	vmul.f32 v56, v50;
	v56 =	vperm.xlane v0, v58  }
0x3bf: {  	v45 =	vadd.f32 v51, v45;
	v51 =	vperm.xlane v46, v59;
	v7 =	vadd.f32 v53, v7  }
0x3c0: {  	v48 =	vperm.xlane v2, v60;
	v8 =	vsub.f32 $1.500000000e+00, v8;
	v12 =	vadd.f32 v56, v0  }
0x3c1: {  	v56 =	vperm.xlane v5, v59;
	v54 =	vperm.xlane v45, v59;
	v46 =	vadd.f32 v51, v46  }
0x3c2: {  	v51 =	vperm.xlane v52, v60;
	v2 =	vadd.f32 v48, v2;
	v8 =	vmul.f32 v8, v50  }
0x3c3: {  	v50 =	vperm.xlane v9, v59;
	v49 =	vperm.xlane v12, v59;
	v5 =	vadd.f32 v56, v5  }
0x3c4: {  	v56 =	vperm.xlane v6, v60;
	v51 =	vadd.f32 v51, v52;
	v58 =	vmul.f32 v8, v10  }
0x3c5: {  	v10 =	vadd.f32 v55, v13;
	v55 =	vperm.xlane v11, v59;
	v9 =	vadd.f32 v50, v9  }
0x3c6: {  	v12 =	vadd.f32 v49, v12;
	v52 =	vperm.xlane v51, v1;
	v0 =	vmul.f32 v58, v8  }
0x3c7: {  	v50 =	vperm.xlane v10, v59;
	v11 =	vadd.f32 v55, v11;
	v55 =	vperm.xlane v47, v59  }
0x3c8: {  	v6 =	vadd.f32 v56, v6;
	v49 =	vperm.xlane v9, v60;
	v58 =	vperm.xlane v46, v60  }
0x3c9: {  	v45 =	vadd.f32 v54, v45;
	v59 =	vperm.xlane v5, v60;
	v48 =	vperm.xlane v12, v60  }
0x3ca: {  	v56 =	vperm.xlane v6, v1;
	v51 =	vadd.f32 v52, v51;
	v0 =	vsub.f32 $1.500000000e+00, v0  }
0x3cb: {  	v10 =	vadd.f32 v50, v10;
	v57 =	vperm.xlane v11, v60;
	v47 =	vadd.f32 v55, v47  }
0x3cc: {  	v55 =	vperm.xlane v3, v60;
	v9 =	vadd.f32 v49, v9;
	v50 =	vperm.xlane v45, v60  }
0x3cd: {  	v46 =	vadd.f32 v58, v46;
	v5 =	vadd.f32 v59, v5;
	v58 =	vperm.xlane v2, v1  }
0x3ce: {  	v12 =	vadd.f32 v48, v12;
	v6 =	vadd.f32 v56, v6;
	v49 =	vperm.xlane v10, v60  }
0x3cf: {  	v11 =	vadd.f32 v57, v11;
	v54 =	vperm.xlane v47, v60;
	v57 =	vperm.xlane v4, v1  }
0x3d0: {  	v3 =	vadd.f32 v55, v3;
	v59 =	vperm.xlane v9, v1;
	v60 =	vperm.xlane v46, v1  }
0x3d1: {  	v45 =	vadd.f32 v50, v45;
	v52 =	vperm.xlane v5, v1;
	v55 =	vperm.xlane v7, v1  }
0x3d2: {  	v2 =	vadd.f32 v58, v2;
	v53 =	vperm.xlane v12, v1;
	v58 =	vmul.f32 $1.562500000e-02, v51  }
0x3d3: {  	v51 =	vmul.f32 $1.562500000e-02, v6;
	v10 =	vadd.f32 v49, v10;
	v49 =	vperm.xlane v11, v1  }
0x3d4: {  	v47 =	vadd.f32 v54, v47;
	v54 =	vperm.xlane v3, v1;
	v4 =	vadd.f32 v57, v4  }
0x3d5: {  	v9 =	vadd.f32 v59, v9;
	v57 =	vperm.xlane v45, v1;
	v59 =	vadd.f32 v60, v46  }
0x3d6: {  	v5 =	vadd.f32 v52, v5;
	v6 =	vmul.f32 v58, v58;
	v56 =	vperm.xlane v10, v1  }
0x3d7: {  	v11 =	vadd.f32 v49, v11;
	v60 =	vperm.xlane v47, v1;
	v3 =	vadd.f32 v54, v3  }
0x3d8: {  	v50 =	vmul.f32 $1.562500000e-02, v4;
	v4 =	vadd.f32 v55, v7;
	v49 =	vmul.f32 $1.562500000e-02, v2  }
0x3d9: {  	v54 =	vadd.f32 v53, v12;
	v48 =	vmul.f32 $1.562500000e-02, v9;
	v5 =	vmul.f32 $1.562500000e-02, v5  }
0x3da: {  	v7 =	vadd.f32 v57, v45;
	v9 =	vmul.f32 v51, v51;
	v45 =	vmul.f32 v0, v8  }
0x3db: {  	v46 =	vmul.f32 $1.562500000e-02, v11;
	v55 =	vadd.f32 v56, v10;
	v3 =	vmul.f32 $1.562500000e-02, v3  }
0x3dc: {  	v10 =	vadd.f32 v60, v47;
	v4 =	vmul.f32 $1.562500000e-02, v4;
	v11 =	vmul.f32 v50, v50  }
0x3dd: {  	v5 =	vsub.f32 v5, v6;
	v1 =	vmul.f32 $1.562500000e-02, v54;
	v6 =	vmul.f32 v49, v49  }
0x3de: {  	v47 =	vmul.f32 $1.562500000e-02, v59;
	v3 =	vsub.f32 v3, v9;
	v2 =	vmul.f32 $1.562500000e-02, v55  }
0x3df: {  	v9 =	vmul.f32 v48, v48;
	v4 =	vsub.f32 v4, v11;
	v1 =	vsub.f32 v1, v6  }
0x3e0: {  	v6 =	vmul.f32 $1.562500000e-02, v7;
	v7 =	vmul.f32 v46, v46;
	v5 =	vadd.f32 $9.999999740e-06, v5  }
0x3e1: {  	v2 =	vsub.f32 v2, v9;
	v9 =	vmul.f32 $1.562500000e-02, v10;
	v10 =	vmul.f32 v47, v47  }
0x3e2: {  	v56 =	vsub.f32 v6, v7;
	v3 =	vadd.f32 $9.999999740e-06, v3;
	v7 =	vshra.s32 v5, $0x1  }
0x3e3: {  	v4 =	vadd.f32 $9.999999740e-06, v4;
	v1 =	vadd.f32 $9.999999740e-06, v1;
	v5 =	vmul.f32 $5.000000000e-01, v5  }
0x3e4: {  	v7 =	vsub.s32 $0x5F3759DF, v7;
	v6 =	vsub.f32 v9, v10;
	v2 =	vadd.f32 $9.999999740e-06, v2  }
0x3e5: {  	v0 =	vadd.f32 $9.999999740e-06, v56;
	v8 =	vshra.s32 v3, $0x1;
	v3 =	vmul.f32 $5.000000000e-01, v3  }
0x3e6: {  	v9 =	vshra.s32 v4, $0x1;
	v4 =	vmul.f32 $5.000000000e-01, v4;
	v10 =	vshra.s32 v1, $0x1  }
0x3e7: {  	v1 =	vmul.f32 $5.000000000e-01, v1;
	v59 =	vmul.f32 v7, v5;
	v8 =	vsub.s32 $0x5F3759DF, v8  }
0x3e8: {  	v9 =	vsub.s32 $0x5F3759DF, v9;
	v10 =	vsub.s32 $0x5F3759DF, v10;
	v11 =	vshra.s32 v2, $0x1  }
0x3e9: {  	v2 =	vmul.f32 $5.000000000e-01, v2;
	v57 =	vshra.s32 v0, $0x1;
	v0 =	vmul.f32 $5.000000000e-01, v0  }
0x3ea: {  	v6 =	vadd.f32 $9.999999740e-06, v6;
	v60 =	vmul.f32 v8, v3;
	v54 =	vmul.f32 v7, v59  }
0x3eb: {  	v56 =	vmul.f32 v9, v4;
	v11 =	vsub.s32 $0x5F3759DF, v11;
	v52 =	vsub.s32 $0x5F3759DF, v57  }
0x3ec: {  	v57 =	vmul.f32 v10, v1;
	v53 =	vshra.s32 v6, $0x1;
	v55 =	vmul.f32 v8, v60  }
0x3ed: {  	v6 =	vmul.f32 $5.000000000e-01, v6;
	v54 =	vsub.f32 $1.500000000e+00, v54;
	v59 =	vmul.f32 v11, v2  }
0x3ee: {  	v60 =	vmul.f32 v52, v0;
	v56 =	vmul.f32 v9, v56;
	v55 =	vsub.f32 $1.500000000e+00, v55  }
0x3ef: {  	v53 =	vsub.s32 $0x5F3759DF, v53;
	v57 =	vmul.f32 v10, v57;
	v7 =	vmul.f32 v7, v54  }
0x3f0: {  	v54 =	vmul.f32 v53, v6;
	v56 =	vsub.f32 $1.500000000e+00, v56;
	v8 =	vmul.f32 v8, v55  }
0x3f1: {  	v57 =	vsub.f32 $1.500000000e+00, v57;
	v55 =	vmul.f32 v11, v59;
	v59 =	vmul.f32 v52, v60  }
0x3f2: {  	v54 =	vmul.f32 v53, v54;
	v9 =	vmul.f32 v9, v56  }
0x3f3: {  	v15 =	vsub.f32 v15, v30;
	v56 =	vmul.f32 v7, v5;
	v10 =	vmul.f32 v10, v57  }
0x3f4: {  	v55 =	vsub.f32 $1.500000000e+00, v55;
	v60 =	vmul.f32 v8, v3;
	v59 =	vsub.f32 $1.500000000e+00, v59  }
0x3f5: {  	v54 =	vsub.f32 $1.500000000e+00, v54;
	v56 =	vmul.f32 v56, v7;
	v57 =	vmul.f32 v10, v1  }
0x3f6: {  	v39 =	vsub.f32 v39, v58;
	v11 =	vmul.f32 v11, v55;
	v55 =	vmul.f32 v60, v8  }
0x3f7: {  	v52 =	vmul.f32 v52, v59;
	v53 =	vmul.f32 v53, v54;
	v60 =	vsub.f32 $1.500000000e+00, v56  }
0x3f8: {  	v20 =	vsub.f32 v20, v49;
	v56 =	vmul.f32 v9, v4;
	v57 =	vmul.f32 v57, v10  }
0x3f9: {  	v55 =	vsub.f32 $1.500000000e+00, v55;
	v59 =	vmul.f32 v11, v2;
	v7 =	vmul.f32 v60, v7  }
0x3fa: {  	v21 =	vsub.f32 v21, v49;
	v54 =	vmul.f32 v52, v0;
	v56 =	vmul.f32 v56, v9  }
0x3fb: {  	v60 =	vmul.f32 v53, v6;
	v57 =	vsub.f32 $1.500000000e+00, v57;
	v8 =	vmul.f32 v55, v8  }
0x3fc: {  	v59 =	vmul.f32 v59, v11;
	v54 =	vmul.f32 v54, v52;
	v56 =	vsub.f32 $1.500000000e+00, v56  }
0x3fd: {  	v18 =	vsub.f32 v18, v48;
	v5 =	vmul.f32 v7, v5;
	v55 =	vmul.f32 v60, v53  }
0x3fe: {  	v10 =	vmul.f32 v57, v10;
	v59 =	vsub.f32 $1.500000000e+00, v59;
	v9 =	vmul.f32 v56, v9  }
0x3ff: {  	v54 =	vsub.f32 $1.500000000e+00, v54;
	v5 =	vmul.f32 v5, v7;
	v3 =	vmul.f32 v8, v3  }
0x400: {  	v55 =	vsub.f32 $1.500000000e+00, v55;
	v56 =	vmul.f32 v45, v15;
	v1 =	vmul.f32 v10, v1  }
0x401: {  	v32 =	vsub.f32 v32, v48;
	v11 =	vmul.f32 v59, v11;
	v52 =	vmul.f32 v54, v52  }
0x402: {  	v5 =	vsub.f32 $1.500000000e+00, v5;
	v53 =	vmul.f32 v55, v53;
	v4 =	vmul.f32 v9, v4  }
0x403: {  	v29 =	vsub.f32 v29, v47;
	v3 =	vmul.f32 v3, v8;
	v1 =	vmul.f32 v1, v10  }
0x404: {  	v55 =	vsub.f32 v16, v47;
	v5 =	vmul.f32 v5, v7;
	v2 =	vmul.f32 v11, v2  }
0x405: {  	v16 =	vsub.f32 v17, v47;
	v0 =	vmul.f32 v52, v0;
	v4 =	vmul.f32 v4, v9  }
0x406: {  	v6 =	vmul.f32 v53, v6;
	v3 =	vsub.f32 $1.500000000e+00, v3;
	v1 =	vsub.f32 $1.500000000e+00, v1  }
0x407: {  	v2 =	vmul.f32 v2, v11;
	v0 =	vmul.f32 v0, v52;
	v4 =	vsub.f32 $1.500000000e+00, v4  }
0x408: {  	v6 =	vmul.f32 v6, v53;
	v3 =	vmul.f32 v3, v8;
	v8 =	vsub.f32 v25, v50  }
0x409: {  	v1 =	vmul.f32 v1, v10;
	v10 =	vsub.f32 v34, v50;
	v2 =	vsub.f32 $1.500000000e+00, v2  }
0x40a: {  	v0 =	vsub.f32 $1.500000000e+00, v0;
	v4 =	vmul.f32 v4, v9;
	v6 =	vsub.f32 $1.500000000e+00, v6  }
0x40b: {  	v9 =	vsub.f32 v24, v50;
	v21 =	vmul.f32 v1, v21;
	v2 =	vmul.f32 v2, v11  }
0x40c: {  	v24 =	vsub.f32 v33, v49;
	v0 =	vmul.f32 v0, v52;
	v6 =	vmul.f32 v6, v53  }
0x40d: {  	v11 =	vsub.f32 v42, v50;
	v8 =	vmul.f32 v4, v8;
	v9 =	vmul.f32 v4, v9  }
0x40e: {  	v25 =	vsub.f32 v41, v49;
	v10 =	vmul.f32 v4, v10;
	v52 =	vmul.f32 v1, v20  }
0x40f: {  	v12 =	vld [tilespmem:$0x1FD10];
	v53 =	vmul.f32 v1, v24;
	v4 =	vmul.f32 v4, v11;
	v11 =	vsub.f32 v19, v46  }
0x410: {  	v1 =	vmul.f32 v1, v25;
	v19 =	vsub.f32 v23, v46;
	v54 =	vmul.f32 v2, v18  }
0x411: {  	v57 =	vld [tilespmem:$0x1FD00];
	v25 =	vmul.f32 v2, v32;
	v23 =	vmul.f32 v0, v11;
	v11 =	vsub.f32 v35, v47  }
0x412: {  	v22 =	vsub.f32 v22, v48;
	v34 =	vmul.f32 v6, v55;
	v18 =	vmul.f32 v6, v16  }
0x413: {  	v15 =	vsub.f32 v14, v30;
	v14 =	vmul.f32 v6, v29;
	v32 =	vmul.f32 v6, v11;
	v6 =	vld [tilespmem:$0x1FF80]  }
0x414: {  	v12 =	vsub.f32 v12, v30;
	v60 =	vsub.f32 v38, v48;
	v39 =	vmul.f32 v5, v39  }
0x415: {  	v48 =	vld [tilespmem:$0x1FF70];
	v20 =	vsub.f32 v31, v46;
	v31 =	vsub.f32 v37, v46;
	v24 =	vmul.f32 v2, v22  }
0x416: {  	v22 =	vmul.f32 v2, v60;
	v2 =	vsub.f32 v57, v30;
	v30 =	vmul.f32 v45, v12;
	v12 =	vld [tilespmem:$0x1FF90]  }
0x417: {  	v20 =	vmul.f32 v0, v20;
	v17 =	vmul.f32 v0, v31  }
0x418: {  	v28 =	vsub.f32 v28, v58;
	v19 =	vmul.f32 v0, v19;
	v0 =	vmul.f32 v56, v6  }
0x419: {  	v40 =	vsub.f32 v40, v58;
	v44 =	vsub.f32 v44, v58;
	v58 =	vmul.f32 v39, v61  }
0x41a: {  	v0 =	vadd.f32 v0, v48  }
0x41b: {  	v31 =	vmul.f32 v45, v2;
	v2 =	vadd.f32 v58, v12  }
0x41c: {  	v12 =	vld [tilespmem:$0x1FF80];
	[tilespmem:s16+$0x1F0] =	vst v0  }
0x41d: {  	v0 =	vld [tilespmem:$0x1FFA0];
	[tilespmem:s16+$0x0] =	vst v2  }
0x41e: {  	v2 =	vld [tilespmem:$0x1FFB0]  }
0x41f: {  	v40 =	vmul.f32 v5, v40;
	_ =	sdelay $0x1  }
0x420: {  	v11 =	vmul.f32 v40, v63  }
0x421: {  	v26 =	vsub.f32 v26, v51;
	v28 =	vmul.f32 v5, v28  }
0x422: {  	v7 =	vsub.f32 v27, v51;
	v2 =	vadd.f32 v11, v2;
	v11 =	vld [tilespmem:$0x1FF80]  }
0x423: {  	v59 =	vsub.f32 v43, v51;
	v27 =	vsub.f32 v36, v51;
	v6 =	vmul.f32 v28, v62  }
0x424: {  	v7 =	vmul.f32 v3, v7;
	v26 =	vmul.f32 v3, v26  }
0x425: {  	v27 =	vmul.f32 v3, v27;
	v3 =	vmul.f32 v3, v59;
	v0 =	vadd.f32 v6, v0;
	_ =	sdelay $0x1  }
0x426: {  	v6 =	vmul.f32 v26, v62;
	v26 =	vmul.f32 v3, v11;
	v11 =	vld [tilespmem:$0x1FF90];
	[tilespmem:s16+$0x10] =	vst v0  }
0x427: {  	v37 =	vmul.f32 v8, v61;
	v8 =	vld [tilespmem:$0x1FF80];
	_ =	sdelay $0x2  }
0x428: {  	v5 =	vmul.f32 v5, v44  }
0x429: {  	v29 =	vmul.f32 v9, v62;
	v9 =	vld [tilespmem:$0x1FFB0];
	[tilespmem:s16+$0x20] =	vst v2  }
0x42a: {  	v5 =	vmul.f32 v5, v12;
	v35 =	vmul.f32 v4, v8;
	v4 =	vld [tilespmem:$0x1FFA0]  }
0x42b: {  	v33 =	vmul.f32 v45, v15;
	v7 =	vmul.f32 v7, v61  }
0x42c: {  	v36 =	vmul.f32 v10, v63;
	v15 =	vmul.f32 v52, v61;
	v59 =	vadd.f32 v5, v48  }
0x42d: {  	v16 =	vmul.f32 v21, v62;
	v12 =	vmul.f32 v27, v63;
	v60 =	vadd.f32 v7, v11  }
0x42e: {  	v21 =	vmul.f32 v53, v63;
	v5 =	vmul.f32 v54, v61;
	[tilespmem:s16+$0x30] =	vst v59  }
0x42f: {  	s17 =	simm.s32 $0x0;
	s7 =	simm.s32 $0xE600;
	v38 =	vadd.f32 v12, v9;
	v12 =	vmul.f32 v1, v8;
	[tilespmem:s16+$0x40] =	vst v60;
	v28 =	vadd.f32 v6, v4  }
.LBB2_7:
0x430: {  	v27 =	vld [tilespmem:s7+$0x1C0]  }
0x431: {  	v44 =	vld [tilespmem:s7+$0x10]  }
0x432: {  	v57 =	vld [tilespmem:$0x1FFA0]  }
0x433: {  	v1 =	vmul.f32 v24, v62;
	v49 =	vmul.f32 v34, v61;
	v34 =	vld [tilespmem:s7+$0x100];
	[tilespmem:s16+$0x50] =	vst v28  }
0x434: {  	v60 =	vmul.f32 v25, v63;
	v45 =	vmul.f32 v20, v63;
	v20 =	vld [tilespmem:$0x1FFC0];
	[tilespmem:s16+$0x60] =	vst v38  }
0x435: {  	v2 =	vmul.f32 v22, v8;
	v54 =	vmul.f32 v32, v8;
	v32 =	vld [tilespmem:s7+$0x140];
	[tilespmem:$0x1FC20] =	vst v1  }
0x436: {  	v0 =	vadd.f32 v26, v48;
	v24 =	vld [tilespmem:s7+$0x1B0];
	[tilespmem:$0x1FC30] =	vst v60  }
0x437: {  	v43 =	vmul.f32 v19, v62;
	v28 =	vld [tilespmem:s7+$0x1D0];
	[tilespmem:$0x1FC40] =	vst v2  }
0x438: {  	v39 =	vadd.f32 v29, v4;
	v29 =	vld [tilespmem:s7+$0x1E0];
	[tilespmem:s16+$0x70] =	vst v0  }
0x439: {  	v55 =	vmul.f32 v33, v61;
	v33 =	vld [tilespmem:s7+$0x150];
	[tilespmem:$0x1FC60] =	vst v43  }
0x43a: {  	v37 =	vadd.f32 v37, v11;
	v6 =	vmul.f32 v31, v62;
	v31 =	vld [tilespmem:s7+$0x190];
	[tilespmem:$0x1FC70] =	vst v45  }
0x43b: {  	v47 =	vmul.f32 v17, v8;
	v60 =	vld [tilespmem:s7+$0x1F0];
	[tilespmem:$0x1FCC0] =	vst v54  }
0x43c: {  	v51 =	vmul.f32 v18, v62;
	v52 =	vmul.f32 v14, v63;
	[tilespmem:s16+$0x80] =	vst v37;
	v43 =	vld [tilespmem:s7+$0x40]  }
0x43d: {  	v38 =	vmul.f32 v23, v61;
	v50 =	vadd.f32 v35, v48;
	v53 =	vadd.f32 v15, v11;
	[tilespmem:s16+$0x90] =	vst v39;
	v45 =	vld [tilespmem:s7+$0x50]  }
0x43e: {  	v26 =	vmov v5;
	v59 =	vadd.f32 v12, v48;
	[tilespmem:$0x1FCE0] =	vst v6;
	v6 =	vmul.f32 v30, v63;
	v30 =	vld [tilespmem:s7+$0x180]  }
0x43f: {  	[tilespmem:s16+$0xC0] =	vst v53;
	v54 =	vld [tilespmem:s7+$0x60];
	v46 =	vadd.f32 v36, v9;
	v58 =	vadd.f32 v21, v9;
	v3 =	vmul.f32 v27, v27  }
0x440: {  	[tilespmem:s16+$0xB0] =	vst v50;
	v37 =	vld [tilespmem:s7+$0xC0];
	v0 =	vmul.f32 v44, v44;
	v11 =	vmul.f32 v34, v34;
	v56 =	vadd.f32 v28, v27  }
0x441: {  	v36 =	vld [tilespmem:s7+$0x1A0];
	v1 =	vadd.f32 v16, v57;
	v62 =	vmul.f32 v32, v32;
	[tilespmem:s16+$0xA0] =	vst v46;
	v4 =	vmul.f32 v28, v28  }
0x442: {  	[tilespmem:$0x1FC50] =	vst v38;
	v39 =	vmul.f32 v33, v33;
	v57 =	vmul.f32 v31, v31;
	v40 =	vld [tilespmem:s7+$0x80];
	v2 =	vadd.f32 v29, v56  }
0x443: {  	v41 =	vld [tilespmem:s7+$0x90];
	[tilespmem:s16+$0xD0] =	vst v1;
	v3 =	vadd.f32 v4, v3;
	v4 =	vmul.f32 v29, v29;
	v5 =	vmul.f32 v43, v43  }
0x444: {  	[tilespmem:$0x1FCF0] =	vst v6;
	v38 =	vld [tilespmem:s7+$0xD0];
	v6 =	vadd.f32 v45, v43;
	v7 =	vmul.f32 v45, v45;
	v42 =	vmul.f32 v30, v30  }
0x445: {  	[tilespmem:s16+$0xF0] =	vst v59;
	v59 =	vld [tilespmem:s7+$0x0];
	v48 =	vadd.f32 v31, v30;
	v61 =	vmul.f32 v37, v37;
	v2 =	vadd.f32 v60, v2  }
0x446: {  	v21 =	vld [tilespmem:$0x1FFD0];
	v3 =	vadd.f32 v4, v3;
	v4 =	vmul.f32 v60, v60;
	v18 =	vadd.f32 v7, v5  }
0x447: {  	[tilespmem:$0x1FCA0] =	vst v51;
	v51 =	vld [tilespmem:s7+$0xA0];
	v6 =	vadd.f32 v54, v6;
	v19 =	vadd.f32 v36, v48;
	v8 =	vmul.f32 v40, v40  }
0x448: {  	[tilespmem:$0x1FC90] =	vst v49;
	v3 =	vadd.f32 v4, v3;
	v4 =	vperm.xlane v2, v20;
	v7 =	vadd.f32 v41, v40  }
0x449: {  	v35 =	vld [tilespmem:s7+$0x110];
	[tilespmem:s16+$0xE0] =	vst v58;
	v9 =	vmul.f32 v41, v41;
	v19 =	vadd.f32 v24, v19;
	v10 =	vmul.f32 v38, v38  }
0x44a: {  	[tilespmem:$0x1FCB0] =	vst v52;
	v49 =	vld [tilespmem:s7+$0xE0];
	v50 =	vadd.f32 v44, v59;
	v52 =	vmul.f32 v59, v59;
	v2 =	vadd.f32 v4, v2  }
0x44b: {  	v56 =	vld [tilespmem:s7+$0x20];
	v4 =	vperm.xlane v3, v20;
	v17 =	vadd.f32 v9, v8;
	v9 =	vadd.f32 v38, v37  }
0x44c: {  	v7 =	vadd.f32 v51, v7;
	v16 =	vadd.f32 v10, v61;
	v12 =	vperm.xlane v2, v21  }
0x44d: {  	v46 =	vld [tilespmem:s7+$0x120];
	v13 =	vmul.f32 v51, v51;
	v61 =	vadd.f32 v57, v42;
	v3 =	vadd.f32 v4, v3  }
0x44e: {  	v10 =	vmul.f32 v35, v35;
	v15 =	vadd.f32 v0, v52;
	v63 =	vadd.f32 v12, v2;
	v2 =	vld [tilespmem:$0x1FFE0]  }
0x44f: {  	v5 =	vld [tilespmem:$0x1FFF0];
	v4 =	vadd.f32 v35, v34;
	v9 =	vadd.f32 v49, v9;
	v12 =	vperm.xlane v3, v21  }
0x450: {  	v53 =	vmul.f32 v56, v56;
	v57 =	vld [tilespmem:s7+$0x70];
	v13 =	vadd.f32 v13, v17;
	v14 =	vadd.f32 v10, v11  }
0x451: {  	v3 =	vadd.f32 v12, v3;
	v12 =	vadd.f32 v39, v62;
	v39 =	vld [tilespmem:s7+$0x160]  }
0x452: {  	v52 =	vld [tilespmem:s7+$0xF0];
	v11 =	vadd.f32 v33, v32;
	v53 =	vadd.f32 v53, v15;
	v15 =	vmul.f32 v36, v36  }
0x453: {  	[tilespmem:$0x1FC80] =	vst v47;
	v48 =	vld [tilespmem:s7+$0x170];
	v10 =	vadd.f32 v46, v4;
	v47 =	vperm.xlane v63, v2;
	v58 =	vperm.xlane v3, v2  }
0x454: {  	v15 =	vadd.f32 v15, v61;
	v62 =	vadd.f32 v56, v50  }
0x455: {  	v1 =	vadd.f32 v47, v63;
	v3 =	vadd.f32 v58, v3;
	v58 =	vld [tilespmem:s7+$0x30]  }
0x456: {  	v6 =	vadd.f32 v57, v6;
	v11 =	vadd.f32 v39, v11;
	v4 =	vmul.f32 v39, v39  }
0x457: {  	[tilespmem:$0x1FCD0] =	vst v55;
	v9 =	vadd.f32 v52, v9;
	v55 =	vperm.xlane v1, v5;
	v47 =	vperm.xlane v3, v5  }
0x458: {  	v63 =	vmul.f32 v54, v54;
	v11 =	vadd.f32 v48, v11;
	v4 =	vadd.f32 v4, v12  }
0x459: {  	v50 =	vadd.f32 v55, v1;
	v55 =	vld [tilespmem:s7+$0xB0];
	v0 =	vadd.f32 v47, v3;
	v3 =	vmul.f32 v49, v49  }
0x45a: {  	v47 =	vmul.f32 v46, v46;
	v62 =	vadd.f32 v58, v62;
	v8 =	vmul.f32 v58, v58  }
0x45b: {  	v42 =	vmul.f32 $1.562500000e-02, v50;
	v1 =	vmul.f32 $1.562500000e-02, v0;
	v3 =	vadd.f32 v3, v16  }
0x45c: {  	v16 =	vmul.f32 v52, v52;
	v8 =	vadd.f32 v8, v53;
	v53 =	vmul.f32 v24, v24  }
0x45d: {  	v50 =	vld [tilespmem:s7+$0x130];
	v14 =	vadd.f32 v47, v14;
	v61 =	vperm.xlane v62, v20;
	v0 =	vmul.f32 v42, v42  }
0x45e: {  	v3 =	vadd.f32 v16, v3;
	v16 =	vperm.xlane v9, v20;
	v7 =	vadd.f32 v55, v7  }
0x45f: {  	v17 =	vmul.f32 v55, v55;
	v23 =	vadd.f32 v53, v15;
	v0 =	vsub.f32 v1, v0  }
0x460: {  	v53 =	vadd.f32 v61, v62;
	v61 =	vperm.xlane v8, v20;
	v1 =	vadd.f32 v63, v18  }
0x461: {  	v18 =	vmul.f32 v57, v57;
	v9 =	vadd.f32 v16, v9;
	v0 =	vadd.f32 $9.999999740e-06, v0  }
0x462: {  	v62 =	vperm.xlane v3, v20;
	v10 =	vadd.f32 v50, v10;
	v13 =	vadd.f32 v17, v13  }
0x463: {  	v17 =	vperm.xlane v7, v20;
	v63 =	vshra.s32 v0, $0x1;
	v25 =	vmul.f32 $5.000000000e-01, v0  }
0x464: {  	v15 =	vperm.xlane v53, v21;
	v1 =	vadd.f32 v18, v1;
	v47 =	vsub.s32 $0x5F3759DF, v63  }
0x465: {  	v7 =	vadd.f32 v17, v7;
	v17 =	vperm.xlane v13, v20;
	v12 =	vmul.f32 v47, v25  }
0x466: {  	v18 =	vperm.xlane v6, v20;
	v3 =	vadd.f32 v62, v3;
	v63 =	vmul.f32 v50, v50  }
0x467: {  	v13 =	vadd.f32 v17, v13;
	v17 =	vperm.xlane v9, v21;
	v12 =	vmul.f32 v47, v12  }
0x468: {  	v6 =	vadd.f32 v18, v6;
	v14 =	vadd.f32 v63, v14;
	v63 =	vperm.xlane v10, v20  }
0x469: {  	v0 =	vmul.f32 v48, v48;
	v9 =	vadd.f32 v17, v9;
	v12 =	vsub.f32 $1.500000000e+00, v12  }
0x46a: {  	v17 =	vperm.xlane v3, v21;
	v10 =	vadd.f32 v63, v10;
	v63 =	vperm.xlane v14, v20  }
0x46b: {  	v22 =	vadd.f32 v0, v4;
	v4 =	vmul.f32 v47, v12;
	v12 =	vperm.xlane v11, v20  }
0x46c: {  	v18 =	vperm.xlane v1, v20;
	v3 =	vadd.f32 v17, v3;
	v47 =	vperm.xlane v19, v20  }
0x46d: {  	v14 =	vadd.f32 v63, v14;
	v0 =	vmul.f32 v4, v25;
	v11 =	vadd.f32 v12, v11  }
0x46e: {  	v12 =	vperm.xlane v22, v20;
	v19 =	vadd.f32 v47, v19;
	v47 =	vperm.xlane v23, v20  }
0x46f: {  	v20 =	vadd.f32 v18, v1;
	v18 =	vperm.xlane v10, v21;
	v16 =	vmul.f32 v0, v4  }
0x470: {  	v0 =	vadd.f32 v61, v8;
	v61 =	vperm.xlane v6, v21;
	v62 =	vperm.xlane v11, v21  }
0x471: {  	v22 =	vadd.f32 v12, v22;
	v12 =	vperm.xlane v19, v21;
	v16 =	vsub.f32 $1.500000000e+00, v16  }
0x472: {  	v8 =	vadd.f32 v15, v53;
	v15 =	vadd.f32 v47, v23;
	v47 =	vperm.xlane v20, v21  }
0x473: {  	v63 =	vperm.xlane v0, v21;
	v6 =	vadd.f32 v61, v6;
	v4 =	vmul.f32 v16, v4  }
0x474: {  	v61 =	vsub.f32 v60, v42;
	v11 =	vadd.f32 v62, v11;
	v16 =	vperm.xlane v7, v21  }
0x475: {  	v12 =	vadd.f32 v12, v19;
	v19 =	vperm.xlane v8, v2;
	v1 =	vmul.f32 v4, v25  }
0x476: {  	v60 =	vperm.xlane v15, v21;
	v7 =	vadd.f32 v16, v7;
	v16 =	vperm.xlane v13, v21  }
0x477: {  	v23 =	vadd.f32 v63, v0;
	v8 =	vadd.f32 v19, v8;
	v1 =	vmul.f32 v1, v4  }
0x478: {  	v63 =	vperm.xlane v7, v2;
	v13 =	vadd.f32 v16, v13;
	v16 =	vperm.xlane v9, v2  }
0x479: {  	v15 =	vadd.f32 v60, v15;
	v62 =	vperm.xlane v23, v2;
	v1 =	vsub.f32 $1.500000000e+00, v1  }
0x47a: {  	v7 =	vadd.f32 v63, v7;
	v9 =	vadd.f32 v16, v9;
	v16 =	vperm.xlane v3, v2  }
0x47b: {  	v53 =	vmul.f32 v1, v4;
	v4 =	vadd.f32 v18, v10;
	v10 =	vperm.xlane v14, v21  }
0x47c: {  	v18 =	vperm.xlane v22, v21;
	v21 =	vadd.f32 v47, v20;
	v47 =	vperm.xlane v13, v2  }
0x47d: {  	v63 =	vperm.xlane v9, v5;
	v3 =	vadd.f32 v16, v3;
	v1 =	vmul.f32 v53, v61  }
0x47e: {  	v61 =	vperm.xlane v6, v2;
	v17 =	vperm.xlane v4, v2;
	v10 =	vadd.f32 v10, v14  }
0x47f: {  	v20 =	vld [tilespmem:$0x1FF80];
	v14 =	vperm.xlane v11, v2;
	v0 =	vadd.f32 v18, v22;
	v18 =	vperm.xlane v12, v2  }
0x480: {  	v19 =	vperm.xlane v21, v2;
	v13 =	vadd.f32 v47, v13;
	v9 =	vadd.f32 v63, v9  }
0x481: {  	v47 =	vperm.xlane v3, v5;
	v6 =	vadd.f32 v61, v6;
	v4 =	vadd.f32 v17, v4  }
0x482: {  	v17 =	vperm.xlane v10, v2;
	v11 =	vadd.f32 v14, v11;
	v14 =	vperm.xlane v0, v2  }
0x483: {  	v12 =	vadd.f32 v18, v12;
	v18 =	vperm.xlane v8, v5;
	v63 =	vmul.f32 $1.562500000e-02, v9  }
0x484: {  	v3 =	vadd.f32 v47, v3;
	v1 =	vmul.f32 v1, v20;
	v20 =	vld [tilespmem:$0x1FF70];
	v60 =	vperm.xlane v6, v5  }
0x485: {  	v16 =	vperm.xlane v4, v5;
	v10 =	vadd.f32 v17, v10;
	v17 =	vperm.xlane v11, v5  }
0x486: {  	v0 =	vadd.f32 v14, v0;
	v14 =	vperm.xlane v12, v5;
	v8 =	vadd.f32 v18, v8  }
0x487: {  	v3 =	vmul.f32 $1.562500000e-02, v3;
	v6 =	vadd.f32 v60, v6;
	v4 =	vadd.f32 v16, v4  }
0x488: {  	v16 =	vperm.xlane v10, v5;
	v11 =	vadd.f32 v17, v11;
	v17 =	vperm.xlane v0, v5  }
0x489: {  	v8 =	vmul.f32 $1.562500000e-02, v8;
	v14 =	vadd.f32 v14, v12;
	v1 =	vadd.f32 v1, v20  }
0x48a: {  	v20 =	vperm.xlane v15, v2;
	v2 =	vadd.f32 v19, v21;
	v19 =	vperm.xlane v7, v5  }
0x48b: {  	v6 =	vmul.f32 $1.562500000e-02, v6;
	v9 =	vadd.f32 v17, v0;
	v59 =	vsub.f32 v59, v8  }
0x48c: {  	v61 =	vmul.f32 $1.562500000e-02, v11;
	v44 =	vsub.f32 v44, v8;
	v56 =	vsub.f32 v56, v8  }
0x48d: {  	v21 =	vmul.f32 $1.562500000e-02, v14;
	[tilespmem:s7+$0x1F0] =	vst v1;
	v1 =	vadd.f32 v62, v23;
	v20 =	vadd.f32 v20, v15  }
0x48e: {  	v18 =	vperm.xlane v2, v5;
	v7 =	vadd.f32 v19, v7;
	v19 =	vperm.xlane v13, v5  }
0x48f: {  	v62 =	vmul.f32 $1.562500000e-02, v4;
	v4 =	vadd.f32 v16, v10;
	v15 =	vperm.xlane v1, v5  }
0x490: {  	v10 =	vmul.f32 v8, v8;
	v11 =	vmul.f32 v6, v6;
	v2 =	vadd.f32 v18, v2  }
0x491: {  	v9 =	vmul.f32 $1.562500000e-02, v9;
	v60 =	vperm.xlane v20, v5;
	v1 =	vadd.f32 v15, v1  }
0x492: {  	v58 =	vsub.f32 v58, v8;
	v12 =	vmul.f32 $1.562500000e-02, v7;
	v2 =	vmul.f32 $1.562500000e-02, v2  }
0x493: {  	v7 =	vadd.f32 v19, v13;
	v4 =	vmul.f32 $1.562500000e-02, v4;
	v1 =	vmul.f32 $1.562500000e-02, v1  }
0x494: {  	v5 =	vadd.f32 v60, v20;
	v2 =	vsub.f32 v2, v11;
	v11 =	vmul.f32 v63, v63  }
0x495: {  	v7 =	vmul.f32 $1.562500000e-02, v7;
	v1 =	vsub.f32 v1, v10;
	v10 =	vmul.f32 v12, v12  }
0x496: {  	v3 =	vsub.f32 v3, v11;
	v11 =	vmul.f32 v61, v61;
	v2 =	vadd.f32 $9.999999740e-06, v2  }
0x497: {  	v5 =	vmul.f32 $1.562500000e-02, v5;
	v7 =	vsub.f32 v7, v10;
	v10 =	vmul.f32 v62, v62  }
0x498: {  	v1 =	vadd.f32 $9.999999740e-06, v1;
	v9 =	vsub.f32 v9, v11;
	v11 =	vshra.s32 v2, $0x1  }
0x499: {  	v3 =	vadd.f32 $9.999999740e-06, v3;
	v2 =	vmul.f32 $5.000000000e-01, v2;
	v11 =	vsub.s32 $0x5F3759DF, v11  }
0x49a: {  	v4 =	vsub.f32 v4, v10;
	v10 =	vmul.f32 v21, v21;
	v7 =	vadd.f32 $9.999999740e-06, v7  }
0x49b: {  	v20 =	vmul.f32 $5.000000000e-01, v1;
	v9 =	vadd.f32 $9.999999740e-06, v9;
	v14 =	vshra.s32 v3, $0x1  }
0x49c: {  	v3 =	vmul.f32 $5.000000000e-01, v3;
	v19 =	vmul.f32 v11, v2;
	v14 =	vsub.s32 $0x5F3759DF, v14  }
0x49d: {  	v5 =	vsub.f32 v5, v10;
	v10 =	vshra.s32 v1, $0x1;
	v13 =	vshra.s32 v7, $0x1  }
0x49e: {  	v7 =	vmul.f32 $5.000000000e-01, v7;
	v16 =	vshra.s32 v9, $0x1;
	v9 =	vmul.f32 $5.000000000e-01, v9  }
0x49f: {  	v4 =	vadd.f32 $9.999999740e-06, v4;
	v60 =	vmul.f32 v14, v3;
	v19 =	vmul.f32 v11, v19  }
0x4a0: {  	v10 =	vsub.s32 $0x5F3759DF, v10;
	v13 =	vsub.s32 $0x5F3759DF, v13;
	v16 =	vsub.s32 $0x5F3759DF, v16  }
0x4a1: {  	v15 =	vshra.s32 v4, $0x1;
	v4 =	vmul.f32 $5.000000000e-01, v4;
	v18 =	vmul.f32 v10, v20  }
0x4a2: {  	v5 =	vadd.f32 $9.999999740e-06, v5;
	v47 =	vmul.f32 v13, v7;
	v8 =	vmul.f32 v16, v9  }
0x4a3: {  	v60 =	vmul.f32 v14, v60;
	v19 =	vsub.f32 $1.500000000e+00, v19;
	v15 =	vsub.s32 $0x5F3759DF, v15  }
0x4a4: {  	v17 =	vshra.s32 v5, $0x1;
	v5 =	vmul.f32 $5.000000000e-01, v5;
	v0 =	vmul.f32 v15, v4  }
0x4a5: {  	v43 =	vsub.f32 v43, v6;
	v18 =	vmul.f32 v10, v18;
	v47 =	vmul.f32 v13, v47  }
0x4a6: {  	v45 =	vsub.f32 v45, v6;
	v8 =	vmul.f32 v16, v8;
	v11 =	vmul.f32 v11, v19  }
0x4a7: {  	v19 =	vsub.f32 v54, v6;
	v17 =	vsub.s32 $0x5F3759DF, v17;
	v18 =	vsub.f32 $1.500000000e+00, v18  }
0x4a8: {  	v1 =	vmul.f32 v17, v5;
	v0 =	vmul.f32 v15, v0;
	v47 =	vsub.f32 $1.500000000e+00, v47  }
0x4a9: {  	v8 =	vsub.f32 $1.500000000e+00, v8;
	v10 =	vmul.f32 v10, v18;
	v18 =	vsub.f32 $1.500000000e+00, v60  }
0x4aa: {  	v1 =	vmul.f32 v17, v1;
	v0 =	vsub.f32 $1.500000000e+00, v0;
	v13 =	vmul.f32 v13, v47  }
0x4ab: {  	v6 =	vsub.f32 v57, v6;
	v8 =	vmul.f32 v16, v8;
	v14 =	vmul.f32 v14, v18  }
0x4ac: {  	v1 =	vsub.f32 $1.500000000e+00, v1;
	v0 =	vmul.f32 v15, v0;
	v15 =	vmul.f32 v10, v20  }
0x4ad: {  	v16 =	vsub.f32 v40, v12;
	v18 =	vmul.f32 v13, v7;
	v57 =	vmul.f32 v8, v9  }
0x4ae: {  	v40 =	vsub.f32 v41, v12;
	v1 =	vmul.f32 v17, v1;
	v17 =	vmul.f32 v11, v2  }
0x4af: {  	v41 =	vsub.f32 v51, v12;
	v47 =	vmul.f32 v14, v3;
	v51 =	vmul.f32 v0, v4  }
0x4b0: {  	v15 =	vmul.f32 v15, v10;
	v17 =	vmul.f32 v17, v11  }
0x4b1: {  	v12 =	vsub.f32 v55, v12;
	v18 =	vmul.f32 v18, v13;
	v54 =	vmul.f32 v57, v8  }
0x4b2: {  	v60 =	vmul.f32 v1, v5;
	v15 =	vsub.f32 $1.500000000e+00, v15;
	v17 =	vsub.f32 $1.500000000e+00, v17  }
0x4b3: {  	v47 =	vmul.f32 v47, v14;
	v51 =	vmul.f32 v51, v0;
	v18 =	vsub.f32 $1.500000000e+00, v18  }
0x4b4: {  	v10 =	vmul.f32 v15, v10;
	v11 =	vmul.f32 v17, v11;
	v17 =	vsub.f32 $1.500000000e+00, v54  }
0x4b5: {  	v55 =	vmul.f32 v60, v1;
	v15 =	vsub.f32 $1.500000000e+00, v47;
	v13 =	vmul.f32 v18, v13  }
0x4b6: {  	v47 =	vsub.f32 $1.500000000e+00, v51;
	v8 =	vmul.f32 v17, v8;
	v17 =	vmul.f32 v10, v20  }
0x4b7: {  	v7 =	vmul.f32 v13, v7;
	v2 =	vmul.f32 v11, v2  }
0x4b8: {  	v57 =	vsub.f32 $1.500000000e+00, v55;
	v0 =	vmul.f32 v47, v0;
	v17 =	vmul.f32 v17, v10  }
0x4b9: {  	v7 =	vmul.f32 v7, v13;
	v2 =	vmul.f32 v2, v11  }
0x4ba: {  	v1 =	vmul.f32 v57, v1;
	v17 =	vsub.f32 $1.500000000e+00, v17  }
0x4bb: {  	v4 =	vmul.f32 v0, v4;
	v7 =	vsub.f32 $1.500000000e+00, v7;
	v2 =	vsub.f32 $1.500000000e+00, v2  }
0x4bc: {  	v9 =	vmul.f32 v8, v9;
	v10 =	vmul.f32 v17, v10  }
0x4bd: {  	v7 =	vmul.f32 v7, v13;
	v2 =	vmul.f32 v2, v11  }
0x4be: {  	v13 =	vmul.f32 v10, v59;
	v55 =	vmul.f32 v10, v44  }
0x4bf: {  	v56 =	vmul.f32 v10, v56;
	v10 =	vmul.f32 v10, v58  }
0x4c0: {  	v17 =	vld [tilespmem:$0x1FF90];
	v57 =	vmul.f32 v2, v43;
	v58 =	vmul.f32 v2, v45  }
0x4c1: {  	v59 =	vmul.f32 v2, v19;
	v2 =	vmul.f32 v2, v6;
	v6 =	vld [tilespmem:$0x1FFA0]  }
0x4c2: {  	v4 =	vmul.f32 v4, v0;
	v9 =	vmul.f32 v9, v8;
	v19 =	vld [tilespmem:$0x1FC20]  }
0x4c3: {  	v14 =	vmul.f32 v15, v14  }
0x4c4: {  	v4 =	vsub.f32 $1.500000000e+00, v4;
	v9 =	vsub.f32 $1.500000000e+00, v9  }
0x4c5: {  	v3 =	vmul.f32 v14, v3;
	v17 =	vadd.f32 v26, v17  }
0x4c6: {  	v0 =	vmul.f32 v4, v0;
	v4 =	vmul.f32 v9, v8;
	v8 =	vsub.f32 v48, v61;
	v48 =	vld [tilespmem:$0x1FF70]  }
0x4c7: {  	v3 =	vmul.f32 v3, v14;
	v6 =	vadd.f32 v19, v6;
	[tilespmem:s16+$0x100] =	vst v17;
	v17 =	vld [tilespmem:$0x1FFB0]  }
0x4c8: {  	v19 =	vld [tilespmem:$0x1FC30]  }
0x4c9: {  	v3 =	vsub.f32 $1.500000000e+00, v3;
	[tilespmem:s16+$0x110] =	vst v6;
	v6 =	vld [tilespmem:$0x1FC40];
	_ =	sdelay $0x1  }
0x4ca: {  	v15 =	vsub.f32 v49, v63;
	v3 =	vmul.f32 v3, v14;
	_ =	sdelay $0x1  }
0x4cb: {  	v60 =	vmul.f32 v3, v15;
	v15 =	vld [tilespmem:$0x1FC60];
	v17 =	vadd.f32 v19, v17  }
0x4cc: {  	v19 =	vld [tilespmem:$0x1FC50];
	v6 =	vadd.f32 v6, v48  }
0x4cd: {  	[tilespmem:s16+$0x120] =	vst v17;
	v17 =	vld [tilespmem:$0x1FF90]  }
0x4ce: {  	[tilespmem:s16+$0x130] =	vst v6;
	v6 =	vld [tilespmem:$0x1FFA0];
	_ =	sdelay $0x3  }
0x4cf: {  	v17 =	vadd.f32 v19, v17  }
0x4d0: {  	v6 =	vadd.f32 v15, v6;
	v15 =	vld [tilespmem:$0x1FFB0]  }
0x4d1: {  	v32 =	vsub.f32 v32, v61;
	v33 =	vsub.f32 v33, v61;
	v5 =	vmul.f32 v1, v5;
	[tilespmem:s16+$0x140] =	vst v17;
	v17 =	vld [tilespmem:$0x1FC70]  }
0x4d2: {  	v18 =	vsub.f32 v52, v63;
	v20 =	vsub.f32 v34, v62  }
0x4d3: {  	v52 =	vsub.f32 v46, v62;
	v5 =	vmul.f32 v5, v1;
	v11 =	vsub.f32 v39, v61  }
0x4d4: {  	v54 =	vsub.f32 v50, v62;
	v49 =	vld [tilespmem:$0x1FC80];
	v34 =	vsub.f32 v35, v62;
	v47 =	vmul.f32 v0, v20  }
0x4d5: {  	v50 =	vld [tilespmem:$0x1FFA0];
	v5 =	vsub.f32 $1.500000000e+00, v5;
	v23 =	vmul.f32 v4, v32;
	v20 =	vmul.f32 v4, v11  }
0x4d6: {  	v19 =	vmul.f32 v4, v33;
	v15 =	vadd.f32 v17, v15;
	v17 =	vmul.f32 v4, v8;
	v4 =	vld [tilespmem:$0x1FCA0]  }
0x4d7: {  	v14 =	vsub.f32 v36, v21;
	v1 =	vmul.f32 v5, v1;
	v5 =	vsub.f32 v30, v21  }
0x4d8: {  	v9 =	vsub.f32 v31, v21;
	v21 =	vsub.f32 v24, v21;
	v24 =	vmul.f32 v0, v34  }
0x4d9: {  	v51 =	vld [tilespmem:$0x1FCC0];
	v25 =	vmul.f32 v0, v52;
	v22 =	vmul.f32 v0, v54;
	v0 =	vadd.f32 v49, v48  }
0x4da: {  	v34 =	vmul.f32 v1, v5;
	v5 =	vld [tilespmem:$0x1FCB0]  }
0x4db: {  	[tilespmem:s16+$0x170] =	vst v0;
	v0 =	vadd.f32 v4, v50;
	v4 =	vld [tilespmem:$0x1FFB0]  }
0x4dc: {  	v62 =	vld [tilespmem:$0x1FF50]  }
0x4dd: {  	v61 =	vld [tilespmem:$0x1FF40]  }
0x4de: {  	v52 =	vld [tilespmem:$0x1FCD0]  }
0x4df: {  	v54 =	vld [tilespmem:$0x1FFA0]  }
0x4e0: {  	v4 =	vadd.f32 v5, v4;
	v5 =	vld [tilespmem:$0x1FCE0]  }
0x4e1: {  	v11 =	vld [tilespmem:$0x1FF90]  }
0x4e2: {  	v37 =	vsub.f32 v37, v63;
	[tilespmem:s16+$0x150] =	vst v6;
	v6 =	vld [tilespmem:$0x1FF90]  }
0x4e3: {  	v16 =	vmul.f32 v7, v16;
	v40 =	vmul.f32 v7, v40;
	v8 =	vld [tilespmem:$0x1FCF0];
	[tilespmem:s16+$0x190] =	vst v0;
	v0 =	vadd.f32 v51, v48  }
0x4e4: {  	v38 =	vsub.f32 v38, v63;
	v41 =	vmul.f32 v7, v41;
	v7 =	vmul.f32 v7, v12;
	[tilespmem:s16+$0x160] =	vst v15;
	v15 =	vld [tilespmem:$0x1FC90]  }
0x4e5: {  	v12 =	vmul.f32 v3, v37;
	[tilespmem:s16+$0x1B0] =	vst v0;
	v0 =	vadd.f32 v5, v54;
	v5 =	vmul.f32 v55, v62;
	v55 =	vld [tilespmem:$0x1FFB0]  }
0x4e6: {  	v38 =	vmul.f32 v3, v38;
	v3 =	vmul.f32 v3, v18  }
0x4e7: {  	v63 =	vld [tilespmem:$0x1FF60];
	v18 =	vmul.f32 v1, v9;
	[tilespmem:s16+$0x1A0] =	vst v4;
	v4 =	vmul.f32 v13, v61  }
0x4e8: {  	v14 =	vmul.f32 v1, v14;
	v32 =	vmul.f32 v1, v21;
	v1 =	vadd.f32 v52, v11  }
0x4e9: {  	v4 =	vadd.f32 v4, v11  }
0x4ea: {  	[tilespmem:s16+$0x1C0] =	vst v1;
	v6 =	vadd.f32 v15, v6;
	v1 =	vadd.f32 v8, v55;
	v8 =	vld [tilespmem:$0x1FF80]  }
0x4eb: {  	[tilespmem:s7+$0x0] =	vst v4;
	v4 =	vld [tilespmem:$0x1FF80]  }
0x4ec: {  	v28 =	vsub.f32 v28, v42;
	[tilespmem:s16+$0x180] =	vst v6;
	v6 =	vmul.f32 v56, v63;
	v56 =	vld [tilespmem:$0x1FFA0]  }
0x4ed: {  	v9 =	vmul.f32 v57, v61;
	v57 =	vld [tilespmem:$0x1FFB0]  }
0x4ee: {  	v29 =	vsub.f32 v29, v42;
	v31 =	vmul.f32 v53, v28  }
0x4ef: {  	v21 =	vmul.f32 v60, v63;
	v60 =	vld [tilespmem:$0x1FFB0];
	v8 =	vmul.f32 v10, v8  }
0x4f0: {  	s17 =	sadd.s32 $0x8, s17;
	v27 =	vsub.f32 v27, v42;
	v30 =	vmul.f32 v53, v29;
	v26 =	vmul.f32 v2, v4;
	v4 =	vld [tilespmem:$0x1FFA0]  }
0x4f1: {  	p0 =	slt.u32 s17, $0xF8;
	[tilespmem:s16+$0x1D0] =	vst v0;
	v0 =	vadd.f32 v5, v56;
	v5 =	vmul.f32 v58, v62;
	v58 =	vadd.f32 v8, v48;
	v8 =	vld [tilespmem:$0x1FF80]  }
.Ltmp4:
0x4f2: {  	v29 =	vmul.f32 v40, v62;
	v36 =	vmul.f32 v41, v63;
	[tilespmem:s16+$0x1E0] =	vst v1;
	v1 =	vadd.f32 v6, v57;
	(pc) =	sbr.rel @p0 .LBB2_7-.Ltmp4, $4  }
0x4f3: {  	v37 =	vmul.f32 v16, v61;
	[tilespmem:s7+$0x10] =	vst v0;
	v10 =	vmul.f32 v59, v63;
	v59 =	vadd.f32 v9, v11  }
0x4f4: {  	v16 =	vmul.f32 v38, v62;
	v33 =	vmul.f32 v53, v27;
	s16 =	smov.u32 s7;
	[tilespmem:s7+$0x20] =	vst v1  }
0x4f5: {  	v15 =	vmul.f32 v12, v61;
	v28 =	vadd.f32 v5, v4;
	v5 =	vmul.f32 v47, v61;
	[tilespmem:s16+$0x40] =	vst v59  }
0x4f6: {  	v9 =	vld [tilespmem:$0x1FFB0];
	v38 =	vadd.f32 v10, v60;
	[tilespmem:s7+$0x30] =	vst v58;
	s7 =	sadd.s32 $0x200, s7;
	v35 =	vmul.f32 v7, v8;
	v12 =	vmul.f32 v3, v8  }
0x4f7: {  	[tilespmem:s16+$0x50] =	vst v28;
	v0 =	vadd.f32 v26, v48  }
0x4f8: {  	v1 =	vadd.f32 v37, v11;
	[tilespmem:s16+$0x60] =	vst v38  }
0x4f9: {  	v50 =	vadd.f32 v29, v4;
	[tilespmem:s16+$0x70] =	vst v0  }
0x4fa: {  	v53 =	vadd.f32 v15, v11;
	[tilespmem:s16+$0x80] =	vst v1  }
0x4fb: {  	v54 =	vadd.f32 v16, v4;
	[tilespmem:s16+$0x90] =	vst v50  }
0x4fc: {  	v52 =	vadd.f32 v35, v48;
	[tilespmem:s16+$0xC0] =	vst v53  }
0x4fd: {  	v56 =	vadd.f32 v12, v48;
	[tilespmem:s16+$0xD0] =	vst v54  }
0x4fe: {  	[tilespmem:s16+$0xB0] =	vst v52;
	v51 =	vadd.f32 v36, v9  }
0x4ff: {  	[tilespmem:s16+$0xF0] =	vst v56;
	v55 =	vadd.f32 v21, v9  }
0x500: {  	[tilespmem:s16+$0xA0] =	vst v51  }
0x501: {  	[tilespmem:s16+$0xE0] =	vst v55  }
0x502: {  	v0 =	vld [tilespmem:$0x1FFA0]  }
0x503: {  	v3 =	vmul.f32 v25, v63  }
0x504: {  	v57 =	vadd.f32 v5, v11;
	v4 =	vmul.f32 v22, v8  }
0x505: {  	v2 =	vmul.f32 v24, v62;
	v59 =	vadd.f32 v3, v9  }
0x506: {  	v60 =	vadd.f32 v4, v48;
	[tilespmem:s16+$0x100] =	vst v57  }
0x507: {  	[tilespmem:s16+$0x120] =	vst v59;
	v0 =	vadd.f32 v2, v0  }
0x508: {  	[tilespmem:s16+$0x130] =	vst v60  }
0x509: {  	[tilespmem:s16+$0x110] =	vst v0  }
0x50a: {  	v58 =	vmul.f32 v23, v61;
	v0 =	vld [tilespmem:$0x1FFA0]  }
0x50b: {  	v4 =	vmul.f32 v20, v63  }
0x50c: {  	v35 =	vadd.f32 v58, v11;
	v36 =	vmul.f32 v17, v8  }
0x50d: {  	v3 =	vmul.f32 v19, v62;
	v37 =	vadd.f32 v4, v9  }
0x50e: {  	v38 =	vadd.f32 v36, v48;
	[tilespmem:s16+$0x140] =	vst v35  }
0x50f: {  	[tilespmem:s16+$0x160] =	vst v37;
	v0 =	vadd.f32 v3, v0  }
0x510: {  	[tilespmem:s16+$0x170] =	vst v38  }
0x511: {  	[tilespmem:s16+$0x150] =	vst v0  }
0x512: {  	v39 =	vmul.f32 v14, v63;
	v3 =	vmul.f32 v34, v61;
	v0 =	vld [tilespmem:$0x1FFA0];
	_ =	sdelay $0x1  }
0x513: {  	v41 =	vadd.f32 v39, v9;
	v40 =	vadd.f32 v3, v11;
	v3 =	vmul.f32 v32, v8  }
0x514: {  	v4 =	vmul.f32 v18, v62  }
0x515: {  	[tilespmem:s16+$0x1A0] =	vst v41;
	v43 =	vadd.f32 v3, v48  }
0x516: {  	[tilespmem:s16+$0x180] =	vst v40;
	v0 =	vadd.f32 v4, v0  }
0x517: {  	[tilespmem:s16+$0x1B0] =	vst v43  }
0x518: {  	[tilespmem:s16+$0x190] =	vst v0  }
0x519: {  	v0 =	vld [tilespmem:$0x1FFA0]  }
0x51a: {  	v3 =	vmul.f32 v30, v63  }
0x51b: {  	v4 =	vmul.f32 v33, v61  }
0x51c: {  	v42 =	vmul.f32 v31, v62;
	v45 =	vadd.f32 v3, v9  }
0x51d: {  	s7 =	sshll.u32 s13, $0xE;
	v44 =	vadd.f32 v4, v11  }
0x51e: {  	s7 =	sadd.s32 s8, s7;
	[tilespmem:s16+$0x1E0] =	vst v45;
	v0 =	vadd.f32 v42, v0  }
0x51f: {  	s7 =	sshrl.u32 s7, $0x3;
	[tilespmem:s16+$0x1C0] =	vst v44  }
0x520: {  	p0 =	seq.s32 s3, $0x18;
	s7 =	sadd.s32 s4, s7;
	[tilespmem:s16+$0x1D0] =	vst v0  }
0x521: {  	[hbm4b:s7+s5] =	stream.linear.scatter [tilespmem:s22], [sflag:$0x7], $0x4000, $0x38;
	[tilespmem:$0x16480] =	vst v63  }
0x522: {  	s7 =	simm.s32 @!p0 $0x5  }
0x523: {  	_ =	swait.ge @!p0 [sflag:s7], $0x4000  }
0x524: {  	s13 =	sshll.u32 @!p0 s3, $0xA;
	[sflag:s7] =	ssyncset.done @!p0 $0x0  }
0x525: {  	[sflag:s7] =	ssyncadd.s32 @!p0 $0xFFFFC000;
	s7 =	sand.u32 @!p0 $0x3FFFFC00, s13  }
0x526: {  	s17 =	simm.s32 @!p0 $0x6400;
	s16 =	simm.s32 @!p0 $0x80;
	s13 =	sadd.s32 @!p0 $0x400, s7  }
0x527: {  	[tilespmem:s17], [sflag:$0x1] =	stream.indirect.gather @!p0 [hbm4b:s6+s16], $0x40, s13, s16, $0xb8;
	[tilespmem:$0x16480] =	vst v63  }
0x528: {  	s7 =	sadd.s32 @!p0 $0x480, s7;
	s13 =	simm.s32 @!p0 $0x8400  }
0x529: {  	[tilespmem:s13], [sflag:$0x1] =	stream.indirect.gather @!p0 [hbm4b:s6+s16], $0x40, s7, s16, $0xb8;
	[tilespmem:$0x16480] =	vst v63  }
0x52a: {  	_ =	swait.ge [sflag:s29], $0x4000  }
0x52b: {  	[sflag:s29] =	ssyncset.done $0x0  }
0x52c: {  	s13 =	simm.s32 $0x12400;
	[sflag:s29] =	ssyncadd.s32 $0xFFFFC000  }
0x52d: {  	v46 =	vld [tilespmem:s13+$0x1D0];
	_ =	sdelay $0x4  }
0x52e: {  	v14 =	vld [tilespmem:s13+$0x1C0];
	[tilespmem:$0x1FC00] =	vst v46  }
0x52f: {  	v3 =	vld [tilespmem:s13+$0x1E0];
	_ =	sdelay $0x4  }
0x530: {  	v28 =	vld [tilespmem:s13+$0x10];
	[tilespmem:$0x1FC10] =	vst v3  }
0x531: {  	v27 =	vld [tilespmem:s13+$0x40]  }
0x532: {  	v15 =	vld [tilespmem:s13+$0x1F0]  }
0x533: {  	v26 =	vld [tilespmem:s13+$0x50]  }
0x534: {  	v25 =	vld [tilespmem:s13+$0x80]  }
0x535: {  	v24 =	vld [tilespmem:s13+$0x90]  }
0x536: {  	v20 =	vld [tilespmem:s13+$0xC0]  }
0x537: {  	v21 =	vld [tilespmem:s13+$0xD0]  }
0x538: {  	v18 =	vld [tilespmem:s13+$0x100]  }
0x539: {  	v19 =	vld [tilespmem:s13+$0x140]  }
0x53a: {  	v48 =	vmul.f32 v14, v14;
	v2 =	vmul.f32 v46, v46;
	v23 =	vld [tilespmem:s13+$0x150]  }
0x53b: {  	v47 =	vadd.f32 v46, v14;
	v16 =	vld [tilespmem:s13+$0x180]  }
0x53c: {  	v1 =	vadd.f32 v2, v48;
	v49 =	vmul.f32 v3, v3;
	v5 =	vmul.f32 v28, v28;
	v17 =	vld [tilespmem:s13+$0x190]  }
0x53d: {  	v58 =	vld [tilespmem:$0x1FFC0];
	v0 =	vadd.f32 v3, v47;
	v3 =	vmul.f32 v27, v27;
	v50 =	vmul.f32 v15, v15  }
0x53e: {  	v39 =	vld [tilespmem:s13+$0x0];
	v1 =	vadd.f32 v49, v1;
	v4 =	vmul.f32 v26, v26;
	v7 =	vmul.f32 v25, v25  }
0x53f: {  	v22 =	vld [tilespmem:s13+$0x110];
	v0 =	vadd.f32 v15, v0;
	v8 =	vmul.f32 v24, v24;
	v9 =	vmul.f32 v20, v20  }
0x540: {  	v40 =	vld [tilespmem:s13+$0x20];
	v6 =	vadd.f32 v26, v27;
	v10 =	vmul.f32 v21, v21;
	v11 =	vmul.f32 v18, v18  }
0x541: {  	v59 =	vld [tilespmem:$0x1FFD0];
	v30 =	vmul.f32 v19, v19;
	v31 =	vmul.f32 v23, v23;
	v38 =	vadd.f32 v17, v16  }
0x542: {  	v36 =	vld [tilespmem:s13+$0x60];
	v53 =	vmul.f32 v16, v16;
	v1 =	vadd.f32 v50, v1;
	v3 =	vadd.f32 v4, v3  }
0x543: {  	v60 =	vld [tilespmem:$0x1FFE0];
	v41 =	vmul.f32 v39, v39;
	v4 =	vadd.f32 v24, v25;
	v7 =	vadd.f32 v8, v7  }
0x544: {  	v34 =	vld [tilespmem:s13+$0xA0];
	v51 =	vperm.xlane v0, v58;
	v8 =	vadd.f32 v21, v20;
	v2 =	vadd.f32 v10, v9  }
0x545: {  	v33 =	vld [tilespmem:s13+$0xE0];
	v46 =	vmul.f32 v40, v40;
	v9 =	vadd.f32 v22, v18;
	v45 =	vadd.f32 v31, v30  }
0x546: {  	v32 =	vld [tilespmem:s13+$0x120];
	v10 =	vmul.f32 v22, v22;
	v30 =	vadd.f32 v28, v39;
	v0 =	vadd.f32 v51, v0  }
0x547: {  	v43 =	vld [tilespmem:s13+$0x70];
	v5 =	vadd.f32 v5, v41;
	v6 =	vadd.f32 v36, v6;
	v52 =	vperm.xlane v1, v58  }
0x548: {  	v56 =	vadd.f32 v10, v11;
	v11 =	vadd.f32 v23, v19;
	v29 =	vperm.xlane v0, v59  }
0x549: {  	v44 =	vld [tilespmem:s13+$0x30];
	v48 =	vmul.f32 v36, v36;
	v35 =	vadd.f32 v40, v30;
	v1 =	vadd.f32 v52, v1  }
0x54a: {  	v49 =	vmul.f32 v34, v34;
	v4 =	vadd.f32 v34, v4;
	v0 =	vadd.f32 v29, v0  }
0x54b: {  	v31 =	vld [tilespmem:s13+$0x160];
	v8 =	vadd.f32 v33, v8;
	v9 =	vadd.f32 v32, v9;
	v29 =	vperm.xlane v1, v59  }
0x54c: {  	v41 =	vld [tilespmem:s13+$0xF0];
	v5 =	vadd.f32 v46, v5;
	v12 =	vadd.f32 v43, v6;
	v54 =	vperm.xlane v0, v60  }
0x54d: {  	v3 =	vadd.f32 v48, v3;
	v42 =	vadd.f32 v29, v1;
	v29 =	vmul.f32 v17, v17;
	v1 =	vld [tilespmem:$0x1FFF0]  }
0x54e: {  	v48 =	vmul.f32 v43, v43;
	v52 =	vadd.f32 v44, v35;
	v0 =	vadd.f32 v54, v0  }
0x54f: {  	v55 =	vperm.xlane v42, v60;
	v47 =	vadd.f32 v29, v53;
	v29 =	vld [tilespmem:s13+$0x1A0];
	v54 =	vmul.f32 v44, v44  }
0x550: {  	v7 =	vadd.f32 v49, v7;
	v3 =	vadd.f32 v48, v3;
	v46 =	vmul.f32 v31, v31  }
0x551: {  	v50 =	vadd.f32 v55, v42;
	v42 =	vld [tilespmem:s13+$0xB0];
	v5 =	vadd.f32 v54, v5;
	v54 =	vperm.xlane v52, v58  }
0x552: {  	v35 =	vld [tilespmem:s13+$0x1B0];
	v11 =	vadd.f32 v31, v11;
	v8 =	vadd.f32 v41, v8;
	v30 =	vperm.xlane v0, v1  }
0x553: {  	v45 =	vadd.f32 v46, v45;
	v37 =	vperm.xlane v50, v1;
	v52 =	vadd.f32 v54, v52  }
0x554: {  	v54 =	vperm.xlane v5, v58;
	v0 =	vadd.f32 v30, v0;
	v51 =	vadd.f32 v29, v38  }
0x555: {  	v53 =	vmul.f32 v29, v29;
	v57 =	vadd.f32 v37, v50;
	v50 =	vmul.f32 v32, v32  }
0x556: {  	v38 =	vld [tilespmem:s13+$0x130];
	v5 =	vadd.f32 v54, v5;
	v30 =	vmul.f32 $1.562500000e-02, v0;
	v4 =	vadd.f32 v42, v4  }
0x557: {  	v37 =	vld [tilespmem:s13+$0x170];
	v49 =	vmul.f32 v42, v42;
	v47 =	vadd.f32 v53, v47;
	v53 =	vmul.f32 v35, v35  }
0x558: {  	v46 =	vadd.f32 v35, v51;
	v0 =	vmul.f32 $1.562500000e-02, v57;
	v57 =	vmul.f32 v30, v30  }
0x559: {  	v55 =	vmul.f32 v33, v33;
	v6 =	vadd.f32 v50, v56;
	v7 =	vadd.f32 v49, v7  }
0x55a: {  	v48 =	vperm.xlane v12, v58;
	v47 =	vadd.f32 v53, v47;
	v0 =	vsub.f32 v0, v57  }
0x55b: {  	v49 =	vperm.xlane v4, v58;
	v9 =	vadd.f32 v38, v9;
	v57 =	vadd.f32 v55, v2  }
0x55c: {  	v53 =	vperm.xlane v46, v58;
	v11 =	vadd.f32 v37, v11;
	v0 =	vadd.f32 $9.999999740e-06, v0  }
0x55d: {  	v56 =	vmul.f32 v37, v37;
	v4 =	vadd.f32 v49, v4;
	v49 =	vperm.xlane v7, v58  }
0x55e: {  	v46 =	vadd.f32 v53, v46;
	v53 =	vperm.xlane v47, v58;
	v55 =	vshra.s32 v0, $0x1  }
0x55f: {  	v10 =	vmul.f32 $5.000000000e-01, v0;
	v50 =	vsub.s32 $0x5F3759DF, v55;
	v55 =	vmul.f32 v38, v38  }
0x560: {  	v2 =	vmul.f32 v41, v41;
	v45 =	vadd.f32 v56, v45;
	v7 =	vadd.f32 v49, v7  }
0x561: {  	v47 =	vadd.f32 v53, v47;
	v0 =	vmul.f32 v50, v10;
	v13 =	vadd.f32 v55, v6  }
0x562: {  	v55 =	vperm.xlane v9, v58;
	v6 =	vadd.f32 v48, v12;
	v48 =	vperm.xlane v3, v58  }
0x563: {  	v51 =	vmul.f32 v50, v0;
	v0 =	vadd.f32 v2, v57;
	v2 =	vperm.xlane v8, v58  }
0x564: {  	v57 =	vperm.xlane v52, v59;
	v9 =	vadd.f32 v55, v9;
	v55 =	vperm.xlane v13, v58  }
0x565: {  	v3 =	vadd.f32 v48, v3;
	v48 =	vperm.xlane v4, v59;
	v51 =	vsub.f32 $1.500000000e+00, v51  }
0x566: {  	v54 =	vperm.xlane v6, v59;
	v2 =	vadd.f32 v2, v8;
	v52 =	vadd.f32 v57, v52  }
0x567: {  	v53 =	vperm.xlane v3, v59;
	v4 =	vadd.f32 v48, v4;
	v48 =	vperm.xlane v7, v59  }
0x568: {  	v6 =	vadd.f32 v54, v6;
	v50 =	vmul.f32 v50, v51;
	v51 =	vperm.xlane v11, v58  }
0x569: {  	v3 =	vadd.f32 v53, v3;
	v53 =	vperm.xlane v4, v60;
	v7 =	vadd.f32 v48, v7  }
0x56a: {  	v49 =	vperm.xlane v2, v59;
	v56 =	vmul.f32 v50, v10;
	v11 =	vadd.f32 v51, v11  }
0x56b: {  	v51 =	vperm.xlane v45, v58;
	v4 =	vadd.f32 v53, v4;
	v53 =	vperm.xlane v7, v60  }
0x56c: {  	v2 =	vadd.f32 v49, v2;
	v8 =	vmul.f32 v56, v50;
	v56 =	vperm.xlane v0, v58  }
0x56d: {  	v45 =	vadd.f32 v51, v45;
	v51 =	vperm.xlane v46, v59;
	v7 =	vadd.f32 v53, v7  }
0x56e: {  	v48 =	vperm.xlane v2, v60;
	v8 =	vsub.f32 $1.500000000e+00, v8;
	v12 =	vadd.f32 v56, v0  }
0x56f: {  	v56 =	vperm.xlane v5, v59;
	v54 =	vperm.xlane v45, v59;
	v46 =	vadd.f32 v51, v46  }
0x570: {  	v51 =	vperm.xlane v52, v60;
	v2 =	vadd.f32 v48, v2;
	v8 =	vmul.f32 v8, v50  }
0x571: {  	v50 =	vperm.xlane v9, v59;
	v49 =	vperm.xlane v12, v59;
	v5 =	vadd.f32 v56, v5  }
0x572: {  	v56 =	vperm.xlane v6, v60;
	v51 =	vadd.f32 v51, v52;
	v58 =	vmul.f32 v8, v10  }
0x573: {  	v10 =	vadd.f32 v55, v13;
	v55 =	vperm.xlane v11, v59;
	v9 =	vadd.f32 v50, v9  }
0x574: {  	v12 =	vadd.f32 v49, v12;
	v52 =	vperm.xlane v51, v1;
	v0 =	vmul.f32 v58, v8  }
0x575: {  	v50 =	vperm.xlane v10, v59;
	v11 =	vadd.f32 v55, v11;
	v55 =	vperm.xlane v47, v59  }
0x576: {  	v6 =	vadd.f32 v56, v6;
	v49 =	vperm.xlane v9, v60;
	v58 =	vperm.xlane v46, v60  }
0x577: {  	v45 =	vadd.f32 v54, v45;
	v59 =	vperm.xlane v5, v60;
	v48 =	vperm.xlane v12, v60  }
0x578: {  	v56 =	vperm.xlane v6, v1;
	v51 =	vadd.f32 v52, v51;
	v0 =	vsub.f32 $1.500000000e+00, v0  }
0x579: {  	v10 =	vadd.f32 v50, v10;
	v57 =	vperm.xlane v11, v60;
	v47 =	vadd.f32 v55, v47  }
0x57a: {  	v55 =	vperm.xlane v3, v60;
	v9 =	vadd.f32 v49, v9;
	v50 =	vperm.xlane v45, v60  }
0x57b: {  	v46 =	vadd.f32 v58, v46;
	v5 =	vadd.f32 v59, v5;
	v58 =	vperm.xlane v2, v1  }
0x57c: {  	v12 =	vadd.f32 v48, v12;
	v6 =	vadd.f32 v56, v6;
	v49 =	vperm.xlane v10, v60  }
0x57d: {  	v11 =	vadd.f32 v57, v11;
	v54 =	vperm.xlane v47, v60;
	v57 =	vperm.xlane v4, v1  }
0x57e: {  	v3 =	vadd.f32 v55, v3;
	v59 =	vperm.xlane v9, v1;
	v60 =	vperm.xlane v46, v1  }
0x57f: {  	v45 =	vadd.f32 v50, v45;
	v52 =	vperm.xlane v5, v1;
	v55 =	vperm.xlane v7, v1  }
0x580: {  	v2 =	vadd.f32 v58, v2;
	v53 =	vperm.xlane v12, v1;
	v58 =	vmul.f32 $1.562500000e-02, v51  }
0x581: {  	v51 =	vmul.f32 $1.562500000e-02, v6;
	v10 =	vadd.f32 v49, v10;
	v49 =	vperm.xlane v11, v1  }
0x582: {  	v47 =	vadd.f32 v54, v47;
	v54 =	vperm.xlane v3, v1;
	v4 =	vadd.f32 v57, v4  }
0x583: {  	v9 =	vadd.f32 v59, v9;
	v57 =	vperm.xlane v45, v1;
	v59 =	vadd.f32 v60, v46  }
0x584: {  	v5 =	vadd.f32 v52, v5;
	v6 =	vmul.f32 v58, v58;
	v56 =	vperm.xlane v10, v1  }
0x585: {  	v11 =	vadd.f32 v49, v11;
	v60 =	vperm.xlane v47, v1;
	v3 =	vadd.f32 v54, v3  }
0x586: {  	v50 =	vmul.f32 $1.562500000e-02, v4;
	v4 =	vadd.f32 v55, v7;
	v49 =	vmul.f32 $1.562500000e-02, v2  }
0x587: {  	v54 =	vadd.f32 v53, v12;
	v48 =	vmul.f32 $1.562500000e-02, v9;
	v5 =	vmul.f32 $1.562500000e-02, v5  }
0x588: {  	v7 =	vadd.f32 v57, v45;
	v9 =	vmul.f32 v51, v51;
	v45 =	vmul.f32 v0, v8  }
0x589: {  	v46 =	vmul.f32 $1.562500000e-02, v11;
	v55 =	vadd.f32 v56, v10;
	v3 =	vmul.f32 $1.562500000e-02, v3  }
0x58a: {  	v10 =	vadd.f32 v60, v47;
	v4 =	vmul.f32 $1.562500000e-02, v4;
	v11 =	vmul.f32 v50, v50  }
0x58b: {  	v5 =	vsub.f32 v5, v6;
	v1 =	vmul.f32 $1.562500000e-02, v54;
	v6 =	vmul.f32 v49, v49  }
0x58c: {  	v47 =	vmul.f32 $1.562500000e-02, v59;
	v3 =	vsub.f32 v3, v9;
	v2 =	vmul.f32 $1.562500000e-02, v55  }
0x58d: {  	v9 =	vmul.f32 v48, v48;
	v4 =	vsub.f32 v4, v11;
	v1 =	vsub.f32 v1, v6  }
0x58e: {  	v6 =	vmul.f32 $1.562500000e-02, v7;
	v7 =	vmul.f32 v46, v46;
	v5 =	vadd.f32 $9.999999740e-06, v5  }
0x58f: {  	v2 =	vsub.f32 v2, v9;
	v9 =	vmul.f32 $1.562500000e-02, v10;
	v10 =	vmul.f32 v47, v47  }
0x590: {  	v56 =	vsub.f32 v6, v7;
	v3 =	vadd.f32 $9.999999740e-06, v3;
	v7 =	vshra.s32 v5, $0x1  }
0x591: {  	v4 =	vadd.f32 $9.999999740e-06, v4;
	v1 =	vadd.f32 $9.999999740e-06, v1;
	v5 =	vmul.f32 $5.000000000e-01, v5  }
0x592: {  	v7 =	vsub.s32 $0x5F3759DF, v7;
	v6 =	vsub.f32 v9, v10;
	v2 =	vadd.f32 $9.999999740e-06, v2  }
0x593: {  	v0 =	vadd.f32 $9.999999740e-06, v56;
	v8 =	vshra.s32 v3, $0x1;
	v3 =	vmul.f32 $5.000000000e-01, v3  }
0x594: {  	v9 =	vshra.s32 v4, $0x1;
	v4 =	vmul.f32 $5.000000000e-01, v4;
	v10 =	vshra.s32 v1, $0x1  }
0x595: {  	v1 =	vmul.f32 $5.000000000e-01, v1;
	v59 =	vmul.f32 v7, v5;
	v8 =	vsub.s32 $0x5F3759DF, v8  }
0x596: {  	v9 =	vsub.s32 $0x5F3759DF, v9;
	v10 =	vsub.s32 $0x5F3759DF, v10;
	v11 =	vshra.s32 v2, $0x1  }
0x597: {  	v2 =	vmul.f32 $5.000000000e-01, v2;
	v57 =	vshra.s32 v0, $0x1;
	v0 =	vmul.f32 $5.000000000e-01, v0  }
0x598: {  	v6 =	vadd.f32 $9.999999740e-06, v6;
	v60 =	vmul.f32 v8, v3;
	v54 =	vmul.f32 v7, v59  }
0x599: {  	v56 =	vmul.f32 v9, v4;
	v11 =	vsub.s32 $0x5F3759DF, v11;
	v52 =	vsub.s32 $0x5F3759DF, v57  }
0x59a: {  	v57 =	vmul.f32 v10, v1;
	v53 =	vshra.s32 v6, $0x1;
	v55 =	vmul.f32 v8, v60  }
0x59b: {  	v6 =	vmul.f32 $5.000000000e-01, v6;
	v54 =	vsub.f32 $1.500000000e+00, v54;
	v59 =	vmul.f32 v11, v2  }
0x59c: {  	v60 =	vmul.f32 v52, v0;
	v56 =	vmul.f32 v9, v56;
	v55 =	vsub.f32 $1.500000000e+00, v55  }
0x59d: {  	v53 =	vsub.s32 $0x5F3759DF, v53;
	v57 =	vmul.f32 v10, v57;
	v7 =	vmul.f32 v7, v54  }
0x59e: {  	v54 =	vmul.f32 v53, v6;
	v56 =	vsub.f32 $1.500000000e+00, v56;
	v8 =	vmul.f32 v8, v55  }
0x59f: {  	v57 =	vsub.f32 $1.500000000e+00, v57;
	v55 =	vmul.f32 v11, v59;
	v59 =	vmul.f32 v52, v60  }
0x5a0: {  	v54 =	vmul.f32 v53, v54;
	v9 =	vmul.f32 v9, v56  }
0x5a1: {  	v15 =	vsub.f32 v15, v30;
	v56 =	vmul.f32 v7, v5;
	v10 =	vmul.f32 v10, v57  }
0x5a2: {  	v55 =	vsub.f32 $1.500000000e+00, v55;
	v60 =	vmul.f32 v8, v3;
	v59 =	vsub.f32 $1.500000000e+00, v59  }
0x5a3: {  	v54 =	vsub.f32 $1.500000000e+00, v54;
	v56 =	vmul.f32 v56, v7;
	v57 =	vmul.f32 v10, v1  }
0x5a4: {  	v39 =	vsub.f32 v39, v58;
	v11 =	vmul.f32 v11, v55;
	v55 =	vmul.f32 v60, v8  }
0x5a5: {  	v52 =	vmul.f32 v52, v59;
	v53 =	vmul.f32 v53, v54;
	v60 =	vsub.f32 $1.500000000e+00, v56  }
0x5a6: {  	v20 =	vsub.f32 v20, v49;
	v56 =	vmul.f32 v9, v4;
	v57 =	vmul.f32 v57, v10  }
0x5a7: {  	v55 =	vsub.f32 $1.500000000e+00, v55;
	v59 =	vmul.f32 v11, v2;
	v7 =	vmul.f32 v60, v7  }
0x5a8: {  	v21 =	vsub.f32 v21, v49;
	v54 =	vmul.f32 v52, v0;
	v56 =	vmul.f32 v56, v9  }
0x5a9: {  	v60 =	vmul.f32 v53, v6;
	v57 =	vsub.f32 $1.500000000e+00, v57;
	v8 =	vmul.f32 v55, v8  }
0x5aa: {  	v59 =	vmul.f32 v59, v11;
	v54 =	vmul.f32 v54, v52;
	v56 =	vsub.f32 $1.500000000e+00, v56  }
0x5ab: {  	v18 =	vsub.f32 v18, v48;
	v5 =	vmul.f32 v7, v5;
	v55 =	vmul.f32 v60, v53  }
0x5ac: {  	v10 =	vmul.f32 v57, v10;
	v59 =	vsub.f32 $1.500000000e+00, v59;
	v9 =	vmul.f32 v56, v9  }
0x5ad: {  	v54 =	vsub.f32 $1.500000000e+00, v54;
	v5 =	vmul.f32 v5, v7;
	v3 =	vmul.f32 v8, v3  }
0x5ae: {  	v55 =	vsub.f32 $1.500000000e+00, v55;
	v56 =	vmul.f32 v45, v15;
	v1 =	vmul.f32 v10, v1  }
0x5af: {  	v32 =	vsub.f32 v32, v48;
	v11 =	vmul.f32 v59, v11;
	v52 =	vmul.f32 v54, v52  }
0x5b0: {  	v5 =	vsub.f32 $1.500000000e+00, v5;
	v53 =	vmul.f32 v55, v53;
	v4 =	vmul.f32 v9, v4  }
0x5b1: {  	v29 =	vsub.f32 v29, v47;
	v3 =	vmul.f32 v3, v8;
	v1 =	vmul.f32 v1, v10  }
0x5b2: {  	v55 =	vsub.f32 v16, v47;
	v5 =	vmul.f32 v5, v7;
	v2 =	vmul.f32 v11, v2  }
0x5b3: {  	v16 =	vsub.f32 v17, v47;
	v0 =	vmul.f32 v52, v0;
	v4 =	vmul.f32 v4, v9  }
0x5b4: {  	v6 =	vmul.f32 v53, v6;
	v3 =	vsub.f32 $1.500000000e+00, v3;
	v1 =	vsub.f32 $1.500000000e+00, v1  }
0x5b5: {  	v2 =	vmul.f32 v2, v11;
	v0 =	vmul.f32 v0, v52;
	v4 =	vsub.f32 $1.500000000e+00, v4  }
0x5b6: {  	v6 =	vmul.f32 v6, v53;
	v3 =	vmul.f32 v3, v8;
	v8 =	vsub.f32 v25, v50  }
0x5b7: {  	v1 =	vmul.f32 v1, v10;
	v10 =	vsub.f32 v34, v50;
	v2 =	vsub.f32 $1.500000000e+00, v2  }
0x5b8: {  	v0 =	vsub.f32 $1.500000000e+00, v0;
	v4 =	vmul.f32 v4, v9;
	v6 =	vsub.f32 $1.500000000e+00, v6  }
0x5b9: {  	v9 =	vsub.f32 v24, v50;
	v21 =	vmul.f32 v1, v21;
	v2 =	vmul.f32 v2, v11  }
0x5ba: {  	v24 =	vsub.f32 v33, v49;
	v0 =	vmul.f32 v0, v52;
	v6 =	vmul.f32 v6, v53  }
0x5bb: {  	v11 =	vsub.f32 v42, v50;
	v8 =	vmul.f32 v4, v8;
	v9 =	vmul.f32 v4, v9  }
0x5bc: {  	v25 =	vsub.f32 v41, v49;
	v10 =	vmul.f32 v4, v10;
	v52 =	vmul.f32 v1, v20  }
0x5bd: {  	v12 =	vld [tilespmem:$0x1FC10];
	v53 =	vmul.f32 v1, v24;
	v4 =	vmul.f32 v4, v11;
	v11 =	vsub.f32 v19, v46  }
0x5be: {  	v1 =	vmul.f32 v1, v25;
	v19 =	vsub.f32 v23, v46;
	v54 =	vmul.f32 v2, v18  }
0x5bf: {  	v57 =	vld [tilespmem:$0x1FC00];
	v25 =	vmul.f32 v2, v32;
	v23 =	vmul.f32 v0, v11;
	v11 =	vsub.f32 v35, v47  }
0x5c0: {  	v22 =	vsub.f32 v22, v48;
	v34 =	vmul.f32 v6, v55;
	v18 =	vmul.f32 v6, v16  }
0x5c1: {  	v15 =	vsub.f32 v14, v30;
	v14 =	vmul.f32 v6, v29;
	v32 =	vmul.f32 v6, v11;
	v6 =	vld [tilespmem:$0x1FF80]  }
0x5c2: {  	v12 =	vsub.f32 v12, v30;
	v60 =	vsub.f32 v38, v48;
	v39 =	vmul.f32 v5, v39  }
0x5c3: {  	v48 =	vld [tilespmem:$0x1FF70];
	v20 =	vsub.f32 v31, v46;
	v31 =	vsub.f32 v37, v46;
	v24 =	vmul.f32 v2, v22  }
0x5c4: {  	v22 =	vmul.f32 v2, v60;
	v2 =	vsub.f32 v57, v30;
	v30 =	vmul.f32 v45, v12;
	v12 =	vld [tilespmem:$0x1FF90]  }
0x5c5: {  	v20 =	vmul.f32 v0, v20;
	v17 =	vmul.f32 v0, v31  }
0x5c6: {  	v28 =	vsub.f32 v28, v58;
	v19 =	vmul.f32 v0, v19;
	v0 =	vmul.f32 v56, v6  }
0x5c7: {  	v40 =	vsub.f32 v40, v58;
	v44 =	vsub.f32 v44, v58;
	v58 =	vmul.f32 v39, v61  }
0x5c8: {  	v0 =	vadd.f32 v0, v48  }
0x5c9: {  	v31 =	vmul.f32 v45, v2;
	v2 =	vadd.f32 v58, v12  }
0x5ca: {  	v12 =	vld [tilespmem:$0x1FF80];
	[tilespmem:s13+$0x1F0] =	vst v0  }
0x5cb: {  	v0 =	vld [tilespmem:$0x1FFA0];
	[tilespmem:s13+$0x0] =	vst v2  }
0x5cc: {  	v2 =	vld [tilespmem:$0x1FFB0]  }
0x5cd: {  	v40 =	vmul.f32 v5, v40;
	_ =	sdelay $0x1  }
0x5ce: {  	v11 =	vmul.f32 v40, v63  }
0x5cf: {  	v26 =	vsub.f32 v26, v51;
	v28 =	vmul.f32 v5, v28  }
0x5d0: {  	v7 =	vsub.f32 v27, v51;
	v2 =	vadd.f32 v11, v2;
	v11 =	vld [tilespmem:$0x1FF80]  }
0x5d1: {  	v59 =	vsub.f32 v43, v51;
	v27 =	vsub.f32 v36, v51;
	v6 =	vmul.f32 v28, v62  }
0x5d2: {  	v7 =	vmul.f32 v3, v7;
	v26 =	vmul.f32 v3, v26  }
0x5d3: {  	v27 =	vmul.f32 v3, v27;
	v3 =	vmul.f32 v3, v59;
	v0 =	vadd.f32 v6, v0;
	_ =	sdelay $0x1  }
0x5d4: {  	v6 =	vmul.f32 v26, v62;
	v26 =	vmul.f32 v3, v11;
	v11 =	vld [tilespmem:$0x1FF90];
	[tilespmem:s13+$0x10] =	vst v0  }
0x5d5: {  	v29 =	vmul.f32 v9, v62;
	v9 =	vld [tilespmem:$0x1FF80];
	_ =	sdelay $0x2  }
0x5d6: {  	v5 =	vmul.f32 v5, v44  }
0x5d7: {  	v36 =	vmul.f32 v10, v63;
	v10 =	vld [tilespmem:$0x1FFB0];
	[tilespmem:s13+$0x20] =	vst v2  }
0x5d8: {  	v5 =	vmul.f32 v5, v12;
	v35 =	vmul.f32 v4, v9;
	v4 =	vld [tilespmem:$0x1FFA0]  }
0x5d9: {  	v33 =	vmul.f32 v45, v15;
	v7 =	vmul.f32 v7, v61  }
0x5da: {  	v37 =	vmul.f32 v8, v61;
	v15 =	vmul.f32 v52, v61;
	v59 =	vadd.f32 v5, v48  }
0x5db: {  	v16 =	vmul.f32 v21, v62;
	v12 =	vmul.f32 v27, v63;
	v60 =	vadd.f32 v7, v11  }
0x5dc: {  	v21 =	vmul.f32 v53, v63;
	v13 =	vmul.f32 v54, v61;
	[tilespmem:s13+$0x30] =	vst v59  }
0x5dd: {  	s16 =	simm.s32 $0x0;
	s7 =	simm.s32 $0x12600;
	v38 =	vadd.f32 v12, v10;
	v12 =	vmul.f32 v1, v9;
	[tilespmem:s13+$0x40] =	vst v60;
	v28 =	vadd.f32 v6, v4  }
.LBB2_9:
0x5de: {  	v27 =	vld [tilespmem:s7+$0x1C0]  }
0x5df: {  	v44 =	vld [tilespmem:s7+$0x10]  }
0x5e0: {  	v57 =	vld [tilespmem:$0x1FFA0]  }
0x5e1: {  	v1 =	vmul.f32 v24, v62;
	v49 =	vmul.f32 v34, v61;
	v34 =	vld [tilespmem:s7+$0x100];
	[tilespmem:s13+$0x50] =	vst v28  }
0x5e2: {  	v60 =	vmul.f32 v25, v63;
	v45 =	vmul.f32 v20, v63;
	v20 =	vld [tilespmem:$0x1FFC0];
	[tilespmem:s13+$0x60] =	vst v38  }
0x5e3: {  	v2 =	vmul.f32 v22, v9;
	v54 =	vmul.f32 v32, v9;
	v32 =	vld [tilespmem:s7+$0x140];
	[tilespmem:$0x1FB20] =	vst v1  }
0x5e4: {  	v0 =	vadd.f32 v26, v48;
	v24 =	vld [tilespmem:s7+$0x1B0];
	[tilespmem:$0x1FB30] =	vst v60  }
0x5e5: {  	v43 =	vmul.f32 v19, v62;
	v28 =	vld [tilespmem:s7+$0x1D0];
	[tilespmem:$0x1FB40] =	vst v2  }
0x5e6: {  	v39 =	vadd.f32 v29, v4;
	v29 =	vld [tilespmem:s7+$0x1E0];
	[tilespmem:s13+$0x70] =	vst v0  }
0x5e7: {  	v55 =	vmul.f32 v33, v61;
	v33 =	vld [tilespmem:s7+$0x150];
	[tilespmem:$0x1FB60] =	vst v43  }
0x5e8: {  	v38 =	vmul.f32 v23, v61;
	v6 =	vmul.f32 v30, v63;
	v30 =	vld [tilespmem:s7+$0x180];
	[tilespmem:$0x1FB70] =	vst v45  }
0x5e9: {  	v37 =	vadd.f32 v37, v11;
	v5 =	vmul.f32 v31, v62;
	v31 =	vld [tilespmem:s7+$0x190];
	[tilespmem:$0x1FBC0] =	vst v54  }
0x5ea: {  	v60 =	vld [tilespmem:s7+$0x1F0];
	[tilespmem:$0x1FB50] =	vst v38  }
0x5eb: {  	v47 =	vmul.f32 v17, v9;
	v51 =	vmul.f32 v18, v62;
	v50 =	vadd.f32 v35, v48;
	[tilespmem:s13+$0x80] =	vst v37;
	v43 =	vld [tilespmem:s7+$0x40]  }
0x5ec: {  	v52 =	vmul.f32 v14, v63;
	v53 =	vadd.f32 v15, v11;
	v59 =	vadd.f32 v12, v48;
	[tilespmem:s13+$0x90] =	vst v39;
	v45 =	vld [tilespmem:s7+$0x50]  }
0x5ed: {  	[tilespmem:s13+$0xB0] =	vst v50;
	v54 =	vld [tilespmem:s7+$0x60];
	v46 =	vadd.f32 v36, v10;
	v58 =	vadd.f32 v21, v10;
	v3 =	vmul.f32 v27, v27  }
0x5ee: {  	[tilespmem:s13+$0xC0] =	vst v53;
	v36 =	vld [tilespmem:s7+$0x1A0];
	v0 =	vmul.f32 v44, v44;
	v1 =	vadd.f32 v16, v57;
	v11 =	vmul.f32 v34, v34  }
0x5ef: {  	v37 =	vld [tilespmem:s7+$0xC0];
	v62 =	vmul.f32 v32, v32;
	[tilespmem:s13+$0xA0] =	vst v46;
	v56 =	vadd.f32 v28, v27;
	v4 =	vmul.f32 v28, v28  }
0x5f0: {  	[tilespmem:$0x1FBE0] =	vst v5;
	v39 =	vmul.f32 v33, v33;
	v42 =	vmul.f32 v30, v30;
	v48 =	vadd.f32 v31, v30;
	v40 =	vld [tilespmem:s7+$0x80]  }
0x5f1: {  	v41 =	vld [tilespmem:s7+$0x90];
	[tilespmem:s13+$0xD0] =	vst v1;
	v2 =	vadd.f32 v29, v56;
	v3 =	vadd.f32 v4, v3;
	v4 =	vmul.f32 v29, v29  }
0x5f2: {  	[tilespmem:$0x1FBF0] =	vst v6;
	v5 =	vmul.f32 v43, v43;
	v38 =	vld [tilespmem:s7+$0xD0];
	v6 =	vadd.f32 v45, v43;
	v7 =	vmul.f32 v45, v45  }
0x5f3: {  	v57 =	vmul.f32 v31, v31;
	[tilespmem:s13+$0xF0] =	vst v59;
	v59 =	vld [tilespmem:s7+$0x0];
	v19 =	vadd.f32 v36, v48;
	v2 =	vadd.f32 v60, v2  }
0x5f4: {  	v21 =	vld [tilespmem:$0x1FFD0];
	v3 =	vadd.f32 v4, v3;
	v4 =	vmul.f32 v60, v60;
	v18 =	vadd.f32 v7, v5  }
0x5f5: {  	[tilespmem:$0x1FBA0] =	vst v51;
	v51 =	vld [tilespmem:s7+$0xA0];
	v61 =	vmul.f32 v37, v37;
	v6 =	vadd.f32 v54, v6;
	v19 =	vadd.f32 v24, v19  }
0x5f6: {  	[tilespmem:$0x1FB90] =	vst v49;
	v8 =	vmul.f32 v40, v40;
	v3 =	vadd.f32 v4, v3;
	v4 =	vperm.xlane v2, v20  }
0x5f7: {  	v35 =	vld [tilespmem:s7+$0x110];
	[tilespmem:s13+$0xE0] =	vst v58;
	v7 =	vadd.f32 v41, v40;
	v9 =	vmul.f32 v41, v41;
	v10 =	vmul.f32 v38, v38  }
0x5f8: {  	[tilespmem:$0x1FBB0] =	vst v52;
	v49 =	vld [tilespmem:s7+$0xE0];
	v50 =	vadd.f32 v44, v59;
	v52 =	vmul.f32 v59, v59;
	v2 =	vadd.f32 v4, v2  }
0x5f9: {  	v56 =	vld [tilespmem:s7+$0x20];
	v4 =	vperm.xlane v3, v20;
	v17 =	vadd.f32 v9, v8;
	v9 =	vadd.f32 v38, v37  }
0x5fa: {  	v7 =	vadd.f32 v51, v7;
	v16 =	vadd.f32 v10, v61;
	v12 =	vperm.xlane v2, v21  }
0x5fb: {  	v26 =	vmovc v13;
	v46 =	vld [tilespmem:s7+$0x120];
	v13 =	vmul.f32 v51, v51;
	v61 =	vadd.f32 v57, v42;
	v3 =	vadd.f32 v4, v3  }
0x5fc: {  	v10 =	vmul.f32 v35, v35;
	v15 =	vadd.f32 v0, v52;
	v63 =	vadd.f32 v12, v2;
	v2 =	vld [tilespmem:$0x1FFE0]  }
0x5fd: {  	v5 =	vld [tilespmem:$0x1FFF0];
	v4 =	vadd.f32 v35, v34;
	v9 =	vadd.f32 v49, v9;
	v12 =	vperm.xlane v3, v21  }
0x5fe: {  	v53 =	vmul.f32 v56, v56;
	v57 =	vld [tilespmem:s7+$0x70];
	v13 =	vadd.f32 v13, v17;
	v14 =	vadd.f32 v10, v11  }
0x5ff: {  	v3 =	vadd.f32 v12, v3;
	v12 =	vadd.f32 v39, v62;
	v39 =	vld [tilespmem:s7+$0x160]  }
0x600: {  	v52 =	vld [tilespmem:s7+$0xF0];
	v11 =	vadd.f32 v33, v32;
	v53 =	vadd.f32 v53, v15;
	v15 =	vmul.f32 v36, v36  }
0x601: {  	[tilespmem:$0x1FB80] =	vst v47;
	v48 =	vld [tilespmem:s7+$0x170];
	v10 =	vadd.f32 v46, v4;
	v47 =	vperm.xlane v63, v2;
	v58 =	vperm.xlane v3, v2  }
0x602: {  	v15 =	vadd.f32 v15, v61;
	v62 =	vadd.f32 v56, v50  }
0x603: {  	v1 =	vadd.f32 v47, v63;
	v3 =	vadd.f32 v58, v3;
	v58 =	vld [tilespmem:s7+$0x30]  }
0x604: {  	v6 =	vadd.f32 v57, v6;
	v11 =	vadd.f32 v39, v11;
	v4 =	vmul.f32 v39, v39  }
0x605: {  	[tilespmem:$0x1FBD0] =	vst v55;
	v9 =	vadd.f32 v52, v9;
	v55 =	vperm.xlane v1, v5;
	v47 =	vperm.xlane v3, v5  }
0x606: {  	v63 =	vmul.f32 v54, v54;
	v11 =	vadd.f32 v48, v11;
	v4 =	vadd.f32 v4, v12  }
0x607: {  	v50 =	vadd.f32 v55, v1;
	v55 =	vld [tilespmem:s7+$0xB0];
	v0 =	vadd.f32 v47, v3;
	v3 =	vmul.f32 v49, v49  }
0x608: {  	v47 =	vmul.f32 v46, v46;
	v62 =	vadd.f32 v58, v62;
	v8 =	vmul.f32 v58, v58  }
0x609: {  	v42 =	vmul.f32 $1.562500000e-02, v50;
	v1 =	vmul.f32 $1.562500000e-02, v0;
	v3 =	vadd.f32 v3, v16  }
0x60a: {  	v16 =	vmul.f32 v52, v52;
	v8 =	vadd.f32 v8, v53;
	v53 =	vmul.f32 v24, v24  }
0x60b: {  	v50 =	vld [tilespmem:s7+$0x130];
	v14 =	vadd.f32 v47, v14;
	v61 =	vperm.xlane v62, v20;
	v0 =	vmul.f32 v42, v42  }
0x60c: {  	v3 =	vadd.f32 v16, v3;
	v16 =	vperm.xlane v9, v20;
	v7 =	vadd.f32 v55, v7  }
0x60d: {  	v17 =	vmul.f32 v55, v55;
	v23 =	vadd.f32 v53, v15;
	v0 =	vsub.f32 v1, v0  }
0x60e: {  	v53 =	vadd.f32 v61, v62;
	v61 =	vperm.xlane v8, v20;
	v1 =	vadd.f32 v63, v18  }
0x60f: {  	v18 =	vmul.f32 v57, v57;
	v9 =	vadd.f32 v16, v9;
	v0 =	vadd.f32 $9.999999740e-06, v0  }
0x610: {  	v62 =	vperm.xlane v3, v20;
	v10 =	vadd.f32 v50, v10;
	v13 =	vadd.f32 v17, v13  }
0x611: {  	v17 =	vperm.xlane v7, v20;
	v63 =	vshra.s32 v0, $0x1;
	v25 =	vmul.f32 $5.000000000e-01, v0  }
0x612: {  	v15 =	vperm.xlane v53, v21;
	v1 =	vadd.f32 v18, v1;
	v47 =	vsub.s32 $0x5F3759DF, v63  }
0x613: {  	v7 =	vadd.f32 v17, v7;
	v17 =	vperm.xlane v13, v20;
	v12 =	vmul.f32 v47, v25  }
0x614: {  	v18 =	vperm.xlane v6, v20;
	v3 =	vadd.f32 v62, v3;
	v63 =	vmul.f32 v50, v50  }
0x615: {  	v13 =	vadd.f32 v17, v13;
	v17 =	vperm.xlane v9, v21;
	v12 =	vmul.f32 v47, v12  }
0x616: {  	v6 =	vadd.f32 v18, v6;
	v14 =	vadd.f32 v63, v14;
	v63 =	vperm.xlane v10, v20  }
0x617: {  	v0 =	vmul.f32 v48, v48;
	v9 =	vadd.f32 v17, v9;
	v12 =	vsub.f32 $1.500000000e+00, v12  }
0x618: {  	v17 =	vperm.xlane v3, v21;
	v10 =	vadd.f32 v63, v10;
	v63 =	vperm.xlane v14, v20  }
0x619: {  	v22 =	vadd.f32 v0, v4;
	v4 =	vmul.f32 v47, v12;
	v12 =	vperm.xlane v11, v20  }
0x61a: {  	v18 =	vperm.xlane v1, v20;
	v3 =	vadd.f32 v17, v3;
	v47 =	vperm.xlane v19, v20  }
0x61b: {  	v14 =	vadd.f32 v63, v14;
	v0 =	vmul.f32 v4, v25;
	v11 =	vadd.f32 v12, v11  }
0x61c: {  	v12 =	vperm.xlane v22, v20;
	v19 =	vadd.f32 v47, v19;
	v47 =	vperm.xlane v23, v20  }
0x61d: {  	v20 =	vadd.f32 v18, v1;
	v18 =	vperm.xlane v10, v21;
	v16 =	vmul.f32 v0, v4  }
0x61e: {  	v0 =	vadd.f32 v61, v8;
	v61 =	vperm.xlane v6, v21;
	v62 =	vperm.xlane v11, v21  }
0x61f: {  	v22 =	vadd.f32 v12, v22;
	v12 =	vperm.xlane v19, v21;
	v16 =	vsub.f32 $1.500000000e+00, v16  }
0x620: {  	v8 =	vadd.f32 v15, v53;
	v15 =	vadd.f32 v47, v23;
	v47 =	vperm.xlane v20, v21  }
0x621: {  	v63 =	vperm.xlane v0, v21;
	v6 =	vadd.f32 v61, v6;
	v4 =	vmul.f32 v16, v4  }
0x622: {  	v61 =	vsub.f32 v60, v42;
	v11 =	vadd.f32 v62, v11;
	v16 =	vperm.xlane v7, v21  }
0x623: {  	v12 =	vadd.f32 v12, v19;
	v19 =	vperm.xlane v8, v2;
	v1 =	vmul.f32 v4, v25  }
0x624: {  	v60 =	vperm.xlane v15, v21;
	v7 =	vadd.f32 v16, v7;
	v16 =	vperm.xlane v13, v21  }
0x625: {  	v23 =	vadd.f32 v63, v0;
	v8 =	vadd.f32 v19, v8;
	v1 =	vmul.f32 v1, v4  }
0x626: {  	v63 =	vperm.xlane v7, v2;
	v13 =	vadd.f32 v16, v13;
	v16 =	vperm.xlane v9, v2  }
0x627: {  	v15 =	vadd.f32 v60, v15;
	v62 =	vperm.xlane v23, v2;
	v1 =	vsub.f32 $1.500000000e+00, v1  }
0x628: {  	v7 =	vadd.f32 v63, v7;
	v9 =	vadd.f32 v16, v9;
	v16 =	vperm.xlane v3, v2  }
0x629: {  	v53 =	vmul.f32 v1, v4;
	v4 =	vadd.f32 v18, v10;
	v10 =	vperm.xlane v14, v21  }
0x62a: {  	v18 =	vperm.xlane v22, v21;
	v21 =	vadd.f32 v47, v20;
	v47 =	vperm.xlane v13, v2  }
0x62b: {  	v63 =	vperm.xlane v9, v5;
	v3 =	vadd.f32 v16, v3;
	v1 =	vmul.f32 v53, v61  }
0x62c: {  	v61 =	vperm.xlane v6, v2;
	v17 =	vperm.xlane v4, v2;
	v10 =	vadd.f32 v10, v14  }
0x62d: {  	v20 =	vld [tilespmem:$0x1FF80];
	v14 =	vperm.xlane v11, v2;
	v0 =	vadd.f32 v18, v22;
	v18 =	vperm.xlane v12, v2  }
0x62e: {  	v19 =	vperm.xlane v21, v2;
	v13 =	vadd.f32 v47, v13;
	v9 =	vadd.f32 v63, v9  }
0x62f: {  	v47 =	vperm.xlane v3, v5;
	v6 =	vadd.f32 v61, v6;
	v4 =	vadd.f32 v17, v4  }
0x630: {  	v17 =	vperm.xlane v10, v2;
	v11 =	vadd.f32 v14, v11;
	v14 =	vperm.xlane v0, v2  }
0x631: {  	v12 =	vadd.f32 v18, v12;
	v18 =	vperm.xlane v8, v5;
	v63 =	vmul.f32 $1.562500000e-02, v9  }
0x632: {  	v3 =	vadd.f32 v47, v3;
	v1 =	vmul.f32 v1, v20;
	v20 =	vld [tilespmem:$0x1FF70];
	v60 =	vperm.xlane v6, v5  }
0x633: {  	v16 =	vperm.xlane v4, v5;
	v10 =	vadd.f32 v17, v10;
	v17 =	vperm.xlane v11, v5  }
0x634: {  	v0 =	vadd.f32 v14, v0;
	v14 =	vperm.xlane v12, v5;
	v8 =	vadd.f32 v18, v8  }
0x635: {  	v3 =	vmul.f32 $1.562500000e-02, v3;
	v6 =	vadd.f32 v60, v6;
	v4 =	vadd.f32 v16, v4  }
0x636: {  	v16 =	vperm.xlane v10, v5;
	v11 =	vadd.f32 v17, v11;
	v17 =	vperm.xlane v0, v5  }
0x637: {  	v8 =	vmul.f32 $1.562500000e-02, v8;
	v14 =	vadd.f32 v14, v12;
	v1 =	vadd.f32 v1, v20  }
0x638: {  	v20 =	vperm.xlane v15, v2;
	v2 =	vadd.f32 v19, v21;
	v19 =	vperm.xlane v7, v5  }
0x639: {  	v6 =	vmul.f32 $1.562500000e-02, v6;
	v9 =	vadd.f32 v17, v0;
	v59 =	vsub.f32 v59, v8  }
0x63a: {  	v61 =	vmul.f32 $1.562500000e-02, v11;
	v44 =	vsub.f32 v44, v8;
	v56 =	vsub.f32 v56, v8  }
0x63b: {  	v21 =	vmul.f32 $1.562500000e-02, v14;
	[tilespmem:s7+$0x1F0] =	vst v1;
	v1 =	vadd.f32 v62, v23;
	v20 =	vadd.f32 v20, v15  }
0x63c: {  	v18 =	vperm.xlane v2, v5;
	v7 =	vadd.f32 v19, v7;
	v19 =	vperm.xlane v13, v5  }
0x63d: {  	v62 =	vmul.f32 $1.562500000e-02, v4;
	v4 =	vadd.f32 v16, v10;
	v15 =	vperm.xlane v1, v5  }
0x63e: {  	v10 =	vmul.f32 v8, v8;
	v11 =	vmul.f32 v6, v6;
	v2 =	vadd.f32 v18, v2  }
0x63f: {  	v9 =	vmul.f32 $1.562500000e-02, v9;
	v60 =	vperm.xlane v20, v5;
	v1 =	vadd.f32 v15, v1  }
0x640: {  	v58 =	vsub.f32 v58, v8;
	v12 =	vmul.f32 $1.562500000e-02, v7;
	v2 =	vmul.f32 $1.562500000e-02, v2  }
0x641: {  	v7 =	vadd.f32 v19, v13;
	v4 =	vmul.f32 $1.562500000e-02, v4;
	v1 =	vmul.f32 $1.562500000e-02, v1  }
0x642: {  	v5 =	vadd.f32 v60, v20;
	v2 =	vsub.f32 v2, v11;
	v11 =	vmul.f32 v63, v63  }
0x643: {  	v7 =	vmul.f32 $1.562500000e-02, v7;
	v1 =	vsub.f32 v1, v10;
	v10 =	vmul.f32 v12, v12  }
0x644: {  	v3 =	vsub.f32 v3, v11;
	v11 =	vmul.f32 v61, v61;
	v2 =	vadd.f32 $9.999999740e-06, v2  }
0x645: {  	v5 =	vmul.f32 $1.562500000e-02, v5;
	v7 =	vsub.f32 v7, v10;
	v10 =	vmul.f32 v62, v62  }
0x646: {  	v1 =	vadd.f32 $9.999999740e-06, v1;
	v9 =	vsub.f32 v9, v11;
	v11 =	vshra.s32 v2, $0x1  }
0x647: {  	v3 =	vadd.f32 $9.999999740e-06, v3;
	v2 =	vmul.f32 $5.000000000e-01, v2;
	v11 =	vsub.s32 $0x5F3759DF, v11  }
0x648: {  	v4 =	vsub.f32 v4, v10;
	v10 =	vmul.f32 v21, v21;
	v7 =	vadd.f32 $9.999999740e-06, v7  }
0x649: {  	v20 =	vmul.f32 $5.000000000e-01, v1;
	v9 =	vadd.f32 $9.999999740e-06, v9;
	v14 =	vshra.s32 v3, $0x1  }
0x64a: {  	v3 =	vmul.f32 $5.000000000e-01, v3;
	v19 =	vmul.f32 v11, v2;
	v14 =	vsub.s32 $0x5F3759DF, v14  }
0x64b: {  	v5 =	vsub.f32 v5, v10;
	v10 =	vshra.s32 v1, $0x1;
	v13 =	vshra.s32 v7, $0x1  }
0x64c: {  	v7 =	vmul.f32 $5.000000000e-01, v7;
	v16 =	vshra.s32 v9, $0x1;
	v9 =	vmul.f32 $5.000000000e-01, v9  }
0x64d: {  	v4 =	vadd.f32 $9.999999740e-06, v4;
	v60 =	vmul.f32 v14, v3;
	v19 =	vmul.f32 v11, v19  }
0x64e: {  	v10 =	vsub.s32 $0x5F3759DF, v10;
	v13 =	vsub.s32 $0x5F3759DF, v13;
	v16 =	vsub.s32 $0x5F3759DF, v16  }
0x64f: {  	v15 =	vshra.s32 v4, $0x1;
	v4 =	vmul.f32 $5.000000000e-01, v4;
	v18 =	vmul.f32 v10, v20  }
0x650: {  	v5 =	vadd.f32 $9.999999740e-06, v5;
	v47 =	vmul.f32 v13, v7;
	v8 =	vmul.f32 v16, v9  }
0x651: {  	v60 =	vmul.f32 v14, v60;
	v19 =	vsub.f32 $1.500000000e+00, v19;
	v15 =	vsub.s32 $0x5F3759DF, v15  }
0x652: {  	v17 =	vshra.s32 v5, $0x1;
	v5 =	vmul.f32 $5.000000000e-01, v5;
	v0 =	vmul.f32 v15, v4  }
0x653: {  	v43 =	vsub.f32 v43, v6;
	v18 =	vmul.f32 v10, v18;
	v47 =	vmul.f32 v13, v47  }
0x654: {  	v45 =	vsub.f32 v45, v6;
	v8 =	vmul.f32 v16, v8;
	v11 =	vmul.f32 v11, v19  }
0x655: {  	v19 =	vsub.f32 v54, v6;
	v17 =	vsub.s32 $0x5F3759DF, v17;
	v18 =	vsub.f32 $1.500000000e+00, v18  }
0x656: {  	v1 =	vmul.f32 v17, v5;
	v0 =	vmul.f32 v15, v0;
	v47 =	vsub.f32 $1.500000000e+00, v47  }
0x657: {  	v8 =	vsub.f32 $1.500000000e+00, v8;
	v10 =	vmul.f32 v10, v18;
	v18 =	vsub.f32 $1.500000000e+00, v60  }
0x658: {  	v1 =	vmul.f32 v17, v1;
	v0 =	vsub.f32 $1.500000000e+00, v0;
	v13 =	vmul.f32 v13, v47  }
0x659: {  	v6 =	vsub.f32 v57, v6;
	v8 =	vmul.f32 v16, v8;
	v14 =	vmul.f32 v14, v18  }
0x65a: {  	v1 =	vsub.f32 $1.500000000e+00, v1;
	v0 =	vmul.f32 v15, v0;
	v15 =	vmul.f32 v10, v20  }
0x65b: {  	v16 =	vsub.f32 v40, v12;
	v18 =	vmul.f32 v13, v7;
	v57 =	vmul.f32 v8, v9  }
0x65c: {  	v40 =	vsub.f32 v41, v12;
	v1 =	vmul.f32 v17, v1;
	v17 =	vmul.f32 v11, v2  }
0x65d: {  	v41 =	vsub.f32 v51, v12;
	v47 =	vmul.f32 v14, v3;
	v51 =	vmul.f32 v0, v4  }
0x65e: {  	v15 =	vmul.f32 v15, v10;
	v17 =	vmul.f32 v17, v11  }
0x65f: {  	v12 =	vsub.f32 v55, v12;
	v18 =	vmul.f32 v18, v13;
	v54 =	vmul.f32 v57, v8  }
0x660: {  	v60 =	vmul.f32 v1, v5;
	v15 =	vsub.f32 $1.500000000e+00, v15;
	v17 =	vsub.f32 $1.500000000e+00, v17  }
0x661: {  	v47 =	vmul.f32 v47, v14;
	v51 =	vmul.f32 v51, v0;
	v18 =	vsub.f32 $1.500000000e+00, v18  }
0x662: {  	v10 =	vmul.f32 v15, v10;
	v11 =	vmul.f32 v17, v11;
	v17 =	vsub.f32 $1.500000000e+00, v54  }
0x663: {  	v55 =	vmul.f32 v60, v1;
	v15 =	vsub.f32 $1.500000000e+00, v47;
	v13 =	vmul.f32 v18, v13  }
0x664: {  	v47 =	vsub.f32 $1.500000000e+00, v51;
	v8 =	vmul.f32 v17, v8;
	v17 =	vmul.f32 v10, v20  }
0x665: {  	v7 =	vmul.f32 v13, v7;
	v2 =	vmul.f32 v11, v2  }
0x666: {  	v57 =	vsub.f32 $1.500000000e+00, v55;
	v0 =	vmul.f32 v47, v0;
	v17 =	vmul.f32 v17, v10  }
0x667: {  	v7 =	vmul.f32 v7, v13;
	v2 =	vmul.f32 v2, v11  }
0x668: {  	v1 =	vmul.f32 v57, v1;
	v17 =	vsub.f32 $1.500000000e+00, v17  }
0x669: {  	v4 =	vmul.f32 v0, v4;
	v7 =	vsub.f32 $1.500000000e+00, v7;
	v2 =	vsub.f32 $1.500000000e+00, v2  }
0x66a: {  	v9 =	vmul.f32 v8, v9;
	v10 =	vmul.f32 v17, v10  }
0x66b: {  	v7 =	vmul.f32 v7, v13;
	v2 =	vmul.f32 v2, v11  }
0x66c: {  	v13 =	vmul.f32 v10, v59;
	v55 =	vmul.f32 v10, v44  }
0x66d: {  	v56 =	vmul.f32 v10, v56;
	v10 =	vmul.f32 v10, v58  }
0x66e: {  	v17 =	vld [tilespmem:$0x1FF90];
	v57 =	vmul.f32 v2, v43;
	v58 =	vmul.f32 v2, v45  }
0x66f: {  	v59 =	vmul.f32 v2, v19;
	v2 =	vmul.f32 v2, v6;
	v6 =	vld [tilespmem:$0x1FFA0]  }
0x670: {  	v4 =	vmul.f32 v4, v0;
	v9 =	vmul.f32 v9, v8;
	v19 =	vld [tilespmem:$0x1FB20]  }
0x671: {  	v14 =	vmul.f32 v15, v14  }
0x672: {  	v4 =	vsub.f32 $1.500000000e+00, v4;
	v9 =	vsub.f32 $1.500000000e+00, v9  }
0x673: {  	v3 =	vmul.f32 v14, v3;
	v17 =	vadd.f32 v26, v17  }
0x674: {  	v0 =	vmul.f32 v4, v0;
	v4 =	vmul.f32 v9, v8;
	v8 =	vsub.f32 v48, v61;
	v48 =	vld [tilespmem:$0x1FF70]  }
0x675: {  	v3 =	vmul.f32 v3, v14;
	v6 =	vadd.f32 v19, v6;
	[tilespmem:s13+$0x100] =	vst v17;
	v17 =	vld [tilespmem:$0x1FFB0]  }
0x676: {  	v19 =	vld [tilespmem:$0x1FB30]  }
0x677: {  	v3 =	vsub.f32 $1.500000000e+00, v3;
	[tilespmem:s13+$0x110] =	vst v6;
	v6 =	vld [tilespmem:$0x1FB40];
	_ =	sdelay $0x1  }
0x678: {  	v15 =	vsub.f32 v49, v63;
	v3 =	vmul.f32 v3, v14;
	_ =	sdelay $0x1  }
0x679: {  	v60 =	vmul.f32 v3, v15;
	v15 =	vld [tilespmem:$0x1FB60];
	v17 =	vadd.f32 v19, v17  }
0x67a: {  	v19 =	vld [tilespmem:$0x1FB50];
	v6 =	vadd.f32 v6, v48  }
0x67b: {  	[tilespmem:s13+$0x120] =	vst v17;
	v17 =	vld [tilespmem:$0x1FF90]  }
0x67c: {  	[tilespmem:s13+$0x130] =	vst v6;
	v6 =	vld [tilespmem:$0x1FFA0];
	_ =	sdelay $0x3  }
0x67d: {  	v37 =	vsub.f32 v37, v63;
	v17 =	vadd.f32 v19, v17  }
0x67e: {  	v38 =	vsub.f32 v38, v63;
	v6 =	vadd.f32 v15, v6;
	v15 =	vld [tilespmem:$0x1FFB0]  }
0x67f: {  	v32 =	vsub.f32 v32, v61;
	v33 =	vsub.f32 v33, v61;
	v5 =	vmul.f32 v1, v5;
	[tilespmem:s13+$0x140] =	vst v17;
	v17 =	vld [tilespmem:$0x1FB70]  }
0x680: {  	v18 =	vsub.f32 v52, v63;
	v20 =	vsub.f32 v34, v62  }
0x681: {  	v52 =	vsub.f32 v46, v62;
	v5 =	vmul.f32 v5, v1;
	v11 =	vsub.f32 v39, v61  }
0x682: {  	v54 =	vsub.f32 v50, v62;
	v49 =	vld [tilespmem:$0x1FB80];
	v34 =	vsub.f32 v35, v62;
	v47 =	vmul.f32 v0, v20  }
0x683: {  	v50 =	vld [tilespmem:$0x1FFA0];
	v5 =	vsub.f32 $1.500000000e+00, v5;
	v23 =	vmul.f32 v4, v32;
	v20 =	vmul.f32 v4, v11  }
0x684: {  	v19 =	vmul.f32 v4, v33;
	v15 =	vadd.f32 v17, v15;
	v17 =	vmul.f32 v4, v8;
	v4 =	vld [tilespmem:$0x1FBA0]  }
0x685: {  	v14 =	vsub.f32 v36, v21;
	v1 =	vmul.f32 v5, v1;
	v5 =	vsub.f32 v30, v21  }
0x686: {  	v51 =	vld [tilespmem:$0x1FBC0];
	v9 =	vsub.f32 v31, v21;
	v21 =	vsub.f32 v24, v21;
	v24 =	vmul.f32 v0, v34  }
0x687: {  	v63 =	vld [tilespmem:$0x1FF60];
	v25 =	vmul.f32 v0, v52;
	v22 =	vmul.f32 v0, v54;
	v0 =	vadd.f32 v49, v48  }
0x688: {  	v34 =	vmul.f32 v1, v5;
	v5 =	vld [tilespmem:$0x1FBB0]  }
0x689: {  	[tilespmem:s13+$0x170] =	vst v0;
	v0 =	vadd.f32 v4, v50;
	v4 =	vld [tilespmem:$0x1FFB0]  }
0x68a: {  	v62 =	vld [tilespmem:$0x1FF50]  }
0x68b: {  	v61 =	vld [tilespmem:$0x1FF40]  }
0x68c: {  	v54 =	vld [tilespmem:$0x1FFA0]  }
0x68d: {  	[tilespmem:s13+$0x150] =	vst v6;
	v6 =	vld [tilespmem:$0x1FF90]  }
0x68e: {  	v4 =	vadd.f32 v5, v4;
	v5 =	vld [tilespmem:$0x1FBE0]  }
0x68f: {  	[tilespmem:s13+$0x160] =	vst v15;
	v15 =	vld [tilespmem:$0x1FB90]  }
0x690: {  	v16 =	vmul.f32 v7, v16;
	v11 =	vld [tilespmem:$0x1FF90];
	[tilespmem:s13+$0x190] =	vst v0;
	v0 =	vadd.f32 v51, v48  }
0x691: {  	v40 =	vmul.f32 v7, v40;
	v41 =	vmul.f32 v7, v41;
	v52 =	vld [tilespmem:$0x1FBD0]  }
0x692: {  	v7 =	vmul.f32 v7, v12;
	v12 =	vmul.f32 v3, v37;
	v8 =	vld [tilespmem:$0x1FBF0];
	[tilespmem:s13+$0x1B0] =	vst v0  }
0x693: {  	[tilespmem:s13+$0x1A0] =	vst v4;
	v4 =	vmul.f32 v13, v61;
	v0 =	vadd.f32 v5, v54;
	v5 =	vmul.f32 v55, v62;
	v55 =	vld [tilespmem:$0x1FFB0]  }
0x694: {  	v38 =	vmul.f32 v3, v38;
	v3 =	vmul.f32 v3, v18;
	v6 =	vadd.f32 v15, v6  }
0x695: {  	v18 =	vmul.f32 v1, v9;
	v14 =	vmul.f32 v1, v14;
	v4 =	vadd.f32 v4, v11  }
0x696: {  	v32 =	vmul.f32 v1, v21;
	v1 =	vadd.f32 v52, v11;
	[tilespmem:s13+$0x180] =	vst v6;
	v6 =	vmul.f32 v56, v63;
	v56 =	vld [tilespmem:$0x1FFA0]  }
0x697: {  	[tilespmem:s7+$0x0] =	vst v4;
	v4 =	vld [tilespmem:$0x1FF80]  }
0x698: {  	[tilespmem:s13+$0x1C0] =	vst v1;
	v1 =	vadd.f32 v8, v55;
	v8 =	vld [tilespmem:$0x1FF80]  }
0x699: {  	v28 =	vsub.f32 v28, v42;
	v9 =	vmul.f32 v57, v61;
	v57 =	vld [tilespmem:$0x1FFB0]  }
0x69a: {  	v29 =	vsub.f32 v29, v42  }
0x69b: {  	v27 =	vsub.f32 v27, v42;
	v31 =	vmul.f32 v53, v28;
	v21 =	vmul.f32 v60, v63;
	v60 =	vld [tilespmem:$0x1FFB0]  }
0x69c: {  	s16 =	sadd.s32 $0x8, s16;
	v30 =	vmul.f32 v53, v29;
	[tilespmem:s13+$0x1D0] =	vst v0;
	v0 =	vadd.f32 v5, v56;
	v26 =	vmul.f32 v2, v4;
	v4 =	vld [tilespmem:$0x1FFA0]  }
0x69d: {  	p1 =	slt.u32 s16, $0xF8;
	v8 =	vmul.f32 v10, v8;
	v10 =	vmul.f32 v59, v63;
	v59 =	vadd.f32 v9, v11;
	v9 =	vld [tilespmem:$0x1FF80]  }
.Ltmp5:
0x69e: {  	v29 =	vmul.f32 v40, v62;
	v36 =	vmul.f32 v41, v63;
	[tilespmem:s13+$0x1E0] =	vst v1;
	v1 =	vadd.f32 v6, v57;
	(pc) =	sbr.rel @p1 .LBB2_9-.Ltmp5, $4  }
0x69f: {  	v37 =	vmul.f32 v16, v61;
	v5 =	vmul.f32 v58, v62;
	[tilespmem:s7+$0x10] =	vst v0  }
0x6a0: {  	v16 =	vmul.f32 v38, v62;
	v33 =	vmul.f32 v53, v27;
	s13 =	smov.u32 s7;
	[tilespmem:s7+$0x20] =	vst v1;
	v58 =	vadd.f32 v8, v48  }
0x6a1: {  	v15 =	vmul.f32 v12, v61;
	v13 =	vmul.f32 v47, v61;
	v28 =	vadd.f32 v5, v4;
	[tilespmem:s13+$0x40] =	vst v59  }
0x6a2: {  	v38 =	vadd.f32 v10, v60;
	v10 =	vld [tilespmem:$0x1FFB0];
	[tilespmem:s7+$0x30] =	vst v58;
	s7 =	sadd.s32 $0x200, s7;
	v35 =	vmul.f32 v7, v9;
	v12 =	vmul.f32 v3, v9  }
0x6a3: {  	v8 =	vld [tilespmem:$0x1FFF0]  }
0x6a4: {  	v7 =	vld [tilespmem:$0x1FFE0]  }
0x6a5: {  	v6 =	vld [tilespmem:$0x1FFD0]  }
0x6a6: {  	v5 =	vld [tilespmem:$0x1FFC0];
	[tilespmem:s13+$0x50] =	vst v28;
	v0 =	vadd.f32 v26, v48  }
0x6a7: {  	v1 =	vadd.f32 v37, v11;
	[tilespmem:s13+$0x60] =	vst v38  }
0x6a8: {  	v40 =	vadd.f32 v29, v4;
	[tilespmem:s13+$0x70] =	vst v0  }
0x6a9: {  	v43 =	vadd.f32 v15, v11;
	[tilespmem:s13+$0x80] =	vst v1  }
0x6aa: {  	v44 =	vadd.f32 v16, v4;
	[tilespmem:s13+$0x90] =	vst v40  }
0x6ab: {  	v42 =	vadd.f32 v35, v48;
	[tilespmem:s13+$0xC0] =	vst v43  }
0x6ac: {  	v46 =	vadd.f32 v12, v48;
	[tilespmem:s13+$0xD0] =	vst v44  }
0x6ad: {  	[tilespmem:s13+$0xB0] =	vst v42;
	v41 =	vadd.f32 v36, v10  }
0x6ae: {  	[tilespmem:s13+$0xF0] =	vst v46;
	v45 =	vadd.f32 v21, v10  }
0x6af: {  	[tilespmem:s13+$0xA0] =	vst v41  }
0x6b0: {  	[tilespmem:s13+$0xE0] =	vst v45  }
0x6b1: {  	v0 =	vld [tilespmem:$0x1FFA0]  }
0x6b2: {  	v3 =	vmul.f32 v25, v63  }
0x6b3: {  	v47 =	vadd.f32 v13, v11;
	v4 =	vmul.f32 v22, v9  }
0x6b4: {  	v2 =	vmul.f32 v24, v62;
	v50 =	vadd.f32 v3, v10  }
0x6b5: {  	v51 =	vadd.f32 v4, v48;
	[tilespmem:s13+$0x100] =	vst v47  }
0x6b6: {  	[tilespmem:s13+$0x120] =	vst v50;
	v0 =	vadd.f32 v2, v0  }
0x6b7: {  	[tilespmem:s13+$0x130] =	vst v51  }
0x6b8: {  	[tilespmem:s13+$0x110] =	vst v0  }
0x6b9: {  	v49 =	vmul.f32 v23, v61;
	v0 =	vld [tilespmem:$0x1FFA0]  }
0x6ba: {  	v4 =	vmul.f32 v20, v63  }
0x6bb: {  	v53 =	vmul.f32 v17, v9;
	v52 =	vadd.f32 v49, v11  }
0x6bc: {  	v3 =	vmul.f32 v19, v62;
	v54 =	vadd.f32 v4, v10  }
0x6bd: {  	v55 =	vadd.f32 v53, v48;
	[tilespmem:s13+$0x140] =	vst v52  }
0x6be: {  	[tilespmem:s13+$0x160] =	vst v54;
	v0 =	vadd.f32 v3, v0  }
0x6bf: {  	[tilespmem:s13+$0x170] =	vst v55  }
0x6c0: {  	[tilespmem:s13+$0x150] =	vst v0  }
0x6c1: {  	v0 =	vld [tilespmem:$0x1FFA0]  }
0x6c2: {  	v56 =	vmul.f32 v14, v63  }
0x6c3: {  	v3 =	vmul.f32 v34, v61  }
0x6c4: {  	v4 =	vmul.f32 v18, v62;
	v58 =	vadd.f32 v56, v10  }
0x6c5: {  	v57 =	vadd.f32 v3, v11  }
0x6c6: {  	[tilespmem:s13+$0x1A0] =	vst v58;
	v0 =	vadd.f32 v4, v0  }
0x6c7: {  	[tilespmem:s13+$0x180] =	vst v57;
	v4 =	vmul.f32 v33, v61  }
0x6c8: {  	v3 =	vmul.f32 v32, v9;
	[tilespmem:s13+$0x190] =	vst v0  }
0x6c9: {  	v61 =	vadd.f32 v4, v11;
	v4 =	vld [tilespmem:$0x1FFA0]  }
0x6ca: {  	v60 =	vadd.f32 v3, v48;
	v3 =	vmul.f32 v30, v63;
	_ =	sdelay $0x1  }
0x6cb: {  	v59 =	vmul.f32 v31, v62;
	v63 =	vadd.f32 v3, v10  }
.Ltmp6:
0x6cc: {  	s7 =	sshll.u32 s10, $0xE;
	[tilespmem:s13+$0x1B0] =	vst v60;
	(pc) =	sbr.rel @p0 .LBB2_12-.Ltmp6, $4  }
0x6cd: {  	s7 =	sadd.s32 s8, s7;
	[tilespmem:s13+$0x1E0] =	vst v63;
	v62 =	vadd.f32 v59, v4  }
0x6ce: {  	s7 =	sshrl.u32 s7, $0x3;
	[tilespmem:s13+$0x1C0] =	vst v61  }
0x6cf: {  	s7 =	sadd.s32 s4, s7;
	[tilespmem:s13+$0x1D0] =	vst v62  }
0x6d0: {  	[hbm4b:s7+s5] =	stream.linear.scatter [tilespmem:s25], [sflag:$0x8], $0x4000, $0x38;
	[tilespmem:$0x16480] =	vst v63  }
0x6d1: {  	_ =	swait.ge [sflag:s31], $0x4000;
	s7 =	sshll.u32 s3, $0xA  }
.Ltmp7:
0x6d2: {  	[sflag:s31] =	ssyncset.done $0x0;
	s7 =	sand.u32 $0x3FFFFC00, s7;
	(pc) =	sbr.rel .LBB2_2-.Ltmp7, $4  }
0x6d3: {  	[sflag:s31] =	ssyncadd.s32 $0xFFFFC000;
	s10 =	sadd.s32 $0x500, s7  }
0x6d4: {  	[tilespmem:s18], [sflag:$0x2] =	stream.indirect.gather [hbm4b:s6+s14], $0x40, s10, s14, $0xb8;
	[tilespmem:$0x16480] =	vst v63  }
0x6d5: {  	s3 =	sadd.s32 $0x1, s3;
	s7 =	sadd.s32 $0x580, s7  }
0x6d6: {  	v0 =	vmov v5;
	v1 =	vmov v6;
	v2 =	vmov v7;
	[tilespmem:s20], [sflag:$0x2] =	stream.indirect.gather [hbm4b:s6+s14], $0x40, s7, s14, $0xb8;
	[tilespmem:$0x16480] =	vst v63  }
.LBB2_13:
0x6d7: {  	_ =	sfence.sel $0x180000  }
0x6d8: {  	[bflag:$0x0] =	sbarrier.arrive $0xFFFF  }
0x6d9: {  	_ =	strace $0x90000047  }
0x6da: {  	s0 =	stileid.u32;
	[bflag:$0x2] =	sbarrier.arrive $0xFFFF  }
0x6db: {  	p0 =	sne.s32 s0, $0x0;
	s0 =	rddreg [dreg:$0x4]  }
0x6dc: {  	s0 =	sadd.s32 @!p0 $0x100000, s0  }
0x6dd: {  	[sflag:s0] =	ssyncadd.tile.s32 @!p0 $0x1;
	_ =	shalt  }
.Lfunc_end2:
_tile_overlayer_lowered:
.L_overlay_start_2:
0x6de: {  	(tag) =	ssettag $0x2  }
0x6df: {  	s0 =	rddreg [dreg:$0x0];
	s2 =	stileid.u32  }
0x6e0: {  	s1 =	rddreg [dreg:$0x1];
	p0 =	sne.s32 s2, $0x0  }
0x6e1: {  	s3 =	rddreg [dreg:$0x2];
	[bflag:$0x3] =	sbarrier.arrive $0xFFFF;
	s2 =	simm.s32 @!p0 $0x1C09  }
0x6e2: {  	[timem:s3], [sflag:s2] =	dma.local @!p0 [hbm:s0], s1  }
0x6e3: {  	s0 =	simm.s32 @!p0 $0x9  }
0x6e4: {  	_ =	swait.ge @!p0 [sflag:s0], s1  }
0x6e5: {  	s1 =	ssub.s32 @!p0 $0x0, s1;
	[sflag:s0] =	ssyncset.done @!p0 $0x0  }
0x6e6: {  	[sflag:s0] =	ssyncadd.s32 @!p0 s1  }
0x6e7: {  	[bflag:$0x3] =	sbarrier.arrive $0xFFFF  }
0x6e8: {  	_ =	shalt  }

// kernel: sparse-core-data-format-call.cloned.1.call-start
scs
called_computation_lowered:
.L_overlay_start_0:
0x0: {  	s2 =	sld [smem:$0x3FD9]  }
0x1: {  	s3 =	sld [smem:$0x3FFE];
	_ =	sdelay $0x1  }
0x2: {  	s1 =	srdreg.scid  }
0x3: {  	s0 =	sand.u32 $0x1, s1  }
0x4: {  	s18 =	sshll.u32 s0, $0xA;
	s2 =	sadd.s32 s3, s2  }
0x5: {  	s2 =	sadd.s32 s2, s18  }
0x6: {  	[smem:$0x3FC4] =	sst s2  }
0x7: {  	_ = 	snop  }
0x8: {  	s2 =	sld [smem:$0x3FD0];
	(tm) =	ssettm $0x1  }
0x9: {  	s19 =	sld [smem:$0x3FFB];
	_ =	sdelay $0x3  }
0xa: {  	_ =	strace s19  }
0xb: {  	s3 =	sld [smem:$0x3FFC];
	_ =	sdelay $0x3  }
0xc: {  	_ =	strace s3  }
0xd: {  	s3 =	sld [smem:$0x3FFD];
	_ =	sdelay $0x3  }
0xe: {  	_ =	strace s3  }
0xf: {  	_ =	strace $0x8FFFFFFF  }
0x10: {  	s20 =	sld [smem:$0x3FDB];
	_ =	sdelay $0x1  }
0x11: {  	s4 =	simm.s32 $_scs_section_size  }
0x12: {  	s5 =	simm.s32 $_size__tile_overlayer_lowered;
	s6 =	simm.s32 $_tile_overlayer_lowered  }
0x13: {  	s23 =	simm.s32 $0x1BFF;
	s22 =	sshll.u32 s6, $0x1;
	s3 =	sadd.s32 s4, s20  }
0x14: {  	s7 =	simm.s32 $0x0;
	s21 =	sshll.u32 s5, $0x1;
	s5 =	sadd.s32 s22, s3  }
0x15: {  	[timem:s7], [sflag:s23] =	dma.local [hbm:s5], s21  }
0x16: {  	_ =	swait.ge [sflag:s23], s21  }
0x17: {  	s4 =	ssub.s32 $0x0, s21;
	[sflag:s23] =	ssyncset.done $0x0  }
0x18: {  	[sflag:s23] =	ssyncadd.s32 s4;
	_ =	sdelay $0x1  }
0x19: {  	s24 =	simm.s32 $0x1B8B  }
0x1a: {  	_ =	swait.ge [sflag:s24], $0x1  }
0x1b: {  	[sflag:s24] =	ssyncset.done $0x0  }
0x1c: {  	s26 =	simm.s32 $0x1B8E;
	s25 =	sld [smem:$0x3FFE];
	[sflag:s24] =	ssyncadd.s32 $0xFFFFFFFF  }
0x1d: {  	s27 =	simm.s32 $execute0_lowered;
	[smem:$0x3FD2] =	sst s26  }
0x1e: {  	s5 =	sshll.u32 s27, $0x1;
	_ =	strace $0x80000049;
	[dreg:$0x1] =	wrdreg $0xFFFFFFFF  }
0x1f: {  	s28 =	simm.s32 $_size_execute0_lowered;
	s3 =	sadd.s32 s3, s5;
	[dreg:$0x0] =	wrdreg $0x0  }
0x20: {  	s5 =	sshll.u32 s28, $0x1;
	[dreg:$0x2] =	wrdreg s3  }
0x21: {  	[dreg:$0x3] =	wrdreg s5  }
0x22: {  	[dreg:$0x4] =	wrdreg $0xC0  }
0x23: {  	_ =	task [dreg:s7], $0x5FFFF  }
0x24: {  	[dreg:$0x1] =	wrdreg $0xFFFFFFFF  }
0x25: {  	[dreg:$0x0] =	wrdreg $0x60  }
0x26: {  	[dreg:$0x2] =	wrdreg s25  }
0x27: {  	[dreg:$0x3] =	wrdreg s2  }
0x28: {  	[dreg:$0x4] =	wrdreg $0x9  }
0x29: {  	_ =	task.clear_ibuf [dreg:s7], $0x5FFFF;
	_ =	strace $0x90000049  }
0x2a: {  	s29 =	simm.s32 $0x9;
	_ =	strace $0x8000004B  }
0x2b: {  	_ =	swait.ge [sflag:s29], $0x1  }
0x2c: {  	[sflag:s29] =	ssyncadd.s32 $0xFFFFFFFF  }
0x2d: {  	_ =	strace $0x9000004B  }
0x2e: {  	_ =	sfence  }
0x2f: {  	s30 =	sld [smem:$0x0];
	_ =	sdelay $0x2  }
0x30: {  	s31 =	sshll.u32 s1, $0xD;
	s1 =	sshrl.u32 s1, $0x2  }
0x31: {  	s3 =	sand.u32 $0x4000, s31;
	s1 =	sadd.s32 s1, s30  }
0x32: {  	s0 =	sor.u32 s3, s0;
	s1 =	sshll.u32 s1, $0x11  }
0x33: {  	s0 =	sor.u32 s1, s0  }
0x34: {  	s0 =	sadd.s32 $0x8F2B, s0  }
0x35: {  	[sflag:s0] =	ssyncadd.remote.s32 $0x1  }
0x36: {  	_ =	sfence.sel $0xFFFF  }
0x37: {  	[dreg:$0x0] =	wrdreg $0xFFFFFFFF;
	(pc) =	sbr.abs _section_cstart, $3  }
0x38: {  	[dreg:$0x1] =	wrdreg $0xFFFFFFFF  }
0x39: {  	_ =	task.clear_ibuf [dreg:s7], $0x2FFFF;
	_ =	strace $0x9FFFFFFF  }
0x3a: {  	(tm) =	ssettm $0x7FFFFFFF  }
0x3b: {  	_ =	shalt  }
tec
execute0_lowered:
.L_overlay_start_1:
0x0: {  	(tag) =	ssettag $0x1  }
0x1: {  	s0 =	srdreg.scid  }
0x2: {  	s1 =	sshll.u32 s0, $0x4  }
0x3: {  	s0 =	stileid.u32;
	s1 =	sand.u32 $0x10, s1  }
0x4: {  	s1 =	sor.u32 s0, s1  }
0x5: {  	s6 =	rddreg [dreg:$0x0];
	s4 =	simm.s32 $0x1;
	s2 =	sshll.u32 s1, $0x7  }
0x6: {  	s7 =	simm.s32 $0x2;
	s12 =	simm.s32 $0x0;
	s1 =	ssub.s32 $0x1000, s2  }
0x7: {  	s8 =	simm.s32 $0x8000;
	s13 =	simm.s32 $0x0;
	s3 =	sand.u32 $0xF80, s1  }
0x8: {  	s9 =	simm.s32 $0x0;
	s5 =	sshrl.u32 s1, $0xC;
	p0 =	sne.s32 s3, $0x0  }
.Ltmp0:
0x9: {  	s1 =	rddreg [dreg:$0x2];
	s4 =	simm.s32 @!p0 $0x0;
	(pc) =	sbr.rel .LBB1_1-.Ltmp0, $4  }
0xa: {  	s11 =	simm.s32 $0x0;
	s3 =	rddreg [dreg:$0x1];
	s5 =	sadd.s32 s4, s5  }
0xb: {  	_ =	strace $0x8000004A;
	s4 =	simm.s32 $0x1;
	s5 =	smul.u32 $0xC8, s5  }
0xc: {  	s6 =	sadd.s32 $0xA00, s6;
	s10 =	smov.u32 s2;
	[sflag:s4] =	ssyncpa.u1 $0x0  }
0xd: {  	p0 =	por $0x0, $0x0;
	[sflag:s7] =	ssyncpa.u1 $0x0;
	s7 =	sor.u32 $0x1, s5  }
.LBB1_4:
0xe: {  	s16 =	sshll.u32 s13, $0x3;
	s17 =	sand.u32 $0x78, s13  }
0xf: {  	s30 =	sand.u32 $0x7E00, s13;
	s12 =	sshll.u32 s12, $0xF;
	s16 =	sand.u32 $0xC00, s16  }
0x10: {  	[tilespmem:s15+$0x810 ss:$0x81] =	vst.msk $0xffff, v2;
	s31 =	sand.u32 $0x7, s13;
	s16 =	sor.u32 s17, s16;
	s17 =	sadd.s32 s3, s30  }
0x11: {  	[tilespmem:s15+$0x1020 ss:$0x81] =	vst.msk $0xffff, v0;
	s13 =	sshll.u32 s31, $0x12;
	s12 =	sadd.s32 s12, s17;
	s16 =	sshrl.u32 s16, $0x3  }
0x12: {  	[tilespmem:s15+$0x0 ss:$0x81] =	vst.msk $0xffff, v1;
	s13 =	sor.u32 $0x400, s13;
	s12 =	sadd.s32 s16, s12  }
0x13: {  	[hbm4b:s12+s13] =	stream.strided.scatter [tilespmem:s14], [sflag:$0x2], $0x2000, s8, s13, $0x20;
	[tilespmem:$0x8080] =	vst v63  }
.LBB1_5:
0x14: {  	s14 =	sadd.s32 $0x1, s9  }
0x15: {  	s12 =	sadd.s32 $0x1000, s10;
	s16 =	smov.u32 s10;
	p2 =	sgt.s32 s14, $0xC7  }
0x16: {  	s16 =	smov.u32 @p2 s12  }
0x17: {  	s14 =	simm.s32 @p2 $0x0;
	p2 =	sgt.s32 s16, $0xFFF  }
0x18: {  	s16 =	smov.u32 @p2 s2;
	p2 =	sne.s32 s11, s7  }
.Ltmp1:
0x19: {  	p1 =	slt.u32 s11, $0x2;
	(pc) =	sbr.rel @!p2 .LBB1_6-.Ltmp1, $4  }
0x1a: {  	s15 =	simm.s32 @!p1 $0x2  }
0x1b: {  	s13 =	smov.u32 s10;
	p0 =	por !p0, !p0;
	_ =	swait.ge @!p1 [sflag:s15], $0x2000  }
0x1c: {  	s12 =	smov.u32 s9;
	[sflag:s15] =	ssyncset.done @!p1 $0x0;
	s9 =	smov.u32 s14  }
0x1d: {  	s11 =	sadd.s32 $0x1, s11;
	[sflag:s15] =	ssyncadd.s32 @!p1 $0xFFFFE000;
	s10 =	smov.u32 s16  }
.LBB1_1:
0x1e: {  	p1 =	sge.u32 s11, s5  }
0x1f: {  	s14 =	sand.u32 @!p1 $0x1FFFFFF, s9  }
0x20: {  	s15 =	smulhi.u32 @!p1 $0x147AE15, s14;
	_ =	sdelay $0x1  }
0x21: {  	s15 =	smul.u32 @!p1 $0xC8, s15  }
0x22: {  	s16 =	sxor.u32 @!p1 $0xFFFFFFFF, s11;
	s17 =	smul.u32 @!p1 $0xC80, s10  }
0x23: {  	s31 =	sadd.s32 $0xFFFFFFFF, s11;
	s16 =	sshll.u32 @!p1 s16, $0xD;
	s14 =	ssub.s32 @!p1 s14, s15  }
0x24: {  	s15 =	sand.u32 @!p1 $0x2000, s16;
	s16 =	sadd.s32 @!p1 s6, s17;
	s14 =	sshll.u32 @!p1 s14, $0x4  }
0x25: {  	s17 =	simm.s32 @!p1 $0x6400;
	s14 =	sadd.s32 @!p1 s14, s16;
	s16 =	simm.s32 @!p1 $0x40  }
0x26: {  	[tilespmem:s15], [sflag:$0x1] =	stream.strided.gather @!p1 [hbm4b:s14+s16], $0x2000, s17, s16, $0x38;
	[tilespmem:$0x8080] =	vst v63  }
0x27: {  	p1 =	sge.u32 s31, s5  }
.Ltmp2:
0x28: {  	_ = 	snop;
	(pc) =	sbr.rel @p1 .LBB1_5-.Ltmp2, $1  }
0x29: {  	_ =	sdelay $0x3  }
0x2a: {  	s14 =	simm.s32 $0x1  }
0x2b: {  	_ =	swait.ge [sflag:s4], $0x2000;
	s14 =	simm.s32 @!p0 $0x0  }
0x2c: {  	[sflag:s4] =	ssyncset.done $0x0;
	s15 =	sshll.u32 s14, $0xD  }
0x2d: {  	[sflag:s4] =	ssyncadd.s32 $0xFFFFE000;
	s18 =	sor.u32 $0x20, s15  }
0x2e: {  	s14 =	smul.u32 $0x8100, s14;
	v3 =	vld [tilespmem:s18+$0x10]  }
0x2f: {  	s30 =	sand.u32 $0x1, s11;
	v2 =	vld [tilespmem:s18+$0xFFFFFFF0]  }
0x30: {  	s15 =	smul.u32 $0x8100, s30;
	s14 =	sshrl.u32 s14, $0x2;
	v0 =	vld [tilespmem:s18+$0x0]  }
0x31: {  	v1 =	vld [tilespmem:s18+$0xFFFFFFE0];
	s16 =	sor.u32 $0x4000, s14  }
0x32: {  	s31 =	sshrl.u32 s15, $0x2;
	s15 =	sadd.s32 $0x0, s16  }
0x33: {  	s17 =	simm.s32 $0x4;
	s18 =	sadd.s32 $0x40, s18;
	s14 =	sor.u32 $0x4000, s31;
	[tilespmem:s15+$0x1830 ss:$0x81] =	vst.msk $0xffff, v3  }
.LBB1_3:
0x34: {  	v3 =	vld [tilespmem:s18+$0x10];
	p1 =	sne.s32 s17, $0x1FC;
	[tilespmem:s15+$0x810 ss:$0x81] =	vst.msk $0xffff, v2;
	s19 =	smov.u32 s17;
	s17 =	sadd.s32 $0x4, s17  }
.Ltmp3:
0x35: {  	v2 =	vld [tilespmem:s18+$0xFFFFFFF0];
	[tilespmem:s15+$0x1020 ss:$0x81] =	vst.msk $0xffff, v0;
	(pc) =	sbr.rel @p1 .LBB1_3-.Ltmp3, $4  }
0x36: {  	v0 =	vld [tilespmem:s18+$0x0];
	[tilespmem:s15+$0x0 ss:$0x81] =	vst.msk $0xffff, v1  }
0x37: {  	s15 =	sshra.s32 s19, $0x2;
	v1 =	vld [tilespmem:s18+$0xFFFFFFE0]  }
0x38: {  	s15 =	sadd.s32 s15, s16  }
0x39: {  	s18 =	sadd.s32 $0x40, s18;
	[tilespmem:s15+$0x1830 ss:$0x81] =	vst.msk $0xffff, v3  }
.Ltmp4:
0x3a: {  	_ = 	snop;
	(pc) =	sbr.rel .LBB1_4-.Ltmp4, $1  }
0x3b: {  	_ =	sdelay $0x3  }
.LBB1_6:
0x3c: {  	_ =	sfence.sel $0x180000  }
0x3d: {  	s2 =	simm.s32 $0x1;
	[bflag:$0x0] =	sbarrier.arrive $0xFFFF  }
0x3e: {  	s31 =	simm.s32 $0x2;
	[sflag:s2] =	ssyncpa.u1 $0x1  }
0x3f: {  	[sflag:s31] =	ssyncpa.u1 $0x1  }
0x40: {  	p0 =	sne.s32 s0, $0x0;
	_ =	strace $0x9000004A  }
0x41: {  	s0 =	sadd.s32 @!p0 $0x100000, s1;
	[bflag:$0x2] =	sbarrier.arrive $0xFFFF  }
0x42: {  	[sflag:s0] =	ssyncadd.tile.s32 @!p0 $0x1;
	_ =	shalt  }
.Lfunc_end1:
_tile_overlayer_lowered:
.L_overlay_start_2:
0x43: {  	(tag) =	ssettag $0x2  }
0x44: {  	s0 =	rddreg [dreg:$0x0];
	s2 =	stileid.u32  }
0x45: {  	s1 =	rddreg [dreg:$0x1];
	p0 =	sne.s32 s2, $0x0  }
0x46: {  	s3 =	rddreg [dreg:$0x2];
	[bflag:$0x3] =	sbarrier.arrive $0xFFFF;
	s2 =	simm.s32 @!p0 $0x1C01  }
0x47: {  	[timem:s3], [sflag:s2] =	dma.local @!p0 [hbm:s0], s1  }
0x48: {  	s0 =	simm.s32 @!p0 $0x1  }
0x49: {  	_ =	swait.ge @!p0 [sflag:s0], s1  }
0x4a: {  	s1 =	ssub.s32 @!p0 $0x0, s1;
	[sflag:s0] =	ssyncset.done @!p0 $0x0  }
0x4b: {  	[sflag:s0] =	ssyncadd.s32 @!p0 s1  }
0x4c: {  	[bflag:$0x3] =	sbarrier.arrive $0xFFFF  }
0x4d: {  	_ =	shalt  }

</sc_bundles>
